<compile_context>
chip_gen: v7x
topology: tpu7x:2x2x1
jax: 0.10.2.dev20260603
libtpu: 0.0.44.dev20260713+nightly
codegen_flags: <defaults>
</compile_context>

<pallas_src>
import jax
import jax.numpy as jnp
from jax import lax
from jax.experimental import pallas as pl
from jax.experimental.pallas import tpu as pltpu
from jax.experimental.pallas import tpu_sc as plsc

N_NODES = 50000
D = 128
NUM_SAMPLE = 10

NC = 2
NS = 16
NW = NC * NS

CHUNK = 32
GCHUNK = CHUNK * NUM_SAMPLE
N_CHUNKS = 49
B_PER_W = CHUNK * N_CHUNKS


def _sc_gather_body(nodes_hbm, neigh_hbm, feat_hbm, self_out, neigh_out,
                    idxn, idxg, stga, stgb, nra, nrb, sra, srb, acca, accb,
                    sga, sgb, soa, sob):
    wid = lax.axis_index("s") * NC + lax.axis_index("c")
    start = jnp.minimum(wid * B_PER_W, N_NODES - B_PER_W)
    cps = [pltpu.async_copy(nodes_hbm.at[pl.ds(start, B_PER_W)], idxn, sga)]
    for j in range(NUM_SAMPLE):
        cps.append(pltpu.async_copy(
            neigh_hbm.at[pl.ds(j * N_NODES + start, B_PER_W)],
            idxg.at[pl.ds(j * B_PER_W, B_PER_W)], sga))
    for cp in cps:
        cp.wait()

    def stage_idx(c, stg):
        for j in range(NUM_SAMPLE):
            for k in range(CHUNK // 16):
                stg[pl.ds(j * CHUNK + k * 16, 16)] = \
                    idxg[pl.ds(j * B_PER_W + c * CHUNK + k * 16, 16)]

    def issue_gathers(c, stg, nr, sr, sg):
        stage_idx(c, stg)
        pltpu.async_copy(feat_hbm.at[stg], nr, sg)
        pltpu.async_copy(feat_hbm.at[idxn.at[pl.ds(c * CHUNK, CHUNK)]], sr, sg)

    def drain_gathers(nr, sr, sg):
        pltpu.make_async_copy(feat_hbm.at[pl.ds(0, GCHUNK)], nr, sg).wait()
        pltpu.make_async_copy(feat_hbm.at[pl.ds(0, CHUNK)], sr, sg).wait()

    def reduce_chunk(nr, acc):
        def node(i, _):
            for k in range(D // 16):
                sl = pl.ds(k * 16, 16)
                v = nr[i, sl]
                for j in range(1, NUM_SAMPLE):
                    v = v + nr[j * CHUNK + i, sl]
                acc[i, sl] = v
            return 0
        lax.fori_loop(0, CHUNK, node, 0, unroll=False)

    def scatter_out(c, sr, acc, so):
        cb = start + c * CHUNK
        pltpu.async_copy(sr, self_out.at[pl.ds(cb, CHUNK)], so)
        pltpu.async_copy(acc, neigh_out.at[pl.ds(cb, CHUNK)], so)

    def drain_out(sr, acc, so):
        pltpu.make_async_copy(sr, self_out.at[pl.ds(0, CHUNK)], so).wait()
        pltpu.make_async_copy(acc, neigh_out.at[pl.ds(0, CHUNK)], so).wait()

    issue_gathers(0, stga, nra, sra, sga)

    def pair(c2, _):
        a = c2 * 2
        @pl.when(c2 > 0)
        def _():
            drain_out(srb, accb, sob)
        issue_gathers(a + 1, stgb, nrb, srb, sgb)
        drain_gathers(nra, sra, sga)
        reduce_chunk(nra, acca)
        scatter_out(a, sra, acca, soa)
        drain_out(sra, acca, soa)
        issue_gathers(a + 2, stga, nra, sra, sga)
        drain_gathers(nrb, srb, sgb)
        reduce_chunk(nrb, accb)
        scatter_out(a + 1, srb, accb, sob)
        return 0

    lax.fori_loop(0, (N_CHUNKS - 1) // 2, pair, 0, unroll=False)

    drain_out(srb, accb, sob)
    drain_gathers(nra, sra, sga)
    reduce_chunk(nra, acca)
    scatter_out(N_CHUNKS - 1, sra, acca, soa)
    drain_out(sra, acca, soa)


def _sc_gather(nodes, neigh_flat, features):
    mesh = plsc.VectorSubcoreMesh(core_axis_name="c", subcore_axis_name="s")
    fn = pl.kernel(
        _sc_gather_body,
        out_type=[
            jax.ShapeDtypeStruct((N_NODES, D), jnp.float32),
            jax.ShapeDtypeStruct((N_NODES, D), jnp.float32),
        ],
        mesh=mesh,
        scratch_types=[
            pltpu.VMEM((B_PER_W,), jnp.int32),
            pltpu.VMEM((B_PER_W * NUM_SAMPLE,), jnp.int32),
            pltpu.VMEM((GCHUNK,), jnp.int32),
            pltpu.VMEM((GCHUNK,), jnp.int32),
            pltpu.VMEM((GCHUNK, D), jnp.float32),
            pltpu.VMEM((GCHUNK, D), jnp.float32),
            pltpu.VMEM((CHUNK, D), jnp.float32),
            pltpu.VMEM((CHUNK, D), jnp.float32),
            pltpu.VMEM((CHUNK, D), jnp.float32),
            pltpu.VMEM((CHUNK, D), jnp.float32),
            pltpu.SemaphoreType.DMA,
            pltpu.SemaphoreType.DMA,
            pltpu.SemaphoreType.DMA,
            pltpu.SemaphoreType.DMA,
        ],
    )
    return fn(nodes, neigh_flat, features)


def _tc_matmul_body(w_ref, self_ref, neigh_ref, out_ref):
    w = w_ref[...]
    w1 = w[:, :D]
    w2 = w[:, D:] * jnp.float32(1.0 / NUM_SAMPLE)
    dn = (((1,), (1,)), ((), ()))
    acc = lax.dot_general(self_ref[...], w1, dn, preferred_element_type=jnp.float32)
    acc = acc + lax.dot_general(neigh_ref[...], w2, dn, preferred_element_type=jnp.float32)
    out_ref[...] = jnp.maximum(acc, 0.0)


NB = 4096


def _tc_matmul(weight, self_feats, neigh_sums):
    grid = (pl.cdiv(N_NODES, NB),)
    return pl.pallas_call(
        _tc_matmul_body,
        grid=grid,
        in_specs=[
            pl.BlockSpec((D, 2 * D), lambda i: (0, 0)),
            pl.BlockSpec((NB, D), lambda i: (i, 0)),
            pl.BlockSpec((NB, D), lambda i: (i, 0)),
        ],
        out_specs=pl.BlockSpec((NB, D), lambda i: (i, 0)),
        out_shape=jax.ShapeDtypeStruct((N_NODES, D), jnp.float32),
    )(weight, self_feats, neigh_sums)


def kernel(nodes, neigh_idx, features, weight):
    nodes = nodes.astype(jnp.int32)
    neigh_flat = neigh_idx.astype(jnp.int32).T.reshape(-1)
    self_feats, neigh_sums = _sc_gather(nodes, neigh_flat, features)
    return _tc_matmul(weight, self_feats, neigh_sums).T

# --- scband reference (transcript-rebuilt; emitter-appended) ---
"""Pipeline reference for scband-encoder-386547056896 (READ-ONLY COPY).

The authoritative reference and input builder live on the scoring server;
editing this copy changes nothing except your own understanding.
"""

import jax, jax.numpy as jnp
import numpy as np

N_NODES = 50000
D_FEAT = 128
EMBED_DIM = 128
NUM_SAMPLE = 10


def setup_inputs(seed: int = 0) -> dict:
    key = jax.random.key(seed)
    k1, k2, k3, k4 = jax.random.split(key, 4)
    nodes = jax.random.randint(k1, (N_NODES,), 0, N_NODES, dtype=jnp.int64 if jax.config.jax_enable_x64 else jnp.int32)
    neigh_idx = jax.random.randint(k2, (N_NODES, NUM_SAMPLE), 0, N_NODES, dtype=jnp.int64 if jax.config.jax_enable_x64 else jnp.int32)
    features = jax.random.normal(k3, (N_NODES, D_FEAT), dtype=jnp.float32)
    # xavier_uniform for weight [embed_dim, 2*feat_dim]
    fan_in = 2 * D_FEAT
    fan_out = EMBED_DIM
    limit = float(np.sqrt(6.0 / (fan_in + fan_out)))
    weight = jax.random.uniform(k4, (EMBED_DIM, 2 * D_FEAT), dtype=jnp.float32, minval=-limit, maxval=limit)
    return {"nodes": nodes, "neigh_idx": neigh_idx, "features": features, "weight": weight}


def reference(nodes, neigh_idx, features, weight):
    # MeanAggregator: gather sampled neighbor features and mean-pool over the
    # num_sample axis (equivalent to the row-normalized mask.mm(embed_matrix)
    # in the original GraphSAGE MeanAggregator with a fixed sample count).
    neigh_feats = jnp.take(features, neigh_idx, axis=0).mean(axis=1)  # [B, d_feat]
    # gcn=False branch: self features looked up from the feature table
    self_feats = jnp.take(features, nodes, axis=0)  # [B, d_feat]
    combined = jnp.concatenate([self_feats, neigh_feats], axis=1)  # [B, 2*d_feat]
    # combined = relu(W @ combined.T) -> [embed_dim, B]
    out = jax.nn.relu(weight @ combined.T)
    return out

if __name__ == "__main__":
    import jax
    _d = setup_inputs()
    print(jax.jit(kernel)(*tuple(_d.values())))

</pallas_src>

<mosaic_0001>
#map = affine_map<(d0, d1) -> (0)>
#map1 = affine_map<(d0, d1) -> (0, 0)>
module attributes {stable_mosaic.version = 14 : i64} {
  func.func @_sc_gather_body(%arg0: i32, %arg1: i32, %arg2: memref<50000xi32, #tpu.memory_space<hbm>>, %arg3: memref<500000xi32, #tpu.memory_space<hbm>>, %arg4: memref<50000x128xf32, #tpu.memory_space<hbm>>, %arg5: memref<50000x128xf32, #tpu.memory_space<hbm>>, %arg6: memref<50000x128xf32, #tpu.memory_space<hbm>>, %arg7: memref<1568xi32, #tpu.memory_space<vmem>>, %arg8: memref<15680xi32, #tpu.memory_space<vmem>>, %arg9: memref<320xi32, #tpu.memory_space<vmem>>, %arg10: memref<320xi32, #tpu.memory_space<vmem>>, %arg11: memref<320x128xf32, #tpu.memory_space<vmem>>, %arg12: memref<320x128xf32, #tpu.memory_space<vmem>>, %arg13: memref<32x128xf32, #tpu.memory_space<vmem>>, %arg14: memref<32x128xf32, #tpu.memory_space<vmem>>, %arg15: memref<32x128xf32, #tpu.memory_space<vmem>>, %arg16: memref<32x128xf32, #tpu.memory_space<vmem>>, %arg17: memref<!tpu.dma_semaphore, #tpu.memory_space<semaphore_mem>>, %arg18: memref<!tpu.dma_semaphore, #tpu.memory_space<semaphore_mem>>, %arg19: memref<!tpu.dma_semaphore, #tpu.memory_space<semaphore_mem>>, %arg20: memref<!tpu.dma_semaphore, #tpu.memory_space<semaphore_mem>>) attributes {dimension_semantics = [#tpu.dimension_semantics<core_parallel>, #tpu.dimension_semantics<subcore_parallel>], iteration_bounds = array<i64: 2, 16>, scalar_prefetch = 0 : i64, scratch_operands = 14 : i64, tpu.core_type = #tpu.core_type<sc_vector_subcore>, window_params = [{transform_indices = #map}, {transform_indices = #map}, {transform_indices = #map1}, {transform_indices = #map1}, {transform_indices = #map1}]} {
    %mul3A = arith.constant 2 : i32
    %mul3A_0 = arith.muli %arg1, %mul3A : i32
    %add3A = arith.addi %mul3A_0, %arg0 : i32
    %mul3A_1 = arith.constant 1568 : i32
    %mul3A_2 = arith.muli %add3A, %mul3A_1 : i32
    %min3A = arith.constant 48432 : i32
    %min3A_3 = arith.minsi %mul3A_2, %min3A : i32
    %dma_start3A = tpu.memref_slice %arg2[%min3A_3] : memref<50000xi32, #tpu.memory_space<hbm>> -> memref<1568xi32, #tpu.memory_space<hbm>>
    %dma_start3A_4 = tpu.memref_slice %arg2[%min3A_3] : memref<50000xi32, #tpu.memory_space<hbm>> -> memref<1568xi32, #tpu.memory_space<hbm>>
    tpu.enqueue_dma source(%dma_start3A_4 : memref<1568xi32, #tpu.memory_space<hbm>>) target(%arg7 : memref<1568xi32, #tpu.memory_space<vmem>>) target_semaphore(%arg17 : memref<!tpu.dma_semaphore, #tpu.memory_space<semaphore_mem>>)
    %add3A_5 = arith.constant 0 : i32
    %add3A_6 = arith.addi %add3A_5, %min3A_3 : i32
    %dma_start3A_7 = arith.constant 0 : i32
    %dma_start3A_8 = tpu.memref_slice %arg8[%dma_start3A_7] : memref<15680xi32, #tpu.memory_space<vmem>> -> memref<1568xi32, #tpu.memory_space<vmem>>
    %dma_start3A_9 = tpu.memref_slice %arg3[%add3A_6] : memref<500000xi32, #tpu.memory_space<hbm>> -> memref<1568xi32, #tpu.memory_space<hbm>>
    %dma_start3A_10 = arith.constant 0 : i32
    %dma_start3A_11 = tpu.memref_slice %arg8[%dma_start3A_10] : memref<15680xi32, #tpu.memory_space<vmem>> -> memref<1568xi32, #tpu.memory_space<vmem>>
    %dma_start3A_12 = tpu.memref_slice %arg3[%add3A_6] : memref<500000xi32, #tpu.memory_space<hbm>> -> memref<1568xi32, #tpu.memory_space<hbm>>
    tpu.enqueue_dma source(%dma_start3A_12 : memref<1568xi32, #tpu.memory_space<hbm>>) target(%dma_start3A_11 : memref<1568xi32, #tpu.memory_space<vmem>>) target_semaphore(%arg17 : memref<!tpu.dma_semaphore, #tpu.memory_space<semaphore_mem>>)
    %add3A_13 = arith.constant 50000 : i32
    %add3A_14 = arith.addi %add3A_13, %min3A_3 : i32
    %dma_start3A_15 = arith.constant 1568 : i32
    %dma_start3A_16 = tpu.memref_slice %arg8[%dma_start3A_15] : memref<15680xi32, #tpu.memory_space<vmem>> -> memref<1568xi32, #tpu.memory_space<vmem>>
    %dma_start3A_17 = tpu.memref_slice %arg3[%add3A_14] : memref<500000xi32, #tpu.memory_space<hbm>> -> memref<1568xi32, #tpu.memory_space<hbm>>
    %dma_start3A_18 = arith.constant 1568 : i32
    %dma_start3A_19 = tpu.memref_slice %arg8[%dma_start3A_18] : memref<15680xi32, #tpu.memory_space<vmem>> -> memref<1568xi32, #tpu.memory_space<vmem>>
    %dma_start3A_20 = tpu.memref_slice %arg3[%add3A_14] : memref<500000xi32, #tpu.memory_space<hbm>> -> memref<1568xi32, #tpu.memory_space<hbm>>
    tpu.enqueue_dma source(%dma_start3A_20 : memref<1568xi32, #tpu.memory_space<hbm>>) target(%dma_start3A_19 : memref<1568xi32, #tpu.memory_space<vmem>>) target_semaphore(%arg17 : memref<!tpu.dma_semaphore, #tpu.memory_space<semaphore_mem>>)
    %add3A_21 = arith.constant 100000 : i32
    %add3A_22 = arith.addi %add3A_21, %min3A_3 : i32
    %dma_start3A_23 = arith.constant 3136 : i32
    %dma_start3A_24 = tpu.memref_slice %arg8[%dma_start3A_23] : memref<15680xi32, #tpu.memory_space<vmem>> -> memref<1568xi32, #tpu.memory_space<vmem>>
    %dma_start3A_25 = tpu.memref_slice %arg3[%add3A_22] : memref<500000xi32, #tpu.memory_space<hbm>> -> memref<1568xi32, #tpu.memory_space<hbm>>
    %dma_start3A_26 = arith.constant 3136 : i32
    %dma_start3A_27 = tpu.memref_slice %arg8[%dma_start3A_26] : memref<15680xi32, #tpu.memory_space<vmem>> -> memref<1568xi32, #tpu.memory_space<vmem>>
    %dma_start3A_28 = tpu.memref_slice %arg3[%add3A_22] : memref<500000xi32, #tpu.memory_space<hbm>> -> memref<1568xi32, #tpu.memory_space<hbm>>
    tpu.enqueue_dma source(%dma_start3A_28 : memref<1568xi32, #tpu.memory_space<hbm>>) target(%dma_start3A_27 : memref<1568xi32, #tpu.memory_space<vmem>>) target_semaphore(%arg17 : memref<!tpu.dma_semaphore, #tpu.memory_space<semaphore_mem>>)
    %add3A_29 = arith.constant 150000 : i32
    %add3A_30 = arith.addi %add3A_29, %min3A_3 : i32
    %dma_start3A_31 = arith.constant 4704 : i32
    %dma_start3A_32 = tpu.memref_slice %arg8[%dma_start3A_31] : memref<15680xi32, #tpu.memory_space<vmem>> -> memref<1568xi32, #tpu.memory_space<vmem>>
    %dma_start3A_33 = tpu.memref_slice %arg3[%add3A_30] : memref<500000xi32, #tpu.memory_space<hbm>> -> memref<1568xi32, #tpu.memory_space<hbm>>
    %dma_start3A_34 = arith.constant 4704 : i32
    %dma_start3A_35 = tpu.memref_slice %arg8[%dma_start3A_34] : memref<15680xi32, #tpu.memory_space<vmem>> -> memref<1568xi32, #tpu.memory_space<vmem>>
    %dma_start3A_36 = tpu.memref_slice %arg3[%add3A_30] : memref<500000xi32, #tpu.memory_space<hbm>> -> memref<1568xi32, #tpu.memory_space<hbm>>
    tpu.enqueue_dma source(%dma_start3A_36 : memref<1568xi32, #tpu.memory_space<hbm>>) target(%dma_start3A_35 : memref<1568xi32, #tpu.memory_space<vmem>>) target_semaphore(%arg17 : memref<!tpu.dma_semaphore, #tpu.memory_space<semaphore_mem>>)
    %add3A_37 = arith.constant 200000 : i32
    %add3A_38 = arith.addi %add3A_37, %min3A_3 : i32
    %dma_start3A_39 = arith.constant 6272 : i32
    %dma_start3A_40 = tpu.memref_slice %arg8[%dma_start3A_39] : memref<15680xi32, #tpu.memory_space<vmem>> -> memref<1568xi32, #tpu.memory_space<vmem>>
    %dma_start3A_41 = tpu.memref_slice %arg3[%add3A_38] : memref<500000xi32, #tpu.memory_space<hbm>> -> memref<1568xi32, #tpu.memory_space<hbm>>
    %dma_start3A_42 = arith.constant 6272 : i32
    %dma_start3A_43 = tpu.memref_slice %arg8[%dma_start3A_42] : memref<15680xi32, #tpu.memory_space<vmem>> -> memref<1568xi32, #tpu.memory_space<vmem>>
    %dma_start3A_44 = tpu.memref_slice %arg3[%add3A_38] : memref<500000xi32, #tpu.memory_space<hbm>> -> memref<1568xi32, #tpu.memory_space<hbm>>
    tpu.enqueue_dma source(%dma_start3A_44 : memref<1568xi32, #tpu.memory_space<hbm>>) target(%dma_start3A_43 : memref<1568xi32, #tpu.memory_space<vmem>>) target_semaphore(%arg17 : memref<!tpu.dma_semaphore, #tpu.memory_space<semaphore_mem>>)
    %add3A_45 = arith.constant 250000 : i32
    %add3A_46 = arith.addi %add3A_45, %min3A_3 : i32
    %dma_start3A_47 = arith.constant 7840 : i32
    %dma_start3A_48 = tpu.memref_slice %arg8[%dma_start3A_47] : memref<15680xi32, #tpu.memory_space<vmem>> -> memref<1568xi32, #tpu.memory_space<vmem>>
    %dma_start3A_49 = tpu.memref_slice %arg3[%add3A_46] : memref<500000xi32, #tpu.memory_space<hbm>> -> memref<1568xi32, #tpu.memory_space<hbm>>
    %dma_start3A_50 = arith.constant 7840 : i32
    %dma_start3A_51 = tpu.memref_slice %arg8[%dma_start3A_50] : memref<15680xi32, #tpu.memory_space<vmem>> -> memref<1568xi32, #tpu.memory_space<vmem>>
    %dma_start3A_52 = tpu.memref_slice %arg3[%add3A_46] : memref<500000xi32, #tpu.memory_space<hbm>> -> memref<1568xi32, #tpu.memory_space<hbm>>
    tpu.enqueue_dma source(%dma_start3A_52 : memref<1568xi32, #tpu.memory_space<hbm>>) target(%dma_start3A_51 : memref<1568xi32, #tpu.memory_space<vmem>>) target_semaphore(%arg17 : memref<!tpu.dma_semaphore, #tpu.memory_space<semaphore_mem>>)
    %add3A_53 = arith.constant 300000 : i32
    %add3A_54 = arith.addi %add3A_53, %min3A_3 : i32
    %dma_start3A_55 = arith.constant 9408 : i32
    %dma_start3A_56 = tpu.memref_slice %arg8[%dma_start3A_55] : memref<15680xi32, #tpu.memory_space<vmem>> -> memref<1568xi32, #tpu.memory_space<vmem>>
    %dma_start3A_57 = tpu.memref_slice %arg3[%add3A_54] : memref<500000xi32, #tpu.memory_space<hbm>> -> memref<1568xi32, #tpu.memory_space<hbm>>
    %dma_start3A_58 = arith.constant 9408 : i32
    %dma_start3A_59 = tpu.memref_slice %arg8[%dma_start3A_58] : memref<15680xi32, #tpu.memory_space<vmem>> -> memref<1568xi32, #tpu.memory_space<vmem>>
    %dma_start3A_60 = tpu.memref_slice %arg3[%add3A_54] : memref<500000xi32, #tpu.memory_space<hbm>> -> memref<1568xi32, #tpu.memory_space<hbm>>
    tpu.enqueue_dma source(%dma_start3A_60 : memref<1568xi32, #tpu.memory_space<hbm>>) target(%dma_start3A_59 : memref<1568xi32, #tpu.memory_space<vmem>>) target_semaphore(%arg17 : memref<!tpu.dma_semaphore, #tpu.memory_space<semaphore_mem>>)
    %add3A_61 = arith.constant 350000 : i32
    %add3A_62 = arith.addi %add3A_61, %min3A_3 : i32
    %dma_start3A_63 = arith.constant 10976 : i32
    %dma_start3A_64 = tpu.memref_slice %arg8[%dma_start3A_63] : memref<15680xi32, #tpu.memory_space<vmem>> -> memref<1568xi32, #tpu.memory_space<vmem>>
    %dma_start3A_65 = tpu.memref_slice %arg3[%add3A_62] : memref<500000xi32, #tpu.memory_space<hbm>> -> memref<1568xi32, #tpu.memory_space<hbm>>
    %dma_start3A_66 = arith.constant 10976 : i32
    %dma_start3A_67 = tpu.memref_slice %arg8[%dma_start3A_66] : memref<15680xi32, #tpu.memory_space<vmem>> -> memref<1568xi32, #tpu.memory_space<vmem>>
    %dma_start3A_68 = tpu.memref_slice %arg3[%add3A_62] : memref<500000xi32, #tpu.memory_space<hbm>> -> memref<1568xi32, #tpu.memory_space<hbm>>
    tpu.enqueue_dma source(%dma_start3A_68 : memref<1568xi32, #tpu.memory_space<hbm>>) target(%dma_start3A_67 : memref<1568xi32, #tpu.memory_space<vmem>>) target_semaphore(%arg17 : memref<!tpu.dma_semaphore, #tpu.memory_space<semaphore_mem>>)
    %add3A_69 = arith.constant 400000 : i32
    %add3A_70 = arith.addi %add3A_69, %min3A_3 : i32
    %dma_start3A_71 = arith.constant 12544 : i32
    %dma_start3A_72 = tpu.memref_slice %arg8[%dma_start3A_71] : memref<15680xi32, #tpu.memory_space<vmem>> -> memref<1568xi32, #tpu.memory_space<vmem>>
    %dma_start3A_73 = tpu.memref_slice %arg3[%add3A_70] : memref<500000xi32, #tpu.memory_space<hbm>> -> memref<1568xi32, #tpu.memory_space<hbm>>
    %dma_start3A_74 = arith.constant 12544 : i32
    %dma_start3A_75 = tpu.memref_slice %arg8[%dma_start3A_74] : memref<15680xi32, #tpu.memory_space<vmem>> -> memref<1568xi32, #tpu.memory_space<vmem>>
    %dma_start3A_76 = tpu.memref_slice %arg3[%add3A_70] : memref<500000xi32, #tpu.memory_space<hbm>> -> memref<1568xi32, #tpu.memory_space<hbm>>
    tpu.enqueue_dma source(%dma_start3A_76 : memref<1568xi32, #tpu.memory_space<hbm>>) target(%dma_start3A_75 : memref<1568xi32, #tpu.memory_space<vmem>>) target_semaphore(%arg17 : memref<!tpu.dma_semaphore, #tpu.memory_space<semaphore_mem>>)
    %add3A_77 = arith.constant 450000 : i32
    %add3A_78 = arith.addi %add3A_77, %min3A_3 : i32
    %dma_start3A_79 = arith.constant 14112 : i32
    %dma_start3A_80 = tpu.memref_slice %arg8[%dma_start3A_79] : memref<15680xi32, #tpu.memory_space<vmem>> -> memref<1568xi32, #tpu.memory_space<vmem>>
    %dma_start3A_81 = tpu.memref_slice %arg3[%add3A_78] : memref<500000xi32, #tpu.memory_space<hbm>> -> memref<1568xi32, #tpu.memory_space<hbm>>
    %dma_start3A_82 = arith.constant 14112 : i32
    %dma_start3A_83 = tpu.memref_slice %arg8[%dma_start3A_82] : memref<15680xi32, #tpu.memory_space<vmem>> -> memref<1568xi32, #tpu.memory_space<vmem>>
    %dma_start3A_84 = tpu.memref_slice %arg3[%add3A_78] : memref<500000xi32, #tpu.memory_space<hbm>> -> memref<1568xi32, #tpu.memory_space<hbm>>
    tpu.enqueue_dma source(%dma_start3A_84 : memref<1568xi32, #tpu.memory_space<hbm>>) target(%dma_start3A_83 : memref<1568xi32, #tpu.memory_space<vmem>>) target_semaphore(%arg17 : memref<!tpu.dma_semaphore, #tpu.memory_space<semaphore_mem>>)
    %dma_wait3A = tpu.memref_slice %arg2[%min3A_3] : memref<50000xi32, #tpu.memory_space<hbm>> -> memref<1568xi32, #tpu.memory_space<hbm>>
    %dma_wait3A_85 = tpu.memref_slice %arg2[%min3A_3] : memref<50000xi32, #tpu.memory_space<hbm>> -> memref<1568xi32, #tpu.memory_space<hbm>>
    tpu.wait_dma2 semaphore(%arg17 : memref<!tpu.dma_semaphore, #tpu.memory_space<semaphore_mem>>) src(%dma_wait3A_85 : memref<1568xi32, #tpu.memory_space<hbm>>) dst(%arg7 : memref<1568xi32, #tpu.memory_space<vmem>>)
    %dma_wait3A_86 = arith.constant 0 : i32
    %dma_wait3A_87 = tpu.memref_slice %arg8[%dma_wait3A_86] : memref<15680xi32, #tpu.memory_space<vmem>> -> memref<1568xi32, #tpu.memory_space<vmem>>
    %dma_wait3A_88 = tpu.memref_slice %arg3[%add3A_6] : memref<500000xi32, #tpu.memory_space<hbm>> -> memref<1568xi32, #tpu.memory_space<hbm>>
    %dma_wait3A_89 = arith.constant 0 : i32
    %dma_wait3A_90 = tpu.memref_slice %arg8[%dma_wait3A_89] : memref<15680xi32, #tpu.memory_space<vmem>> -> memref<1568xi32, #tpu.memory_space<vmem>>
    %dma_wait3A_91 = tpu.memref_slice %arg3[%add3A_6] : memref<500000xi32, #tpu.memory_space<hbm>> -> memref<1568xi32, #tpu.memory_space<hbm>>
    tpu.wait_dma2 semaphore(%arg17 : memref<!tpu.dma_semaphore, #tpu.memory_space<semaphore_mem>>) src(%dma_wait3A_91 : memref<1568xi32, #tpu.memory_space<hbm>>) dst(%dma_wait3A_90 : memref<1568xi32, #tpu.memory_space<vmem>>)
    %dma_wait3A_92 = arith.constant 1568 : i32
    %dma_wait3A_93 = tpu.memref_slice %arg8[%dma_wait3A_92] : memref<15680xi32, #tpu.memory_space<vmem>> -> memref<1568xi32, #tpu.memory_space<vmem>>
    %dma_wait3A_94 = tpu.memref_slice %arg3[%add3A_14] : memref<500000xi32, #tpu.memory_space<hbm>> -> memref<1568xi32, #tpu.memory_space<hbm>>
    %dma_wait3A_95 = arith.constant 1568 : i32
    %dma_wait3A_96 = tpu.memref_slice %arg8[%dma_wait3A_95] : memref<15680xi32, #tpu.memory_space<vmem>> -> memref<1568xi32, #tpu.memory_space<vmem>>
    %dma_wait3A_97 = tpu.memref_slice %arg3[%add3A_14] : memref<500000xi32, #tpu.memory_space<hbm>> -> memref<1568xi32, #tpu.memory_space<hbm>>
    tpu.wait_dma2 semaphore(%arg17 : memref<!tpu.dma_semaphore, #tpu.memory_space<semaphore_mem>>) src(%dma_wait3A_97 : memref<1568xi32, #tpu.memory_space<hbm>>) dst(%dma_wait3A_96 : memref<1568xi32, #tpu.memory_space<vmem>>)
    %dma_wait3A_98 = arith.constant 3136 : i32
    %dma_wait3A_99 = tpu.memref_slice %arg8[%dma_wait3A_98] : memref<15680xi32, #tpu.memory_space<vmem>> -> memref<1568xi32, #tpu.memory_space<vmem>>
    %dma_wait3A_100 = tpu.memref_slice %arg3[%add3A_22] : memref<500000xi32, #tpu.memory_space<hbm>> -> memref<1568xi32, #tpu.memory_space<hbm>>
    %dma_wait3A_101 = arith.constant 3136 : i32
    %dma_wait3A_102 = tpu.memref_slice %arg8[%dma_wait3A_101] : memref<15680xi32, #tpu.memory_space<vmem>> -> memref<1568xi32, #tpu.memory_space<vmem>>
    %dma_wait3A_103 = tpu.memref_slice %arg3[%add3A_22] : memref<500000xi32, #tpu.memory_space<hbm>> -> memref<1568xi32, #tpu.memory_space<hbm>>
    tpu.wait_dma2 semaphore(%arg17 : memref<!tpu.dma_semaphore, #tpu.memory_space<semaphore_mem>>) src(%dma_wait3A_103 : memref<1568xi32, #tpu.memory_space<hbm>>) dst(%dma_wait3A_102 : memref<1568xi32, #tpu.memory_space<vmem>>)
    %dma_wait3A_104 = arith.constant 4704 : i32
    %dma_wait3A_105 = tpu.memref_slice %arg8[%dma_wait3A_104] : memref<15680xi32, #tpu.memory_space<vmem>> -> memref<1568xi32, #tpu.memory_space<vmem>>
    %dma_wait3A_106 = tpu.memref_slice %arg3[%add3A_30] : memref<500000xi32, #tpu.memory_space<hbm>> -> memref<1568xi32, #tpu.memory_space<hbm>>
    %dma_wait3A_107 = arith.constant 4704 : i32
    %dma_wait3A_108 = tpu.memref_slice %arg8[%dma_wait3A_107] : memref<15680xi32, #tpu.memory_space<vmem>> -> memref<1568xi32, #tpu.memory_space<vmem>>
    %dma_wait3A_109 = tpu.memref_slice %arg3[%add3A_30] : memref<500000xi32, #tpu.memory_space<hbm>> -> memref<1568xi32, #tpu.memory_space<hbm>>
    tpu.wait_dma2 semaphore(%arg17 : memref<!tpu.dma_semaphore, #tpu.memory_space<semaphore_mem>>) src(%dma_wait3A_109 : memref<1568xi32, #tpu.memory_space<hbm>>) dst(%dma_wait3A_108 : memref<1568xi32, #tpu.memory_space<vmem>>)
    %dma_wait3A_110 = arith.constant 6272 : i32
    %dma_wait3A_111 = tpu.memref_slice %arg8[%dma_wait3A_110] : memref<15680xi32, #tpu.memory_space<vmem>> -> memref<1568xi32, #tpu.memory_space<vmem>>
    %dma_wait3A_112 = tpu.memref_slice %arg3[%add3A_38] : memref<500000xi32, #tpu.memory_space<hbm>> -> memref<1568xi32, #tpu.memory_space<hbm>>
    %dma_wait3A_113 = arith.constant 6272 : i32
    %dma_wait3A_114 = tpu.memref_slice %arg8[%dma_wait3A_113] : memref<15680xi32, #tpu.memory_space<vmem>> -> memref<1568xi32, #tpu.memory_space<vmem>>
    %dma_wait3A_115 = tpu.memref_slice %arg3[%add3A_38] : memref<500000xi32, #tpu.memory_space<hbm>> -> memref<1568xi32, #tpu.memory_space<hbm>>
    tpu.wait_dma2 semaphore(%arg17 : memref<!tpu.dma_semaphore, #tpu.memory_space<semaphore_mem>>) src(%dma_wait3A_115 : memref<1568xi32, #tpu.memory_space<hbm>>) dst(%dma_wait3A_114 : memref<1568xi32, #tpu.memory_space<vmem>>)
    %dma_wait3A_116 = arith.constant 7840 : i32
    %dma_wait3A_117 = tpu.memref_slice %arg8[%dma_wait3A_116] : memref<15680xi32, #tpu.memory_space<vmem>> -> memref<1568xi32, #tpu.memory_space<vmem>>
    %dma_wait3A_118 = tpu.memref_slice %arg3[%add3A_46] : memref<500000xi32, #tpu.memory_space<hbm>> -> memref<1568xi32, #tpu.memory_space<hbm>>
    %dma_wait3A_119 = arith.constant 7840 : i32
    %dma_wait3A_120 = tpu.memref_slice %arg8[%dma_wait3A_119] : memref<15680xi32, #tpu.memory_space<vmem>> -> memref<1568xi32, #tpu.memory_space<vmem>>
    %dma_wait3A_121 = tpu.memref_slice %arg3[%add3A_46] : memref<500000xi32, #tpu.memory_space<hbm>> -> memref<1568xi32, #tpu.memory_space<hbm>>
    tpu.wait_dma2 semaphore(%arg17 : memref<!tpu.dma_semaphore, #tpu.memory_space<semaphore_mem>>) src(%dma_wait3A_121 : memref<1568xi32, #tpu.memory_space<hbm>>) dst(%dma_wait3A_120 : memref<1568xi32, #tpu.memory_space<vmem>>)
    %dma_wait3A_122 = arith.constant 9408 : i32
    %dma_wait3A_123 = tpu.memref_slice %arg8[%dma_wait3A_122] : memref<15680xi32, #tpu.memory_space<vmem>> -> memref<1568xi32, #tpu.memory_space<vmem>>
    %dma_wait3A_124 = tpu.memref_slice %arg3[%add3A_54] : memref<500000xi32, #tpu.memory_space<hbm>> -> memref<1568xi32, #tpu.memory_space<hbm>>
    %dma_wait3A_125 = arith.constant 9408 : i32
    %dma_wait3A_126 = tpu.memref_slice %arg8[%dma_wait3A_125] : memref<15680xi32, #tpu.memory_space<vmem>> -> memref<1568xi32, #tpu.memory_space<vmem>>
    %dma_wait3A_127 = tpu.memref_slice %arg3[%add3A_54] : memref<500000xi32, #tpu.memory_space<hbm>> -> memref<1568xi32, #tpu.memory_space<hbm>>
    tpu.wait_dma2 semaphore(%arg17 : memref<!tpu.dma_semaphore, #tpu.memory_space<semaphore_mem>>) src(%dma_wait3A_127 : memref<1568xi32, #tpu.memory_space<hbm>>) dst(%dma_wait3A_126 : memref<1568xi32, #tpu.memory_space<vmem>>)
    %dma_wait3A_128 = arith.constant 10976 : i32
    %dma_wait3A_129 = tpu.memref_slice %arg8[%dma_wait3A_128] : memref<15680xi32, #tpu.memory_space<vmem>> -> memref<1568xi32, #tpu.memory_space<vmem>>
    %dma_wait3A_130 = tpu.memref_slice %arg3[%add3A_62] : memref<500000xi32, #tpu.memory_space<hbm>> -> memref<1568xi32, #tpu.memory_space<hbm>>
    %dma_wait3A_131 = arith.constant 10976 : i32
    %dma_wait3A_132 = tpu.memref_slice %arg8[%dma_wait3A_131] : memref<15680xi32, #tpu.memory_space<vmem>> -> memref<1568xi32, #tpu.memory_space<vmem>>
    %dma_wait3A_133 = tpu.memref_slice %arg3[%add3A_62] : memref<500000xi32, #tpu.memory_space<hbm>> -> memref<1568xi32, #tpu.memory_space<hbm>>
    tpu.wait_dma2 semaphore(%arg17 : memref<!tpu.dma_semaphore, #tpu.memory_space<semaphore_mem>>) src(%dma_wait3A_133 : memref<1568xi32, #tpu.memory_space<hbm>>) dst(%dma_wait3A_132 : memref<1568xi32, #tpu.memory_space<vmem>>)
    %dma_wait3A_134 = arith.constant 12544 : i32
    %dma_wait3A_135 = tpu.memref_slice %arg8[%dma_wait3A_134] : memref<15680xi32, #tpu.memory_space<vmem>> -> memref<1568xi32, #tpu.memory_space<vmem>>
    %dma_wait3A_136 = tpu.memref_slice %arg3[%add3A_70] : memref<500000xi32, #tpu.memory_space<hbm>> -> memref<1568xi32, #tpu.memory_space<hbm>>
    %dma_wait3A_137 = arith.constant 12544 : i32
    %dma_wait3A_138 = tpu.memref_slice %arg8[%dma_wait3A_137] : memref<15680xi32, #tpu.memory_space<vmem>> -> memref<1568xi32, #tpu.memory_space<vmem>>
    %dma_wait3A_139 = tpu.memref_slice %arg3[%add3A_70] : memref<500000xi32, #tpu.memory_space<hbm>> -> memref<1568xi32, #tpu.memory_space<hbm>>
    tpu.wait_dma2 semaphore(%arg17 : memref<!tpu.dma_semaphore, #tpu.memory_space<semaphore_mem>>) src(%dma_wait3A_139 : memref<1568xi32, #tpu.memory_space<hbm>>) dst(%dma_wait3A_138 : memref<1568xi32, #tpu.memory_space<vmem>>)
    %dma_wait3A_140 = arith.constant 14112 : i32
    %dma_wait3A_141 = tpu.memref_slice %arg8[%dma_wait3A_140] : memref<15680xi32, #tpu.memory_space<vmem>> -> memref<1568xi32, #tpu.memory_space<vmem>>
    %dma_wait3A_142 = tpu.memref_slice %arg3[%add3A_78] : memref<500000xi32, #tpu.memory_space<hbm>> -> memref<1568xi32, #tpu.memory_space<hbm>>
    %dma_wait3A_143 = arith.constant 14112 : i32
    %dma_wait3A_144 = tpu.memref_slice %arg8[%dma_wait3A_143] : memref<15680xi32, #tpu.memory_space<vmem>> -> memref<1568xi32, #tpu.memory_space<vmem>>
    %dma_wait3A_145 = tpu.memref_slice %arg3[%add3A_78] : memref<500000xi32, #tpu.memory_space<hbm>> -> memref<1568xi32, #tpu.memory_space<hbm>>
    tpu.wait_dma2 semaphore(%arg17 : memref<!tpu.dma_semaphore, #tpu.memory_space<semaphore_mem>>) src(%dma_wait3A_145 : memref<1568xi32, #tpu.memory_space<hbm>>) dst(%dma_wait3A_144 : memref<1568xi32, #tpu.memory_space<vmem>>)
    %get3A = arith.constant 0 : index
    %get3A_146 = tpu.vector_load %arg8[%get3A] {strides = array<i32>} : memref<15680xi32, #tpu.memory_space<vmem>>, vector<16xi32>,
    %get3A_147 = vector.shape_cast %get3A_146 : vector<16xi32> to vector<16xi32>
    %swap3A = arith.constant 0 : index
    %swap3A_148 = tpu.vector_load %arg9[%swap3A] {strides = array<i32>} : memref<320xi32, #tpu.memory_space<vmem>>, vector<16xi32>,
    %swap3A_149 = vector.shape_cast %swap3A_148 : vector<16xi32> to vector<16xi32>
    %swap3A_150 = vector.shape_cast %get3A_147 : vector<16xi32> to vector<16xi32>
    tpu.vector_store %arg9[%swap3A], %swap3A_150 {strides = array<i32>} : memref<320xi32, #tpu.memory_space<vmem>>, vector<16xi32>,
    %get3A_151 = arith.constant 16 : index
    %get3A_152 = tpu.vector_load %arg8[%get3A_151] {strides = array<i32>} : memref<15680xi32, #tpu.memory_space<vmem>>, vector<16xi32>,
    %get3A_153 = vector.shape_cast %get3A_152 : vector<16xi32> to vector<16xi32>
    %swap3A_154 = arith.constant 16 : index
    %swap3A_155 = tpu.vector_load %arg9[%swap3A_154] {strides = array<i32>} : memref<320xi32, #tpu.memory_space<vmem>>, vector<16xi32>,
    %swap3A_156 = vector.shape_cast %swap3A_155 : vector<16xi32> to vector<16xi32>
    %swap3A_157 = vector.shape_cast %get3A_153 : vector<16xi32> to vector<16xi32>
    tpu.vector_store %arg9[%swap3A_154], %swap3A_157 {strides = array<i32>} : memref<320xi32, #tpu.memory_space<vmem>>, vector<16xi32>,
    %get3A_158 = arith.constant 1568 : index
    %get3A_159 = tpu.vector_load %arg8[%get3A_158] {strides = array<i32>} : memref<15680xi32, #tpu.memory_space<vmem>>, vector<16xi32>,
    %get3A_160 = vector.shape_cast %get3A_159 : vector<16xi32> to vector<16xi32>
    %swap3A_161 = arith.constant 32 : index
    %swap3A_162 = tpu.vector_load %arg9[%swap3A_161] {strides = array<i32>} : memref<320xi32, #tpu.memory_space<vmem>>, vector<16xi32>,
    %swap3A_163 = vector.shape_cast %swap3A_162 : vector<16xi32> to vector<16xi32>
    %swap3A_164 = vector.shape_cast %get3A_160 : vector<16xi32> to vector<16xi32>
    tpu.vector_store %arg9[%swap3A_161], %swap3A_164 {strides = array<i32>} : memref<320xi32, #tpu.memory_space<vmem>>, vector<16xi32>,
    %get3A_165 = arith.constant 1584 : index
    %get3A_166 = tpu.vector_load %arg8[%get3A_165] {strides = array<i32>} : memref<15680xi32, #tpu.memory_space<vmem>>, vector<16xi32>,
    %get3A_167 = vector.shape_cast %get3A_166 : vector<16xi32> to vector<16xi32>
    %swap3A_168 = arith.constant 48 : index
    %swap3A_169 = tpu.vector_load %arg9[%swap3A_168] {strides = array<i32>} : memref<320xi32, #tpu.memory_space<vmem>>, vector<16xi32>,
    %swap3A_170 = vector.shape_cast %swap3A_169 : vector<16xi32> to vector<16xi32>
    %swap3A_171 = vector.shape_cast %get3A_167 : vector<16xi32> to vector<16xi32>
    tpu.vector_store %arg9[%swap3A_168], %swap3A_171 {strides = array<i32>} : memref<320xi32, #tpu.memory_space<vmem>>, vector<16xi32>,
    %get3A_172 = arith.constant 3136 : index
    %get3A_173 = tpu.vector_load %arg8[%get3A_172] {strides = array<i32>} : memref<15680xi32, #tpu.memory_space<vmem>>, vector<16xi32>,
    %get3A_174 = vector.shape_cast %get3A_173 : vector<16xi32> to vector<16xi32>
    %swap3A_175 = arith.constant 64 : index
    %swap3A_176 = tpu.vector_load %arg9[%swap3A_175] {strides = array<i32>} : memref<320xi32, #tpu.memory_space<vmem>>, vector<16xi32>,
    %swap3A_177 = vector.shape_cast %swap3A_176 : vector<16xi32> to vector<16xi32>
    %swap3A_178 = vector.shape_cast %get3A_174 : vector<16xi32> to vector<16xi32>
    tpu.vector_store %arg9[%swap3A_175], %swap3A_178 {strides = array<i32>} : memref<320xi32, #tpu.memory_space<vmem>>, vector<16xi32>,
    %get3A_179 = arith.constant 3152 : index
    %get3A_180 = tpu.vector_load %arg8[%get3A_179] {strides = array<i32>} : memref<15680xi32, #tpu.memory_space<vmem>>, vector<16xi32>,
    %get3A_181 = vector.shape_cast %get3A_180 : vector<16xi32> to vector<16xi32>
    %swap3A_182 = arith.constant 80 : index
    %swap3A_183 = tpu.vector_load %arg9[%swap3A_182] {strides = array<i32>} : memref<320xi32, #tpu.memory_space<vmem>>, vector<16xi32>,
    %swap3A_184 = vector.shape_cast %swap3A_183 : vector<16xi32> to vector<16xi32>
    %swap3A_185 = vector.shape_cast %get3A_181 : vector<16xi32> to vector<16xi32>
    tpu.vector_store %arg9[%swap3A_182], %swap3A_185 {strides = array<i32>} : memref<320xi32, #tpu.memory_space<vmem>>, vector<16xi32>,
    %get3A_186 = arith.constant 4704 : index
    %get3A_187 = tpu.vector_load %arg8[%get3A_186] {strides = array<i32>} : memref<15680xi32, #tpu.memory_space<vmem>>, vector<16xi32>,
    %get3A_188 = vector.shape_cast %get3A_187 : vector<16xi32> to vector<16xi32>
    %swap3A_189 = arith.constant 96 : index
    %swap3A_190 = tpu.vector_load %arg9[%swap3A_189] {strides = array<i32>} : memref<320xi32, #tpu.memory_space<vmem>>, vector<16xi32>,
    %swap3A_191 = vector.shape_cast %swap3A_190 : vector<16xi32> to vector<16xi32>
    %swap3A_192 = vector.shape_cast %get3A_188 : vector<16xi32> to vector<16xi32>
    tpu.vector_store %arg9[%swap3A_189], %swap3A_192 {strides = array<i32>} : memref<320xi32, #tpu.memory_space<vmem>>, vector<16xi32>,
    %get3A_193 = arith.constant 4720 : index
    %get3A_194 = tpu.vector_load %arg8[%get3A_193] {strides = array<i32>} : memref<15680xi32, #tpu.memory_space<vmem>>, vector<16xi32>,
    %get3A_195 = vector.shape_cast %get3A_194 : vector<16xi32> to vector<16xi32>
    %swap3A_196 = arith.constant 112 : index
    %swap3A_197 = tpu.vector_load %arg9[%swap3A_196] {strides = array<i32>} : memref<320xi32, #tpu.memory_space<vmem>>, vector<16xi32>,
    %swap3A_198 = vector.shape_cast %swap3A_197 : vector<16xi32> to vector<16xi32>
    %swap3A_199 = vector.shape_cast %get3A_195 : vector<16xi32> to vector<16xi32>
    tpu.vector_store %arg9[%swap3A_196], %swap3A_199 {strides = array<i32>} : memref<320xi32, #tpu.memory_space<vmem>>, vector<16xi32>,
    %get3A_200 = arith.constant 6272 : index
    %get3A_201 = tpu.vector_load %arg8[%get3A_200] {strides = array<i32>} : memref<15680xi32, #tpu.memory_space<vmem>>, vector<16xi32>,
    %get3A_202 = vector.shape_cast %get3A_201 : vector<16xi32> to vector<16xi32>
    %swap3A_203 = arith.constant 128 : index
    %swap3A_204 = tpu.vector_load %arg9[%swap3A_203] {strides = array<i32>} : memref<320xi32, #tpu.memory_space<vmem>>, vector<16xi32>,
    %swap3A_205 = vector.shape_cast %swap3A_204 : vector<16xi32> to vector<16xi32>
    %swap3A_206 = vector.shape_cast %get3A_202 : vector<16xi32> to vector<16xi32>
    tpu.vector_store %arg9[%swap3A_203], %swap3A_206 {strides = array<i32>} : memref<320xi32, #tpu.memory_space<vmem>>, vector<16xi32>,
    %get3A_207 = arith.constant 6288 : index
    %get3A_208 = tpu.vector_load %arg8[%get3A_207] {strides = array<i32>} : memref<15680xi32, #tpu.memory_space<vmem>>, vector<16xi32>,
    %get3A_209 = vector.shape_cast %get3A_208 : vector<16xi32> to vector<16xi32>
    %swap3A_210 = arith.constant 144 : index
    %swap3A_211 = tpu.vector_load %arg9[%swap3A_210] {strides = array<i32>} : memref<320xi32, #tpu.memory_space<vmem>>, vector<16xi32>,
    %swap3A_212 = vector.shape_cast %swap3A_211 : vector<16xi32> to vector<16xi32>
    %swap3A_213 = vector.shape_cast %get3A_209 : vector<16xi32> to vector<16xi32>
    tpu.vector_store %arg9[%swap3A_210], %swap3A_213 {strides = array<i32>} : memref<320xi32, #tpu.memory_space<vmem>>, vector<16xi32>,
    %get3A_214 = arith.constant 7840 : index
    %get3A_215 = tpu.vector_load %arg8[%get3A_214] {strides = array<i32>} : memref<15680xi32, #tpu.memory_space<vmem>>, vector<16xi32>,
    %get3A_216 = vector.shape_cast %get3A_215 : vector<16xi32> to vector<16xi32>
    %swap3A_217 = arith.constant 160 : index
    %swap3A_218 = tpu.vector_load %arg9[%swap3A_217] {strides = array<i32>} : memref<320xi32, #tpu.memory_space<vmem>>, vector<16xi32>,
    %swap3A_219 = vector.shape_cast %swap3A_218 : vector<16xi32> to vector<16xi32>
    %swap3A_220 = vector.shape_cast %get3A_216 : vector<16xi32> to vector<16xi32>
    tpu.vector_store %arg9[%swap3A_217], %swap3A_220 {strides = array<i32>} : memref<320xi32, #tpu.memory_space<vmem>>, vector<16xi32>,
    %get3A_221 = arith.constant 7856 : index
    %get3A_222 = tpu.vector_load %arg8[%get3A_221] {strides = array<i32>} : memref<15680xi32, #tpu.memory_space<vmem>>, vector<16xi32>,
    %get3A_223 = vector.shape_cast %get3A_222 : vector<16xi32> to vector<16xi32>
    %swap3A_224 = arith.constant 176 : index
    %swap3A_225 = tpu.vector_load %arg9[%swap3A_224] {strides = array<i32>} : memref<320xi32, #tpu.memory_space<vmem>>, vector<16xi32>,
    %swap3A_226 = vector.shape_cast %swap3A_225 : vector<16xi32> to vector<16xi32>
    %swap3A_227 = vector.shape_cast %get3A_223 : vector<16xi32> to vector<16xi32>
    tpu.vector_store %arg9[%swap3A_224], %swap3A_227 {strides = array<i32>} : memref<320xi32, #tpu.memory_space<vmem>>, vector<16xi32>,
    %get3A_228 = arith.constant 9408 : index
    %get3A_229 = tpu.vector_load %arg8[%get3A_228] {strides = array<i32>} : memref<15680xi32, #tpu.memory_space<vmem>>, vector<16xi32>,
    %get3A_230 = vector.shape_cast %get3A_229 : vector<16xi32> to vector<16xi32>
    %swap3A_231 = arith.constant 192 : index
    %swap3A_232 = tpu.vector_load %arg9[%swap3A_231] {strides = array<i32>} : memref<320xi32, #tpu.memory_space<vmem>>, vector<16xi32>,
    %swap3A_233 = vector.shape_cast %swap3A_232 : vector<16xi32> to vector<16xi32>
    %swap3A_234 = vector.shape_cast %get3A_230 : vector<16xi32> to vector<16xi32>
    tpu.vector_store %arg9[%swap3A_231], %swap3A_234 {strides = array<i32>} : memref<320xi32, #tpu.memory_space<vmem>>, vector<16xi32>,
    %get3A_235 = arith.constant 9424 : index
    %get3A_236 = tpu.vector_load %arg8[%get3A_235] {strides = array<i32>} : memref<15680xi32, #tpu.memory_space<vmem>>, vector<16xi32>,
    %get3A_237 = vector.shape_cast %get3A_236 : vector<16xi32> to vector<16xi32>
    %swap3A_238 = arith.constant 208 : index
    %swap3A_239 = tpu.vector_load %arg9[%swap3A_238] {strides = array<i32>} : memref<320xi32, #tpu.memory_space<vmem>>, vector<16xi32>,
    %swap3A_240 = vector.shape_cast %swap3A_239 : vector<16xi32> to vector<16xi32>
    %swap3A_241 = vector.shape_cast %get3A_237 : vector<16xi32> to vector<16xi32>
    tpu.vector_store %arg9[%swap3A_238], %swap3A_241 {strides = array<i32>} : memref<320xi32, #tpu.memory_space<vmem>>, vector<16xi32>,
    %get3A_242 = arith.constant 10976 : index
    %get3A_243 = tpu.vector_load %arg8[%get3A_242] {strides = array<i32>} : memref<15680xi32, #tpu.memory_space<vmem>>, vector<16xi32>,
    %get3A_244 = vector.shape_cast %get3A_243 : vector<16xi32> to vector<16xi32>
    %swap3A_245 = arith.constant 224 : index
    %swap3A_246 = tpu.vector_load %arg9[%swap3A_245] {strides = array<i32>} : memref<320xi32, #tpu.memory_space<vmem>>, vector<16xi32>,
    %swap3A_247 = vector.shape_cast %swap3A_246 : vector<16xi32> to vector<16xi32>
    %swap3A_248 = vector.shape_cast %get3A_244 : vector<16xi32> to vector<16xi32>
    tpu.vector_store %arg9[%swap3A_245], %swap3A_248 {strides = array<i32>} : memref<320xi32, #tpu.memory_space<vmem>>, vector<16xi32>,
    %get3A_249 = arith.constant 10992 : index
    %get3A_250 = tpu.vector_load %arg8[%get3A_249] {strides = array<i32>} : memref<15680xi32, #tpu.memory_space<vmem>>, vector<16xi32>,
    %get3A_251 = vector.shape_cast %get3A_250 : vector<16xi32> to vector<16xi32>
    %swap3A_252 = arith.constant 240 : index
    %swap3A_253 = tpu.vector_load %arg9[%swap3A_252] {strides = array<i32>} : memref<320xi32, #tpu.memory_space<vmem>>, vector<16xi32>,
    %swap3A_254 = vector.shape_cast %swap3A_253 : vector<16xi32> to vector<16xi32>
    %swap3A_255 = vector.shape_cast %get3A_251 : vector<16xi32> to vector<16xi32>
    tpu.vector_store %arg9[%swap3A_252], %swap3A_255 {strides = array<i32>} : memref<320xi32, #tpu.memory_space<vmem>>, vector<16xi32>,
    %get3A_256 = arith.constant 12544 : index
    %get3A_257 = tpu.vector_load %arg8[%get3A_256] {strides = array<i32>} : memref<15680xi32, #tpu.memory_space<vmem>>, vector<16xi32>,
    %get3A_258 = vector.shape_cast %get3A_257 : vector<16xi32> to vector<16xi32>
    %swap3A_259 = arith.constant 256 : index
    %swap3A_260 = tpu.vector_load %arg9[%swap3A_259] {strides = array<i32>} : memref<320xi32, #tpu.memory_space<vmem>>, vector<16xi32>,
    %swap3A_261 = vector.shape_cast %swap3A_260 : vector<16xi32> to vector<16xi32>
    %swap3A_262 = vector.shape_cast %get3A_258 : vector<16xi32> to vector<16xi32>
    tpu.vector_store %arg9[%swap3A_259], %swap3A_262 {strides = array<i32>} : memref<320xi32, #tpu.memory_space<vmem>>, vector<16xi32>,
    %get3A_263 = arith.constant 12560 : index
    %get3A_264 = tpu.vector_load %arg8[%get3A_263] {strides = array<i32>} : memref<15680xi32, #tpu.memory_space<vmem>>, vector<16xi32>,
    %get3A_265 = vector.shape_cast %get3A_264 : vector<16xi32> to vector<16xi32>
    %swap3A_266 = arith.constant 272 : index
    %swap3A_267 = tpu.vector_load %arg9[%swap3A_266] {strides = array<i32>} : memref<320xi32, #tpu.memory_space<vmem>>, vector<16xi32>,
    %swap3A_268 = vector.shape_cast %swap3A_267 : vector<16xi32> to vector<16xi32>
    %swap3A_269 = vector.shape_cast %get3A_265 : vector<16xi32> to vector<16xi32>
    tpu.vector_store %arg9[%swap3A_266], %swap3A_269 {strides = array<i32>} : memref<320xi32, #tpu.memory_space<vmem>>, vector<16xi32>,
    %get3A_270 = arith.constant 14112 : index
    %get3A_271 = tpu.vector_load %arg8[%get3A_270] {strides = array<i32>} : memref<15680xi32, #tpu.memory_space<vmem>>, vector<16xi32>,
    %get3A_272 = vector.shape_cast %get3A_271 : vector<16xi32> to vector<16xi32>
    %swap3A_273 = arith.constant 288 : index
    %swap3A_274 = tpu.vector_load %arg9[%swap3A_273] {strides = array<i32>} : memref<320xi32, #tpu.memory_space<vmem>>, vector<16xi32>,
    %swap3A_275 = vector.shape_cast %swap3A_274 : vector<16xi32> to vector<16xi32>
    %swap3A_276 = vector.shape_cast %get3A_272 : vector<16xi32> to vector<16xi32>
    tpu.vector_store %arg9[%swap3A_273], %swap3A_276 {strides = array<i32>} : memref<320xi32, #tpu.memory_space<vmem>>, vector<16xi32>,
    %get3A_277 = arith.constant 14128 : index
    %get3A_278 = tpu.vector_load %arg8[%get3A_277] {strides = array<i32>} : memref<15680xi32, #tpu.memory_space<vmem>>, vector<16xi32>,
    %get3A_279 = vector.shape_cast %get3A_278 : vector<16xi32> to vector<16xi32>
    %swap3A_280 = arith.constant 304 : index
    %swap3A_281 = tpu.vector_load %arg9[%swap3A_280] {strides = array<i32>} : memref<320xi32, #tpu.memory_space<vmem>>, vector<16xi32>,
    %swap3A_282 = vector.shape_cast %swap3A_281 : vector<16xi32> to vector<16xi32>
    %swap3A_283 = vector.shape_cast %get3A_279 : vector<16xi32> to vector<16xi32>
    tpu.vector_store %arg9[%swap3A_280], %swap3A_283 {strides = array<i32>} : memref<320xi32, #tpu.memory_space<vmem>>, vector<16xi32>,
    %dma_start3A_284 = arith.constant 0 : i32
    %dma_start3A_285 = arith.constant 0 : i32
    %dma_start3A_286 = tpu.memref_slice %arg4[%dma_start3A_284, %dma_start3A_285] : memref<50000x128xf32, #tpu.memory_space<hbm>> -> memref<50000x128xf32, #tpu.memory_space<hbm>>
    tpu.enqueue_indirect_dma source(%dma_start3A_286 : memref<50000x128xf32, #tpu.memory_space<hbm>>) target(%arg11 : memref<320x128xf32, #tpu.memory_space<vmem>>) offsets(%arg9 : memref<320xi32, #tpu.memory_space<vmem>>) semaphore(%arg17 : memref<!tpu.dma_semaphore, #tpu.memory_space<semaphore_mem>>)
    %dma_start3A_287 = arith.constant 0 : i32
    %dma_start3A_288 = tpu.memref_slice %arg7[%dma_start3A_287] : memref<1568xi32, #tpu.memory_space<vmem>> -> memref<32xi32, #tpu.memory_space<vmem>>
    %dma_start3A_289 = arith.constant 0 : i32
    %dma_start3A_290 = arith.constant 0 : i32
    %dma_start3A_291 = tpu.memref_slice %arg4[%dma_start3A_289, %dma_start3A_290] : memref<50000x128xf32, #tpu.memory_space<hbm>> -> memref<50000x128xf32, #tpu.memory_space<hbm>>
    tpu.enqueue_indirect_dma source(%dma_start3A_291 : memref<50000x128xf32, #tpu.memory_space<hbm>>) target(%arg13 : memref<32x128xf32, #tpu.memory_space<vmem>>) offsets(%dma_start3A_288 : memref<32xi32, #tpu.memory_space<vmem>>) semaphore(%arg17 : memref<!tpu.dma_semaphore, #tpu.memory_space<semaphore_mem>>)
    %scan3A = arith.constant 0 : i32
    %scan3A_292 = arith.constant 0 : i32
    %scan3A_293 = arith.constant 24 : i32
    %scan3A_294 = arith.addi %scan3A_292, %scan3A_293 : i32
    %scan3A_295 = arith.constant 1 : i32
    %scan3A_296 = scf.for %scan3A_351 = %scan3A_292 to %scan3A_294 step %scan3A_295 iter_args(%scan3A_352 = %scan3A) -> (i32)  : i32 {
      %mul3A_353 = arith.constant 2 : i32
      %mul3A_354 = arith.muli %scan3A_351, %mul3A_353 : i32
      %gt3A = arith.constant 0 : i32
      %gt3A_355 = arith.cmpi sgt, %scan3A_351, %gt3A : i32
      %convert_element_type3A = arith.extui %gt3A_355 : i1 to i32
      %cond3A = arith.constant 0 : i32
      %cond3A_356 = arith.cmpi ne, %convert_element_type3A, %cond3A : i32
      scf.if %cond3A_356 {
        %dma_wait3A_974 = arith.constant 0 : i32
        %dma_wait3A_975 = arith.constant 0 : i32
        %dma_wait3A_976 = tpu.memref_slice %arg5[%dma_wait3A_974, %dma_wait3A_975] : memref<50000x128xf32, #tpu.memory_space<hbm>> -> memref<32x128xf32, #tpu.memory_space<hbm>>
        %dma_wait3A_977 = arith.constant 0 : i32
        %dma_wait3A_978 = arith.constant 0 : i32
        %dma_wait3A_979 = tpu.memref_slice %arg5[%dma_wait3A_977, %dma_wait3A_978] : memref<50000x128xf32, #tpu.memory_space<hbm>> -> memref<32x128xf32, #tpu.memory_space<hbm>>
        tpu.wait_dma2 semaphore(%arg20 : memref<!tpu.dma_semaphore, #tpu.memory_space<semaphore_mem>>) src(%arg14 : memref<32x128xf32, #tpu.memory_space<vmem>>) dst(%dma_wait3A_979 : memref<32x128xf32, #tpu.memory_space<hbm>>)
        %dma_wait3A_980 = arith.constant 0 : i32
        %dma_wait3A_981 = arith.constant 0 : i32
        %dma_wait3A_982 = tpu.memref_slice %arg6[%dma_wait3A_980, %dma_wait3A_981] : memref<50000x128xf32, #tpu.memory_space<hbm>> -> memref<32x128xf32, #tpu.memory_space<hbm>>
        %dma_wait3A_983 = arith.constant 0 : i32
        %dma_wait3A_984 = arith.constant 0 : i32
        %dma_wait3A_985 = tpu.memref_slice %arg6[%dma_wait3A_983, %dma_wait3A_984] : memref<50000x128xf32, #tpu.memory_space<hbm>> -> memref<32x128xf32, #tpu.memory_space<hbm>>
        tpu.wait_dma2 semaphore(%arg20 : memref<!tpu.dma_semaphore, #tpu.memory_space<semaphore_mem>>) src(%arg16 : memref<32x128xf32, #tpu.memory_space<vmem>>) dst(%dma_wait3A_985 : memref<32x128xf32, #tpu.memory_space<hbm>>)
      } else {
      }
      %add3A_357 = arith.constant 1 : i32
      %add3A_358 = arith.addi %mul3A_354, %add3A_357 : i32
      %mul3A_359 = arith.constant 32 : i32
      %mul3A_360 = arith.muli %add3A_358, %mul3A_359 : i32
      %add3A_361 = arith.constant 0 : i32
      %add3A_362 = arith.addi %add3A_361, %mul3A_360 : i32
      %add3A_363 = arith.constant 0 : i32
      %add3A_364 = arith.addi %add3A_362, %add3A_363 : i32
      %get3A_365 = arith.index_cast %add3A_364 : i32 to index
      %get3A_366 = tpu.vector_load %arg8[%get3A_365] {strides = array<i32>} : memref<15680xi32, #tpu.memory_space<vmem>>, vector<16xi32>,
      %get3A_367 = vector.shape_cast %get3A_366 : vector<16xi32> to vector<16xi32>
      %swap3A_368 = arith.constant 0 : index
      %swap3A_369 = tpu.vector_load %arg10[%swap3A_368] {strides = array<i32>} : memref<320xi32, #tpu.memory_space<vmem>>, vector<16xi32>,
      %swap3A_370 = vector.shape_cast %swap3A_369 : vector<16xi32> to vector<16xi32>
      %swap3A_371 = vector.shape_cast %get3A_367 : vector<16xi32> to vector<16xi32>
      tpu.vector_store %arg10[%swap3A_368], %swap3A_371 {strides = array<i32>} : memref<320xi32, #tpu.memory_space<vmem>>, vector<16xi32>,
      %mul3A_372 = arith.constant 32 : i32
      %mul3A_373 = arith.muli %add3A_358, %mul3A_372 : i32
      %add3A_374 = arith.constant 0 : i32
      %add3A_375 = arith.addi %add3A_374, %mul3A_373 : i32
      %add3A_376 = arith.constant 16 : i32
      %add3A_377 = arith.addi %add3A_375, %add3A_376 : i32
      %get3A_378 = arith.index_cast %add3A_377 : i32 to index
      %get3A_379 = tpu.vector_load %arg8[%get3A_378] {strides = array<i32>} : memref<15680xi32, #tpu.memory_space<vmem>>, vector<16xi32>,
      %get3A_380 = vector.shape_cast %get3A_379 : vector<16xi32> to vector<16xi32>
      %swap3A_381 = arith.constant 16 : index
      %swap3A_382 = tpu.vector_load %arg10[%swap3A_381] {strides = array<i32>} : memref<320xi32, #tpu.memory_space<vmem>>, vector<16xi32>,
      %swap3A_383 = vector.shape_cast %swap3A_382 : vector<16xi32> to vector<16xi32>
      %swap3A_384 = vector.shape_cast %get3A_380 : vector<16xi32> to vector<16xi32>
      tpu.vector_store %arg10[%swap3A_381], %swap3A_384 {strides = array<i32>} : memref<320xi32, #tpu.memory_space<vmem>>, vector<16xi32>,
      %mul3A_385 = arith.constant 32 : i32
      %mul3A_386 = arith.muli %add3A_358, %mul3A_385 : i32
      %add3A_387 = arith.constant 1568 : i32
      %add3A_388 = arith.addi %add3A_387, %mul3A_386 : i32
      %add3A_389 = arith.constant 0 : i32
      %add3A_390 = arith.addi %add3A_388, %add3A_389 : i32
      %get3A_391 = arith.index_cast %add3A_390 : i32 to index
      %get3A_392 = tpu.vector_load %arg8[%get3A_391] {strides = array<i32>} : memref<15680xi32, #tpu.memory_space<vmem>>, vector<16xi32>,
      %get3A_393 = vector.shape_cast %get3A_392 : vector<16xi32> to vector<16xi32>
      %swap3A_394 = arith.constant 32 : index
      %swap3A_395 = tpu.vector_load %arg10[%swap3A_394] {strides = array<i32>} : memref<320xi32, #tpu.memory_space<vmem>>, vector<16xi32>,
      %swap3A_396 = vector.shape_cast %swap3A_395 : vector<16xi32> to vector<16xi32>
      %swap3A_397 = vector.shape_cast %get3A_393 : vector<16xi32> to vector<16xi32>
      tpu.vector_store %arg10[%swap3A_394], %swap3A_397 {strides = array<i32>} : memref<320xi32, #tpu.memory_space<vmem>>, vector<16xi32>,
      %mul3A_398 = arith.constant 32 : i32
      %mul3A_399 = arith.muli %add3A_358, %mul3A_398 : i32
      %add3A_400 = arith.constant 1568 : i32
      %add3A_401 = arith.addi %add3A_400, %mul3A_399 : i32
      %add3A_402 = arith.constant 16 : i32
      %add3A_403 = arith.addi %add3A_401, %add3A_402 : i32
      %get3A_404 = arith.index_cast %add3A_403 : i32 to index
      %get3A_405 = tpu.vector_load %arg8[%get3A_404] {strides = array<i32>} : memref<15680xi32, #tpu.memory_space<vmem>>, vector<16xi32>,
      %get3A_406 = vector.shape_cast %get3A_405 : vector<16xi32> to vector<16xi32>
      %swap3A_407 = arith.constant 48 : index
      %swap3A_408 = tpu.vector_load %arg10[%swap3A_407] {strides = array<i32>} : memref<320xi32, #tpu.memory_space<vmem>>, vector<16xi32>,
      %swap3A_409 = vector.shape_cast %swap3A_408 : vector<16xi32> to vector<16xi32>
      %swap3A_410 = vector.shape_cast %get3A_406 : vector<16xi32> to vector<16xi32>
      tpu.vector_store %arg10[%swap3A_407], %swap3A_410 {strides = array<i32>} : memref<320xi32, #tpu.memory_space<vmem>>, vector<16xi32>,
      %mul3A_411 = arith.constant 32 : i32
      %mul3A_412 = arith.muli %add3A_358, %mul3A_411 : i32
      %add3A_413 = arith.constant 3136 : i32
      %add3A_414 = arith.addi %add3A_413, %mul3A_412 : i32
      %add3A_415 = arith.constant 0 : i32
      %add3A_416 = arith.addi %add3A_414, %add3A_415 : i32
      %get3A_417 = arith.index_cast %add3A_416 : i32 to index
      %get3A_418 = tpu.vector_load %arg8[%get3A_417] {strides = array<i32>} : memref<15680xi32, #tpu.memory_space<vmem>>, vector<16xi32>,
      %get3A_419 = vector.shape_cast %get3A_418 : vector<16xi32> to vector<16xi32>
      %swap3A_420 = arith.constant 64 : index
      %swap3A_421 = tpu.vector_load %arg10[%swap3A_420] {strides = array<i32>} : memref<320xi32, #tpu.memory_space<vmem>>, vector<16xi32>,
      %swap3A_422 = vector.shape_cast %swap3A_421 : vector<16xi32> to vector<16xi32>
      %swap3A_423 = vector.shape_cast %get3A_419 : vector<16xi32> to vector<16xi32>
      tpu.vector_store %arg10[%swap3A_420], %swap3A_423 {strides = array<i32>} : memref<320xi32, #tpu.memory_space<vmem>>, vector<16xi32>,
      %mul3A_424 = arith.constant 32 : i32
      %mul3A_425 = arith.muli %add3A_358, %mul3A_424 : i32
      %add3A_426 = arith.constant 3136 : i32
      %add3A_427 = arith.addi %add3A_426, %mul3A_425 : i32
      %add3A_428 = arith.constant 16 : i32
      %add3A_429 = arith.addi %add3A_427, %add3A_428 : i32
      %get3A_430 = arith.index_cast %add3A_429 : i32 to index
      %get3A_431 = tpu.vector_load %arg8[%get3A_430] {strides = array<i32>} : memref<15680xi32, #tpu.memory_space<vmem>>, vector<16xi32>,
      %get3A_432 = vector.shape_cast %get3A_431 : vector<16xi32> to vector<16xi32>
      %swap3A_433 = arith.constant 80 : index
      %swap3A_434 = tpu.vector_load %arg10[%swap3A_433] {strides = array<i32>} : memref<320xi32, #tpu.memory_space<vmem>>, vector<16xi32>,
      %swap3A_435 = vector.shape_cast %swap3A_434 : vector<16xi32> to vector<16xi32>
      %swap3A_436 = vector.shape_cast %get3A_432 : vector<16xi32> to vector<16xi32>
      tpu.vector_store %arg10[%swap3A_433], %swap3A_436 {strides = array<i32>} : memref<320xi32, #tpu.memory_space<vmem>>, vector<16xi32>,
      %mul3A_437 = arith.constant 32 : i32
      %mul3A_438 = arith.muli %add3A_358, %mul3A_437 : i32
      %add3A_439 = arith.constant 4704 : i32
      %add3A_440 = arith.addi %add3A_439, %mul3A_438 : i32
      %add3A_441 = arith.constant 0 : i32
      %add3A_442 = arith.addi %add3A_440, %add3A_441 : i32
      %get3A_443 = arith.index_cast %add3A_442 : i32 to index
      %get3A_444 = tpu.vector_load %arg8[%get3A_443] {strides = array<i32>} : memref<15680xi32, #tpu.memory_space<vmem>>, vector<16xi32>,
      %get3A_445 = vector.shape_cast %get3A_444 : vector<16xi32> to vector<16xi32>
      %swap3A_446 = arith.constant 96 : index
      %swap3A_447 = tpu.vector_load %arg10[%swap3A_446] {strides = array<i32>} : memref<320xi32, #tpu.memory_space<vmem>>, vector<16xi32>,
      %swap3A_448 = vector.shape_cast %swap3A_447 : vector<16xi32> to vector<16xi32>
      %swap3A_449 = vector.shape_cast %get3A_445 : vector<16xi32> to vector<16xi32>
      tpu.vector_store %arg10[%swap3A_446], %swap3A_449 {strides = array<i32>} : memref<320xi32, #tpu.memory_space<vmem>>, vector<16xi32>,
      %mul3A_450 = arith.constant 32 : i32
      %mul3A_451 = arith.muli %add3A_358, %mul3A_450 : i32
      %add3A_452 = arith.constant 4704 : i32
      %add3A_453 = arith.addi %add3A_452, %mul3A_451 : i32
      %add3A_454 = arith.constant 16 : i32
      %add3A_455 = arith.addi %add3A_453, %add3A_454 : i32
      %get3A_456 = arith.index_cast %add3A_455 : i32 to index
      %get3A_457 = tpu.vector_load %arg8[%get3A_456] {strides = array<i32>} : memref<15680xi32, #tpu.memory_space<vmem>>, vector<16xi32>,
      %get3A_458 = vector.shape_cast %get3A_457 : vector<16xi32> to vector<16xi32>
      %swap3A_459 = arith.constant 112 : index
      %swap3A_460 = tpu.vector_load %arg10[%swap3A_459] {strides = array<i32>} : memref<320xi32, #tpu.memory_space<vmem>>, vector<16xi32>,
      %swap3A_461 = vector.shape_cast %swap3A_460 : vector<16xi32> to vector<16xi32>
      %swap3A_462 = vector.shape_cast %get3A_458 : vector<16xi32> to vector<16xi32>
      tpu.vector_store %arg10[%swap3A_459], %swap3A_462 {strides = array<i32>} : memref<320xi32, #tpu.memory_space<vmem>>, vector<16xi32>,
      %mul3A_463 = arith.constant 32 : i32
      %mul3A_464 = arith.muli %add3A_358, %mul3A_463 : i32
      %add3A_465 = arith.constant 6272 : i32
      %add3A_466 = arith.addi %add3A_465, %mul3A_464 : i32
      %add3A_467 = arith.constant 0 : i32
      %add3A_468 = arith.addi %add3A_466, %add3A_467 : i32
      %get3A_469 = arith.index_cast %add3A_468 : i32 to index
      %get3A_470 = tpu.vector_load %arg8[%get3A_469] {strides = array<i32>} : memref<15680xi32, #tpu.memory_space<vmem>>, vector<16xi32>,
      %get3A_471 = vector.shape_cast %get3A_470 : vector<16xi32> to vector<16xi32>
      %swap3A_472 = arith.constant 128 : index
      %swap3A_473 = tpu.vector_load %arg10[%swap3A_472] {strides = array<i32>} : memref<320xi32, #tpu.memory_space<vmem>>, vector<16xi32>,
      %swap3A_474 = vector.shape_cast %swap3A_473 : vector<16xi32> to vector<16xi32>
      %swap3A_475 = vector.shape_cast %get3A_471 : vector<16xi32> to vector<16xi32>
      tpu.vector_store %arg10[%swap3A_472], %swap3A_475 {strides = array<i32>} : memref<320xi32, #tpu.memory_space<vmem>>, vector<16xi32>,
      %mul3A_476 = arith.constant 32 : i32
      %mul3A_477 = arith.muli %add3A_358, %mul3A_476 : i32
      %add3A_478 = arith.constant 6272 : i32
      %add3A_479 = arith.addi %add3A_478, %mul3A_477 : i32
      %add3A_480 = arith.constant 16 : i32
      %add3A_481 = arith.addi %add3A_479, %add3A_480 : i32
      %get3A_482 = arith.index_cast %add3A_481 : i32 to index
      %get3A_483 = tpu.vector_load %arg8[%get3A_482] {strides = array<i32>} : memref<15680xi32, #tpu.memory_space<vmem>>, vector<16xi32>,
      %get3A_484 = vector.shape_cast %get3A_483 : vector<16xi32> to vector<16xi32>
      %swap3A_485 = arith.constant 144 : index
      %swap3A_486 = tpu.vector_load %arg10[%swap3A_485] {strides = array<i32>} : memref<320xi32, #tpu.memory_space<vmem>>, vector<16xi32>,
      %swap3A_487 = vector.shape_cast %swap3A_486 : vector<16xi32> to vector<16xi32>
      %swap3A_488 = vector.shape_cast %get3A_484 : vector<16xi32> to vector<16xi32>
      tpu.vector_store %arg10[%swap3A_485], %swap3A_488 {strides = array<i32>} : memref<320xi32, #tpu.memory_space<vmem>>, vector<16xi32>,
      %mul3A_489 = arith.constant 32 : i32
      %mul3A_490 = arith.muli %add3A_358, %mul3A_489 : i32
      %add3A_491 = arith.constant 7840 : i32
      %add3A_492 = arith.addi %add3A_491, %mul3A_490 : i32
      %add3A_493 = arith.constant 0 : i32
      %add3A_494 = arith.addi %add3A_492, %add3A_493 : i32
      %get3A_495 = arith.index_cast %add3A_494 : i32 to index
      %get3A_496 = tpu.vector_load %arg8[%get3A_495] {strides = array<i32>} : memref<15680xi32, #tpu.memory_space<vmem>>, vector<16xi32>,
      %get3A_497 = vector.shape_cast %get3A_496 : vector<16xi32> to vector<16xi32>
      %swap3A_498 = arith.constant 160 : index
      %swap3A_499 = tpu.vector_load %arg10[%swap3A_498] {strides = array<i32>} : memref<320xi32, #tpu.memory_space<vmem>>, vector<16xi32>,
      %swap3A_500 = vector.shape_cast %swap3A_499 : vector<16xi32> to vector<16xi32>
      %swap3A_501 = vector.shape_cast %get3A_497 : vector<16xi32> to vector<16xi32>
      tpu.vector_store %arg10[%swap3A_498], %swap3A_501 {strides = array<i32>} : memref<320xi32, #tpu.memory_space<vmem>>, vector<16xi32>,
      %mul3A_502 = arith.constant 32 : i32
      %mul3A_503 = arith.muli %add3A_358, %mul3A_502 : i32
      %add3A_504 = arith.constant 7840 : i32
      %add3A_505 = arith.addi %add3A_504, %mul3A_503 : i32
      %add3A_506 = arith.constant 16 : i32
      %add3A_507 = arith.addi %add3A_505, %add3A_506 : i32
      %get3A_508 = arith.index_cast %add3A_507 : i32 to index
      %get3A_509 = tpu.vector_load %arg8[%get3A_508] {strides = array<i32>} : memref<15680xi32, #tpu.memory_space<vmem>>, vector<16xi32>,
      %get3A_510 = vector.shape_cast %get3A_509 : vector<16xi32> to vector<16xi32>
      %swap3A_511 = arith.constant 176 : index
      %swap3A_512 = tpu.vector_load %arg10[%swap3A_511] {strides = array<i32>} : memref<320xi32, #tpu.memory_space<vmem>>, vector<16xi32>,
      %swap3A_513 = vector.shape_cast %swap3A_512 : vector<16xi32> to vector<16xi32>
      %swap3A_514 = vector.shape_cast %get3A_510 : vector<16xi32> to vector<16xi32>
      tpu.vector_store %arg10[%swap3A_511], %swap3A_514 {strides = array<i32>} : memref<320xi32, #tpu.memory_space<vmem>>, vector<16xi32>,
      %mul3A_515 = arith.constant 32 : i32
      %mul3A_516 = arith.muli %add3A_358, %mul3A_515 : i32
      %add3A_517 = arith.constant 9408 : i32
      %add3A_518 = arith.addi %add3A_517, %mul3A_516 : i32
      %add3A_519 = arith.constant 0 : i32
      %add3A_520 = arith.addi %add3A_518, %add3A_519 : i32
      %get3A_521 = arith.index_cast %add3A_520 : i32 to index
      %get3A_522 = tpu.vector_load %arg8[%get3A_521] {strides = array<i32>} : memref<15680xi32, #tpu.memory_space<vmem>>, vector<16xi32>,
      %get3A_523 = vector.shape_cast %get3A_522 : vector<16xi32> to vector<16xi32>
      %swap3A_524 = arith.constant 192 : index
      %swap3A_525 = tpu.vector_load %arg10[%swap3A_524] {strides = array<i32>} : memref<320xi32, #tpu.memory_space<vmem>>, vector<16xi32>,
      %swap3A_526 = vector.shape_cast %swap3A_525 : vector<16xi32> to vector<16xi32>
      %swap3A_527 = vector.shape_cast %get3A_523 : vector<16xi32> to vector<16xi32>
      tpu.vector_store %arg10[%swap3A_524], %swap3A_527 {strides = array<i32>} : memref<320xi32, #tpu.memory_space<vmem>>, vector<16xi32>,
      %mul3A_528 = arith.constant 32 : i32
      %mul3A_529 = arith.muli %add3A_358, %mul3A_528 : i32
      %add3A_530 = arith.constant 9408 : i32
      %add3A_531 = arith.addi %add3A_530, %mul3A_529 : i32
      %add3A_532 = arith.constant 16 : i32
      %add3A_533 = arith.addi %add3A_531, %add3A_532 : i32
      %get3A_534 = arith.index_cast %add3A_533 : i32 to index
      %get3A_535 = tpu.vector_load %arg8[%get3A_534] {strides = array<i32>} : memref<15680xi32, #tpu.memory_space<vmem>>, vector<16xi32>,
      %get3A_536 = vector.shape_cast %get3A_535 : vector<16xi32> to vector<16xi32>
      %swap3A_537 = arith.constant 208 : index
      %swap3A_538 = tpu.vector_load %arg10[%swap3A_537] {strides = array<i32>} : memref<320xi32, #tpu.memory_space<vmem>>, vector<16xi32>,
      %swap3A_539 = vector.shape_cast %swap3A_538 : vector<16xi32> to vector<16xi32>
      %swap3A_540 = vector.shape_cast %get3A_536 : vector<16xi32> to vector<16xi32>
      tpu.vector_store %arg10[%swap3A_537], %swap3A_540 {strides = array<i32>} : memref<320xi32, #tpu.memory_space<vmem>>, vector<16xi32>,
      %mul3A_541 = arith.constant 32 : i32
      %mul3A_542 = arith.muli %add3A_358, %mul3A_541 : i32
      %add3A_543 = arith.constant 10976 : i32
      %add3A_544 = arith.addi %add3A_543, %mul3A_542 : i32
      %add3A_545 = arith.constant 0 : i32
      %add3A_546 = arith.addi %add3A_544, %add3A_545 : i32
      %get3A_547 = arith.index_cast %add3A_546 : i32 to index
      %get3A_548 = tpu.vector_load %arg8[%get3A_547] {strides = array<i32>} : memref<15680xi32, #tpu.memory_space<vmem>>, vector<16xi32>,
      %get3A_549 = vector.shape_cast %get3A_548 : vector<16xi32> to vector<16xi32>
      %swap3A_550 = arith.constant 224 : index
      %swap3A_551 = tpu.vector_load %arg10[%swap3A_550] {strides = array<i32>} : memref<320xi32, #tpu.memory_space<vmem>>, vector<16xi32>,
      %swap3A_552 = vector.shape_cast %swap3A_551 : vector<16xi32> to vector<16xi32>
      %swap3A_553 = vector.shape_cast %get3A_549 : vector<16xi32> to vector<16xi32>
      tpu.vector_store %arg10[%swap3A_550], %swap3A_553 {strides = array<i32>} : memref<320xi32, #tpu.memory_space<vmem>>, vector<16xi32>,
      %mul3A_554 = arith.constant 32 : i32
      %mul3A_555 = arith.muli %add3A_358, %mul3A_554 : i32
      %add3A_556 = arith.constant 10976 : i32
      %add3A_557 = arith.addi %add3A_556, %mul3A_555 : i32
      %add3A_558 = arith.constant 16 : i32
      %add3A_559 = arith.addi %add3A_557, %add3A_558 : i32
      %get3A_560 = arith.index_cast %add3A_559 : i32 to index
      %get3A_561 = tpu.vector_load %arg8[%get3A_560] {strides = array<i32>} : memref<15680xi32, #tpu.memory_space<vmem>>, vector<16xi32>,
      %get3A_562 = vector.shape_cast %get3A_561 : vector<16xi32> to vector<16xi32>
      %swap3A_563 = arith.constant 240 : index
      %swap3A_564 = tpu.vector_load %arg10[%swap3A_563] {strides = array<i32>} : memref<320xi32, #tpu.memory_space<vmem>>, vector<16xi32>,
      %swap3A_565 = vector.shape_cast %swap3A_564 : vector<16xi32> to vector<16xi32>
      %swap3A_566 = vector.shape_cast %get3A_562 : vector<16xi32> to vector<16xi32>
      tpu.vector_store %arg10[%swap3A_563], %swap3A_566 {strides = array<i32>} : memref<320xi32, #tpu.memory_space<vmem>>, vector<16xi32>,
      %mul3A_567 = arith.constant 32 : i32
      %mul3A_568 = arith.muli %add3A_358, %mul3A_567 : i32
      %add3A_569 = arith.constant 12544 : i32
      %add3A_570 = arith.addi %add3A_569, %mul3A_568 : i32
      %add3A_571 = arith.constant 0 : i32
      %add3A_572 = arith.addi %add3A_570, %add3A_571 : i32
      %get3A_573 = arith.index_cast %add3A_572 : i32 to index
      %get3A_574 = tpu.vector_load %arg8[%get3A_573] {strides = array<i32>} : memref<15680xi32, #tpu.memory_space<vmem>>, vector<16xi32>,
      %get3A_575 = vector.shape_cast %get3A_574 : vector<16xi32> to vector<16xi32>
      %swap3A_576 = arith.constant 256 : index
      %swap3A_577 = tpu.vector_load %arg10[%swap3A_576] {strides = array<i32>} : memref<320xi32, #tpu.memory_space<vmem>>, vector<16xi32>,
      %swap3A_578 = vector.shape_cast %swap3A_577 : vector<16xi32> to vector<16xi32>
      %swap3A_579 = vector.shape_cast %get3A_575 : vector<16xi32> to vector<16xi32>
      tpu.vector_store %arg10[%swap3A_576], %swap3A_579 {strides = array<i32>} : memref<320xi32, #tpu.memory_space<vmem>>, vector<16xi32>,
      %mul3A_580 = arith.constant 32 : i32
      %mul3A_581 = arith.muli %add3A_358, %mul3A_580 : i32
      %add3A_582 = arith.constant 12544 : i32
      %add3A_583 = arith.addi %add3A_582, %mul3A_581 : i32
      %add3A_584 = arith.constant 16 : i32
      %add3A_585 = arith.addi %add3A_583, %add3A_584 : i32
      %get3A_586 = arith.index_cast %add3A_585 : i32 to index
      %get3A_587 = tpu.vector_load %arg8[%get3A_586] {strides = array<i32>} : memref<15680xi32, #tpu.memory_space<vmem>>, vector<16xi32>,
      %get3A_588 = vector.shape_cast %get3A_587 : vector<16xi32> to vector<16xi32>
      %swap3A_589 = arith.constant 272 : index
      %swap3A_590 = tpu.vector_load %arg10[%swap3A_589] {strides = array<i32>} : memref<320xi32, #tpu.memory_space<vmem>>, vector<16xi32>,
      %swap3A_591 = vector.shape_cast %swap3A_590 : vector<16xi32> to vector<16xi32>
      %swap3A_592 = vector.shape_cast %get3A_588 : vector<16xi32> to vector<16xi32>
      tpu.vector_store %arg10[%swap3A_589], %swap3A_592 {strides = array<i32>} : memref<320xi32, #tpu.memory_space<vmem>>, vector<16xi32>,
      %mul3A_593 = arith.constant 32 : i32
      %mul3A_594 = arith.muli %add3A_358, %mul3A_593 : i32
      %add3A_595 = arith.constant 14112 : i32
      %add3A_596 = arith.addi %add3A_595, %mul3A_594 : i32
      %add3A_597 = arith.constant 0 : i32
      %add3A_598 = arith.addi %add3A_596, %add3A_597 : i32
      %get3A_599 = arith.index_cast %add3A_598 : i32 to index
      %get3A_600 = tpu.vector_load %arg8[%get3A_599] {strides = array<i32>} : memref<15680xi32, #tpu.memory_space<vmem>>, vector<16xi32>,
      %get3A_601 = vector.shape_cast %get3A_600 : vector<16xi32> to vector<16xi32>
      %swap3A_602 = arith.constant 288 : index
      %swap3A_603 = tpu.vector_load %arg10[%swap3A_602] {strides = array<i32>} : memref<320xi32, #tpu.memory_space<vmem>>, vector<16xi32>,
      %swap3A_604 = vector.shape_cast %swap3A_603 : vector<16xi32> to vector<16xi32>
      %swap3A_605 = vector.shape_cast %get3A_601 : vector<16xi32> to vector<16xi32>
      tpu.vector_store %arg10[%swap3A_602], %swap3A_605 {strides = array<i32>} : memref<320xi32, #tpu.memory_space<vmem>>, vector<16xi32>,
      %mul3A_606 = arith.constant 32 : i32
      %mul3A_607 = arith.muli %add3A_358, %mul3A_606 : i32
      %add3A_608 = arith.constant 14112 : i32
      %add3A_609 = arith.addi %add3A_608, %mul3A_607 : i32
      %add3A_610 = arith.constant 16 : i32
      %add3A_611 = arith.addi %add3A_609, %add3A_610 : i32
      %get3A_612 = arith.index_cast %add3A_611 : i32 to index
      %get3A_613 = tpu.vector_load %arg8[%get3A_612] {strides = array<i32>} : memref<15680xi32, #tpu.memory_space<vmem>>, vector<16xi32>,
      %get3A_614 = vector.shape_cast %get3A_613 : vector<16xi32> to vector<16xi32>
      %swap3A_615 = arith.constant 304 : index
      %swap3A_616 = tpu.vector_load %arg10[%swap3A_615] {strides = array<i32>} : memref<320xi32, #tpu.memory_space<vmem>>, vector<16xi32>,
      %swap3A_617 = vector.shape_cast %swap3A_616 : vector<16xi32> to vector<16xi32>
      %swap3A_618 = vector.shape_cast %get3A_614 : vector<16xi32> to vector<16xi32>
      tpu.vector_store %arg10[%swap3A_615], %swap3A_618 {strides = array<i32>} : memref<320xi32, #tpu.memory_space<vmem>>, vector<16xi32>,
      %dma_start3A_619 = arith.constant 0 : i32
      %dma_start3A_620 = arith.constant 0 : i32
      %dma_start3A_621 = tpu.memref_slice %arg4[%dma_start3A_619, %dma_start3A_620] : memref<50000x128xf32, #tpu.memory_space<hbm>> -> memref<50000x128xf32, #tpu.memory_space<hbm>>
      tpu.enqueue_indirect_dma source(%dma_start3A_621 : memref<50000x128xf32, #tpu.memory_space<hbm>>) target(%arg12 : memref<320x128xf32, #tpu.memory_space<vmem>>) offsets(%arg10 : memref<320xi32, #tpu.memory_space<vmem>>) semaphore(%arg18 : memref<!tpu.dma_semaphore, #tpu.memory_space<semaphore_mem>>)
      %mul3A_622 = arith.constant 32 : i32
      %mul3A_623 = arith.muli %add3A_358, %mul3A_622 : i32
      %dma_start3A_624 = tpu.memref_slice %arg7[%mul3A_623] : memref<1568xi32, #tpu.memory_space<vmem>> -> memref<32xi32, #tpu.memory_space<vmem>>
      %dma_start3A_625 = arith.constant 0 : i32
      %dma_start3A_626 = arith.constant 0 : i32
      %dma_start3A_627 = tpu.memref_slice %arg4[%dma_start3A_625, %dma_start3A_626] : memref<50000x128xf32, #tpu.memory_space<hbm>> -> memref<50000x128xf32, #tpu.memory_space<hbm>>
      tpu.enqueue_indirect_dma source(%dma_start3A_627 : memref<50000x128xf32, #tpu.memory_space<hbm>>) target(%arg14 : memref<32x128xf32, #tpu.memory_space<vmem>>) offsets(%dma_start3A_624 : memref<32xi32, #tpu.memory_space<vmem>>) semaphore(%arg18 : memref<!tpu.dma_semaphore, #tpu.memory_space<semaphore_mem>>)
      %dma_wait3A_628 = arith.constant 0 : i32
      %dma_wait3A_629 = arith.constant 0 : i32
      %dma_wait3A_630 = tpu.memref_slice %arg4[%dma_wait3A_628, %dma_wait3A_629] : memref<50000x128xf32, #tpu.memory_space<hbm>> -> memref<320x128xf32, #tpu.memory_space<hbm>>
      %dma_wait3A_631 = arith.constant 0 : i32
      %dma_wait3A_632 = arith.constant 0 : i32
      %dma_wait3A_633 = tpu.memref_slice %arg4[%dma_wait3A_631, %dma_wait3A_632] : memref<50000x128xf32, #tpu.memory_space<hbm>> -> memref<320x128xf32, #tpu.memory_space<hbm>>
      tpu.wait_dma2 semaphore(%arg17 : memref<!tpu.dma_semaphore, #tpu.memory_space<semaphore_mem>>) src(%dma_wait3A_633 : memref<320x128xf32, #tpu.memory_space<hbm>>) dst(%arg11 : memref<320x128xf32, #tpu.memory_space<vmem>>)
      %dma_wait3A_634 = arith.constant 0 : i32
      %dma_wait3A_635 = arith.constant 0 : i32
      %dma_wait3A_636 = tpu.memref_slice %arg4[%dma_wait3A_634, %dma_wait3A_635] : memref<50000x128xf32, #tpu.memory_space<hbm>> -> memref<32x128xf32, #tpu.memory_space<hbm>>
      %dma_wait3A_637 = arith.constant 0 : i32
      %dma_wait3A_638 = arith.constant 0 : i32
      %dma_wait3A_639 = tpu.memref_slice %arg4[%dma_wait3A_637, %dma_wait3A_638] : memref<50000x128xf32, #tpu.memory_space<hbm>> -> memref<32x128xf32, #tpu.memory_space<hbm>>
      tpu.wait_dma2 semaphore(%arg17 : memref<!tpu.dma_semaphore, #tpu.memory_space<semaphore_mem>>) src(%dma_wait3A_639 : memref<32x128xf32, #tpu.memory_space<hbm>>) dst(%arg13 : memref<32x128xf32, #tpu.memory_space<vmem>>)
      %scan3A_640 = arith.constant 0 : i32
      %scan3A_641 = arith.constant 0 : i32
      %scan3A_642 = arith.constant 32 : i32
      %scan3A_643 = arith.addi %scan3A_641, %scan3A_642 : i32
      %scan3A_644 = arith.constant 1 : i32
      %scan3A_645 = scf.for %scan3A_974 = %scan3A_641 to %scan3A_643 step %scan3A_644 iter_args(%scan3A_975 = %scan3A_640) -> (i32)  : i32 {
        %get3A_976 = arith.index_cast %scan3A_974 : i32 to index
        %get3A_977 = arith.constant 0 : index
        %get3A_978 = tpu.vector_load %arg11[%get3A_976, %get3A_977] {strides = array<i32>} : memref<320x128xf32, #tpu.memory_space<vmem>>, vector<1x16xf32>,
        %get3A_979 = vector.shape_cast %get3A_978 : vector<1x16xf32> to vector<16xf32>
        %add3A_980 = arith.constant 32 : i32
        %add3A_981 = arith.addi %add3A_980, %scan3A_974 : i32
        %get3A_982 = arith.index_cast %add3A_981 : i32 to index
        %get3A_983 = arith.constant 0 : index
        %get3A_984 = tpu.vector_load %arg11[%get3A_982, %get3A_983] {strides = array<i32>} : memref<320x128xf32, #tpu.memory_space<vmem>>, vector<1x16xf32>,
        %get3A_985 = vector.shape_cast %get3A_984 : vector<1x16xf32> to vector<16xf32>
        %add3A_986 = arith.addf %get3A_979, %get3A_985 : vector<16xf32>
        %add3A_987 = arith.constant 64 : i32
        %add3A_988 = arith.addi %add3A_987, %scan3A_974 : i32
        %get3A_989 = arith.index_cast %add3A_988 : i32 to index
        %get3A_990 = arith.constant 0 : index
        %get3A_991 = tpu.vector_load %arg11[%get3A_989, %get3A_990] {strides = array<i32>} : memref<320x128xf32, #tpu.memory_space<vmem>>, vector<1x16xf32>,
        %get3A_992 = vector.shape_cast %get3A_991 : vector<1x16xf32> to vector<16xf32>
        %add3A_993 = arith.addf %add3A_986, %get3A_992 : vector<16xf32>
        %add3A_994 = arith.constant 96 : i32
        %add3A_995 = arith.addi %add3A_994, %scan3A_974 : i32
        %get3A_996 = arith.index_cast %add3A_995 : i32 to index
        %get3A_997 = arith.constant 0 : index
        %get3A_998 = tpu.vector_load %arg11[%get3A_996, %get3A_997] {strides = array<i32>} : memref<320x128xf32, #tpu.memory_space<vmem>>, vector<1x16xf32>,
        %get3A_999 = vector.shape_cast %get3A_998 : vector<1x16xf32> to vector<16xf32>
        %add3A_1000 = arith.addf %add3A_993, %get3A_999 : vector<16xf32>
        %add3A_1001 = arith.constant 128 : i32
        %add3A_1002 = arith.addi %add3A_1001, %scan3A_974 : i32
        %get3A_1003 = arith.index_cast %add3A_1002 : i32 to index
        %get3A_1004 = arith.constant 0 : index
        %get3A_1005 = tpu.vector_load %arg11[%get3A_1003, %get3A_1004] {strides = array<i32>} : memref<320x128xf32, #tpu.memory_space<vmem>>, vector<1x16xf32>,
        %get3A_1006 = vector.shape_cast %get3A_1005 : vector<1x16xf32> to vector<16xf32>
        %add3A_1007 = arith.addf %add3A_1000, %get3A_1006 : vector<16xf32>
        %add3A_1008 = arith.constant 160 : i32
        %add3A_1009 = arith.addi %add3A_1008, %scan3A_974 : i32
        %get3A_1010 = arith.index_cast %add3A_1009 : i32 to index
        %get3A_1011 = arith.constant 0 : index
        %get3A_1012 = tpu.vector_load %arg11[%get3A_1010, %get3A_1011] {strides = array<i32>} : memref<320x128xf32, #tpu.memory_space<vmem>>, vector<1x16xf32>,
        %get3A_1013 = vector.shape_cast %get3A_1012 : vector<1x16xf32> to vector<16xf32>
        %add3A_1014 = arith.addf %add3A_1007, %get3A_1013 : vector<16xf32>
        %add3A_1015 = arith.constant 192 : i32
        %add3A_1016 = arith.addi %add3A_1015, %scan3A_974 : i32
        %get3A_1017 = arith.index_cast %add3A_1016 : i32 to index
        %get3A_1018 = arith.constant 0 : index
        %get3A_1019 = tpu.vector_load %arg11[%get3A_1017, %get3A_1018] {strides = array<i32>} : memref<320x128xf32, #tpu.memory_space<vmem>>, vector<1x16xf32>,
        %get3A_1020 = vector.shape_cast %get3A_1019 : vector<1x16xf32> to vector<16xf32>
        %add3A_1021 = arith.addf %add3A_1014, %get3A_1020 : vector<16xf32>
        %add3A_1022 = arith.constant 224 : i32
        %add3A_1023 = arith.addi %add3A_1022, %scan3A_974 : i32
        %get3A_1024 = arith.index_cast %add3A_1023 : i32 to index
        %get3A_1025 = arith.constant 0 : index
        %get3A_1026 = tpu.vector_load %arg11[%get3A_1024, %get3A_1025] {strides = array<i32>} : memref<320x128xf32, #tpu.memory_space<vmem>>, vector<1x16xf32>,
        %get3A_1027 = vector.shape_cast %get3A_1026 : vector<1x16xf32> to vector<16xf32>
        %add3A_1028 = arith.addf %add3A_1021, %get3A_1027 : vector<16xf32>
        %add3A_1029 = arith.constant 256 : i32
        %add3A_1030 = arith.addi %add3A_1029, %scan3A_974 : i32
        %get3A_1031 = arith.index_cast %add3A_1030 : i32 to index
        %get3A_1032 = arith.constant 0 : index
        %get3A_1033 = tpu.vector_load %arg11[%get3A_1031, %get3A_1032] {strides = array<i32>} : memref<320x128xf32, #tpu.memory_space<vmem>>, vector<1x16xf32>,
        %get3A_1034 = vector.shape_cast %get3A_1033 : vector<1x16xf32> to vector<16xf32>
        %add3A_1035 = arith.addf %add3A_1028, %get3A_1034 : vector<16xf32>
        %add3A_1036 = arith.constant 288 : i32
        %add3A_1037 = arith.addi %add3A_1036, %scan3A_974 : i32
        %get3A_1038 = arith.index_cast %add3A_1037 : i32 to index
        %get3A_1039 = arith.constant 0 : index
        %get3A_1040 = tpu.vector_load %arg11[%get3A_1038, %get3A_1039] {strides = array<i32>} : memref<320x128xf32, #tpu.memory_space<vmem>>, vector<1x16xf32>,
        %get3A_1041 = vector.shape_cast %get3A_1040 : vector<1x16xf32> to vector<16xf32>
        %add3A_1042 = arith.addf %add3A_1035, %get3A_1041 : vector<16xf32>
        %swap3A_1043 = arith.index_cast %scan3A_974 : i32 to index
        %swap3A_1044 = arith.constant 0 : index
        %swap3A_1045 = tpu.vector_load %arg15[%swap3A_1043, %swap3A_1044] {strides = array<i32>} : memref<32x128xf32, #tpu.memory_space<vmem>>, vector<1x16xf32>,
        %swap3A_1046 = vector.shape_cast %swap3A_1045 : vector<1x16xf32> to vector<16xf32>
        %swap3A_1047 = vector.shape_cast %add3A_1042 : vector<16xf32> to vector<1x16xf32>
        tpu.vector_store %arg15[%swap3A_1043, %swap3A_1044], %swap3A_1047 {strides = array<i32>} : memref<32x128xf32, #tpu.memory_space<vmem>>, vector<1x16xf32>,
        %get3A_1048 = arith.index_cast %scan3A_974 : i32 to index
        %get3A_1049 = arith.constant 16 : index
        %get3A_1050 = tpu.vector_load %arg11[%get3A_1048, %get3A_1049] {strides = array<i32>} : memref<320x128xf32, #tpu.memory_space<vmem>>, vector<1x16xf32>,
        %get3A_1051 = vector.shape_cast %get3A_1050 : vector<1x16xf32> to vector<16xf32>
        %add3A_1052 = arith.constant 32 : i32
        %add3A_1053 = arith.addi %add3A_1052, %scan3A_974 : i32
        %get3A_1054 = arith.index_cast %add3A_1053 : i32 to index
        %get3A_1055 = arith.constant 16 : index
        %get3A_1056 = tpu.vector_load %arg11[%get3A_1054, %get3A_1055] {strides = array<i32>} : memref<320x128xf32, #tpu.memory_space<vmem>>, vector<1x16xf32>,
        %get3A_1057 = vector.shape_cast %get3A_1056 : vector<1x16xf32> to vector<16xf32>
        %add3A_1058 = arith.addf %get3A_1051, %get3A_1057 : vector<16xf32>
        %add3A_1059 = arith.constant 64 : i32
        %add3A_1060 = arith.addi %add3A_1059, %scan3A_974 : i32
        %get3A_1061 = arith.index_cast %add3A_1060 : i32 to index
        %get3A_1062 = arith.constant 16 : index
        %get3A_1063 = tpu.vector_load %arg11[%get3A_1061, %get3A_1062] {strides = array<i32>} : memref<320x128xf32, #tpu.memory_space<vmem>>, vector<1x16xf32>,
        %get3A_1064 = vector.shape_cast %get3A_1063 : vector<1x16xf32> to vector<16xf32>
        %add3A_1065 = arith.addf %add3A_1058, %get3A_1064 : vector<16xf32>
        %add3A_1066 = arith.constant 96 : i32
        %add3A_1067 = arith.addi %add3A_1066, %scan3A_974 : i32
        %get3A_1068 = arith.index_cast %add3A_1067 : i32 to index
        %get3A_1069 = arith.constant 16 : index
        %get3A_1070 = tpu.vector_load %arg11[%get3A_1068, %get3A_1069] {strides = array<i32>} : memref<320x128xf32, #tpu.memory_space<vmem>>, vector<1x16xf32>,
        %get3A_1071 = vector.shape_cast %get3A_1070 : vector<1x16xf32> to vector<16xf32>
        %add3A_1072 = arith.addf %add3A_1065, %get3A_1071 : vector<16xf32>
        %add3A_1073 = arith.constant 128 : i32
        %add3A_1074 = arith.addi %add3A_1073, %scan3A_974 : i32
        %get3A_1075 = arith.index_cast %add3A_1074 : i32 to index
        %get3A_1076 = arith.constant 16 : index
        %get3A_1077 = tpu.vector_load %arg11[%get3A_1075, %get3A_1076] {strides = array<i32>} : memref<320x128xf32, #tpu.memory_space<vmem>>, vector<1x16xf32>,
        %get3A_1078 = vector.shape_cast %get3A_1077 : vector<1x16xf32> to vector<16xf32>
        %add3A_1079 = arith.addf %add3A_1072, %get3A_1078 : vector<16xf32>
        %add3A_1080 = arith.constant 160 : i32
        %add3A_1081 = arith.addi %add3A_1080, %scan3A_974 : i32
        %get3A_1082 = arith.index_cast %add3A_1081 : i32 to index
        %get3A_1083 = arith.constant 16 : index
        %get3A_1084 = tpu.vector_load %arg11[%get3A_1082, %get3A_1083] {strides = array<i32>} : memref<320x128xf32, #tpu.memory_space<vmem>>, vector<1x16xf32>,
        %get3A_1085 = vector.shape_cast %get3A_1084 : vector<1x16xf32> to vector<16xf32>
        %add3A_1086 = arith.addf %add3A_1079, %get3A_1085 : vector<16xf32>
        %add3A_1087 = arith.constant 192 : i32
        %add3A_1088 = arith.addi %add3A_1087, %scan3A_974 : i32
        %get3A_1089 = arith.index_cast %add3A_1088 : i32 to index
        %get3A_1090 = arith.constant 16 : index
        %get3A_1091 = tpu.vector_load %arg11[%get3A_1089, %get3A_1090] {strides = array<i32>} : memref<320x128xf32, #tpu.memory_space<vmem>>, vector<1x16xf32>,
        %get3A_1092 = vector.shape_cast %get3A_1091 : vector<1x16xf32> to vector<16xf32>
        %add3A_1093 = arith.addf %add3A_1086, %get3A_1092 : vector<16xf32>
        %add3A_1094 = arith.constant 224 : i32
        %add3A_1095 = arith.addi %add3A_1094, %scan3A_974 : i32
        %get3A_1096 = arith.index_cast %add3A_1095 : i32 to index
        %get3A_1097 = arith.constant 16 : index
        %get3A_1098 = tpu.vector_load %arg11[%get3A_1096, %get3A_1097] {strides = array<i32>} : memref<320x128xf32, #tpu.memory_space<vmem>>, vector<1x16xf32>,
        %get3A_1099 = vector.shape_cast %get3A_1098 : vector<1x16xf32> to vector<16xf32>
        %add3A_1100 = arith.addf %add3A_1093, %get3A_1099 : vector<16xf32>
        %add3A_1101 = arith.constant 256 : i32
        %add3A_1102 = arith.addi %add3A_1101, %scan3A_974 : i32
        %get3A_1103 = arith.index_cast %add3A_1102 : i32 to index
        %get3A_1104 = arith.constant 16 : index
        %get3A_1105 = tpu.vector_load %arg11[%get3A_1103, %get3A_1104] {strides = array<i32>} : memref<320x128xf32, #tpu.memory_space<vmem>>, vector<1x16xf32>,
        %get3A_1106 = vector.shape_cast %get3A_1105 : vector<1x16xf32> to vector<16xf32>
        %add3A_1107 = arith.addf %add3A_1100, %get3A_1106 : vector<16xf32>
        %add3A_1108 = arith.constant 288 : i32
        %add3A_1109 = arith.addi %add3A_1108, %scan3A_974 : i32
        %get3A_1110 = arith.index_cast %add3A_1109 : i32 to index
        %get3A_1111 = arith.constant 16 : index
        %get3A_1112 = tpu.vector_load %arg11[%get3A_1110, %get3A_1111] {strides = array<i32>} : memref<320x128xf32, #tpu.memory_space<vmem>>, vector<1x16xf32>,
        %get3A_1113 = vector.shape_cast %get3A_1112 : vector<1x16xf32> to vector<16xf32>
        %add3A_1114 = arith.addf %add3A_1107, %get3A_1113 : vector<16xf32>
        %swap3A_1115 = arith.index_cast %scan3A_974 : i32 to index
        %swap3A_1116 = arith.constant 16 : index
        %swap3A_1117 = tpu.vector_load %arg15[%swap3A_1115, %swap3A_1116] {strides = array<i32>} : memref<32x128xf32, #tpu.memory_space<vmem>>, vector<1x16xf32>,
        %swap3A_1118 = vector.shape_cast %swap3A_1117 : vector<1x16xf32> to vector<16xf32>
        %swap3A_1119 = vector.shape_cast %add3A_1114 : vector<16xf32> to vector<1x16xf32>
        tpu.vector_store %arg15[%swap3A_1115, %swap3A_1116], %swap3A_1119 {strides = array<i32>} : memref<32x128xf32, #tpu.memory_space<vmem>>, vector<1x16xf32>,
        %get3A_1120 = arith.index_cast %scan3A_974 : i32 to index
        %get3A_1121 = arith.constant 32 : index
        %get3A_1122 = tpu.vector_load %arg11[%get3A_1120, %get3A_1121] {strides = array<i32>} : memref<320x128xf32, #tpu.memory_space<vmem>>, vector<1x16xf32>,
        %get3A_1123 = vector.shape_cast %get3A_1122 : vector<1x16xf32> to vector<16xf32>
        %add3A_1124 = arith.constant 32 : i32
        %add3A_1125 = arith.addi %add3A_1124, %scan3A_974 : i32
        %get3A_1126 = arith.index_cast %add3A_1125 : i32 to index
        %get3A_1127 = arith.constant 32 : index
        %get3A_1128 = tpu.vector_load %arg11[%get3A_1126, %get3A_1127] {strides = array<i32>} : memref<320x128xf32, #tpu.memory_space<vmem>>, vector<1x16xf32>,
        %get3A_1129 = vector.shape_cast %get3A_1128 : vector<1x16xf32> to vector<16xf32>
        %add3A_1130 = arith.addf %get3A_1123, %get3A_1129 : vector<16xf32>
        %add3A_1131 = arith.constant 64 : i32
        %add3A_1132 = arith.addi %add3A_1131, %scan3A_974 : i32
        %get3A_1133 = arith.index_cast %add3A_1132 : i32 to index
        %get3A_1134 = arith.constant 32 : index
        %get3A_1135 = tpu.vector_load %arg11[%get3A_1133, %get3A_1134] {strides = array<i32>} : memref<320x128xf32, #tpu.memory_space<vmem>>, vector<1x16xf32>,
        %get3A_1136 = vector.shape_cast %get3A_1135 : vector<1x16xf32> to vector<16xf32>
        %add3A_1137 = arith.addf %add3A_1130, %get3A_1136 : vector<16xf32>
        %add3A_1138 = arith.constant 96 : i32
        %add3A_1139 = arith.addi %add3A_1138, %scan3A_974 : i32
        %get3A_1140 = arith.index_cast %add3A_1139 : i32 to index
        %get3A_1141 = arith.constant 32 : index
        %get3A_1142 = tpu.vector_load %arg11[%get3A_1140, %get3A_1141] {strides = array<i32>} : memref<320x128xf32, #tpu.memory_space<vmem>>, vector<1x16xf32>,
        %get3A_1143 = vector.shape_cast %get3A_1142 : vector<1x16xf32> to vector<16xf32>
        %add3A_1144 = arith.addf %add3A_1137, %get3A_1143 : vector<16xf32>
        %add3A_1145 = arith.constant 128 : i32
        %add3A_1146 = arith.addi %add3A_1145, %scan3A_974 : i32
        %get3A_1147 = arith.index_cast %add3A_1146 : i32 to index
        %get3A_1148 = arith.constant 32 : index
        %get3A_1149 = tpu.vector_load %arg11[%get3A_1147, %get3A_1148] {strides = array<i32>} : memref<320x128xf32, #tpu.memory_space<vmem>>, vector<1x16xf32>,
        %get3A_1150 = vector.shape_cast %get3A_1149 : vector<1x16xf32> to vector<16xf32>
        %add3A_1151 = arith.addf %add3A_1144, %get3A_1150 : vector<16xf32>
        %add3A_1152 = arith.constant 160 : i32
        %add3A_1153 = arith.addi %add3A_1152, %scan3A_974 : i32
        %get3A_1154 = arith.index_cast %add3A_1153 : i32 to index
        %get3A_1155 = arith.constant 32 : index
        %get3A_1156 = tpu.vector_load %arg11[%get3A_1154, %get3A_1155] {strides = array<i32>} : memref<320x128xf32, #tpu.memory_space<vmem>>, vector<1x16xf32>,
        %get3A_1157 = vector.shape_cast %get3A_1156 : vector<1x16xf32> to vector<16xf32>
        %add3A_1158 = arith.addf %add3A_1151, %get3A_1157 : vector<16xf32>
        %add3A_1159 = arith.constant 192 : i32
        %add3A_1160 = arith.addi %add3A_1159, %scan3A_974 : i32
        %get3A_1161 = arith.index_cast %add3A_1160 : i32 to index
        %get3A_1162 = arith.constant 32 : index
        %get3A_1163 = tpu.vector_load %arg11[%get3A_1161, %get3A_1162] {strides = array<i32>} : memref<320x128xf32, #tpu.memory_space<vmem>>, vector<1x16xf32>,
        %get3A_1164 = vector.shape_cast %get3A_1163 : vector<1x16xf32> to vector<16xf32>
        %add3A_1165 = arith.addf %add3A_1158, %get3A_1164 : vector<16xf32>
        %add3A_1166 = arith.constant 224 : i32
        %add3A_1167 = arith.addi %add3A_1166, %scan3A_974 : i32
        %get3A_1168 = arith.index_cast %add3A_1167 : i32 to index
        %get3A_1169 = arith.constant 32 : index
        %get3A_1170 = tpu.vector_load %arg11[%get3A_1168, %get3A_1169] {strides = array<i32>} : memref<320x128xf32, #tpu.memory_space<vmem>>, vector<1x16xf32>,
        %get3A_1171 = vector.shape_cast %get3A_1170 : vector<1x16xf32> to vector<16xf32>
        %add3A_1172 = arith.addf %add3A_1165, %get3A_1171 : vector<16xf32>
        %add3A_1173 = arith.constant 256 : i32
        %add3A_1174 = arith.addi %add3A_1173, %scan3A_974 : i32
        %get3A_1175 = arith.index_cast %add3A_1174 : i32 to index
        %get3A_1176 = arith.constant 32 : index
        %get3A_1177 = tpu.vector_load %arg11[%get3A_1175, %get3A_1176] {strides = array<i32>} : memref<320x128xf32, #tpu.memory_space<vmem>>, vector<1x16xf32>,
        %get3A_1178 = vector.shape_cast %get3A_1177 : vector<1x16xf32> to vector<16xf32>
        %add3A_1179 = arith.addf %add3A_1172, %get3A_1178 : vector<16xf32>
        %add3A_1180 = arith.constant 288 : i32
        %add3A_1181 = arith.addi %add3A_1180, %scan3A_974 : i32
        %get3A_1182 = arith.index_cast %add3A_1181 : i32 to index
        %get3A_1183 = arith.constant 32 : index
        %get3A_1184 = tpu.vector_load %arg11[%get3A_1182, %get3A_1183] {strides = array<i32>} : memref<320x128xf32, #tpu.memory_space<vmem>>, vector<1x16xf32>,
        %get3A_1185 = vector.shape_cast %get3A_1184 : vector<1x16xf32> to vector<16xf32>
        %add3A_1186 = arith.addf %add3A_1179, %get3A_1185 : vector<16xf32>
        %swap3A_1187 = arith.index_cast %scan3A_974 : i32 to index
        %swap3A_1188 = arith.constant 32 : index
        %swap3A_1189 = tpu.vector_load %arg15[%swap3A_1187, %swap3A_1188] {strides = array<i32>} : memref<32x128xf32, #tpu.memory_space<vmem>>, vector<1x16xf32>,
        %swap3A_1190 = vector.shape_cast %swap3A_1189 : vector<1x16xf32> to vector<16xf32>
        %swap3A_1191 = vector.shape_cast %add3A_1186 : vector<16xf32> to vector<1x16xf32>
        tpu.vector_store %arg15[%swap3A_1187, %swap3A_1188], %swap3A_1191 {strides = array<i32>} : memref<32x128xf32, #tpu.memory_space<vmem>>, vector<1x16xf32>,
        %get3A_1192 = arith.index_cast %scan3A_974 : i32 to index
        %get3A_1193 = arith.constant 48 : index
        %get3A_1194 = tpu.vector_load %arg11[%get3A_1192, %get3A_1193] {strides = array<i32>} : memref<320x128xf32, #tpu.memory_space<vmem>>, vector<1x16xf32>,
        %get3A_1195 = vector.shape_cast %get3A_1194 : vector<1x16xf32> to vector<16xf32>
        %add3A_1196 = arith.constant 32 : i32
        %add3A_1197 = arith.addi %add3A_1196, %scan3A_974 : i32
        %get3A_1198 = arith.index_cast %add3A_1197 : i32 to index
        %get3A_1199 = arith.constant 48 : index
        %get3A_1200 = tpu.vector_load %arg11[%get3A_1198, %get3A_1199] {strides = array<i32>} : memref<320x128xf32, #tpu.memory_space<vmem>>, vector<1x16xf32>,
        %get3A_1201 = vector.shape_cast %get3A_1200 : vector<1x16xf32> to vector<16xf32>
        %add3A_1202 = arith.addf %get3A_1195, %get3A_1201 : vector<16xf32>
        %add3A_1203 = arith.constant 64 : i32
        %add3A_1204 = arith.addi %add3A_1203, %scan3A_974 : i32
        %get3A_1205 = arith.index_cast %add3A_1204 : i32 to index
        %get3A_1206 = arith.constant 48 : index
        %get3A_1207 = tpu.vector_load %arg11[%get3A_1205, %get3A_1206] {strides = array<i32>} : memref<320x128xf32, #tpu.memory_space<vmem>>, vector<1x16xf32>,
        %get3A_1208 = vector.shape_cast %get3A_1207 : vector<1x16xf32> to vector<16xf32>
        %add3A_1209 = arith.addf %add3A_1202, %get3A_1208 : vector<16xf32>
        %add3A_1210 = arith.constant 96 : i32
        %add3A_1211 = arith.addi %add3A_1210, %scan3A_974 : i32
        %get3A_1212 = arith.index_cast %add3A_1211 : i32 to index
        %get3A_1213 = arith.constant 48 : index
        %get3A_1214 = tpu.vector_load %arg11[%get3A_1212, %get3A_1213] {strides = array<i32>} : memref<320x128xf32, #tpu.memory_space<vmem>>, vector<1x16xf32>,
        %get3A_1215 = vector.shape_cast %get3A_1214 : vector<1x16xf32> to vector<16xf32>
        %add3A_1216 = arith.addf %add3A_1209, %get3A_1215 : vector<16xf32>
        %add3A_1217 = arith.constant 128 : i32
        %add3A_1218 = arith.addi %add3A_1217, %scan3A_974 : i32
        %get3A_1219 = arith.index_cast %add3A_1218 : i32 to index
        %get3A_1220 = arith.constant 48 : index
        %get3A_1221 = tpu.vector_load %arg11[%get3A_1219, %get3A_1220] {strides = array<i32>} : memref<320x128xf32, #tpu.memory_space<vmem>>, vector<1x16xf32>,
        %get3A_1222 = vector.shape_cast %get3A_1221 : vector<1x16xf32> to vector<16xf32>
        %add3A_1223 = arith.addf %add3A_1216, %get3A_1222 : vector<16xf32>
        %add3A_1224 = arith.constant 160 : i32
        %add3A_1225 = arith.addi %add3A_1224, %scan3A_974 : i32
        %get3A_1226 = arith.index_cast %add3A_1225 : i32 to index
        %get3A_1227 = arith.constant 48 : index
        %get3A_1228 = tpu.vector_load %arg11[%get3A_1226, %get3A_1227] {strides = array<i32>} : memref<320x128xf32, #tpu.memory_space<vmem>>, vector<1x16xf32>,
        %get3A_1229 = vector.shape_cast %get3A_1228 : vector<1x16xf32> to vector<16xf32>
        %add3A_1230 = arith.addf %add3A_1223, %get3A_1229 : vector<16xf32>
        %add3A_1231 = arith.constant 192 : i32
        %add3A_1232 = arith.addi %add3A_1231, %scan3A_974 : i32
        %get3A_1233 = arith.index_cast %add3A_1232 : i32 to index
        %get3A_1234 = arith.constant 48 : index
        %get3A_1235 = tpu.vector_load %arg11[%get3A_1233, %get3A_1234] {strides = array<i32>} : memref<320x128xf32, #tpu.memory_space<vmem>>, vector<1x16xf32>,
        %get3A_1236 = vector.shape_cast %get3A_1235 : vector<1x16xf32> to vector<16xf32>
        %add3A_1237 = arith.addf %add3A_1230, %get3A_1236 : vector<16xf32>
        %add3A_1238 = arith.constant 224 : i32
        %add3A_1239 = arith.addi %add3A_1238, %scan3A_974 : i32
        %get3A_1240 = arith.index_cast %add3A_1239 : i32 to index
        %get3A_1241 = arith.constant 48 : index
        %get3A_1242 = tpu.vector_load %arg11[%get3A_1240, %get3A_1241] {strides = array<i32>} : memref<320x128xf32, #tpu.memory_space<vmem>>, vector<1x16xf32>,
        %get3A_1243 = vector.shape_cast %get3A_1242 : vector<1x16xf32> to vector<16xf32>
        %add3A_1244 = arith.addf %add3A_1237, %get3A_1243 : vector<16xf32>
        %add3A_1245 = arith.constant 256 : i32
        %add3A_1246 = arith.addi %add3A_1245, %scan3A_974 : i32
        %get3A_1247 = arith.index_cast %add3A_1246 : i32 to index
        %get3A_1248 = arith.constant 48 : index
        %get3A_1249 = tpu.vector_load %arg11[%get3A_1247, %get3A_1248] {strides = array<i32>} : memref<320x128xf32, #tpu.memory_space<vmem>>, vector<1x16xf32>,
        %get3A_1250 = vector.shape_cast %get3A_1249 : vector<1x16xf32> to vector<16xf32>
        %add3A_1251 = arith.addf %add3A_1244, %get3A_1250 : vector<16xf32>
        %add3A_1252 = arith.constant 288 : i32
        %add3A_1253 = arith.addi %add3A_1252, %scan3A_974 : i32
        %get3A_1254 = arith.index_cast %add3A_1253 : i32 to index
        %get3A_1255 = arith.constant 48 : index
        %get3A_1256 = tpu.vector_load %arg11[%get3A_1254, %get3A_1255] {strides = array<i32>} : memref<320x128xf32, #tpu.memory_space<vmem>>, vector<1x16xf32>,
        %get3A_1257 = vector.shape_cast %get3A_1256 : vector<1x16xf32> to vector<16xf32>
        %add3A_1258 = arith.addf %add3A_1251, %get3A_1257 : vector<16xf32>
        %swap3A_1259 = arith.index_cast %scan3A_974 : i32 to index
        %swap3A_1260 = arith.constant 48 : index
        %swap3A_1261 = tpu.vector_load %arg15[%swap3A_1259, %swap3A_1260] {strides = array<i32>} : memref<32x128xf32, #tpu.memory_space<vmem>>, vector<1x16xf32>,
        %swap3A_1262 = vector.shape_cast %swap3A_1261 : vector<1x16xf32> to vector<16xf32>
        %swap3A_1263 = vector.shape_cast %add3A_1258 : vector<16xf32> to vector<1x16xf32>
        tpu.vector_store %arg15[%swap3A_1259, %swap3A_1260], %swap3A_1263 {strides = array<i32>} : memref<32x128xf32, #tpu.memory_space<vmem>>, vector<1x16xf32>,
        %get3A_1264 = arith.index_cast %scan3A_974 : i32 to index
        %get3A_1265 = arith.constant 64 : index
        %get3A_1266 = tpu.vector_load %arg11[%get3A_1264, %get3A_1265] {strides = array<i32>} : memref<320x128xf32, #tpu.memory_space<vmem>>, vector<1x16xf32>,
        %get3A_1267 = vector.shape_cast %get3A_1266 : vector<1x16xf32> to vector<16xf32>
        %add3A_1268 = arith.constant 32 : i32
        %add3A_1269 = arith.addi %add3A_1268, %scan3A_974 : i32
        %get3A_1270 = arith.index_cast %add3A_1269 : i32 to index
        %get3A_1271 = arith.constant 64 : index
        %get3A_1272 = tpu.vector_load %arg11[%get3A_1270, %get3A_1271] {strides = array<i32>} : memref<320x128xf32, #tpu.memory_space<vmem>>, vector<1x16xf32>,
        %get3A_1273 = vector.shape_cast %get3A_1272 : vector<1x16xf32> to vector<16xf32>
        %add3A_1274 = arith.addf %get3A_1267, %get3A_1273 : vector<16xf32>
        %add3A_1275 = arith.constant 64 : i32
        %add3A_1276 = arith.addi %add3A_1275, %scan3A_974 : i32
        %get3A_1277 = arith.index_cast %add3A_1276 : i32 to index
        %get3A_1278 = arith.constant 64 : index
        %get3A_1279 = tpu.vector_load %arg11[%get3A_1277, %get3A_1278] {strides = array<i32>} : memref<320x128xf32, #tpu.memory_space<vmem>>, vector<1x16xf32>,
        %get3A_1280 = vector.shape_cast %get3A_1279 : vector<1x16xf32> to vector<16xf32>
        %add3A_1281 = arith.addf %add3A_1274, %get3A_1280 : vector<16xf32>
        %add3A_1282 = arith.constant 96 : i32
        %add3A_1283 = arith.addi %add3A_1282, %scan3A_974 : i32
        %get3A_1284 = arith.index_cast %add3A_1283 : i32 to index
        %get3A_1285 = arith.constant 64 : index
        %get3A_1286 = tpu.vector_load %arg11[%get3A_1284, %get3A_1285] {strides = array<i32>} : memref<320x128xf32, #tpu.memory_space<vmem>>, vector<1x16xf32>,
        %get3A_1287 = vector.shape_cast %get3A_1286 : vector<1x16xf32> to vector<16xf32>
        %add3A_1288 = arith.addf %add3A_1281, %get3A_1287 : vector<16xf32>
        %add3A_1289 = arith.constant 128 : i32
        %add3A_1290 = arith.addi %add3A_1289, %scan3A_974 : i32
        %get3A_1291 = arith.index_cast %add3A_1290 : i32 to index
        %get3A_1292 = arith.constant 64 : index
        %get3A_1293 = tpu.vector_load %arg11[%get3A_1291, %get3A_1292] {strides = array<i32>} : memref<320x128xf32, #tpu.memory_space<vmem>>, vector<1x16xf32>,
        %get3A_1294 = vector.shape_cast %get3A_1293 : vector<1x16xf32> to vector<16xf32>
        %add3A_1295 = arith.addf %add3A_1288, %get3A_1294 : vector<16xf32>
        %add3A_1296 = arith.constant 160 : i32
        %add3A_1297 = arith.addi %add3A_1296, %scan3A_974 : i32
        %get3A_1298 = arith.index_cast %add3A_1297 : i32 to index
        %get3A_1299 = arith.constant 64 : index
        %get3A_1300 = tpu.vector_load %arg11[%get3A_1298, %get3A_1299] {strides = array<i32>} : memref<320x128xf32, #tpu.memory_space<vmem>>, vector<1x16xf32>,
        %get3A_1301 = vector.shape_cast %get3A_1300 : vector<1x16xf32> to vector<16xf32>
        %add3A_1302 = arith.addf %add3A_1295, %get3A_1301 : vector<16xf32>
        %add3A_1303 = arith.constant 192 : i32
        %add3A_1304 = arith.addi %add3A_1303, %scan3A_974 : i32
        %get3A_1305 = arith.index_cast %add3A_1304 : i32 to index
        %get3A_1306 = arith.constant 64 : index
        %get3A_1307 = tpu.vector_load %arg11[%get3A_1305, %get3A_1306] {strides = array<i32>} : memref<320x128xf32, #tpu.memory_space<vmem>>, vector<1x16xf32>,
        %get3A_1308 = vector.shape_cast %get3A_1307 : vector<1x16xf32> to vector<16xf32>
        %add3A_1309 = arith.addf %add3A_1302, %get3A_1308 : vector<16xf32>
        %add3A_1310 = arith.constant 224 : i32
        %add3A_1311 = arith.addi %add3A_1310, %scan3A_974 : i32
        %get3A_1312 = arith.index_cast %add3A_1311 : i32 to index
        %get3A_1313 = arith.constant 64 : index
        %get3A_1314 = tpu.vector_load %arg11[%get3A_1312, %get3A_1313] {strides = array<i32>} : memref<320x128xf32, #tpu.memory_space<vmem>>, vector<1x16xf32>,
        %get3A_1315 = vector.shape_cast %get3A_1314 : vector<1x16xf32> to vector<16xf32>
        %add3A_1316 = arith.addf %add3A_1309, %get3A_1315 : vector<16xf32>
        %add3A_1317 = arith.constant 256 : i32
        %add3A_1318 = arith.addi %add3A_1317, %scan3A_974 : i32
        %get3A_1319 = arith.index_cast %add3A_1318 : i32 to index
        %get3A_1320 = arith.constant 64 : index
        %get3A_1321 = tpu.vector_load %arg11[%get3A_1319, %get3A_1320] {strides = array<i32>} : memref<320x128xf32, #tpu.memory_space<vmem>>, vector<1x16xf32>,
        %get3A_1322 = vector.shape_cast %get3A_1321 : vector<1x16xf32> to vector<16xf32>
        %add3A_1323 = arith.addf %add3A_1316, %get3A_1322 : vector<16xf32>
        %add3A_1324 = arith.constant 288 : i32
        %add3A_1325 = arith.addi %add3A_1324, %scan3A_974 : i32
        %get3A_1326 = arith.index_cast %add3A_1325 : i32 to index
        %get3A_1327 = arith.constant 64 : index
        %get3A_1328 = tpu.vector_load %arg11[%get3A_1326, %get3A_1327] {strides = array<i32>} : memref<320x128xf32, #tpu.memory_space<vmem>>, vector<1x16xf32>,
        %get3A_1329 = vector.shape_cast %get3A_1328 : vector<1x16xf32> to vector<16xf32>
        %add3A_1330 = arith.addf %add3A_1323, %get3A_1329 : vector<16xf32>
        %swap3A_1331 = arith.index_cast %scan3A_974 : i32 to index
        %swap3A_1332 = arith.constant 64 : index
        %swap3A_1333 = tpu.vector_load %arg15[%swap3A_1331, %swap3A_1332] {strides = array<i32>} : memref<32x128xf32, #tpu.memory_space<vmem>>, vector<1x16xf32>,
        %swap3A_1334 = vector.shape_cast %swap3A_1333 : vector<1x16xf32> to vector<16xf32>
        %swap3A_1335 = vector.shape_cast %add3A_1330 : vector<16xf32> to vector<1x16xf32>
        tpu.vector_store %arg15[%swap3A_1331, %swap3A_1332], %swap3A_1335 {strides = array<i32>} : memref<32x128xf32, #tpu.memory_space<vmem>>, vector<1x16xf32>,
        %get3A_1336 = arith.index_cast %scan3A_974 : i32 to index
        %get3A_1337 = arith.constant 80 : index
        %get3A_1338 = tpu.vector_load %arg11[%get3A_1336, %get3A_1337] {strides = array<i32>} : memref<320x128xf32, #tpu.memory_space<vmem>>, vector<1x16xf32>,
        %get3A_1339 = vector.shape_cast %get3A_1338 : vector<1x16xf32> to vector<16xf32>
        %add3A_1340 = arith.constant 32 : i32
        %add3A_1341 = arith.addi %add3A_1340, %scan3A_974 : i32
        %get3A_1342 = arith.index_cast %add3A_1341 : i32 to index
        %get3A_1343 = arith.constant 80 : index
        %get3A_1344 = tpu.vector_load %arg11[%get3A_1342, %get3A_1343] {strides = array<i32>} : memref<320x128xf32, #tpu.memory_space<vmem>>, vector<1x16xf32>,
        %get3A_1345 = vector.shape_cast %get3A_1344 : vector<1x16xf32> to vector<16xf32>
        %add3A_1346 = arith.addf %get3A_1339, %get3A_1345 : vector<16xf32>
        %add3A_1347 = arith.constant 64 : i32
        %add3A_1348 = arith.addi %add3A_1347, %scan3A_974 : i32
        %get3A_1349 = arith.index_cast %add3A_1348 : i32 to index
        %get3A_1350 = arith.constant 80 : index
        %get3A_1351 = tpu.vector_load %arg11[%get3A_1349, %get3A_1350] {strides = array<i32>} : memref<320x128xf32, #tpu.memory_space<vmem>>, vector<1x16xf32>,
        %get3A_1352 = vector.shape_cast %get3A_1351 : vector<1x16xf32> to vector<16xf32>
        %add3A_1353 = arith.addf %add3A_1346, %get3A_1352 : vector<16xf32>
        %add3A_1354 = arith.constant 96 : i32
        %add3A_1355 = arith.addi %add3A_1354, %scan3A_974 : i32
        %get3A_1356 = arith.index_cast %add3A_1355 : i32 to index
        %get3A_1357 = arith.constant 80 : index
        %get3A_1358 = tpu.vector_load %arg11[%get3A_1356, %get3A_1357] {strides = array<i32>} : memref<320x128xf32, #tpu.memory_space<vmem>>, vector<1x16xf32>,
        %get3A_1359 = vector.shape_cast %get3A_1358 : vector<1x16xf32> to vector<16xf32>
        %add3A_1360 = arith.addf %add3A_1353, %get3A_1359 : vector<16xf32>
        %add3A_1361 = arith.constant 128 : i32
        %add3A_1362 = arith.addi %add3A_1361, %scan3A_974 : i32
        %get3A_1363 = arith.index_cast %add3A_1362 : i32 to index
        %get3A_1364 = arith.constant 80 : index
        %get3A_1365 = tpu.vector_load %arg11[%get3A_1363, %get3A_1364] {strides = array<i32>} : memref<320x128xf32, #tpu.memory_space<vmem>>, vector<1x16xf32>,
        %get3A_1366 = vector.shape_cast %get3A_1365 : vector<1x16xf32> to vector<16xf32>
        %add3A_1367 = arith.addf %add3A_1360, %get3A_1366 : vector<16xf32>
        %add3A_1368 = arith.constant 160 : i32
        %add3A_1369 = arith.addi %add3A_1368, %scan3A_974 : i32
        %get3A_1370 = arith.index_cast %add3A_1369 : i32 to index
        %get3A_1371 = arith.constant 80 : index
        %get3A_1372 = tpu.vector_load %arg11[%get3A_1370, %get3A_1371] {strides = array<i32>} : memref<320x128xf32, #tpu.memory_space<vmem>>, vector<1x16xf32>,
        %get3A_1373 = vector.shape_cast %get3A_1372 : vector<1x16xf32> to vector<16xf32>
        %add3A_1374 = arith.addf %add3A_1367, %get3A_1373 : vector<16xf32>
        %add3A_1375 = arith.constant 192 : i32
        %add3A_1376 = arith.addi %add3A_1375, %scan3A_974 : i32
        %get3A_1377 = arith.index_cast %add3A_1376 : i32 to index
        %get3A_1378 = arith.constant 80 : index
        %get3A_1379 = tpu.vector_load %arg11[%get3A_1377, %get3A_1378] {strides = array<i32>} : memref<320x128xf32, #tpu.memory_space<vmem>>, vector<1x16xf32>,
        %get3A_1380 = vector.shape_cast %get3A_1379 : vector<1x16xf32> to vector<16xf32>
        %add3A_1381 = arith.addf %add3A_1374, %get3A_1380 : vector<16xf32>
        %add3A_1382 = arith.constant 224 : i32
        %add3A_1383 = arith.addi %add3A_1382, %scan3A_974 : i32
        %get3A_1384 = arith.index_cast %add3A_1383 : i32 to index
        %get3A_1385 = arith.constant 80 : index
        %get3A_1386 = tpu.vector_load %arg11[%get3A_1384, %get3A_1385] {strides = array<i32>} : memref<320x128xf32, #tpu.memory_space<vmem>>, vector<1x16xf32>,
        %get3A_1387 = vector.shape_cast %get3A_1386 : vector<1x16xf32> to vector<16xf32>
        %add3A_1388 = arith.addf %add3A_1381, %get3A_1387 : vector<16xf32>
        %add3A_1389 = arith.constant 256 : i32
        %add3A_1390 = arith.addi %add3A_1389, %scan3A_974 : i32
        %get3A_1391 = arith.index_cast %add3A_1390 : i32 to index
        %get3A_1392 = arith.constant 80 : index
        %get3A_1393 = tpu.vector_load %arg11[%get3A_1391, %get3A_1392] {strides = array<i32>} : memref<320x128xf32, #tpu.memory_space<vmem>>, vector<1x16xf32>,
        %get3A_1394 = vector.shape_cast %get3A_1393 : vector<1x16xf32> to vector<16xf32>
        %add3A_1395 = arith.addf %add3A_1388, %get3A_1394 : vector<16xf32>
        %add3A_1396 = arith.constant 288 : i32
        %add3A_1397 = arith.addi %add3A_1396, %scan3A_974 : i32
        %get3A_1398 = arith.index_cast %add3A_1397 : i32 to index
        %get3A_1399 = arith.constant 80 : index
        %get3A_1400 = tpu.vector_load %arg11[%get3A_1398, %get3A_1399] {strides = array<i32>} : memref<320x128xf32, #tpu.memory_space<vmem>>, vector<1x16xf32>,
        %get3A_1401 = vector.shape_cast %get3A_1400 : vector<1x16xf32> to vector<16xf32>
        %add3A_1402 = arith.addf %add3A_1395, %get3A_1401 : vector<16xf32>
        %swap3A_1403 = arith.index_cast %scan3A_974 : i32 to index
        %swap3A_1404 = arith.constant 80 : index
        %swap3A_1405 = tpu.vector_load %arg15[%swap3A_1403, %swap3A_1404] {strides = array<i32>} : memref<32x128xf32, #tpu.memory_space<vmem>>, vector<1x16xf32>,
        %swap3A_1406 = vector.shape_cast %swap3A_1405 : vector<1x16xf32> to vector<16xf32>
        %swap3A_1407 = vector.shape_cast %add3A_1402 : vector<16xf32> to vector<1x16xf32>
        tpu.vector_store %arg15[%swap3A_1403, %swap3A_1404], %swap3A_1407 {strides = array<i32>} : memref<32x128xf32, #tpu.memory_space<vmem>>, vector<1x16xf32>,
        %get3A_1408 = arith.index_cast %scan3A_974 : i32 to index
        %get3A_1409 = arith.constant 96 : index
        %get3A_1410 = tpu.vector_load %arg11[%get3A_1408, %get3A_1409] {strides = array<i32>} : memref<320x128xf32, #tpu.memory_space<vmem>>, vector<1x16xf32>,
        %get3A_1411 = vector.shape_cast %get3A_1410 : vector<1x16xf32> to vector<16xf32>
        %add3A_1412 = arith.constant 32 : i32
        %add3A_1413 = arith.addi %add3A_1412, %scan3A_974 : i32
        %get3A_1414 = arith.index_cast %add3A_1413 : i32 to index
        %get3A_1415 = arith.constant 96 : index
        %get3A_1416 = tpu.vector_load %arg11[%get3A_1414, %get3A_1415] {strides = array<i32>} : memref<320x128xf32, #tpu.memory_space<vmem>>, vector<1x16xf32>,
        %get3A_1417 = vector.shape_cast %get3A_1416 : vector<1x16xf32> to vector<16xf32>
        %add3A_1418 = arith.addf %get3A_1411, %get3A_1417 : vector<16xf32>
        %add3A_1419 = arith.constant 64 : i32
        %add3A_1420 = arith.addi %add3A_1419, %scan3A_974 : i32
        %get3A_1421 = arith.index_cast %add3A_1420 : i32 to index
        %get3A_1422 = arith.constant 96 : index
        %get3A_1423 = tpu.vector_load %arg11[%get3A_1421, %get3A_1422] {strides = array<i32>} : memref<320x128xf32, #tpu.memory_space<vmem>>, vector<1x16xf32>,
        %get3A_1424 = vector.shape_cast %get3A_1423 : vector<1x16xf32> to vector<16xf32>
        %add3A_1425 = arith.addf %add3A_1418, %get3A_1424 : vector<16xf32>
        %add3A_1426 = arith.constant 96 : i32
        %add3A_1427 = arith.addi %add3A_1426, %scan3A_974 : i32
        %get3A_1428 = arith.index_cast %add3A_1427 : i32 to index
        %get3A_1429 = arith.constant 96 : index
        %get3A_1430 = tpu.vector_load %arg11[%get3A_1428, %get3A_1429] {strides = array<i32>} : memref<320x128xf32, #tpu.memory_space<vmem>>, vector<1x16xf32>,
        %get3A_1431 = vector.shape_cast %get3A_1430 : vector<1x16xf32> to vector<16xf32>
        %add3A_1432 = arith.addf %add3A_1425, %get3A_1431 : vector<16xf32>
        %add3A_1433 = arith.constant 128 : i32
        %add3A_1434 = arith.addi %add3A_1433, %scan3A_974 : i32
        %get3A_1435 = arith.index_cast %add3A_1434 : i32 to index
        %get3A_1436 = arith.constant 96 : index
        %get3A_1437 = tpu.vector_load %arg11[%get3A_1435, %get3A_1436] {strides = array<i32>} : memref<320x128xf32, #tpu.memory_space<vmem>>, vector<1x16xf32>,
        %get3A_1438 = vector.shape_cast %get3A_1437 : vector<1x16xf32> to vector<16xf32>
        %add3A_1439 = arith.addf %add3A_1432, %get3A_1438 : vector<16xf32>
        %add3A_1440 = arith.constant 160 : i32
        %add3A_1441 = arith.addi %add3A_1440, %scan3A_974 : i32
        %get3A_1442 = arith.index_cast %add3A_1441 : i32 to index
        %get3A_1443 = arith.constant 96 : index
        %get3A_1444 = tpu.vector_load %arg11[%get3A_1442, %get3A_1443] {strides = array<i32>} : memref<320x128xf32, #tpu.memory_space<vmem>>, vector<1x16xf32>,
        %get3A_1445 = vector.shape_cast %get3A_1444 : vector<1x16xf32> to vector<16xf32>
        %add3A_1446 = arith.addf %add3A_1439, %get3A_1445 : vector<16xf32>
        %add3A_1447 = arith.constant 192 : i32
        %add3A_1448 = arith.addi %add3A_1447, %scan3A_974 : i32
        %get3A_1449 = arith.index_cast %add3A_1448 : i32 to index
        %get3A_1450 = arith.constant 96 : index
        %get3A_1451 = tpu.vector_load %arg11[%get3A_1449, %get3A_1450] {strides = array<i32>} : memref<320x128xf32, #tpu.memory_space<vmem>>, vector<1x16xf32>,
        %get3A_1452 = vector.shape_cast %get3A_1451 : vector<1x16xf32> to vector<16xf32>
        %add3A_1453 = arith.addf %add3A_1446, %get3A_1452 : vector<16xf32>
        %add3A_1454 = arith.constant 224 : i32
        %add3A_1455 = arith.addi %add3A_1454, %scan3A_974 : i32
        %get3A_1456 = arith.index_cast %add3A_1455 : i32 to index
        %get3A_1457 = arith.constant 96 : index
        %get3A_1458 = tpu.vector_load %arg11[%get3A_1456, %get3A_1457] {strides = array<i32>} : memref<320x128xf32, #tpu.memory_space<vmem>>, vector<1x16xf32>,
        %get3A_1459 = vector.shape_cast %get3A_1458 : vector<1x16xf32> to vector<16xf32>
        %add3A_1460 = arith.addf %add3A_1453, %get3A_1459 : vector<16xf32>
        %add3A_1461 = arith.constant 256 : i32
        %add3A_1462 = arith.addi %add3A_1461, %scan3A_974 : i32
        %get3A_1463 = arith.index_cast %add3A_1462 : i32 to index
        %get3A_1464 = arith.constant 96 : index
        %get3A_1465 = tpu.vector_load %arg11[%get3A_1463, %get3A_1464] {strides = array<i32>} : memref<320x128xf32, #tpu.memory_space<vmem>>, vector<1x16xf32>,
        %get3A_1466 = vector.shape_cast %get3A_1465 : vector<1x16xf32> to vector<16xf32>
        %add3A_1467 = arith.addf %add3A_1460, %get3A_1466 : vector<16xf32>
        %add3A_1468 = arith.constant 288 : i32
        %add3A_1469 = arith.addi %add3A_1468, %scan3A_974 : i32
        %get3A_1470 = arith.index_cast %add3A_1469 : i32 to index
        %get3A_1471 = arith.constant 96 : index
        %get3A_1472 = tpu.vector_load %arg11[%get3A_1470, %get3A_1471] {strides = array<i32>} : memref<320x128xf32, #tpu.memory_space<vmem>>, vector<1x16xf32>,
        %get3A_1473 = vector.shape_cast %get3A_1472 : vector<1x16xf32> to vector<16xf32>
        %add3A_1474 = arith.addf %add3A_1467, %get3A_1473 : vector<16xf32>
        %swap3A_1475 = arith.index_cast %scan3A_974 : i32 to index
        %swap3A_1476 = arith.constant 96 : index
        %swap3A_1477 = tpu.vector_load %arg15[%swap3A_1475, %swap3A_1476] {strides = array<i32>} : memref<32x128xf32, #tpu.memory_space<vmem>>, vector<1x16xf32>,
        %swap3A_1478 = vector.shape_cast %swap3A_1477 : vector<1x16xf32> to vector<16xf32>
        %swap3A_1479 = vector.shape_cast %add3A_1474 : vector<16xf32> to vector<1x16xf32>
        tpu.vector_store %arg15[%swap3A_1475, %swap3A_1476], %swap3A_1479 {strides = array<i32>} : memref<32x128xf32, #tpu.memory_space<vmem>>, vector<1x16xf32>,
        %get3A_1480 = arith.index_cast %scan3A_974 : i32 to index
        %get3A_1481 = arith.constant 112 : index
        %get3A_1482 = tpu.vector_load %arg11[%get3A_1480, %get3A_1481] {strides = array<i32>} : memref<320x128xf32, #tpu.memory_space<vmem>>, vector<1x16xf32>,
        %get3A_1483 = vector.shape_cast %get3A_1482 : vector<1x16xf32> to vector<16xf32>
        %add3A_1484 = arith.constant 32 : i32
        %add3A_1485 = arith.addi %add3A_1484, %scan3A_974 : i32
        %get3A_1486 = arith.index_cast %add3A_1485 : i32 to index
        %get3A_1487 = arith.constant 112 : index
        %get3A_1488 = tpu.vector_load %arg11[%get3A_1486, %get3A_1487] {strides = array<i32>} : memref<320x128xf32, #tpu.memory_space<vmem>>, vector<1x16xf32>,
        %get3A_1489 = vector.shape_cast %get3A_1488 : vector<1x16xf32> to vector<16xf32>
        %add3A_1490 = arith.addf %get3A_1483, %get3A_1489 : vector<16xf32>
        %add3A_1491 = arith.constant 64 : i32
        %add3A_1492 = arith.addi %add3A_1491, %scan3A_974 : i32
        %get3A_1493 = arith.index_cast %add3A_1492 : i32 to index
        %get3A_1494 = arith.constant 112 : index
        %get3A_1495 = tpu.vector_load %arg11[%get3A_1493, %get3A_1494] {strides = array<i32>} : memref<320x128xf32, #tpu.memory_space<vmem>>, vector<1x16xf32>,
        %get3A_1496 = vector.shape_cast %get3A_1495 : vector<1x16xf32> to vector<16xf32>
        %add3A_1497 = arith.addf %add3A_1490, %get3A_1496 : vector<16xf32>
        %add3A_1498 = arith.constant 96 : i32
        %add3A_1499 = arith.addi %add3A_1498, %scan3A_974 : i32
        %get3A_1500 = arith.index_cast %add3A_1499 : i32 to index
        %get3A_1501 = arith.constant 112 : index
        %get3A_1502 = tpu.vector_load %arg11[%get3A_1500, %get3A_1501] {strides = array<i32>} : memref<320x128xf32, #tpu.memory_space<vmem>>, vector<1x16xf32>,
        %get3A_1503 = vector.shape_cast %get3A_1502 : vector<1x16xf32> to vector<16xf32>
        %add3A_1504 = arith.addf %add3A_1497, %get3A_1503 : vector<16xf32>
        %add3A_1505 = arith.constant 128 : i32
        %add3A_1506 = arith.addi %add3A_1505, %scan3A_974 : i32
        %get3A_1507 = arith.index_cast %add3A_1506 : i32 to index
        %get3A_1508 = arith.constant 112 : index
        %get3A_1509 = tpu.vector_load %arg11[%get3A_1507, %get3A_1508] {strides = array<i32>} : memref<320x128xf32, #tpu.memory_space<vmem>>, vector<1x16xf32>,
        %get3A_1510 = vector.shape_cast %get3A_1509 : vector<1x16xf32> to vector<16xf32>
        %add3A_1511 = arith.addf %add3A_1504, %get3A_1510 : vector<16xf32>
        %add3A_1512 = arith.constant 160 : i32
        %add3A_1513 = arith.addi %add3A_1512, %scan3A_974 : i32
        %get3A_1514 = arith.index_cast %add3A_1513 : i32 to index
        %get3A_1515 = arith.constant 112 : index
        %get3A_1516 = tpu.vector_load %arg11[%get3A_1514, %get3A_1515] {strides = array<i32>} : memref<320x128xf32, #tpu.memory_space<vmem>>, vector<1x16xf32>,
        %get3A_1517 = vector.shape_cast %get3A_1516 : vector<1x16xf32> to vector<16xf32>
        %add3A_1518 = arith.addf %add3A_1511, %get3A_1517 : vector<16xf32>
        %add3A_1519 = arith.constant 192 : i32
        %add3A_1520 = arith.addi %add3A_1519, %scan3A_974 : i32
        %get3A_1521 = arith.index_cast %add3A_1520 : i32 to index
        %get3A_1522 = arith.constant 112 : index
        %get3A_1523 = tpu.vector_load %arg11[%get3A_1521, %get3A_1522] {strides = array<i32>} : memref<320x128xf32, #tpu.memory_space<vmem>>, vector<1x16xf32>,
        %get3A_1524 = vector.shape_cast %get3A_1523 : vector<1x16xf32> to vector<16xf32>
        %add3A_1525 = arith.addf %add3A_1518, %get3A_1524 : vector<16xf32>
        %add3A_1526 = arith.constant 224 : i32
        %add3A_1527 = arith.addi %add3A_1526, %scan3A_974 : i32
        %get3A_1528 = arith.index_cast %add3A_1527 : i32 to index
        %get3A_1529 = arith.constant 112 : index
        %get3A_1530 = tpu.vector_load %arg11[%get3A_1528, %get3A_1529] {strides = array<i32>} : memref<320x128xf32, #tpu.memory_space<vmem>>, vector<1x16xf32>,
        %get3A_1531 = vector.shape_cast %get3A_1530 : vector<1x16xf32> to vector<16xf32>
        %add3A_1532 = arith.addf %add3A_1525, %get3A_1531 : vector<16xf32>
        %add3A_1533 = arith.constant 256 : i32
        %add3A_1534 = arith.addi %add3A_1533, %scan3A_974 : i32
        %get3A_1535 = arith.index_cast %add3A_1534 : i32 to index
        %get3A_1536 = arith.constant 112 : index
        %get3A_1537 = tpu.vector_load %arg11[%get3A_1535, %get3A_1536] {strides = array<i32>} : memref<320x128xf32, #tpu.memory_space<vmem>>, vector<1x16xf32>,
        %get3A_1538 = vector.shape_cast %get3A_1537 : vector<1x16xf32> to vector<16xf32>
        %add3A_1539 = arith.addf %add3A_1532, %get3A_1538 : vector<16xf32>
        %add3A_1540 = arith.constant 288 : i32
        %add3A_1541 = arith.addi %add3A_1540, %scan3A_974 : i32
        %get3A_1542 = arith.index_cast %add3A_1541 : i32 to index
        %get3A_1543 = arith.constant 112 : index
        %get3A_1544 = tpu.vector_load %arg11[%get3A_1542, %get3A_1543] {strides = array<i32>} : memref<320x128xf32, #tpu.memory_space<vmem>>, vector<1x16xf32>,
        %get3A_1545 = vector.shape_cast %get3A_1544 : vector<1x16xf32> to vector<16xf32>
        %add3A_1546 = arith.addf %add3A_1539, %get3A_1545 : vector<16xf32>
        %swap3A_1547 = arith.index_cast %scan3A_974 : i32 to index
        %swap3A_1548 = arith.constant 112 : index
        %swap3A_1549 = tpu.vector_load %arg15[%swap3A_1547, %swap3A_1548] {strides = array<i32>} : memref<32x128xf32, #tpu.memory_space<vmem>>, vector<1x16xf32>,
        %swap3A_1550 = vector.shape_cast %swap3A_1549 : vector<1x16xf32> to vector<16xf32>
        %swap3A_1551 = vector.shape_cast %add3A_1546 : vector<16xf32> to vector<1x16xf32>
        tpu.vector_store %arg15[%swap3A_1547, %swap3A_1548], %swap3A_1551 {strides = array<i32>} : memref<32x128xf32, #tpu.memory_space<vmem>>, vector<1x16xf32>,
        %scan3A_1552 = arith.constant 0 : i32
        scf.yield %scan3A_1552 : i32
      }
      %scan3A_646 = arith.constant 32 : i32
      %mul3A_647 = arith.constant 32 : i32
      %mul3A_648 = arith.muli %mul3A_354, %mul3A_647 : i32
      %add3A_649 = arith.addi %min3A_3, %mul3A_648 : i32
      %dma_start3A_650 = arith.constant 0 : i32
      %dma_start3A_651 = tpu.memref_slice %arg5[%add3A_649, %dma_start3A_650] : memref<50000x128xf32, #tpu.memory_space<hbm>> -> memref<32x128xf32, #tpu.memory_space<hbm>>
      %dma_start3A_652 = arith.constant 0 : i32
      %dma_start3A_653 = tpu.memref_slice %arg5[%add3A_649, %dma_start3A_652] : memref<50000x128xf32, #tpu.memory_space<hbm>> -> memref<32x128xf32, #tpu.memory_space<hbm>>
      tpu.enqueue_dma source(%arg13 : memref<32x128xf32, #tpu.memory_space<vmem>>) target(%dma_start3A_653 : memref<32x128xf32, #tpu.memory_space<hbm>>) target_semaphore(%arg19 : memref<!tpu.dma_semaphore, #tpu.memory_space<semaphore_mem>>)
      %dma_start3A_654 = arith.constant 0 : i32
      %dma_start3A_655 = tpu.memref_slice %arg6[%add3A_649, %dma_start3A_654] : memref<50000x128xf32, #tpu.memory_space<hbm>> -> memref<32x128xf32, #tpu.memory_space<hbm>>
      %dma_start3A_656 = arith.constant 0 : i32
      %dma_start3A_657 = tpu.memref_slice %arg6[%add3A_649, %dma_start3A_656] : memref<50000x128xf32, #tpu.memory_space<hbm>> -> memref<32x128xf32, #tpu.memory_space<hbm>>
      tpu.enqueue_dma source(%arg15 : memref<32x128xf32, #tpu.memory_space<vmem>>) target(%dma_start3A_657 : memref<32x128xf32, #tpu.memory_space<hbm>>) target_semaphore(%arg19 : memref<!tpu.dma_semaphore, #tpu.memory_space<semaphore_mem>>)
      %dma_wait3A_658 = arith.constant 0 : i32
      %dma_wait3A_659 = arith.constant 0 : i32
      %dma_wait3A_660 = tpu.memref_slice %arg5[%dma_wait3A_658, %dma_wait3A_659] : memref<50000x128xf32, #tpu.memory_space<hbm>> -> memref<32x128xf32, #tpu.memory_space<hbm>>
      %dma_wait3A_661 = arith.constant 0 : i32
      %dma_wait3A_662 = arith.constant 0 : i32
      %dma_wait3A_663 = tpu.memref_slice %arg5[%dma_wait3A_661, %dma_wait3A_662] : memref<50000x128xf32, #tpu.memory_space<hbm>> -> memref<32x128xf32, #tpu.memory_space<hbm>>
      tpu.wait_dma2 semaphore(%arg19 : memref<!tpu.dma_semaphore, #tpu.memory_space<semaphore_mem>>) src(%arg13 : memref<32x128xf32, #tpu.memory_space<vmem>>) dst(%dma_wait3A_663 : memref<32x128xf32, #tpu.memory_space<hbm>>)
      %dma_wait3A_664 = arith.constant 0 : i32
      %dma_wait3A_665 = arith.constant 0 : i32
      %dma_wait3A_666 = tpu.memref_slice %arg6[%dma_wait3A_664, %dma_wait3A_665] : memref<50000x128xf32, #tpu.memory_space<hbm>> -> memref<32x128xf32, #tpu.memory_space<hbm>>
      %dma_wait3A_667 = arith.constant 0 : i32
      %dma_wait3A_668 = arith.constant 0 : i32
      %dma_wait3A_669 = tpu.memref_slice %arg6[%dma_wait3A_667, %dma_wait3A_668] : memref<50000x128xf32, #tpu.memory_space<hbm>> -> memref<32x128xf32, #tpu.memory_space<hbm>>
      tpu.wait_dma2 semaphore(%arg19 : memref<!tpu.dma_semaphore, #tpu.memory_space<semaphore_mem>>) src(%arg15 : memref<32x128xf32, #tpu.memory_space<vmem>>) dst(%dma_wait3A_669 : memref<32x128xf32, #tpu.memory_space<hbm>>)
      %add3A_670 = arith.constant 2 : i32
      %add3A_671 = arith.addi %mul3A_354, %add3A_670 : i32
      %mul3A_672 = arith.constant 32 : i32
      %mul3A_673 = arith.muli %add3A_671, %mul3A_672 : i32
      %add3A_674 = arith.constant 0 : i32
      %add3A_675 = arith.addi %add3A_674, %mul3A_673 : i32
      %add3A_676 = arith.constant 0 : i32
      %add3A_677 = arith.addi %add3A_675, %add3A_676 : i32
      %get3A_678 = arith.index_cast %add3A_677 : i32 to index
      %get3A_679 = tpu.vector_load %arg8[%get3A_678] {strides = array<i32>} : memref<15680xi32, #tpu.memory_space<vmem>>, vector<16xi32>,
      %get3A_680 = vector.shape_cast %get3A_679 : vector<16xi32> to vector<16xi32>
      %swap3A_681 = arith.constant 0 : index
      %swap3A_682 = tpu.vector_load %arg9[%swap3A_681] {strides = array<i32>} : memref<320xi32, #tpu.memory_space<vmem>>, vector<16xi32>,
      %swap3A_683 = vector.shape_cast %swap3A_682 : vector<16xi32> to vector<16xi32>
      %swap3A_684 = vector.shape_cast %get3A_680 : vector<16xi32> to vector<16xi32>
      tpu.vector_store %arg9[%swap3A_681], %swap3A_684 {strides = array<i32>} : memref<320xi32, #tpu.memory_space<vmem>>, vector<16xi32>,
      %mul3A_685 = arith.constant 32 : i32
      %mul3A_686 = arith.muli %add3A_671, %mul3A_685 : i32
      %add3A_687 = arith.constant 0 : i32
      %add3A_688 = arith.addi %add3A_687, %mul3A_686 : i32
      %add3A_689 = arith.constant 16 : i32
      %add3A_690 = arith.addi %add3A_688, %add3A_689 : i32
      %get3A_691 = arith.index_cast %add3A_690 : i32 to index
      %get3A_692 = tpu.vector_load %arg8[%get3A_691] {strides = array<i32>} : memref<15680xi32, #tpu.memory_space<vmem>>, vector<16xi32>,
      %get3A_693 = vector.shape_cast %get3A_692 : vector<16xi32> to vector<16xi32>
      %swap3A_694 = arith.constant 16 : index
      %swap3A_695 = tpu.vector_load %arg9[%swap3A_694] {strides = array<i32>} : memref<320xi32, #tpu.memory_space<vmem>>, vector<16xi32>,
      %swap3A_696 = vector.shape_cast %swap3A_695 : vector<16xi32> to vector<16xi32>
      %swap3A_697 = vector.shape_cast %get3A_693 : vector<16xi32> to vector<16xi32>
      tpu.vector_store %arg9[%swap3A_694], %swap3A_697 {strides = array<i32>} : memref<320xi32, #tpu.memory_space<vmem>>, vector<16xi32>,
      %mul3A_698 = arith.constant 32 : i32
      %mul3A_699 = arith.muli %add3A_671, %mul3A_698 : i32
      %add3A_700 = arith.constant 1568 : i32
      %add3A_701 = arith.addi %add3A_700, %mul3A_699 : i32
      %add3A_702 = arith.constant 0 : i32
      %add3A_703 = arith.addi %add3A_701, %add3A_702 : i32
      %get3A_704 = arith.index_cast %add3A_703 : i32 to index
      %get3A_705 = tpu.vector_load %arg8[%get3A_704] {strides = array<i32>} : memref<15680xi32, #tpu.memory_space<vmem>>, vector<16xi32>,
      %get3A_706 = vector.shape_cast %get3A_705 : vector<16xi32> to vector<16xi32>
      %swap3A_707 = arith.constant 32 : index
      %swap3A_708 = tpu.vector_load %arg9[%swap3A_707] {strides = array<i32>} : memref<320xi32, #tpu.memory_space<vmem>>, vector<16xi32>,
      %swap3A_709 = vector.shape_cast %swap3A_708 : vector<16xi32> to vector<16xi32>
      %swap3A_710 = vector.shape_cast %get3A_706 : vector<16xi32> to vector<16xi32>
      tpu.vector_store %arg9[%swap3A_707], %swap3A_710 {strides = array<i32>} : memref<320xi32, #tpu.memory_space<vmem>>, vector<16xi32>,
      %mul3A_711 = arith.constant 32 : i32
      %mul3A_712 = arith.muli %add3A_671, %mul3A_711 : i32
      %add3A_713 = arith.constant 1568 : i32
      %add3A_714 = arith.addi %add3A_713, %mul3A_712 : i32
      %add3A_715 = arith.constant 16 : i32
      %add3A_716 = arith.addi %add3A_714, %add3A_715 : i32
      %get3A_717 = arith.index_cast %add3A_716 : i32 to index
      %get3A_718 = tpu.vector_load %arg8[%get3A_717] {strides = array<i32>} : memref<15680xi32, #tpu.memory_space<vmem>>, vector<16xi32>,
      %get3A_719 = vector.shape_cast %get3A_718 : vector<16xi32> to vector<16xi32>
      %swap3A_720 = arith.constant 48 : index
      %swap3A_721 = tpu.vector_load %arg9[%swap3A_720] {strides = array<i32>} : memref<320xi32, #tpu.memory_space<vmem>>, vector<16xi32>,
      %swap3A_722 = vector.shape_cast %swap3A_721 : vector<16xi32> to vector<16xi32>
      %swap3A_723 = vector.shape_cast %get3A_719 : vector<16xi32> to vector<16xi32>
      tpu.vector_store %arg9[%swap3A_720], %swap3A_723 {strides = array<i32>} : memref<320xi32, #tpu.memory_space<vmem>>, vector<16xi32>,
      %mul3A_724 = arith.constant 32 : i32
      %mul3A_725 = arith.muli %add3A_671, %mul3A_724 : i32
      %add3A_726 = arith.constant 3136 : i32
      %add3A_727 = arith.addi %add3A_726, %mul3A_725 : i32
      %add3A_728 = arith.constant 0 : i32
      %add3A_729 = arith.addi %add3A_727, %add3A_728 : i32
      %get3A_730 = arith.index_cast %add3A_729 : i32 to index
      %get3A_731 = tpu.vector_load %arg8[%get3A_730] {strides = array<i32>} : memref<15680xi32, #tpu.memory_space<vmem>>, vector<16xi32>,
      %get3A_732 = vector.shape_cast %get3A_731 : vector<16xi32> to vector<16xi32>
      %swap3A_733 = arith.constant 64 : index
      %swap3A_734 = tpu.vector_load %arg9[%swap3A_733] {strides = array<i32>} : memref<320xi32, #tpu.memory_space<vmem>>, vector<16xi32>,
      %swap3A_735 = vector.shape_cast %swap3A_734 : vector<16xi32> to vector<16xi32>
      %swap3A_736 = vector.shape_cast %get3A_732 : vector<16xi32> to vector<16xi32>
      tpu.vector_store %arg9[%swap3A_733], %swap3A_736 {strides = array<i32>} : memref<320xi32, #tpu.memory_space<vmem>>, vector<16xi32>,
      %mul3A_737 = arith.constant 32 : i32
      %mul3A_738 = arith.muli %add3A_671, %mul3A_737 : i32
      %add3A_739 = arith.constant 3136 : i32
      %add3A_740 = arith.addi %add3A_739, %mul3A_738 : i32
      %add3A_741 = arith.constant 16 : i32
      %add3A_742 = arith.addi %add3A_740, %add3A_741 : i32
      %get3A_743 = arith.index_cast %add3A_742 : i32 to index
      %get3A_744 = tpu.vector_load %arg8[%get3A_743] {strides = array<i32>} : memref<15680xi32, #tpu.memory_space<vmem>>, vector<16xi32>,
      %get3A_745 = vector.shape_cast %get3A_744 : vector<16xi32> to vector<16xi32>
      %swap3A_746 = arith.constant 80 : index
      %swap3A_747 = tpu.vector_load %arg9[%swap3A_746] {strides = array<i32>} : memref<320xi32, #tpu.memory_space<vmem>>, vector<16xi32>,
      %swap3A_748 = vector.shape_cast %swap3A_747 : vector<16xi32> to vector<16xi32>
      %swap3A_749 = vector.shape_cast %get3A_745 : vector<16xi32> to vector<16xi32>
      tpu.vector_store %arg9[%swap3A_746], %swap3A_749 {strides = array<i32>} : memref<320xi32, #tpu.memory_space<vmem>>, vector<16xi32>,
      %mul3A_750 = arith.constant 32 : i32
      %mul3A_751 = arith.muli %add3A_671, %mul3A_750 : i32
      %add3A_752 = arith.constant 4704 : i32
      %add3A_753 = arith.addi %add3A_752, %mul3A_751 : i32
      %add3A_754 = arith.constant 0 : i32
      %add3A_755 = arith.addi %add3A_753, %add3A_754 : i32
      %get3A_756 = arith.index_cast %add3A_755 : i32 to index
      %get3A_757 = tpu.vector_load %arg8[%get3A_756] {strides = array<i32>} : memref<15680xi32, #tpu.memory_space<vmem>>, vector<16xi32>,
      %get3A_758 = vector.shape_cast %get3A_757 : vector<16xi32> to vector<16xi32>
      %swap3A_759 = arith.constant 96 : index
      %swap3A_760 = tpu.vector_load %arg9[%swap3A_759] {strides = array<i32>} : memref<320xi32, #tpu.memory_space<vmem>>, vector<16xi32>,
      %swap3A_761 = vector.shape_cast %swap3A_760 : vector<16xi32> to vector<16xi32>
      %swap3A_762 = vector.shape_cast %get3A_758 : vector<16xi32> to vector<16xi32>
      tpu.vector_store %arg9[%swap3A_759], %swap3A_762 {strides = array<i32>} : memref<320xi32, #tpu.memory_space<vmem>>, vector<16xi32>,
      %mul3A_763 = arith.constant 32 : i32
      %mul3A_764 = arith.muli %add3A_671, %mul3A_763 : i32
      %add3A_765 = arith.constant 4704 : i32
      %add3A_766 = arith.addi %add3A_765, %mul3A_764 : i32
      %add3A_767 = arith.constant 16 : i32
      %add3A_768 = arith.addi %add3A_766, %add3A_767 : i32
      %get3A_769 = arith.index_cast %add3A_768 : i32 to index
      %get3A_770 = tpu.vector_load %arg8[%get3A_769] {strides = array<i32>} : memref<15680xi32, #tpu.memory_space<vmem>>, vector<16xi32>,
      %get3A_771 = vector.shape_cast %get3A_770 : vector<16xi32> to vector<16xi32>
      %swap3A_772 = arith.constant 112 : index
      %swap3A_773 = tpu.vector_load %arg9[%swap3A_772] {strides = array<i32>} : memref<320xi32, #tpu.memory_space<vmem>>, vector<16xi32>,
      %swap3A_774 = vector.shape_cast %swap3A_773 : vector<16xi32> to vector<16xi32>
      %swap3A_775 = vector.shape_cast %get3A_771 : vector<16xi32> to vector<16xi32>
      tpu.vector_store %arg9[%swap3A_772], %swap3A_775 {strides = array<i32>} : memref<320xi32, #tpu.memory_space<vmem>>, vector<16xi32>,
      %mul3A_776 = arith.constant 32 : i32
      %mul3A_777 = arith.muli %add3A_671, %mul3A_776 : i32
      %add3A_778 = arith.constant 6272 : i32
      %add3A_779 = arith.addi %add3A_778, %mul3A_777 : i32
      %add3A_780 = arith.constant 0 : i32
      %add3A_781 = arith.addi %add3A_779, %add3A_780 : i32
      %get3A_782 = arith.index_cast %add3A_781 : i32 to index
      %get3A_783 = tpu.vector_load %arg8[%get3A_782] {strides = array<i32>} : memref<15680xi32, #tpu.memory_space<vmem>>, vector<16xi32>,
      %get3A_784 = vector.shape_cast %get3A_783 : vector<16xi32> to vector<16xi32>
      %swap3A_785 = arith.constant 128 : index
      %swap3A_786 = tpu.vector_load %arg9[%swap3A_785] {strides = array<i32>} : memref<320xi32, #tpu.memory_space<vmem>>, vector<16xi32>,
      %swap3A_787 = vector.shape_cast %swap3A_786 : vector<16xi32> to vector<16xi32>
      %swap3A_788 = vector.shape_cast %get3A_784 : vector<16xi32> to vector<16xi32>
      tpu.vector_store %arg9[%swap3A_785], %swap3A_788 {strides = array<i32>} : memref<320xi32, #tpu.memory_space<vmem>>, vector<16xi32>,
      %mul3A_789 = arith.constant 32 : i32
      %mul3A_790 = arith.muli %add3A_671, %mul3A_789 : i32
      %add3A_791 = arith.constant 6272 : i32
      %add3A_792 = arith.addi %add3A_791, %mul3A_790 : i32
      %add3A_793 = arith.constant 16 : i32
      %add3A_794 = arith.addi %add3A_792, %add3A_793 : i32
      %get3A_795 = arith.index_cast %add3A_794 : i32 to index
      %get3A_796 = tpu.vector_load %arg8[%get3A_795] {strides = array<i32>} : memref<15680xi32, #tpu.memory_space<vmem>>, vector<16xi32>,
      %get3A_797 = vector.shape_cast %get3A_796 : vector<16xi32> to vector<16xi32>
      %swap3A_798 = arith.constant 144 : index
      %swap3A_799 = tpu.vector_load %arg9[%swap3A_798] {strides = array<i32>} : memref<320xi32, #tpu.memory_space<vmem>>, vector<16xi32>,
      %swap3A_800 = vector.shape_cast %swap3A_799 : vector<16xi32> to vector<16xi32>
      %swap3A_801 = vector.shape_cast %get3A_797 : vector<16xi32> to vector<16xi32>
      tpu.vector_store %arg9[%swap3A_798], %swap3A_801 {strides = array<i32>} : memref<320xi32, #tpu.memory_space<vmem>>, vector<16xi32>,
      %mul3A_802 = arith.constant 32 : i32
      %mul3A_803 = arith.muli %add3A_671, %mul3A_802 : i32
      %add3A_804 = arith.constant 7840 : i32
      %add3A_805 = arith.addi %add3A_804, %mul3A_803 : i32
      %add3A_806 = arith.constant 0 : i32
      %add3A_807 = arith.addi %add3A_805, %add3A_806 : i32
      %get3A_808 = arith.index_cast %add3A_807 : i32 to index
      %get3A_809 = tpu.vector_load %arg8[%get3A_808] {strides = array<i32>} : memref<15680xi32, #tpu.memory_space<vmem>>, vector<16xi32>,
      %get3A_810 = vector.shape_cast %get3A_809 : vector<16xi32> to vector<16xi32>
      %swap3A_811 = arith.constant 160 : index
      %swap3A_812 = tpu.vector_load %arg9[%swap3A_811] {strides = array<i32>} : memref<320xi32, #tpu.memory_space<vmem>>, vector<16xi32>,
      %swap3A_813 = vector.shape_cast %swap3A_812 : vector<16xi32> to vector<16xi32>
      %swap3A_814 = vector.shape_cast %get3A_810 : vector<16xi32> to vector<16xi32>
      tpu.vector_store %arg9[%swap3A_811], %swap3A_814 {strides = array<i32>} : memref<320xi32, #tpu.memory_space<vmem>>, vector<16xi32>,
      %mul3A_815 = arith.constant 32 : i32
      %mul3A_816 = arith.muli %add3A_671, %mul3A_815 : i32
      %add3A_817 = arith.constant 7840 : i32
      %add3A_818 = arith.addi %add3A_817, %mul3A_816 : i32
      %add3A_819 = arith.constant 16 : i32
      %add3A_820 = arith.addi %add3A_818, %add3A_819 : i32
      %get3A_821 = arith.index_cast %add3A_820 : i32 to index
      %get3A_822 = tpu.vector_load %arg8[%get3A_821] {strides = array<i32>} : memref<15680xi32, #tpu.memory_space<vmem>>, vector<16xi32>,
      %get3A_823 = vector.shape_cast %get3A_822 : vector<16xi32> to vector<16xi32>
      %swap3A_824 = arith.constant 176 : index
      %swap3A_825 = tpu.vector_load %arg9[%swap3A_824] {strides = array<i32>} : memref<320xi32, #tpu.memory_space<vmem>>, vector<16xi32>,
      %swap3A_826 = vector.shape_cast %swap3A_825 : vector<16xi32> to vector<16xi32>
      %swap3A_827 = vector.shape_cast %get3A_823 : vector<16xi32> to vector<16xi32>
      tpu.vector_store %arg9[%swap3A_824], %swap3A_827 {strides = array<i32>} : memref<320xi32, #tpu.memory_space<vmem>>, vector<16xi32>,
      %mul3A_828 = arith.constant 32 : i32
      %mul3A_829 = arith.muli %add3A_671, %mul3A_828 : i32
      %add3A_830 = arith.constant 9408 : i32
      %add3A_831 = arith.addi %add3A_830, %mul3A_829 : i32
      %add3A_832 = arith.constant 0 : i32
      %add3A_833 = arith.addi %add3A_831, %add3A_832 : i32
      %get3A_834 = arith.index_cast %add3A_833 : i32 to index
      %get3A_835 = tpu.vector_load %arg8[%get3A_834] {strides = array<i32>} : memref<15680xi32, #tpu.memory_space<vmem>>, vector<16xi32>,
      %get3A_836 = vector.shape_cast %get3A_835 : vector<16xi32> to vector<16xi32>
      %swap3A_837 = arith.constant 192 : index
      %swap3A_838 = tpu.vector_load %arg9[%swap3A_837] {strides = array<i32>} : memref<320xi32, #tpu.memory_space<vmem>>, vector<16xi32>,
      %swap3A_839 = vector.shape_cast %swap3A_838 : vector<16xi32> to vector<16xi32>
      %swap3A_840 = vector.shape_cast %get3A_836 : vector<16xi32> to vector<16xi32>
      tpu.vector_store %arg9[%swap3A_837], %swap3A_840 {strides = array<i32>} : memref<320xi32, #tpu.memory_space<vmem>>, vector<16xi32>,
      %mul3A_841 = arith.constant 32 : i32
      %mul3A_842 = arith.muli %add3A_671, %mul3A_841 : i32
      %add3A_843 = arith.constant 9408 : i32
      %add3A_844 = arith.addi %add3A_843, %mul3A_842 : i32
      %add3A_845 = arith.constant 16 : i32
      %add3A_846 = arith.addi %add3A_844, %add3A_845 : i32
      %get3A_847 = arith.index_cast %add3A_846 : i32 to index
      %get3A_848 = tpu.vector_load %arg8[%get3A_847] {strides = array<i32>} : memref<15680xi32, #tpu.memory_space<vmem>>, vector<16xi32>,
      %get3A_849 = vector.shape_cast %get3A_848 : vector<16xi32> to vector<16xi32>
      %swap3A_850 = arith.constant 208 : index
      %swap3A_851 = tpu.vector_load %arg9[%swap3A_850] {strides = array<i32>} : memref<320xi32, #tpu.memory_space<vmem>>, vector<16xi32>,
      %swap3A_852 = vector.shape_cast %swap3A_851 : vector<16xi32> to vector<16xi32>
      %swap3A_853 = vector.shape_cast %get3A_849 : vector<16xi32> to vector<16xi32>
      tpu.vector_store %arg9[%swap3A_850], %swap3A_853 {strides = array<i32>} : memref<320xi32, #tpu.memory_space<vmem>>, vector<16xi32>,
      %mul3A_854 = arith.constant 32 : i32
      %mul3A_855 = arith.muli %add3A_671, %mul3A_854 : i32
      %add3A_856 = arith.constant 10976 : i32
      %add3A_857 = arith.addi %add3A_856, %mul3A_855 : i32
      %add3A_858 = arith.constant 0 : i32
      %add3A_859 = arith.addi %add3A_857, %add3A_858 : i32
      %get3A_860 = arith.index_cast %add3A_859 : i32 to index
      %get3A_861 = tpu.vector_load %arg8[%get3A_860] {strides = array<i32>} : memref<15680xi32, #tpu.memory_space<vmem>>, vector<16xi32>,
      %get3A_862 = vector.shape_cast %get3A_861 : vector<16xi32> to vector<16xi32>
      %swap3A_863 = arith.constant 224 : index
      %swap3A_864 = tpu.vector_load %arg9[%swap3A_863] {strides = array<i32>} : memref<320xi32, #tpu.memory_space<vmem>>, vector<16xi32>,
      %swap3A_865 = vector.shape_cast %swap3A_864 : vector<16xi32> to vector<16xi32>
      %swap3A_866 = vector.shape_cast %get3A_862 : vector<16xi32> to vector<16xi32>
      tpu.vector_store %arg9[%swap3A_863], %swap3A_866 {strides = array<i32>} : memref<320xi32, #tpu.memory_space<vmem>>, vector<16xi32>,
      %mul3A_867 = arith.constant 32 : i32
      %mul3A_868 = arith.muli %add3A_671, %mul3A_867 : i32
      %add3A_869 = arith.constant 10976 : i32
      %add3A_870 = arith.addi %add3A_869, %mul3A_868 : i32
      %add3A_871 = arith.constant 16 : i32
      %add3A_872 = arith.addi %add3A_870, %add3A_871 : i32
      %get3A_873 = arith.index_cast %add3A_872 : i32 to index
      %get3A_874 = tpu.vector_load %arg8[%get3A_873] {strides = array<i32>} : memref<15680xi32, #tpu.memory_space<vmem>>, vector<16xi32>,
      %get3A_875 = vector.shape_cast %get3A_874 : vector<16xi32> to vector<16xi32>
      %swap3A_876 = arith.constant 240 : index
      %swap3A_877 = tpu.vector_load %arg9[%swap3A_876] {strides = array<i32>} : memref<320xi32, #tpu.memory_space<vmem>>, vector<16xi32>,
      %swap3A_878 = vector.shape_cast %swap3A_877 : vector<16xi32> to vector<16xi32>
      %swap3A_879 = vector.shape_cast %get3A_875 : vector<16xi32> to vector<16xi32>
      tpu.vector_store %arg9[%swap3A_876], %swap3A_879 {strides = array<i32>} : memref<320xi32, #tpu.memory_space<vmem>>, vector<16xi32>,
      %mul3A_880 = arith.constant 32 : i32
      %mul3A_881 = arith.muli %add3A_671, %mul3A_880 : i32
      %add3A_882 = arith.constant 12544 : i32
      %add3A_883 = arith.addi %add3A_882, %mul3A_881 : i32
      %add3A_884 = arith.constant 0 : i32
      %add3A_885 = arith.addi %add3A_883, %add3A_884 : i32
      %get3A_886 = arith.index_cast %add3A_885 : i32 to index
      %get3A_887 = tpu.vector_load %arg8[%get3A_886] {strides = array<i32>} : memref<15680xi32, #tpu.memory_space<vmem>>, vector<16xi32>,
      %get3A_888 = vector.shape_cast %get3A_887 : vector<16xi32> to vector<16xi32>
      %swap3A_889 = arith.constant 256 : index
      %swap3A_890 = tpu.vector_load %arg9[%swap3A_889] {strides = array<i32>} : memref<320xi32, #tpu.memory_space<vmem>>, vector<16xi32>,
      %swap3A_891 = vector.shape_cast %swap3A_890 : vector<16xi32> to vector<16xi32>
      %swap3A_892 = vector.shape_cast %get3A_888 : vector<16xi32> to vector<16xi32>
      tpu.vector_store %arg9[%swap3A_889], %swap3A_892 {strides = array<i32>} : memref<320xi32, #tpu.memory_space<vmem>>, vector<16xi32>,
      %mul3A_893 = arith.constant 32 : i32
      %mul3A_894 = arith.muli %add3A_671, %mul3A_893 : i32
      %add3A_895 = arith.constant 12544 : i32
      %add3A_896 = arith.addi %add3A_895, %mul3A_894 : i32
      %add3A_897 = arith.constant 16 : i32
      %add3A_898 = arith.addi %add3A_896, %add3A_897 : i32
      %get3A_899 = arith.index_cast %add3A_898 : i32 to index
      %get3A_900 = tpu.vector_load %arg8[%get3A_899] {strides = array<i32>} : memref<15680xi32, #tpu.memory_space<vmem>>, vector<16xi32>,
      %get3A_901 = vector.shape_cast %get3A_900 : vector<16xi32> to vector<16xi32>
      %swap3A_902 = arith.constant 272 : index
      %swap3A_903 = tpu.vector_load %arg9[%swap3A_902] {strides = array<i32>} : memref<320xi32, #tpu.memory_space<vmem>>, vector<16xi32>,
      %swap3A_904 = vector.shape_cast %swap3A_903 : vector<16xi32> to vector<16xi32>
      %swap3A_905 = vector.shape_cast %get3A_901 : vector<16xi32> to vector<16xi32>
      tpu.vector_store %arg9[%swap3A_902], %swap3A_905 {strides = array<i32>} : memref<320xi32, #tpu.memory_space<vmem>>, vector<16xi32>,
      %mul3A_906 = arith.constant 32 : i32
      %mul3A_907 = arith.muli %add3A_671, %mul3A_906 : i32
      %add3A_908 = arith.constant 14112 : i32
      %add3A_909 = arith.addi %add3A_908, %mul3A_907 : i32
      %add3A_910 = arith.constant 0 : i32
      %add3A_911 = arith.addi %add3A_909, %add3A_910 : i32
      %get3A_912 = arith.index_cast %add3A_911 : i32 to index
      %get3A_913 = tpu.vector_load %arg8[%get3A_912] {strides = array<i32>} : memref<15680xi32, #tpu.memory_space<vmem>>, vector<16xi32>,
      %get3A_914 = vector.shape_cast %get3A_913 : vector<16xi32> to vector<16xi32>
      %swap3A_915 = arith.constant 288 : index
      %swap3A_916 = tpu.vector_load %arg9[%swap3A_915] {strides = array<i32>} : memref<320xi32, #tpu.memory_space<vmem>>, vector<16xi32>,
      %swap3A_917 = vector.shape_cast %swap3A_916 : vector<16xi32> to vector<16xi32>
      %swap3A_918 = vector.shape_cast %get3A_914 : vector<16xi32> to vector<16xi32>
      tpu.vector_store %arg9[%swap3A_915], %swap3A_918 {strides = array<i32>} : memref<320xi32, #tpu.memory_space<vmem>>, vector<16xi32>,
      %mul3A_919 = arith.constant 32 : i32
      %mul3A_920 = arith.muli %add3A_671, %mul3A_919 : i32
      %add3A_921 = arith.constant 14112 : i32
      %add3A_922 = arith.addi %add3A_921, %mul3A_920 : i32
      %add3A_923 = arith.constant 16 : i32
      %add3A_924 = arith.addi %add3A_922, %add3A_923 : i32
      %get3A_925 = arith.index_cast %add3A_924 : i32 to index
      %get3A_926 = tpu.vector_load %arg8[%get3A_925] {strides = array<i32>} : memref<15680xi32, #tpu.memory_space<vmem>>, vector<16xi32>,
      %get3A_927 = vector.shape_cast %get3A_926 : vector<16xi32> to vector<16xi32>
      %swap3A_928 = arith.constant 304 : index
      %swap3A_929 = tpu.vector_load %arg9[%swap3A_928] {strides = array<i32>} : memref<320xi32, #tpu.memory_space<vmem>>, vector<16xi32>,
      %swap3A_930 = vector.shape_cast %swap3A_929 : vector<16xi32> to vector<16xi32>
      %swap3A_931 = vector.shape_cast %get3A_927 : vector<16xi32> to vector<16xi32>
      tpu.vector_store %arg9[%swap3A_928], %swap3A_931 {strides = array<i32>} : memref<320xi32, #tpu.memory_space<vmem>>, vector<16xi32>,
      %dma_start3A_932 = arith.constant 0 : i32
      %dma_start3A_933 = arith.constant 0 : i32
      %dma_start3A_934 = tpu.memref_slice %arg4[%dma_start3A_932, %dma_start3A_933] : memref<50000x128xf32, #tpu.memory_space<hbm>> -> memref<50000x128xf32, #tpu.memory_space<hbm>>
      tpu.enqueue_indirect_dma source(%dma_start3A_934 : memref<50000x128xf32, #tpu.memory_space<hbm>>) target(%arg11 : memref<320x128xf32, #tpu.memory_space<vmem>>) offsets(%arg9 : memref<320xi32, #tpu.memory_space<vmem>>) semaphore(%arg17 : memref<!tpu.dma_semaphore, #tpu.memory_space<semaphore_mem>>)
      %mul3A_935 = arith.constant 32 : i32
      %mul3A_936 = arith.muli %add3A_671, %mul3A_935 : i32
      %dma_start3A_937 = tpu.memref_slice %arg7[%mul3A_936] : memref<1568xi32, #tpu.memory_space<vmem>> -> memref<32xi32, #tpu.memory_space<vmem>>
      %dma_start3A_938 = arith.constant 0 : i32
      %dma_start3A_939 = arith.constant 0 : i32
      %dma_start3A_940 = tpu.memref_slice %arg4[%dma_start3A_938, %dma_start3A_939] : memref<50000x128xf32, #tpu.memory_space<hbm>> -> memref<50000x128xf32, #tpu.memory_space<hbm>>
      tpu.enqueue_indirect_dma source(%dma_start3A_940 : memref<50000x128xf32, #tpu.memory_space<hbm>>) target(%arg13 : memref<32x128xf32, #tpu.memory_space<vmem>>) offsets(%dma_start3A_937 : memref<32xi32, #tpu.memory_space<vmem>>) semaphore(%arg17 : memref<!tpu.dma_semaphore, #tpu.memory_space<semaphore_mem>>)
      %dma_wait3A_941 = arith.constant 0 : i32
      %dma_wait3A_942 = arith.constant 0 : i32
      %dma_wait3A_943 = tpu.memref_slice %arg4[%dma_wait3A_941, %dma_wait3A_942] : memref<50000x128xf32, #tpu.memory_space<hbm>> -> memref<320x128xf32, #tpu.memory_space<hbm>>
      %dma_wait3A_944 = arith.constant 0 : i32
      %dma_wait3A_945 = arith.constant 0 : i32
      %dma_wait3A_946 = tpu.memref_slice %arg4[%dma_wait3A_944, %dma_wait3A_945] : memref<50000x128xf32, #tpu.memory_space<hbm>> -> memref<320x128xf32, #tpu.memory_space<hbm>>
      tpu.wait_dma2 semaphore(%arg18 : memref<!tpu.dma_semaphore, #tpu.memory_space<semaphore_mem>>) src(%dma_wait3A_946 : memref<320x128xf32, #tpu.memory_space<hbm>>) dst(%arg12 : memref<320x128xf32, #tpu.memory_space<vmem>>)
      %dma_wait3A_947 = arith.constant 0 : i32
      %dma_wait3A_948 = arith.constant 0 : i32
      %dma_wait3A_949 = tpu.memref_slice %arg4[%dma_wait3A_947, %dma_wait3A_948] : memref<50000x128xf32, #tpu.memory_space<hbm>> -> memref<32x128xf32, #tpu.memory_space<hbm>>
      %dma_wait3A_950 = arith.constant 0 : i32
      %dma_wait3A_951 = arith.constant 0 : i32
      %dma_wait3A_952 = tpu.memref_slice %arg4[%dma_wait3A_950, %dma_wait3A_951] : memref<50000x128xf32, #tpu.memory_space<hbm>> -> memref<32x128xf32, #tpu.memory_space<hbm>>
      tpu.wait_dma2 semaphore(%arg18 : memref<!tpu.dma_semaphore, #tpu.memory_space<semaphore_mem>>) src(%dma_wait3A_952 : memref<32x128xf32, #tpu.memory_space<hbm>>) dst(%arg14 : memref<32x128xf32, #tpu.memory_space<vmem>>)
      %scan3A_953 = arith.constant 0 : i32
      %scan3A_954 = arith.constant 0 : i32
      %scan3A_955 = arith.constant 32 : i32
      %scan3A_956 = arith.addi %scan3A_954, %scan3A_955 : i32
      %scan3A_957 = arith.constant 1 : i32
      %scan3A_958 = scf.for %scan3A_974 = %scan3A_954 to %scan3A_956 step %scan3A_957 iter_args(%scan3A_975 = %scan3A_953) -> (i32)  : i32 {
        %get3A_976 = arith.index_cast %scan3A_974 : i32 to index
        %get3A_977 = arith.constant 0 : index
        %get3A_978 = tpu.vector_load %arg12[%get3A_976, %get3A_977] {strides = array<i32>} : memref<320x128xf32, #tpu.memory_space<vmem>>, vector<1x16xf32>,
        %get3A_979 = vector.shape_cast %get3A_978 : vector<1x16xf32> to vector<16xf32>
        %add3A_980 = arith.constant 32 : i32
        %add3A_981 = arith.addi %add3A_980, %scan3A_974 : i32
        %get3A_982 = arith.index_cast %add3A_981 : i32 to index
        %get3A_983 = arith.constant 0 : index
        %get3A_984 = tpu.vector_load %arg12[%get3A_982, %get3A_983] {strides = array<i32>} : memref<320x128xf32, #tpu.memory_space<vmem>>, vector<1x16xf32>,
        %get3A_985 = vector.shape_cast %get3A_984 : vector<1x16xf32> to vector<16xf32>
        %add3A_986 = arith.addf %get3A_979, %get3A_985 : vector<16xf32>
        %add3A_987 = arith.constant 64 : i32
        %add3A_988 = arith.addi %add3A_987, %scan3A_974 : i32
        %get3A_989 = arith.index_cast %add3A_988 : i32 to index
        %get3A_990 = arith.constant 0 : index
        %get3A_991 = tpu.vector_load %arg12[%get3A_989, %get3A_990] {strides = array<i32>} : memref<320x128xf32, #tpu.memory_space<vmem>>, vector<1x16xf32>,
        %get3A_992 = vector.shape_cast %get3A_991 : vector<1x16xf32> to vector<16xf32>
        %add3A_993 = arith.addf %add3A_986, %get3A_992 : vector<16xf32>
        %add3A_994 = arith.constant 96 : i32
        %add3A_995 = arith.addi %add3A_994, %scan3A_974 : i32
        %get3A_996 = arith.index_cast %add3A_995 : i32 to index
        %get3A_997 = arith.constant 0 : index
        %get3A_998 = tpu.vector_load %arg12[%get3A_996, %get3A_997] {strides = array<i32>} : memref<320x128xf32, #tpu.memory_space<vmem>>, vector<1x16xf32>,
        %get3A_999 = vector.shape_cast %get3A_998 : vector<1x16xf32> to vector<16xf32>
        %add3A_1000 = arith.addf %add3A_993, %get3A_999 : vector<16xf32>
        %add3A_1001 = arith.constant 128 : i32
        %add3A_1002 = arith.addi %add3A_1001, %scan3A_974 : i32
        %get3A_1003 = arith.index_cast %add3A_1002 : i32 to index
        %get3A_1004 = arith.constant 0 : index
        %get3A_1005 = tpu.vector_load %arg12[%get3A_1003, %get3A_1004] {strides = array<i32>} : memref<320x128xf32, #tpu.memory_space<vmem>>, vector<1x16xf32>,
        %get3A_1006 = vector.shape_cast %get3A_1005 : vector<1x16xf32> to vector<16xf32>
        %add3A_1007 = arith.addf %add3A_1000, %get3A_1006 : vector<16xf32>
        %add3A_1008 = arith.constant 160 : i32
        %add3A_1009 = arith.addi %add3A_1008, %scan3A_974 : i32
        %get3A_1010 = arith.index_cast %add3A_1009 : i32 to index
        %get3A_1011 = arith.constant 0 : index
        %get3A_1012 = tpu.vector_load %arg12[%get3A_1010, %get3A_1011] {strides = array<i32>} : memref<320x128xf32, #tpu.memory_space<vmem>>, vector<1x16xf32>,
        %get3A_1013 = vector.shape_cast %get3A_1012 : vector<1x16xf32> to vector<16xf32>
        %add3A_1014 = arith.addf %add3A_1007, %get3A_1013 : vector<16xf32>
        %add3A_1015 = arith.constant 192 : i32
        %add3A_1016 = arith.addi %add3A_1015, %scan3A_974 : i32
        %get3A_1017 = arith.index_cast %add3A_1016 : i32 to index
        %get3A_1018 = arith.constant 0 : index
        %get3A_1019 = tpu.vector_load %arg12[%get3A_1017, %get3A_1018] {strides = array<i32>} : memref<320x128xf32, #tpu.memory_space<vmem>>, vector<1x16xf32>,
        %get3A_1020 = vector.shape_cast %get3A_1019 : vector<1x16xf32> to vector<16xf32>
        %add3A_1021 = arith.addf %add3A_1014, %get3A_1020 : vector<16xf32>
        %add3A_1022 = arith.constant 224 : i32
        %add3A_1023 = arith.addi %add3A_1022, %scan3A_974 : i32
        %get3A_1024 = arith.index_cast %add3A_1023 : i32 to index
        %get3A_1025 = arith.constant 0 : index
        %get3A_1026 = tpu.vector_load %arg12[%get3A_1024, %get3A_1025] {strides = array<i32>} : memref<320x128xf32, #tpu.memory_space<vmem>>, vector<1x16xf32>,
        %get3A_1027 = vector.shape_cast %get3A_1026 : vector<1x16xf32> to vector<16xf32>
        %add3A_1028 = arith.addf %add3A_1021, %get3A_1027 : vector<16xf32>
        %add3A_1029 = arith.constant 256 : i32
        %add3A_1030 = arith.addi %add3A_1029, %scan3A_974 : i32
        %get3A_1031 = arith.index_cast %add3A_1030 : i32 to index
        %get3A_1032 = arith.constant 0 : index
        %get3A_1033 = tpu.vector_load %arg12[%get3A_1031, %get3A_1032] {strides = array<i32>} : memref<320x128xf32, #tpu.memory_space<vmem>>, vector<1x16xf32>,
        %get3A_1034 = vector.shape_cast %get3A_1033 : vector<1x16xf32> to vector<16xf32>
        %add3A_1035 = arith.addf %add3A_1028, %get3A_1034 : vector<16xf32>
        %add3A_1036 = arith.constant 288 : i32
        %add3A_1037 = arith.addi %add3A_1036, %scan3A_974 : i32
        %get3A_1038 = arith.index_cast %add3A_1037 : i32 to index
        %get3A_1039 = arith.constant 0 : index
        %get3A_1040 = tpu.vector_load %arg12[%get3A_1038, %get3A_1039] {strides = array<i32>} : memref<320x128xf32, #tpu.memory_space<vmem>>, vector<1x16xf32>,
        %get3A_1041 = vector.shape_cast %get3A_1040 : vector<1x16xf32> to vector<16xf32>
        %add3A_1042 = arith.addf %add3A_1035, %get3A_1041 : vector<16xf32>
        %swap3A_1043 = arith.index_cast %scan3A_974 : i32 to index
        %swap3A_1044 = arith.constant 0 : index
        %swap3A_1045 = tpu.vector_load %arg16[%swap3A_1043, %swap3A_1044] {strides = array<i32>} : memref<32x128xf32, #tpu.memory_space<vmem>>, vector<1x16xf32>,
        %swap3A_1046 = vector.shape_cast %swap3A_1045 : vector<1x16xf32> to vector<16xf32>
        %swap3A_1047 = vector.shape_cast %add3A_1042 : vector<16xf32> to vector<1x16xf32>
        tpu.vector_store %arg16[%swap3A_1043, %swap3A_1044], %swap3A_1047 {strides = array<i32>} : memref<32x128xf32, #tpu.memory_space<vmem>>, vector<1x16xf32>,
        %get3A_1048 = arith.index_cast %scan3A_974 : i32 to index
        %get3A_1049 = arith.constant 16 : index
        %get3A_1050 = tpu.vector_load %arg12[%get3A_1048, %get3A_1049] {strides = array<i32>} : memref<320x128xf32, #tpu.memory_space<vmem>>, vector<1x16xf32>,
        %get3A_1051 = vector.shape_cast %get3A_1050 : vector<1x16xf32> to vector<16xf32>
        %add3A_1052 = arith.constant 32 : i32
        %add3A_1053 = arith.addi %add3A_1052, %scan3A_974 : i32
        %get3A_1054 = arith.index_cast %add3A_1053 : i32 to index
        %get3A_1055 = arith.constant 16 : index
        %get3A_1056 = tpu.vector_load %arg12[%get3A_1054, %get3A_1055] {strides = array<i32>} : memref<320x128xf32, #tpu.memory_space<vmem>>, vector<1x16xf32>,
        %get3A_1057 = vector.shape_cast %get3A_1056 : vector<1x16xf32> to vector<16xf32>
        %add3A_1058 = arith.addf %get3A_1051, %get3A_1057 : vector<16xf32>
        %add3A_1059 = arith.constant 64 : i32
        %add3A_1060 = arith.addi %add3A_1059, %scan3A_974 : i32
        %get3A_1061 = arith.index_cast %add3A_1060 : i32 to index
        %get3A_1062 = arith.constant 16 : index
        %get3A_1063 = tpu.vector_load %arg12[%get3A_1061, %get3A_1062] {strides = array<i32>} : memref<320x128xf32, #tpu.memory_space<vmem>>, vector<1x16xf32>,
        %get3A_1064 = vector.shape_cast %get3A_1063 : vector<1x16xf32> to vector<16xf32>
        %add3A_1065 = arith.addf %add3A_1058, %get3A_1064 : vector<16xf32>
        %add3A_1066 = arith.constant 96 : i32
        %add3A_1067 = arith.addi %add3A_1066, %scan3A_974 : i32
        %get3A_1068 = arith.index_cast %add3A_1067 : i32 to index
        %get3A_1069 = arith.constant 16 : index
        %get3A_1070 = tpu.vector_load %arg12[%get3A_1068, %get3A_1069] {strides = array<i32>} : memref<320x128xf32, #tpu.memory_space<vmem>>, vector<1x16xf32>,
        %get3A_1071 = vector.shape_cast %get3A_1070 : vector<1x16xf32> to vector<16xf32>
        %add3A_1072 = arith.addf %add3A_1065, %get3A_1071 : vector<16xf32>
        %add3A_1073 = arith.constant 128 : i32
        %add3A_1074 = arith.addi %add3A_1073, %scan3A_974 : i32
        %get3A_1075 = arith.index_cast %add3A_1074 : i32 to index
        %get3A_1076 = arith.constant 16 : index
        %get3A_1077 = tpu.vector_load %arg12[%get3A_1075, %get3A_1076] {strides = array<i32>} : memref<320x128xf32, #tpu.memory_space<vmem>>, vector<1x16xf32>,
        %get3A_1078 = vector.shape_cast %get3A_1077 : vector<1x16xf32> to vector<16xf32>
        %add3A_1079 = arith.addf %add3A_1072, %get3A_1078 : vector<16xf32>
        %add3A_1080 = arith.constant 160 : i32
        %add3A_1081 = arith.addi %add3A_1080, %scan3A_974 : i32
        %get3A_1082 = arith.index_cast %add3A_1081 : i32 to index
        %get3A_1083 = arith.constant 16 : index
        %get3A_1084 = tpu.vector_load %arg12[%get3A_1082, %get3A_1083] {strides = array<i32>} : memref<320x128xf32, #tpu.memory_space<vmem>>, vector<1x16xf32>,
        %get3A_1085 = vector.shape_cast %get3A_1084 : vector<1x16xf32> to vector<16xf32>
        %add3A_1086 = arith.addf %add3A_1079, %get3A_1085 : vector<16xf32>
        %add3A_1087 = arith.constant 192 : i32
        %add3A_1088 = arith.addi %add3A_1087, %scan3A_974 : i32
        %get3A_1089 = arith.index_cast %add3A_1088 : i32 to index
        %get3A_1090 = arith.constant 16 : index
        %get3A_1091 = tpu.vector_load %arg12[%get3A_1089, %get3A_1090] {strides = array<i32>} : memref<320x128xf32, #tpu.memory_space<vmem>>, vector<1x16xf32>,
        %get3A_1092 = vector.shape_cast %get3A_1091 : vector<1x16xf32> to vector<16xf32>
        %add3A_1093 = arith.addf %add3A_1086, %get3A_1092 : vector<16xf32>
        %add3A_1094 = arith.constant 224 : i32
        %add3A_1095 = arith.addi %add3A_1094, %scan3A_974 : i32
        %get3A_1096 = arith.index_cast %add3A_1095 : i32 to index
        %get3A_1097 = arith.constant 16 : index
        %get3A_1098 = tpu.vector_load %arg12[%get3A_1096, %get3A_1097] {strides = array<i32>} : memref<320x128xf32, #tpu.memory_space<vmem>>, vector<1x16xf32>,
        %get3A_1099 = vector.shape_cast %get3A_1098 : vector<1x16xf32> to vector<16xf32>
        %add3A_1100 = arith.addf %add3A_1093, %get3A_1099 : vector<16xf32>
        %add3A_1101 = arith.constant 256 : i32
        %add3A_1102 = arith.addi %add3A_1101, %scan3A_974 : i32
        %get3A_1103 = arith.index_cast %add3A_1102 : i32 to index
        %get3A_1104 = arith.constant 16 : index
        %get3A_1105 = tpu.vector_load %arg12[%get3A_1103, %get3A_1104] {strides = array<i32>} : memref<320x128xf32, #tpu.memory_space<vmem>>, vector<1x16xf32>,
        %get3A_1106 = vector.shape_cast %get3A_1105 : vector<1x16xf32> to vector<16xf32>
        %add3A_1107 = arith.addf %add3A_1100, %get3A_1106 : vector<16xf32>
        %add3A_1108 = arith.constant 288 : i32
        %add3A_1109 = arith.addi %add3A_1108, %scan3A_974 : i32
        %get3A_1110 = arith.index_cast %add3A_1109 : i32 to index
        %get3A_1111 = arith.constant 16 : index
        %get3A_1112 = tpu.vector_load %arg12[%get3A_1110, %get3A_1111] {strides = array<i32>} : memref<320x128xf32, #tpu.memory_space<vmem>>, vector<1x16xf32>,
        %get3A_1113 = vector.shape_cast %get3A_1112 : vector<1x16xf32> to vector<16xf32>
        %add3A_1114 = arith.addf %add3A_1107, %get3A_1113 : vector<16xf32>
        %swap3A_1115 = arith.index_cast %scan3A_974 : i32 to index
        %swap3A_1116 = arith.constant 16 : index
        %swap3A_1117 = tpu.vector_load %arg16[%swap3A_1115, %swap3A_1116] {strides = array<i32>} : memref<32x128xf32, #tpu.memory_space<vmem>>, vector<1x16xf32>,
        %swap3A_1118 = vector.shape_cast %swap3A_1117 : vector<1x16xf32> to vector<16xf32>
        %swap3A_1119 = vector.shape_cast %add3A_1114 : vector<16xf32> to vector<1x16xf32>
        tpu.vector_store %arg16[%swap3A_1115, %swap3A_1116], %swap3A_1119 {strides = array<i32>} : memref<32x128xf32, #tpu.memory_space<vmem>>, vector<1x16xf32>,
        %get3A_1120 = arith.index_cast %scan3A_974 : i32 to index
        %get3A_1121 = arith.constant 32 : index
        %get3A_1122 = tpu.vector_load %arg12[%get3A_1120, %get3A_1121] {strides = array<i32>} : memref<320x128xf32, #tpu.memory_space<vmem>>, vector<1x16xf32>,
        %get3A_1123 = vector.shape_cast %get3A_1122 : vector<1x16xf32> to vector<16xf32>
        %add3A_1124 = arith.constant 32 : i32
        %add3A_1125 = arith.addi %add3A_1124, %scan3A_974 : i32
        %get3A_1126 = arith.index_cast %add3A_1125 : i32 to index
        %get3A_1127 = arith.constant 32 : index
        %get3A_1128 = tpu.vector_load %arg12[%get3A_1126, %get3A_1127] {strides = array<i32>} : memref<320x128xf32, #tpu.memory_space<vmem>>, vector<1x16xf32>,
        %get3A_1129 = vector.shape_cast %get3A_1128 : vector<1x16xf32> to vector<16xf32>
        %add3A_1130 = arith.addf %get3A_1123, %get3A_1129 : vector<16xf32>
        %add3A_1131 = arith.constant 64 : i32
        %add3A_1132 = arith.addi %add3A_1131, %scan3A_974 : i32
        %get3A_1133 = arith.index_cast %add3A_1132 : i32 to index
        %get3A_1134 = arith.constant 32 : index
        %get3A_1135 = tpu.vector_load %arg12[%get3A_1133, %get3A_1134] {strides = array<i32>} : memref<320x128xf32, #tpu.memory_space<vmem>>, vector<1x16xf32>,
        %get3A_1136 = vector.shape_cast %get3A_1135 : vector<1x16xf32> to vector<16xf32>
        %add3A_1137 = arith.addf %add3A_1130, %get3A_1136 : vector<16xf32>
        %add3A_1138 = arith.constant 96 : i32
        %add3A_1139 = arith.addi %add3A_1138, %scan3A_974 : i32
        %get3A_1140 = arith.index_cast %add3A_1139 : i32 to index
        %get3A_1141 = arith.constant 32 : index
        %get3A_1142 = tpu.vector_load %arg12[%get3A_1140, %get3A_1141] {strides = array<i32>} : memref<320x128xf32, #tpu.memory_space<vmem>>, vector<1x16xf32>,
        %get3A_1143 = vector.shape_cast %get3A_1142 : vector<1x16xf32> to vector<16xf32>
        %add3A_1144 = arith.addf %add3A_1137, %get3A_1143 : vector<16xf32>
        %add3A_1145 = arith.constant 128 : i32
        %add3A_1146 = arith.addi %add3A_1145, %scan3A_974 : i32
        %get3A_1147 = arith.index_cast %add3A_1146 : i32 to index
        %get3A_1148 = arith.constant 32 : index
        %get3A_1149 = tpu.vector_load %arg12[%get3A_1147, %get3A_1148] {strides = array<i32>} : memref<320x128xf32, #tpu.memory_space<vmem>>, vector<1x16xf32>,
        %get3A_1150 = vector.shape_cast %get3A_1149 : vector<1x16xf32> to vector<16xf32>
        %add3A_1151 = arith.addf %add3A_1144, %get3A_1150 : vector<16xf32>
        %add3A_1152 = arith.constant 160 : i32
        %add3A_1153 = arith.addi %add3A_1152, %scan3A_974 : i32
        %get3A_1154 = arith.index_cast %add3A_1153 : i32 to index
        %get3A_1155 = arith.constant 32 : index
        %get3A_1156 = tpu.vector_load %arg12[%get3A_1154, %get3A_1155] {strides = array<i32>} : memref<320x128xf32, #tpu.memory_space<vmem>>, vector<1x16xf32>,
        %get3A_1157 = vector.shape_cast %get3A_1156 : vector<1x16xf32> to vector<16xf32>
        %add3A_1158 = arith.addf %add3A_1151, %get3A_1157 : vector<16xf32>
        %add3A_1159 = arith.constant 192 : i32
        %add3A_1160 = arith.addi %add3A_1159, %scan3A_974 : i32
        %get3A_1161 = arith.index_cast %add3A_1160 : i32 to index
        %get3A_1162 = arith.constant 32 : index
        %get3A_1163 = tpu.vector_load %arg12[%get3A_1161, %get3A_1162] {strides = array<i32>} : memref<320x128xf32, #tpu.memory_space<vmem>>, vector<1x16xf32>,
        %get3A_1164 = vector.shape_cast %get3A_1163 : vector<1x16xf32> to vector<16xf32>
        %add3A_1165 = arith.addf %add3A_1158, %get3A_1164 : vector<16xf32>
        %add3A_1166 = arith.constant 224 : i32
        %add3A_1167 = arith.addi %add3A_1166, %scan3A_974 : i32
        %get3A_1168 = arith.index_cast %add3A_1167 : i32 to index
        %get3A_1169 = arith.constant 32 : index
        %get3A_1170 = tpu.vector_load %arg12[%get3A_1168, %get3A_1169] {strides = array<i32>} : memref<320x128xf32, #tpu.memory_space<vmem>>, vector<1x16xf32>,
        %get3A_1171 = vector.shape_cast %get3A_1170 : vector<1x16xf32> to vector<16xf32>
        %add3A_1172 = arith.addf %add3A_1165, %get3A_1171 : vector<16xf32>
        %add3A_1173 = arith.constant 256 : i32
        %add3A_1174 = arith.addi %add3A_1173, %scan3A_974 : i32
        %get3A_1175 = arith.index_cast %add3A_1174 : i32 to index
        %get3A_1176 = arith.constant 32 : index
        %get3A_1177 = tpu.vector_load %arg12[%get3A_1175, %get3A_1176] {strides = array<i32>} : memref<320x128xf32, #tpu.memory_space<vmem>>, vector<1x16xf32>,
        %get3A_1178 = vector.shape_cast %get3A_1177 : vector<1x16xf32> to vector<16xf32>
        %add3A_1179 = arith.addf %add3A_1172, %get3A_1178 : vector<16xf32>
        %add3A_1180 = arith.constant 288 : i32
        %add3A_1181 = arith.addi %add3A_1180, %scan3A_974 : i32
        %get3A_1182 = arith.index_cast %add3A_1181 : i32 to index
        %get3A_1183 = arith.constant 32 : index
        %get3A_1184 = tpu.vector_load %arg12[%get3A_1182, %get3A_1183] {strides = array<i32>} : memref<320x128xf32, #tpu.memory_space<vmem>>, vector<1x16xf32>,
        %get3A_1185 = vector.shape_cast %get3A_1184 : vector<1x16xf32> to vector<16xf32>
        %add3A_1186 = arith.addf %add3A_1179, %get3A_1185 : vector<16xf32>
        %swap3A_1187 = arith.index_cast %scan3A_974 : i32 to index
        %swap3A_1188 = arith.constant 32 : index
        %swap3A_1189 = tpu.vector_load %arg16[%swap3A_1187, %swap3A_1188] {strides = array<i32>} : memref<32x128xf32, #tpu.memory_space<vmem>>, vector<1x16xf32>,
        %swap3A_1190 = vector.shape_cast %swap3A_1189 : vector<1x16xf32> to vector<16xf32>
        %swap3A_1191 = vector.shape_cast %add3A_1186 : vector<16xf32> to vector<1x16xf32>
        tpu.vector_store %arg16[%swap3A_1187, %swap3A_1188], %swap3A_1191 {strides = array<i32>} : memref<32x128xf32, #tpu.memory_space<vmem>>, vector<1x16xf32>,
        %get3A_1192 = arith.index_cast %scan3A_974 : i32 to index
        %get3A_1193 = arith.constant 48 : index
        %get3A_1194 = tpu.vector_load %arg12[%get3A_1192, %get3A_1193] {strides = array<i32>} : memref<320x128xf32, #tpu.memory_space<vmem>>, vector<1x16xf32>,
        %get3A_1195 = vector.shape_cast %get3A_1194 : vector<1x16xf32> to vector<16xf32>
        %add3A_1196 = arith.constant 32 : i32
        %add3A_1197 = arith.addi %add3A_1196, %scan3A_974 : i32
        %get3A_1198 = arith.index_cast %add3A_1197 : i32 to index
        %get3A_1199 = arith.constant 48 : index
        %get3A_1200 = tpu.vector_load %arg12[%get3A_1198, %get3A_1199] {strides = array<i32>} : memref<320x128xf32, #tpu.memory_space<vmem>>, vector<1x16xf32>,
        %get3A_1201 = vector.shape_cast %get3A_1200 : vector<1x16xf32> to vector<16xf32>
        %add3A_1202 = arith.addf %get3A_1195, %get3A_1201 : vector<16xf32>
        %add3A_1203 = arith.constant 64 : i32
        %add3A_1204 = arith.addi %add3A_1203, %scan3A_974 : i32
        %get3A_1205 = arith.index_cast %add3A_1204 : i32 to index
        %get3A_1206 = arith.constant 48 : index
        %get3A_1207 = tpu.vector_load %arg12[%get3A_1205, %get3A_1206] {strides = array<i32>} : memref<320x128xf32, #tpu.memory_space<vmem>>, vector<1x16xf32>,
        %get3A_1208 = vector.shape_cast %get3A_1207 : vector<1x16xf32> to vector<16xf32>
        %add3A_1209 = arith.addf %add3A_1202, %get3A_1208 : vector<16xf32>
        %add3A_1210 = arith.constant 96 : i32
        %add3A_1211 = arith.addi %add3A_1210, %scan3A_974 : i32
        %get3A_1212 = arith.index_cast %add3A_1211 : i32 to index
        %get3A_1213 = arith.constant 48 : index
        %get3A_1214 = tpu.vector_load %arg12[%get3A_1212, %get3A_1213] {strides = array<i32>} : memref<320x128xf32, #tpu.memory_space<vmem>>, vector<1x16xf32>,
        %get3A_1215 = vector.shape_cast %get3A_1214 : vector<1x16xf32> to vector<16xf32>
        %add3A_1216 = arith.addf %add3A_1209, %get3A_1215 : vector<16xf32>
        %add3A_1217 = arith.constant 128 : i32
        %add3A_1218 = arith.addi %add3A_1217, %scan3A_974 : i32
        %get3A_1219 = arith.index_cast %add3A_1218 : i32 to index
        %get3A_1220 = arith.constant 48 : index
        %get3A_1221 = tpu.vector_load %arg12[%get3A_1219, %get3A_1220] {strides = array<i32>} : memref<320x128xf32, #tpu.memory_space<vmem>>, vector<1x16xf32>,
        %get3A_1222 = vector.shape_cast %get3A_1221 : vector<1x16xf32> to vector<16xf32>
        %add3A_1223 = arith.addf %add3A_1216, %get3A_1222 : vector<16xf32>
        %add3A_1224 = arith.constant 160 : i32
        %add3A_1225 = arith.addi %add3A_1224, %scan3A_974 : i32
        %get3A_1226 = arith.index_cast %add3A_1225 : i32 to index
        %get3A_1227 = arith.constant 48 : index
        %get3A_1228 = tpu.vector_load %arg12[%get3A_1226, %get3A_1227] {strides = array<i32>} : memref<320x128xf32, #tpu.memory_space<vmem>>, vector<1x16xf32>,
        %get3A_1229 = vector.shape_cast %get3A_1228 : vector<1x16xf32> to vector<16xf32>
        %add3A_1230 = arith.addf %add3A_1223, %get3A_1229 : vector<16xf32>
        %add3A_1231 = arith.constant 192 : i32
        %add3A_1232 = arith.addi %add3A_1231, %scan3A_974 : i32
        %get3A_1233 = arith.index_cast %add3A_1232 : i32 to index
        %get3A_1234 = arith.constant 48 : index
        %get3A_1235 = tpu.vector_load %arg12[%get3A_1233, %get3A_1234] {strides = array<i32>} : memref<320x128xf32, #tpu.memory_space<vmem>>, vector<1x16xf32>,
        %get3A_1236 = vector.shape_cast %get3A_1235 : vector<1x16xf32> to vector<16xf32>
        %add3A_1237 = arith.addf %add3A_1230, %get3A_1236 : vector<16xf32>
        %add3A_1238 = arith.constant 224 : i32
        %add3A_1239 = arith.addi %add3A_1238, %scan3A_974 : i32
        %get3A_1240 = arith.index_cast %add3A_1239 : i32 to index
        %get3A_1241 = arith.constant 48 : index
        %get3A_1242 = tpu.vector_load %arg12[%get3A_1240, %get3A_1241] {strides = array<i32>} : memref<320x128xf32, #tpu.memory_space<vmem>>, vector<1x16xf32>,
        %get3A_1243 = vector.shape_cast %get3A_1242 : vector<1x16xf32> to vector<16xf32>
        %add3A_1244 = arith.addf %add3A_1237, %get3A_1243 : vector<16xf32>
        %add3A_1245 = arith.constant 256 : i32
        %add3A_1246 = arith.addi %add3A_1245, %scan3A_974 : i32
        %get3A_1247 = arith.index_cast %add3A_1246 : i32 to index
        %get3A_1248 = arith.constant 48 : index
        %get3A_1249 = tpu.vector_load %arg12[%get3A_1247, %get3A_1248] {strides = array<i32>} : memref<320x128xf32, #tpu.memory_space<vmem>>, vector<1x16xf32>,
        %get3A_1250 = vector.shape_cast %get3A_1249 : vector<1x16xf32> to vector<16xf32>
        %add3A_1251 = arith.addf %add3A_1244, %get3A_1250 : vector<16xf32>
        %add3A_1252 = arith.constant 288 : i32
        %add3A_1253 = arith.addi %add3A_1252, %scan3A_974 : i32
        %get3A_1254 = arith.index_cast %add3A_1253 : i32 to index
        %get3A_1255 = arith.constant 48 : index
        %get3A_1256 = tpu.vector_load %arg12[%get3A_1254, %get3A_1255] {strides = array<i32>} : memref<320x128xf32, #tpu.memory_space<vmem>>, vector<1x16xf32>,
        %get3A_1257 = vector.shape_cast %get3A_1256 : vector<1x16xf32> to vector<16xf32>
        %add3A_1258 = arith.addf %add3A_1251, %get3A_1257 : vector<16xf32>
        %swap3A_1259 = arith.index_cast %scan3A_974 : i32 to index
        %swap3A_1260 = arith.constant 48 : index
        %swap3A_1261 = tpu.vector_load %arg16[%swap3A_1259, %swap3A_1260] {strides = array<i32>} : memref<32x128xf32, #tpu.memory_space<vmem>>, vector<1x16xf32>,
        %swap3A_1262 = vector.shape_cast %swap3A_1261 : vector<1x16xf32> to vector<16xf32>
        %swap3A_1263 = vector.shape_cast %add3A_1258 : vector<16xf32> to vector<1x16xf32>
        tpu.vector_store %arg16[%swap3A_1259, %swap3A_1260], %swap3A_1263 {strides = array<i32>} : memref<32x128xf32, #tpu.memory_space<vmem>>, vector<1x16xf32>,
        %get3A_1264 = arith.index_cast %scan3A_974 : i32 to index
        %get3A_1265 = arith.constant 64 : index
        %get3A_1266 = tpu.vector_load %arg12[%get3A_1264, %get3A_1265] {strides = array<i32>} : memref<320x128xf32, #tpu.memory_space<vmem>>, vector<1x16xf32>,
        %get3A_1267 = vector.shape_cast %get3A_1266 : vector<1x16xf32> to vector<16xf32>
        %add3A_1268 = arith.constant 32 : i32
        %add3A_1269 = arith.addi %add3A_1268, %scan3A_974 : i32
        %get3A_1270 = arith.index_cast %add3A_1269 : i32 to index
        %get3A_1271 = arith.constant 64 : index
        %get3A_1272 = tpu.vector_load %arg12[%get3A_1270, %get3A_1271] {strides = array<i32>} : memref<320x128xf32, #tpu.memory_space<vmem>>, vector<1x16xf32>,
        %get3A_1273 = vector.shape_cast %get3A_1272 : vector<1x16xf32> to vector<16xf32>
        %add3A_1274 = arith.addf %get3A_1267, %get3A_1273 : vector<16xf32>
        %add3A_1275 = arith.constant 64 : i32
        %add3A_1276 = arith.addi %add3A_1275, %scan3A_974 : i32
        %get3A_1277 = arith.index_cast %add3A_1276 : i32 to index
        %get3A_1278 = arith.constant 64 : index
        %get3A_1279 = tpu.vector_load %arg12[%get3A_1277, %get3A_1278] {strides = array<i32>} : memref<320x128xf32, #tpu.memory_space<vmem>>, vector<1x16xf32>,
        %get3A_1280 = vector.shape_cast %get3A_1279 : vector<1x16xf32> to vector<16xf32>
        %add3A_1281 = arith.addf %add3A_1274, %get3A_1280 : vector<16xf32>
        %add3A_1282 = arith.constant 96 : i32
        %add3A_1283 = arith.addi %add3A_1282, %scan3A_974 : i32
        %get3A_1284 = arith.index_cast %add3A_1283 : i32 to index
        %get3A_1285 = arith.constant 64 : index
        %get3A_1286 = tpu.vector_load %arg12[%get3A_1284, %get3A_1285] {strides = array<i32>} : memref<320x128xf32, #tpu.memory_space<vmem>>, vector<1x16xf32>,
        %get3A_1287 = vector.shape_cast %get3A_1286 : vector<1x16xf32> to vector<16xf32>
        %add3A_1288 = arith.addf %add3A_1281, %get3A_1287 : vector<16xf32>
        %add3A_1289 = arith.constant 128 : i32
        %add3A_1290 = arith.addi %add3A_1289, %scan3A_974 : i32
        %get3A_1291 = arith.index_cast %add3A_1290 : i32 to index
        %get3A_1292 = arith.constant 64 : index
        %get3A_1293 = tpu.vector_load %arg12[%get3A_1291, %get3A_1292] {strides = array<i32>} : memref<320x128xf32, #tpu.memory_space<vmem>>, vector<1x16xf32>,
        %get3A_1294 = vector.shape_cast %get3A_1293 : vector<1x16xf32> to vector<16xf32>
        %add3A_1295 = arith.addf %add3A_1288, %get3A_1294 : vector<16xf32>
        %add3A_1296 = arith.constant 160 : i32
        %add3A_1297 = arith.addi %add3A_1296, %scan3A_974 : i32
        %get3A_1298 = arith.index_cast %add3A_1297 : i32 to index
        %get3A_1299 = arith.constant 64 : index
        %get3A_1300 = tpu.vector_load %arg12[%get3A_1298, %get3A_1299] {strides = array<i32>} : memref<320x128xf32, #tpu.memory_space<vmem>>, vector<1x16xf32>,
        %get3A_1301 = vector.shape_cast %get3A_1300 : vector<1x16xf32> to vector<16xf32>
        %add3A_1302 = arith.addf %add3A_1295, %get3A_1301 : vector<16xf32>
        %add3A_1303 = arith.constant 192 : i32
        %add3A_1304 = arith.addi %add3A_1303, %scan3A_974 : i32
        %get3A_1305 = arith.index_cast %add3A_1304 : i32 to index
        %get3A_1306 = arith.constant 64 : index
        %get3A_1307 = tpu.vector_load %arg12[%get3A_1305, %get3A_1306] {strides = array<i32>} : memref<320x128xf32, #tpu.memory_space<vmem>>, vector<1x16xf32>,
        %get3A_1308 = vector.shape_cast %get3A_1307 : vector<1x16xf32> to vector<16xf32>
        %add3A_1309 = arith.addf %add3A_1302, %get3A_1308 : vector<16xf32>
        %add3A_1310 = arith.constant 224 : i32
        %add3A_1311 = arith.addi %add3A_1310, %scan3A_974 : i32
        %get3A_1312 = arith.index_cast %add3A_1311 : i32 to index
        %get3A_1313 = arith.constant 64 : index
        %get3A_1314 = tpu.vector_load %arg12[%get3A_1312, %get3A_1313] {strides = array<i32>} : memref<320x128xf32, #tpu.memory_space<vmem>>, vector<1x16xf32>,
        %get3A_1315 = vector.shape_cast %get3A_1314 : vector<1x16xf32> to vector<16xf32>
        %add3A_1316 = arith.addf %add3A_1309, %get3A_1315 : vector<16xf32>
        %add3A_1317 = arith.constant 256 : i32
        %add3A_1318 = arith.addi %add3A_1317, %scan3A_974 : i32
        %get3A_1319 = arith.index_cast %add3A_1318 : i32 to index
        %get3A_1320 = arith.constant 64 : index
        %get3A_1321 = tpu.vector_load %arg12[%get3A_1319, %get3A_1320] {strides = array<i32>} : memref<320x128xf32, #tpu.memory_space<vmem>>, vector<1x16xf32>,
        %get3A_1322 = vector.shape_cast %get3A_1321 : vector<1x16xf32> to vector<16xf32>
        %add3A_1323 = arith.addf %add3A_1316, %get3A_1322 : vector<16xf32>
        %add3A_1324 = arith.constant 288 : i32
        %add3A_1325 = arith.addi %add3A_1324, %scan3A_974 : i32
        %get3A_1326 = arith.index_cast %add3A_1325 : i32 to index
        %get3A_1327 = arith.constant 64 : index
        %get3A_1328 = tpu.vector_load %arg12[%get3A_1326, %get3A_1327] {strides = array<i32>} : memref<320x128xf32, #tpu.memory_space<vmem>>, vector<1x16xf32>,
        %get3A_1329 = vector.shape_cast %get3A_1328 : vector<1x16xf32> to vector<16xf32>
        %add3A_1330 = arith.addf %add3A_1323, %get3A_1329 : vector<16xf32>
        %swap3A_1331 = arith.index_cast %scan3A_974 : i32 to index
        %swap3A_1332 = arith.constant 64 : index
        %swap3A_1333 = tpu.vector_load %arg16[%swap3A_1331, %swap3A_1332] {strides = array<i32>} : memref<32x128xf32, #tpu.memory_space<vmem>>, vector<1x16xf32>,
        %swap3A_1334 = vector.shape_cast %swap3A_1333 : vector<1x16xf32> to vector<16xf32>
        %swap3A_1335 = vector.shape_cast %add3A_1330 : vector<16xf32> to vector<1x16xf32>
        tpu.vector_store %arg16[%swap3A_1331, %swap3A_1332], %swap3A_1335 {strides = array<i32>} : memref<32x128xf32, #tpu.memory_space<vmem>>, vector<1x16xf32>,
        %get3A_1336 = arith.index_cast %scan3A_974 : i32 to index
        %get3A_1337 = arith.constant 80 : index
        %get3A_1338 = tpu.vector_load %arg12[%get3A_1336, %get3A_1337] {strides = array<i32>} : memref<320x128xf32, #tpu.memory_space<vmem>>, vector<1x16xf32>,
        %get3A_1339 = vector.shape_cast %get3A_1338 : vector<1x16xf32> to vector<16xf32>
        %add3A_1340 = arith.constant 32 : i32
        %add3A_1341 = arith.addi %add3A_1340, %scan3A_974 : i32
        %get3A_1342 = arith.index_cast %add3A_1341 : i32 to index
        %get3A_1343 = arith.constant 80 : index
        %get3A_1344 = tpu.vector_load %arg12[%get3A_1342, %get3A_1343] {strides = array<i32>} : memref<320x128xf32, #tpu.memory_space<vmem>>, vector<1x16xf32>,
        %get3A_1345 = vector.shape_cast %get3A_1344 : vector<1x16xf32> to vector<16xf32>
        %add3A_1346 = arith.addf %get3A_1339, %get3A_1345 : vector<16xf32>
        %add3A_1347 = arith.constant 64 : i32
        %add3A_1348 = arith.addi %add3A_1347, %scan3A_974 : i32
        %get3A_1349 = arith.index_cast %add3A_1348 : i32 to index
        %get3A_1350 = arith.constant 80 : index
        %get3A_1351 = tpu.vector_load %arg12[%get3A_1349, %get3A_1350] {strides = array<i32>} : memref<320x128xf32, #tpu.memory_space<vmem>>, vector<1x16xf32>,
        %get3A_1352 = vector.shape_cast %get3A_1351 : vector<1x16xf32> to vector<16xf32>
        %add3A_1353 = arith.addf %add3A_1346, %get3A_1352 : vector<16xf32>
        %add3A_1354 = arith.constant 96 : i32
        %add3A_1355 = arith.addi %add3A_1354, %scan3A_974 : i32
        %get3A_1356 = arith.index_cast %add3A_1355 : i32 to index
        %get3A_1357 = arith.constant 80 : index
        %get3A_1358 = tpu.vector_load %arg12[%get3A_1356, %get3A_1357] {strides = array<i32>} : memref<320x128xf32, #tpu.memory_space<vmem>>, vector<1x16xf32>,
        %get3A_1359 = vector.shape_cast %get3A_1358 : vector<1x16xf32> to vector<16xf32>
        %add3A_1360 = arith.addf %add3A_1353, %get3A_1359 : vector<16xf32>
        %add3A_1361 = arith.constant 128 : i32
        %add3A_1362 = arith.addi %add3A_1361, %scan3A_974 : i32
        %get3A_1363 = arith.index_cast %add3A_1362 : i32 to index
        %get3A_1364 = arith.constant 80 : index
        %get3A_1365 = tpu.vector_load %arg12[%get3A_1363, %get3A_1364] {strides = array<i32>} : memref<320x128xf32, #tpu.memory_space<vmem>>, vector<1x16xf32>,
        %get3A_1366 = vector.shape_cast %get3A_1365 : vector<1x16xf32> to vector<16xf32>
        %add3A_1367 = arith.addf %add3A_1360, %get3A_1366 : vector<16xf32>
        %add3A_1368 = arith.constant 160 : i32
        %add3A_1369 = arith.addi %add3A_1368, %scan3A_974 : i32
        %get3A_1370 = arith.index_cast %add3A_1369 : i32 to index
        %get3A_1371 = arith.constant 80 : index
        %get3A_1372 = tpu.vector_load %arg12[%get3A_1370, %get3A_1371] {strides = array<i32>} : memref<320x128xf32, #tpu.memory_space<vmem>>, vector<1x16xf32>,
        %get3A_1373 = vector.shape_cast %get3A_1372 : vector<1x16xf32> to vector<16xf32>
        %add3A_1374 = arith.addf %add3A_1367, %get3A_1373 : vector<16xf32>
        %add3A_1375 = arith.constant 192 : i32
        %add3A_1376 = arith.addi %add3A_1375, %scan3A_974 : i32
        %get3A_1377 = arith.index_cast %add3A_1376 : i32 to index
        %get3A_1378 = arith.constant 80 : index
        %get3A_1379 = tpu.vector_load %arg12[%get3A_1377, %get3A_1378] {strides = array<i32>} : memref<320x128xf32, #tpu.memory_space<vmem>>, vector<1x16xf32>,
        %get3A_1380 = vector.shape_cast %get3A_1379 : vector<1x16xf32> to vector<16xf32>
        %add3A_1381 = arith.addf %add3A_1374, %get3A_1380 : vector<16xf32>
        %add3A_1382 = arith.constant 224 : i32
        %add3A_1383 = arith.addi %add3A_1382, %scan3A_974 : i32
        %get3A_1384 = arith.index_cast %add3A_1383 : i32 to index
        %get3A_1385 = arith.constant 80 : index
        %get3A_1386 = tpu.vector_load %arg12[%get3A_1384, %get3A_1385] {strides = array<i32>} : memref<320x128xf32, #tpu.memory_space<vmem>>, vector<1x16xf32>,
        %get3A_1387 = vector.shape_cast %get3A_1386 : vector<1x16xf32> to vector<16xf32>
        %add3A_1388 = arith.addf %add3A_1381, %get3A_1387 : vector<16xf32>
        %add3A_1389 = arith.constant 256 : i32
        %add3A_1390 = arith.addi %add3A_1389, %scan3A_974 : i32
        %get3A_1391 = arith.index_cast %add3A_1390 : i32 to index
        %get3A_1392 = arith.constant 80 : index
        %get3A_1393 = tpu.vector_load %arg12[%get3A_1391, %get3A_1392] {strides = array<i32>} : memref<320x128xf32, #tpu.memory_space<vmem>>, vector<1x16xf32>,
        %get3A_1394 = vector.shape_cast %get3A_1393 : vector<1x16xf32> to vector<16xf32>
        %add3A_1395 = arith.addf %add3A_1388, %get3A_1394 : vector<16xf32>
        %add3A_1396 = arith.constant 288 : i32
        %add3A_1397 = arith.addi %add3A_1396, %scan3A_974 : i32
        %get3A_1398 = arith.index_cast %add3A_1397 : i32 to index
        %get3A_1399 = arith.constant 80 : index
        %get3A_1400 = tpu.vector_load %arg12[%get3A_1398, %get3A_1399] {strides = array<i32>} : memref<320x128xf32, #tpu.memory_space<vmem>>, vector<1x16xf32>,
        %get3A_1401 = vector.shape_cast %get3A_1400 : vector<1x16xf32> to vector<16xf32>
        %add3A_1402 = arith.addf %add3A_1395, %get3A_1401 : vector<16xf32>
        %swap3A_1403 = arith.index_cast %scan3A_974 : i32 to index
        %swap3A_1404 = arith.constant 80 : index
        %swap3A_1405 = tpu.vector_load %arg16[%swap3A_1403, %swap3A_1404] {strides = array<i32>} : memref<32x128xf32, #tpu.memory_space<vmem>>, vector<1x16xf32>,
        %swap3A_1406 = vector.shape_cast %swap3A_1405 : vector<1x16xf32> to vector<16xf32>
        %swap3A_1407 = vector.shape_cast %add3A_1402 : vector<16xf32> to vector<1x16xf32>
        tpu.vector_store %arg16[%swap3A_1403, %swap3A_1404], %swap3A_1407 {strides = array<i32>} : memref<32x128xf32, #tpu.memory_space<vmem>>, vector<1x16xf32>,
        %get3A_1408 = arith.index_cast %scan3A_974 : i32 to index
        %get3A_1409 = arith.constant 96 : index
        %get3A_1410 = tpu.vector_load %arg12[%get3A_1408, %get3A_1409] {strides = array<i32>} : memref<320x128xf32, #tpu.memory_space<vmem>>, vector<1x16xf32>,
        %get3A_1411 = vector.shape_cast %get3A_1410 : vector<1x16xf32> to vector<16xf32>
        %add3A_1412 = arith.constant 32 : i32
        %add3A_1413 = arith.addi %add3A_1412, %scan3A_974 : i32
        %get3A_1414 = arith.index_cast %add3A_1413 : i32 to index
        %get3A_1415 = arith.constant 96 : index
        %get3A_1416 = tpu.vector_load %arg12[%get3A_1414, %get3A_1415] {strides = array<i32>} : memref<320x128xf32, #tpu.memory_space<vmem>>, vector<1x16xf32>,
        %get3A_1417 = vector.shape_cast %get3A_1416 : vector<1x16xf32> to vector<16xf32>
        %add3A_1418 = arith.addf %get3A_1411, %get3A_1417 : vector<16xf32>
        %add3A_1419 = arith.constant 64 : i32
        %add3A_1420 = arith.addi %add3A_1419, %scan3A_974 : i32
        %get3A_1421 = arith.index_cast %add3A_1420 : i32 to index
        %get3A_1422 = arith.constant 96 : index
        %get3A_1423 = tpu.vector_load %arg12[%get3A_1421, %get3A_1422] {strides = array<i32>} : memref<320x128xf32, #tpu.memory_space<vmem>>, vector<1x16xf32>,
        %get3A_1424 = vector.shape_cast %get3A_1423 : vector<1x16xf32> to vector<16xf32>
        %add3A_1425 = arith.addf %add3A_1418, %get3A_1424 : vector<16xf32>
        %add3A_1426 = arith.constant 96 : i32
        %add3A_1427 = arith.addi %add3A_1426, %scan3A_974 : i32
        %get3A_1428 = arith.index_cast %add3A_1427 : i32 to index
        %get3A_1429 = arith.constant 96 : index
        %get3A_1430 = tpu.vector_load %arg12[%get3A_1428, %get3A_1429] {strides = array<i32>} : memref<320x128xf32, #tpu.memory_space<vmem>>, vector<1x16xf32>,
        %get3A_1431 = vector.shape_cast %get3A_1430 : vector<1x16xf32> to vector<16xf32>
        %add3A_1432 = arith.addf %add3A_1425, %get3A_1431 : vector<16xf32>
        %add3A_1433 = arith.constant 128 : i32
        %add3A_1434 = arith.addi %add3A_1433, %scan3A_974 : i32
        %get3A_1435 = arith.index_cast %add3A_1434 : i32 to index
        %get3A_1436 = arith.constant 96 : index
        %get3A_1437 = tpu.vector_load %arg12[%get3A_1435, %get3A_1436] {strides = array<i32>} : memref<320x128xf32, #tpu.memory_space<vmem>>, vector<1x16xf32>,
        %get3A_1438 = vector.shape_cast %get3A_1437 : vector<1x16xf32> to vector<16xf32>
        %add3A_1439 = arith.addf %add3A_1432, %get3A_1438 : vector<16xf32>
        %add3A_1440 = arith.constant 160 : i32
        %add3A_1441 = arith.addi %add3A_1440, %scan3A_974 : i32
        %get3A_1442 = arith.index_cast %add3A_1441 : i32 to index
        %get3A_1443 = arith.constant 96 : index
        %get3A_1444 = tpu.vector_load %arg12[%get3A_1442, %get3A_1443] {strides = array<i32>} : memref<320x128xf32, #tpu.memory_space<vmem>>, vector<1x16xf32>,
        %get3A_1445 = vector.shape_cast %get3A_1444 : vector<1x16xf32> to vector<16xf32>
        %add3A_1446 = arith.addf %add3A_1439, %get3A_1445 : vector<16xf32>
        %add3A_1447 = arith.constant 192 : i32
        %add3A_1448 = arith.addi %add3A_1447, %scan3A_974 : i32
        %get3A_1449 = arith.index_cast %add3A_1448 : i32 to index
        %get3A_1450 = arith.constant 96 : index
        %get3A_1451 = tpu.vector_load %arg12[%get3A_1449, %get3A_1450] {strides = array<i32>} : memref<320x128xf32, #tpu.memory_space<vmem>>, vector<1x16xf32>,
        %get3A_1452 = vector.shape_cast %get3A_1451 : vector<1x16xf32> to vector<16xf32>
        %add3A_1453 = arith.addf %add3A_1446, %get3A_1452 : vector<16xf32>
        %add3A_1454 = arith.constant 224 : i32
        %add3A_1455 = arith.addi %add3A_1454, %scan3A_974 : i32
        %get3A_1456 = arith.index_cast %add3A_1455 : i32 to index
        %get3A_1457 = arith.constant 96 : index
        %get3A_1458 = tpu.vector_load %arg12[%get3A_1456, %get3A_1457] {strides = array<i32>} : memref<320x128xf32, #tpu.memory_space<vmem>>, vector<1x16xf32>,
        %get3A_1459 = vector.shape_cast %get3A_1458 : vector<1x16xf32> to vector<16xf32>
        %add3A_1460 = arith.addf %add3A_1453, %get3A_1459 : vector<16xf32>
        %add3A_1461 = arith.constant 256 : i32
        %add3A_1462 = arith.addi %add3A_1461, %scan3A_974 : i32
        %get3A_1463 = arith.index_cast %add3A_1462 : i32 to index
        %get3A_1464 = arith.constant 96 : index
        %get3A_1465 = tpu.vector_load %arg12[%get3A_1463, %get3A_1464] {strides = array<i32>} : memref<320x128xf32, #tpu.memory_space<vmem>>, vector<1x16xf32>,
        %get3A_1466 = vector.shape_cast %get3A_1465 : vector<1x16xf32> to vector<16xf32>
        %add3A_1467 = arith.addf %add3A_1460, %get3A_1466 : vector<16xf32>
        %add3A_1468 = arith.constant 288 : i32
        %add3A_1469 = arith.addi %add3A_1468, %scan3A_974 : i32
        %get3A_1470 = arith.index_cast %add3A_1469 : i32 to index
        %get3A_1471 = arith.constant 96 : index
        %get3A_1472 = tpu.vector_load %arg12[%get3A_1470, %get3A_1471] {strides = array<i32>} : memref<320x128xf32, #tpu.memory_space<vmem>>, vector<1x16xf32>,
        %get3A_1473 = vector.shape_cast %get3A_1472 : vector<1x16xf32> to vector<16xf32>
        %add3A_1474 = arith.addf %add3A_1467, %get3A_1473 : vector<16xf32>
        %swap3A_1475 = arith.index_cast %scan3A_974 : i32 to index
        %swap3A_1476 = arith.constant 96 : index
        %swap3A_1477 = tpu.vector_load %arg16[%swap3A_1475, %swap3A_1476] {strides = array<i32>} : memref<32x128xf32, #tpu.memory_space<vmem>>, vector<1x16xf32>,
        %swap3A_1478 = vector.shape_cast %swap3A_1477 : vector<1x16xf32> to vector<16xf32>
        %swap3A_1479 = vector.shape_cast %add3A_1474 : vector<16xf32> to vector<1x16xf32>
        tpu.vector_store %arg16[%swap3A_1475, %swap3A_1476], %swap3A_1479 {strides = array<i32>} : memref<32x128xf32, #tpu.memory_space<vmem>>, vector<1x16xf32>,
        %get3A_1480 = arith.index_cast %scan3A_974 : i32 to index
        %get3A_1481 = arith.constant 112 : index
        %get3A_1482 = tpu.vector_load %arg12[%get3A_1480, %get3A_1481] {strides = array<i32>} : memref<320x128xf32, #tpu.memory_space<vmem>>, vector<1x16xf32>,
        %get3A_1483 = vector.shape_cast %get3A_1482 : vector<1x16xf32> to vector<16xf32>
        %add3A_1484 = arith.constant 32 : i32
        %add3A_1485 = arith.addi %add3A_1484, %scan3A_974 : i32
        %get3A_1486 = arith.index_cast %add3A_1485 : i32 to index
        %get3A_1487 = arith.constant 112 : index
        %get3A_1488 = tpu.vector_load %arg12[%get3A_1486, %get3A_1487] {strides = array<i32>} : memref<320x128xf32, #tpu.memory_space<vmem>>, vector<1x16xf32>,
        %get3A_1489 = vector.shape_cast %get3A_1488 : vector<1x16xf32> to vector<16xf32>
        %add3A_1490 = arith.addf %get3A_1483, %get3A_1489 : vector<16xf32>
        %add3A_1491 = arith.constant 64 : i32
        %add3A_1492 = arith.addi %add3A_1491, %scan3A_974 : i32
        %get3A_1493 = arith.index_cast %add3A_1492 : i32 to index
        %get3A_1494 = arith.constant 112 : index
        %get3A_1495 = tpu.vector_load %arg12[%get3A_1493, %get3A_1494] {strides = array<i32>} : memref<320x128xf32, #tpu.memory_space<vmem>>, vector<1x16xf32>,
        %get3A_1496 = vector.shape_cast %get3A_1495 : vector<1x16xf32> to vector<16xf32>
        %add3A_1497 = arith.addf %add3A_1490, %get3A_1496 : vector<16xf32>
        %add3A_1498 = arith.constant 96 : i32
        %add3A_1499 = arith.addi %add3A_1498, %scan3A_974 : i32
        %get3A_1500 = arith.index_cast %add3A_1499 : i32 to index
        %get3A_1501 = arith.constant 112 : index
        %get3A_1502 = tpu.vector_load %arg12[%get3A_1500, %get3A_1501] {strides = array<i32>} : memref<320x128xf32, #tpu.memory_space<vmem>>, vector<1x16xf32>,
        %get3A_1503 = vector.shape_cast %get3A_1502 : vector<1x16xf32> to vector<16xf32>
        %add3A_1504 = arith.addf %add3A_1497, %get3A_1503 : vector<16xf32>
        %add3A_1505 = arith.constant 128 : i32
        %add3A_1506 = arith.addi %add3A_1505, %scan3A_974 : i32
        %get3A_1507 = arith.index_cast %add3A_1506 : i32 to index
        %get3A_1508 = arith.constant 112 : index
        %get3A_1509 = tpu.vector_load %arg12[%get3A_1507, %get3A_1508] {strides = array<i32>} : memref<320x128xf32, #tpu.memory_space<vmem>>, vector<1x16xf32>,
        %get3A_1510 = vector.shape_cast %get3A_1509 : vector<1x16xf32> to vector<16xf32>
        %add3A_1511 = arith.addf %add3A_1504, %get3A_1510 : vector<16xf32>
        %add3A_1512 = arith.constant 160 : i32
        %add3A_1513 = arith.addi %add3A_1512, %scan3A_974 : i32
        %get3A_1514 = arith.index_cast %add3A_1513 : i32 to index
        %get3A_1515 = arith.constant 112 : index
        %get3A_1516 = tpu.vector_load %arg12[%get3A_1514, %get3A_1515] {strides = array<i32>} : memref<320x128xf32, #tpu.memory_space<vmem>>, vector<1x16xf32>,
        %get3A_1517 = vector.shape_cast %get3A_1516 : vector<1x16xf32> to vector<16xf32>
        %add3A_1518 = arith.addf %add3A_1511, %get3A_1517 : vector<16xf32>
        %add3A_1519 = arith.constant 192 : i32
        %add3A_1520 = arith.addi %add3A_1519, %scan3A_974 : i32
        %get3A_1521 = arith.index_cast %add3A_1520 : i32 to index
        %get3A_1522 = arith.constant 112 : index
        %get3A_1523 = tpu.vector_load %arg12[%get3A_1521, %get3A_1522] {strides = array<i32>} : memref<320x128xf32, #tpu.memory_space<vmem>>, vector<1x16xf32>,
        %get3A_1524 = vector.shape_cast %get3A_1523 : vector<1x16xf32> to vector<16xf32>
        %add3A_1525 = arith.addf %add3A_1518, %get3A_1524 : vector<16xf32>
        %add3A_1526 = arith.constant 224 : i32
        %add3A_1527 = arith.addi %add3A_1526, %scan3A_974 : i32
        %get3A_1528 = arith.index_cast %add3A_1527 : i32 to index
        %get3A_1529 = arith.constant 112 : index
        %get3A_1530 = tpu.vector_load %arg12[%get3A_1528, %get3A_1529] {strides = array<i32>} : memref<320x128xf32, #tpu.memory_space<vmem>>, vector<1x16xf32>,
        %get3A_1531 = vector.shape_cast %get3A_1530 : vector<1x16xf32> to vector<16xf32>
        %add3A_1532 = arith.addf %add3A_1525, %get3A_1531 : vector<16xf32>
        %add3A_1533 = arith.constant 256 : i32
        %add3A_1534 = arith.addi %add3A_1533, %scan3A_974 : i32
        %get3A_1535 = arith.index_cast %add3A_1534 : i32 to index
        %get3A_1536 = arith.constant 112 : index
        %get3A_1537 = tpu.vector_load %arg12[%get3A_1535, %get3A_1536] {strides = array<i32>} : memref<320x128xf32, #tpu.memory_space<vmem>>, vector<1x16xf32>,
        %get3A_1538 = vector.shape_cast %get3A_1537 : vector<1x16xf32> to vector<16xf32>
        %add3A_1539 = arith.addf %add3A_1532, %get3A_1538 : vector<16xf32>
        %add3A_1540 = arith.constant 288 : i32
        %add3A_1541 = arith.addi %add3A_1540, %scan3A_974 : i32
        %get3A_1542 = arith.index_cast %add3A_1541 : i32 to index
        %get3A_1543 = arith.constant 112 : index
        %get3A_1544 = tpu.vector_load %arg12[%get3A_1542, %get3A_1543] {strides = array<i32>} : memref<320x128xf32, #tpu.memory_space<vmem>>, vector<1x16xf32>,
        %get3A_1545 = vector.shape_cast %get3A_1544 : vector<1x16xf32> to vector<16xf32>
        %add3A_1546 = arith.addf %add3A_1539, %get3A_1545 : vector<16xf32>
        %swap3A_1547 = arith.index_cast %scan3A_974 : i32 to index
        %swap3A_1548 = arith.constant 112 : index
        %swap3A_1549 = tpu.vector_load %arg16[%swap3A_1547, %swap3A_1548] {strides = array<i32>} : memref<32x128xf32, #tpu.memory_space<vmem>>, vector<1x16xf32>,
        %swap3A_1550 = vector.shape_cast %swap3A_1549 : vector<1x16xf32> to vector<16xf32>
        %swap3A_1551 = vector.shape_cast %add3A_1546 : vector<16xf32> to vector<1x16xf32>
        tpu.vector_store %arg16[%swap3A_1547, %swap3A_1548], %swap3A_1551 {strides = array<i32>} : memref<32x128xf32, #tpu.memory_space<vmem>>, vector<1x16xf32>,
        %scan3A_1552 = arith.constant 0 : i32
        scf.yield %scan3A_1552 : i32
      }
      %scan3A_959 = arith.constant 32 : i32
      %add3A_960 = arith.constant 1 : i32
      %add3A_961 = arith.addi %mul3A_354, %add3A_960 : i32
      %mul3A_962 = arith.constant 32 : i32
      %mul3A_963 = arith.muli %add3A_961, %mul3A_962 : i32
      %add3A_964 = arith.addi %min3A_3, %mul3A_963 : i32
      %dma_start3A_965 = arith.constant 0 : i32
      %dma_start3A_966 = tpu.memref_slice %arg5[%add3A_964, %dma_start3A_965] : memref<50000x128xf32, #tpu.memory_space<hbm>> -> memref<32x128xf32, #tpu.memory_space<hbm>>
      %dma_start3A_967 = arith.constant 0 : i32
      %dma_start3A_968 = tpu.memref_slice %arg5[%add3A_964, %dma_start3A_967] : memref<50000x128xf32, #tpu.memory_space<hbm>> -> memref<32x128xf32, #tpu.memory_space<hbm>>
      tpu.enqueue_dma source(%arg14 : memref<32x128xf32, #tpu.memory_space<vmem>>) target(%dma_start3A_968 : memref<32x128xf32, #tpu.memory_space<hbm>>) target_semaphore(%arg20 : memref<!tpu.dma_semaphore, #tpu.memory_space<semaphore_mem>>)
      %dma_start3A_969 = arith.constant 0 : i32
      %dma_start3A_970 = tpu.memref_slice %arg6[%add3A_964, %dma_start3A_969] : memref<50000x128xf32, #tpu.memory_space<hbm>> -> memref<32x128xf32, #tpu.memory_space<hbm>>
      %dma_start3A_971 = arith.constant 0 : i32
      %dma_start3A_972 = tpu.memref_slice %arg6[%add3A_964, %dma_start3A_971] : memref<50000x128xf32, #tpu.memory_space<hbm>> -> memref<32x128xf32, #tpu.memory_space<hbm>>
      tpu.enqueue_dma source(%arg16 : memref<32x128xf32, #tpu.memory_space<vmem>>) target(%dma_start3A_972 : memref<32x128xf32, #tpu.memory_space<hbm>>) target_semaphore(%arg20 : memref<!tpu.dma_semaphore, #tpu.memory_space<semaphore_mem>>)
      %scan3A_973 = arith.constant 0 : i32
      scf.yield %scan3A_973 : i32
    }
    %scan3A_297 = arith.constant 24 : i32
    %dma_wait3A_298 = arith.constant 0 : i32
    %dma_wait3A_299 = arith.constant 0 : i32
    %dma_wait3A_300 = tpu.memref_slice %arg5[%dma_wait3A_298, %dma_wait3A_299] : memref<50000x128xf32, #tpu.memory_space<hbm>> -> memref<32x128xf32, #tpu.memory_space<hbm>>
    %dma_wait3A_301 = arith.constant 0 : i32
    %dma_wait3A_302 = arith.constant 0 : i32
    %dma_wait3A_303 = tpu.memref_slice %arg5[%dma_wait3A_301, %dma_wait3A_302] : memref<50000x128xf32, #tpu.memory_space<hbm>> -> memref<32x128xf32, #tpu.memory_space<hbm>>
    tpu.wait_dma2 semaphore(%arg20 : memref<!tpu.dma_semaphore, #tpu.memory_space<semaphore_mem>>) src(%arg14 : memref<32x128xf32, #tpu.memory_space<vmem>>) dst(%dma_wait3A_303 : memref<32x128xf32, #tpu.memory_space<hbm>>)
    %dma_wait3A_304 = arith.constant 0 : i32
    %dma_wait3A_305 = arith.constant 0 : i32
    %dma_wait3A_306 = tpu.memref_slice %arg6[%dma_wait3A_304, %dma_wait3A_305] : memref<50000x128xf32, #tpu.memory_space<hbm>> -> memref<32x128xf32, #tpu.memory_space<hbm>>
    %dma_wait3A_307 = arith.constant 0 : i32
    %dma_wait3A_308 = arith.constant 0 : i32
    %dma_wait3A_309 = tpu.memref_slice %arg6[%dma_wait3A_307, %dma_wait3A_308] : memref<50000x128xf32, #tpu.memory_space<hbm>> -> memref<32x128xf32, #tpu.memory_space<hbm>>
    tpu.wait_dma2 semaphore(%arg20 : memref<!tpu.dma_semaphore, #tpu.memory_space<semaphore_mem>>) src(%arg16 : memref<32x128xf32, #tpu.memory_space<vmem>>) dst(%dma_wait3A_309 : memref<32x128xf32, #tpu.memory_space<hbm>>)
    %dma_wait3A_310 = arith.constant 0 : i32
    %dma_wait3A_311 = arith.constant 0 : i32
    %dma_wait3A_312 = tpu.memref_slice %arg4[%dma_wait3A_310, %dma_wait3A_311] : memref<50000x128xf32, #tpu.memory_space<hbm>> -> memref<320x128xf32, #tpu.memory_space<hbm>>
    %dma_wait3A_313 = arith.constant 0 : i32
    %dma_wait3A_314 = arith.constant 0 : i32
    %dma_wait3A_315 = tpu.memref_slice %arg4[%dma_wait3A_313, %dma_wait3A_314] : memref<50000x128xf32, #tpu.memory_space<hbm>> -> memref<320x128xf32, #tpu.memory_space<hbm>>
    tpu.wait_dma2 semaphore(%arg17 : memref<!tpu.dma_semaphore, #tpu.memory_space<semaphore_mem>>) src(%dma_wait3A_315 : memref<320x128xf32, #tpu.memory_space<hbm>>) dst(%arg11 : memref<320x128xf32, #tpu.memory_space<vmem>>)
    %dma_wait3A_316 = arith.constant 0 : i32
    %dma_wait3A_317 = arith.constant 0 : i32
    %dma_wait3A_318 = tpu.memref_slice %arg4[%dma_wait3A_316, %dma_wait3A_317] : memref<50000x128xf32, #tpu.memory_space<hbm>> -> memref<32x128xf32, #tpu.memory_space<hbm>>
    %dma_wait3A_319 = arith.constant 0 : i32
    %dma_wait3A_320 = arith.constant 0 : i32
    %dma_wait3A_321 = tpu.memref_slice %arg4[%dma_wait3A_319, %dma_wait3A_320] : memref<50000x128xf32, #tpu.memory_space<hbm>> -> memref<32x128xf32, #tpu.memory_space<hbm>>
    tpu.wait_dma2 semaphore(%arg17 : memref<!tpu.dma_semaphore, #tpu.memory_space<semaphore_mem>>) src(%dma_wait3A_321 : memref<32x128xf32, #tpu.memory_space<hbm>>) dst(%arg13 : memref<32x128xf32, #tpu.memory_space<vmem>>)
    %scan3A_322 = arith.constant 0 : i32
    %scan3A_323 = arith.constant 0 : i32
    %scan3A_324 = arith.constant 32 : i32
    %scan3A_325 = arith.addi %scan3A_323, %scan3A_324 : i32
    %scan3A_326 = arith.constant 1 : i32
    %scan3A_327 = scf.for %scan3A_351 = %scan3A_323 to %scan3A_325 step %scan3A_326 iter_args(%scan3A_352 = %scan3A_322) -> (i32)  : i32 {
      %get3A_353 = arith.index_cast %scan3A_351 : i32 to index
      %get3A_354 = arith.constant 0 : index
      %get3A_355 = tpu.vector_load %arg11[%get3A_353, %get3A_354] {strides = array<i32>} : memref<320x128xf32, #tpu.memory_space<vmem>>, vector<1x16xf32>,
      %get3A_356 = vector.shape_cast %get3A_355 : vector<1x16xf32> to vector<16xf32>
      %add3A_357 = arith.constant 32 : i32
      %add3A_358 = arith.addi %add3A_357, %scan3A_351 : i32
      %get3A_359 = arith.index_cast %add3A_358 : i32 to index
      %get3A_360 = arith.constant 0 : index
      %get3A_361 = tpu.vector_load %arg11[%get3A_359, %get3A_360] {strides = array<i32>} : memref<320x128xf32, #tpu.memory_space<vmem>>, vector<1x16xf32>,
      %get3A_362 = vector.shape_cast %get3A_361 : vector<1x16xf32> to vector<16xf32>
      %add3A_363 = arith.addf %get3A_356, %get3A_362 : vector<16xf32>
      %add3A_364 = arith.constant 64 : i32
      %add3A_365 = arith.addi %add3A_364, %scan3A_351 : i32
      %get3A_366 = arith.index_cast %add3A_365 : i32 to index
      %get3A_367 = arith.constant 0 : index
      %get3A_368 = tpu.vector_load %arg11[%get3A_366, %get3A_367] {strides = array<i32>} : memref<320x128xf32, #tpu.memory_space<vmem>>, vector<1x16xf32>,
      %get3A_369 = vector.shape_cast %get3A_368 : vector<1x16xf32> to vector<16xf32>
      %add3A_370 = arith.addf %add3A_363, %get3A_369 : vector<16xf32>
      %add3A_371 = arith.constant 96 : i32
      %add3A_372 = arith.addi %add3A_371, %scan3A_351 : i32
      %get3A_373 = arith.index_cast %add3A_372 : i32 to index
      %get3A_374 = arith.constant 0 : index
      %get3A_375 = tpu.vector_load %arg11[%get3A_373, %get3A_374] {strides = array<i32>} : memref<320x128xf32, #tpu.memory_space<vmem>>, vector<1x16xf32>,
      %get3A_376 = vector.shape_cast %get3A_375 : vector<1x16xf32> to vector<16xf32>
      %add3A_377 = arith.addf %add3A_370, %get3A_376 : vector<16xf32>
      %add3A_378 = arith.constant 128 : i32
      %add3A_379 = arith.addi %add3A_378, %scan3A_351 : i32
      %get3A_380 = arith.index_cast %add3A_379 : i32 to index
      %get3A_381 = arith.constant 0 : index
      %get3A_382 = tpu.vector_load %arg11[%get3A_380, %get3A_381] {strides = array<i32>} : memref<320x128xf32, #tpu.memory_space<vmem>>, vector<1x16xf32>,
      %get3A_383 = vector.shape_cast %get3A_382 : vector<1x16xf32> to vector<16xf32>
      %add3A_384 = arith.addf %add3A_377, %get3A_383 : vector<16xf32>
      %add3A_385 = arith.constant 160 : i32
      %add3A_386 = arith.addi %add3A_385, %scan3A_351 : i32
      %get3A_387 = arith.index_cast %add3A_386 : i32 to index
      %get3A_388 = arith.constant 0 : index
      %get3A_389 = tpu.vector_load %arg11[%get3A_387, %get3A_388] {strides = array<i32>} : memref<320x128xf32, #tpu.memory_space<vmem>>, vector<1x16xf32>,
      %get3A_390 = vector.shape_cast %get3A_389 : vector<1x16xf32> to vector<16xf32>
      %add3A_391 = arith.addf %add3A_384, %get3A_390 : vector<16xf32>
      %add3A_392 = arith.constant 192 : i32
      %add3A_393 = arith.addi %add3A_392, %scan3A_351 : i32
      %get3A_394 = arith.index_cast %add3A_393 : i32 to index
      %get3A_395 = arith.constant 0 : index
      %get3A_396 = tpu.vector_load %arg11[%get3A_394, %get3A_395] {strides = array<i32>} : memref<320x128xf32, #tpu.memory_space<vmem>>, vector<1x16xf32>,
      %get3A_397 = vector.shape_cast %get3A_396 : vector<1x16xf32> to vector<16xf32>
      %add3A_398 = arith.addf %add3A_391, %get3A_397 : vector<16xf32>
      %add3A_399 = arith.constant 224 : i32
      %add3A_400 = arith.addi %add3A_399, %scan3A_351 : i32
      %get3A_401 = arith.index_cast %add3A_400 : i32 to index
      %get3A_402 = arith.constant 0 : index
      %get3A_403 = tpu.vector_load %arg11[%get3A_401, %get3A_402] {strides = array<i32>} : memref<320x128xf32, #tpu.memory_space<vmem>>, vector<1x16xf32>,
      %get3A_404 = vector.shape_cast %get3A_403 : vector<1x16xf32> to vector<16xf32>
      %add3A_405 = arith.addf %add3A_398, %get3A_404 : vector<16xf32>
      %add3A_406 = arith.constant 256 : i32
      %add3A_407 = arith.addi %add3A_406, %scan3A_351 : i32
      %get3A_408 = arith.index_cast %add3A_407 : i32 to index
      %get3A_409 = arith.constant 0 : index
      %get3A_410 = tpu.vector_load %arg11[%get3A_408, %get3A_409] {strides = array<i32>} : memref<320x128xf32, #tpu.memory_space<vmem>>, vector<1x16xf32>,
      %get3A_411 = vector.shape_cast %get3A_410 : vector<1x16xf32> to vector<16xf32>
      %add3A_412 = arith.addf %add3A_405, %get3A_411 : vector<16xf32>
      %add3A_413 = arith.constant 288 : i32
      %add3A_414 = arith.addi %add3A_413, %scan3A_351 : i32
      %get3A_415 = arith.index_cast %add3A_414 : i32 to index
      %get3A_416 = arith.constant 0 : index
      %get3A_417 = tpu.vector_load %arg11[%get3A_415, %get3A_416] {strides = array<i32>} : memref<320x128xf32, #tpu.memory_space<vmem>>, vector<1x16xf32>,
      %get3A_418 = vector.shape_cast %get3A_417 : vector<1x16xf32> to vector<16xf32>
      %add3A_419 = arith.addf %add3A_412, %get3A_418 : vector<16xf32>
      %swap3A_420 = arith.index_cast %scan3A_351 : i32 to index
      %swap3A_421 = arith.constant 0 : index
      %swap3A_422 = tpu.vector_load %arg15[%swap3A_420, %swap3A_421] {strides = array<i32>} : memref<32x128xf32, #tpu.memory_space<vmem>>, vector<1x16xf32>,
      %swap3A_423 = vector.shape_cast %swap3A_422 : vector<1x16xf32> to vector<16xf32>
      %swap3A_424 = vector.shape_cast %add3A_419 : vector<16xf32> to vector<1x16xf32>
      tpu.vector_store %arg15[%swap3A_420, %swap3A_421], %swap3A_424 {strides = array<i32>} : memref<32x128xf32, #tpu.memory_space<vmem>>, vector<1x16xf32>,
      %get3A_425 = arith.index_cast %scan3A_351 : i32 to index
      %get3A_426 = arith.constant 16 : index
      %get3A_427 = tpu.vector_load %arg11[%get3A_425, %get3A_426] {strides = array<i32>} : memref<320x128xf32, #tpu.memory_space<vmem>>, vector<1x16xf32>,
      %get3A_428 = vector.shape_cast %get3A_427 : vector<1x16xf32> to vector<16xf32>
      %add3A_429 = arith.constant 32 : i32
      %add3A_430 = arith.addi %add3A_429, %scan3A_351 : i32
      %get3A_431 = arith.index_cast %add3A_430 : i32 to index
      %get3A_432 = arith.constant 16 : index
      %get3A_433 = tpu.vector_load %arg11[%get3A_431, %get3A_432] {strides = array<i32>} : memref<320x128xf32, #tpu.memory_space<vmem>>, vector<1x16xf32>,
      %get3A_434 = vector.shape_cast %get3A_433 : vector<1x16xf32> to vector<16xf32>
      %add3A_435 = arith.addf %get3A_428, %get3A_434 : vector<16xf32>
      %add3A_436 = arith.constant 64 : i32
      %add3A_437 = arith.addi %add3A_436, %scan3A_351 : i32
      %get3A_438 = arith.index_cast %add3A_437 : i32 to index
      %get3A_439 = arith.constant 16 : index
      %get3A_440 = tpu.vector_load %arg11[%get3A_438, %get3A_439] {strides = array<i32>} : memref<320x128xf32, #tpu.memory_space<vmem>>, vector<1x16xf32>,
      %get3A_441 = vector.shape_cast %get3A_440 : vector<1x16xf32> to vector<16xf32>
      %add3A_442 = arith.addf %add3A_435, %get3A_441 : vector<16xf32>
      %add3A_443 = arith.constant 96 : i32
      %add3A_444 = arith.addi %add3A_443, %scan3A_351 : i32
      %get3A_445 = arith.index_cast %add3A_444 : i32 to index
      %get3A_446 = arith.constant 16 : index
      %get3A_447 = tpu.vector_load %arg11[%get3A_445, %get3A_446] {strides = array<i32>} : memref<320x128xf32, #tpu.memory_space<vmem>>, vector<1x16xf32>,
      %get3A_448 = vector.shape_cast %get3A_447 : vector<1x16xf32> to vector<16xf32>
      %add3A_449 = arith.addf %add3A_442, %get3A_448 : vector<16xf32>
      %add3A_450 = arith.constant 128 : i32
      %add3A_451 = arith.addi %add3A_450, %scan3A_351 : i32
      %get3A_452 = arith.index_cast %add3A_451 : i32 to index
      %get3A_453 = arith.constant 16 : index
      %get3A_454 = tpu.vector_load %arg11[%get3A_452, %get3A_453] {strides = array<i32>} : memref<320x128xf32, #tpu.memory_space<vmem>>, vector<1x16xf32>,
      %get3A_455 = vector.shape_cast %get3A_454 : vector<1x16xf32> to vector<16xf32>
      %add3A_456 = arith.addf %add3A_449, %get3A_455 : vector<16xf32>
      %add3A_457 = arith.constant 160 : i32
      %add3A_458 = arith.addi %add3A_457, %scan3A_351 : i32
      %get3A_459 = arith.index_cast %add3A_458 : i32 to index
      %get3A_460 = arith.constant 16 : index
      %get3A_461 = tpu.vector_load %arg11[%get3A_459, %get3A_460] {strides = array<i32>} : memref<320x128xf32, #tpu.memory_space<vmem>>, vector<1x16xf32>,
      %get3A_462 = vector.shape_cast %get3A_461 : vector<1x16xf32> to vector<16xf32>
      %add3A_463 = arith.addf %add3A_456, %get3A_462 : vector<16xf32>
      %add3A_464 = arith.constant 192 : i32
      %add3A_465 = arith.addi %add3A_464, %scan3A_351 : i32
      %get3A_466 = arith.index_cast %add3A_465 : i32 to index
      %get3A_467 = arith.constant 16 : index
      %get3A_468 = tpu.vector_load %arg11[%get3A_466, %get3A_467] {strides = array<i32>} : memref<320x128xf32, #tpu.memory_space<vmem>>, vector<1x16xf32>,
      %get3A_469 = vector.shape_cast %get3A_468 : vector<1x16xf32> to vector<16xf32>
      %add3A_470 = arith.addf %add3A_463, %get3A_469 : vector<16xf32>
      %add3A_471 = arith.constant 224 : i32
      %add3A_472 = arith.addi %add3A_471, %scan3A_351 : i32
      %get3A_473 = arith.index_cast %add3A_472 : i32 to index
      %get3A_474 = arith.constant 16 : index
      %get3A_475 = tpu.vector_load %arg11[%get3A_473, %get3A_474] {strides = array<i32>} : memref<320x128xf32, #tpu.memory_space<vmem>>, vector<1x16xf32>,
      %get3A_476 = vector.shape_cast %get3A_475 : vector<1x16xf32> to vector<16xf32>
      %add3A_477 = arith.addf %add3A_470, %get3A_476 : vector<16xf32>
      %add3A_478 = arith.constant 256 : i32
      %add3A_479 = arith.addi %add3A_478, %scan3A_351 : i32
      %get3A_480 = arith.index_cast %add3A_479 : i32 to index
      %get3A_481 = arith.constant 16 : index
      %get3A_482 = tpu.vector_load %arg11[%get3A_480, %get3A_481] {strides = array<i32>} : memref<320x128xf32, #tpu.memory_space<vmem>>, vector<1x16xf32>,
      %get3A_483 = vector.shape_cast %get3A_482 : vector<1x16xf32> to vector<16xf32>
      %add3A_484 = arith.addf %add3A_477, %get3A_483 : vector<16xf32>
      %add3A_485 = arith.constant 288 : i32
      %add3A_486 = arith.addi %add3A_485, %scan3A_351 : i32
      %get3A_487 = arith.index_cast %add3A_486 : i32 to index
      %get3A_488 = arith.constant 16 : index
      %get3A_489 = tpu.vector_load %arg11[%get3A_487, %get3A_488] {strides = array<i32>} : memref<320x128xf32, #tpu.memory_space<vmem>>, vector<1x16xf32>,
      %get3A_490 = vector.shape_cast %get3A_489 : vector<1x16xf32> to vector<16xf32>
      %add3A_491 = arith.addf %add3A_484, %get3A_490 : vector<16xf32>
      %swap3A_492 = arith.index_cast %scan3A_351 : i32 to index
      %swap3A_493 = arith.constant 16 : index
      %swap3A_494 = tpu.vector_load %arg15[%swap3A_492, %swap3A_493] {strides = array<i32>} : memref<32x128xf32, #tpu.memory_space<vmem>>, vector<1x16xf32>,
      %swap3A_495 = vector.shape_cast %swap3A_494 : vector<1x16xf32> to vector<16xf32>
      %swap3A_496 = vector.shape_cast %add3A_491 : vector<16xf32> to vector<1x16xf32>
      tpu.vector_store %arg15[%swap3A_492, %swap3A_493], %swap3A_496 {strides = array<i32>} : memref<32x128xf32, #tpu.memory_space<vmem>>, vector<1x16xf32>,
      %get3A_497 = arith.index_cast %scan3A_351 : i32 to index
      %get3A_498 = arith.constant 32 : index
      %get3A_499 = tpu.vector_load %arg11[%get3A_497, %get3A_498] {strides = array<i32>} : memref<320x128xf32, #tpu.memory_space<vmem>>, vector<1x16xf32>,
      %get3A_500 = vector.shape_cast %get3A_499 : vector<1x16xf32> to vector<16xf32>
      %add3A_501 = arith.constant 32 : i32
      %add3A_502 = arith.addi %add3A_501, %scan3A_351 : i32
      %get3A_503 = arith.index_cast %add3A_502 : i32 to index
      %get3A_504 = arith.constant 32 : index
      %get3A_505 = tpu.vector_load %arg11[%get3A_503, %get3A_504] {strides = array<i32>} : memref<320x128xf32, #tpu.memory_space<vmem>>, vector<1x16xf32>,
      %get3A_506 = vector.shape_cast %get3A_505 : vector<1x16xf32> to vector<16xf32>
      %add3A_507 = arith.addf %get3A_500, %get3A_506 : vector<16xf32>
      %add3A_508 = arith.constant 64 : i32
      %add3A_509 = arith.addi %add3A_508, %scan3A_351 : i32
      %get3A_510 = arith.index_cast %add3A_509 : i32 to index
      %get3A_511 = arith.constant 32 : index
      %get3A_512 = tpu.vector_load %arg11[%get3A_510, %get3A_511] {strides = array<i32>} : memref<320x128xf32, #tpu.memory_space<vmem>>, vector<1x16xf32>,
      %get3A_513 = vector.shape_cast %get3A_512 : vector<1x16xf32> to vector<16xf32>
      %add3A_514 = arith.addf %add3A_507, %get3A_513 : vector<16xf32>
      %add3A_515 = arith.constant 96 : i32
      %add3A_516 = arith.addi %add3A_515, %scan3A_351 : i32
      %get3A_517 = arith.index_cast %add3A_516 : i32 to index
      %get3A_518 = arith.constant 32 : index
      %get3A_519 = tpu.vector_load %arg11[%get3A_517, %get3A_518] {strides = array<i32>} : memref<320x128xf32, #tpu.memory_space<vmem>>, vector<1x16xf32>,
      %get3A_520 = vector.shape_cast %get3A_519 : vector<1x16xf32> to vector<16xf32>
      %add3A_521 = arith.addf %add3A_514, %get3A_520 : vector<16xf32>
      %add3A_522 = arith.constant 128 : i32
      %add3A_523 = arith.addi %add3A_522, %scan3A_351 : i32
      %get3A_524 = arith.index_cast %add3A_523 : i32 to index
      %get3A_525 = arith.constant 32 : index
      %get3A_526 = tpu.vector_load %arg11[%get3A_524, %get3A_525] {strides = array<i32>} : memref<320x128xf32, #tpu.memory_space<vmem>>, vector<1x16xf32>,
      %get3A_527 = vector.shape_cast %get3A_526 : vector<1x16xf32> to vector<16xf32>
      %add3A_528 = arith.addf %add3A_521, %get3A_527 : vector<16xf32>
      %add3A_529 = arith.constant 160 : i32
      %add3A_530 = arith.addi %add3A_529, %scan3A_351 : i32
      %get3A_531 = arith.index_cast %add3A_530 : i32 to index
      %get3A_532 = arith.constant 32 : index
      %get3A_533 = tpu.vector_load %arg11[%get3A_531, %get3A_532] {strides = array<i32>} : memref<320x128xf32, #tpu.memory_space<vmem>>, vector<1x16xf32>,
      %get3A_534 = vector.shape_cast %get3A_533 : vector<1x16xf32> to vector<16xf32>
      %add3A_535 = arith.addf %add3A_528, %get3A_534 : vector<16xf32>
      %add3A_536 = arith.constant 192 : i32
      %add3A_537 = arith.addi %add3A_536, %scan3A_351 : i32
      %get3A_538 = arith.index_cast %add3A_537 : i32 to index
      %get3A_539 = arith.constant 32 : index
      %get3A_540 = tpu.vector_load %arg11[%get3A_538, %get3A_539] {strides = array<i32>} : memref<320x128xf32, #tpu.memory_space<vmem>>, vector<1x16xf32>,
      %get3A_541 = vector.shape_cast %get3A_540 : vector<1x16xf32> to vector<16xf32>
      %add3A_542 = arith.addf %add3A_535, %get3A_541 : vector<16xf32>
      %add3A_543 = arith.constant 224 : i32
      %add3A_544 = arith.addi %add3A_543, %scan3A_351 : i32
      %get3A_545 = arith.index_cast %add3A_544 : i32 to index
      %get3A_546 = arith.constant 32 : index
      %get3A_547 = tpu.vector_load %arg11[%get3A_545, %get3A_546] {strides = array<i32>} : memref<320x128xf32, #tpu.memory_space<vmem>>, vector<1x16xf32>,
      %get3A_548 = vector.shape_cast %get3A_547 : vector<1x16xf32> to vector<16xf32>
      %add3A_549 = arith.addf %add3A_542, %get3A_548 : vector<16xf32>
      %add3A_550 = arith.constant 256 : i32
      %add3A_551 = arith.addi %add3A_550, %scan3A_351 : i32
      %get3A_552 = arith.index_cast %add3A_551 : i32 to index
      %get3A_553 = arith.constant 32 : index
      %get3A_554 = tpu.vector_load %arg11[%get3A_552, %get3A_553] {strides = array<i32>} : memref<320x128xf32, #tpu.memory_space<vmem>>, vector<1x16xf32>,
      %get3A_555 = vector.shape_cast %get3A_554 : vector<1x16xf32> to vector<16xf32>
      %add3A_556 = arith.addf %add3A_549, %get3A_555 : vector<16xf32>
      %add3A_557 = arith.constant 288 : i32
      %add3A_558 = arith.addi %add3A_557, %scan3A_351 : i32
      %get3A_559 = arith.index_cast %add3A_558 : i32 to index
      %get3A_560 = arith.constant 32 : index
      %get3A_561 = tpu.vector_load %arg11[%get3A_559, %get3A_560] {strides = array<i32>} : memref<320x128xf32, #tpu.memory_space<vmem>>, vector<1x16xf32>,
      %get3A_562 = vector.shape_cast %get3A_561 : vector<1x16xf32> to vector<16xf32>
      %add3A_563 = arith.addf %add3A_556, %get3A_562 : vector<16xf32>
      %swap3A_564 = arith.index_cast %scan3A_351 : i32 to index
      %swap3A_565 = arith.constant 32 : index
      %swap3A_566 = tpu.vector_load %arg15[%swap3A_564, %swap3A_565] {strides = array<i32>} : memref<32x128xf32, #tpu.memory_space<vmem>>, vector<1x16xf32>,
      %swap3A_567 = vector.shape_cast %swap3A_566 : vector<1x16xf32> to vector<16xf32>
      %swap3A_568 = vector.shape_cast %add3A_563 : vector<16xf32> to vector<1x16xf32>
      tpu.vector_store %arg15[%swap3A_564, %swap3A_565], %swap3A_568 {strides = array<i32>} : memref<32x128xf32, #tpu.memory_space<vmem>>, vector<1x16xf32>,
      %get3A_569 = arith.index_cast %scan3A_351 : i32 to index
      %get3A_570 = arith.constant 48 : index
      %get3A_571 = tpu.vector_load %arg11[%get3A_569, %get3A_570] {strides = array<i32>} : memref<320x128xf32, #tpu.memory_space<vmem>>, vector<1x16xf32>,
      %get3A_572 = vector.shape_cast %get3A_571 : vector<1x16xf32> to vector<16xf32>
      %add3A_573 = arith.constant 32 : i32
      %add3A_574 = arith.addi %add3A_573, %scan3A_351 : i32
      %get3A_575 = arith.index_cast %add3A_574 : i32 to index
      %get3A_576 = arith.constant 48 : index
      %get3A_577 = tpu.vector_load %arg11[%get3A_575, %get3A_576] {strides = array<i32>} : memref<320x128xf32, #tpu.memory_space<vmem>>, vector<1x16xf32>,
      %get3A_578 = vector.shape_cast %get3A_577 : vector<1x16xf32> to vector<16xf32>
      %add3A_579 = arith.addf %get3A_572, %get3A_578 : vector<16xf32>
      %add3A_580 = arith.constant 64 : i32
      %add3A_581 = arith.addi %add3A_580, %scan3A_351 : i32
      %get3A_582 = arith.index_cast %add3A_581 : i32 to index
      %get3A_583 = arith.constant 48 : index
      %get3A_584 = tpu.vector_load %arg11[%get3A_582, %get3A_583] {strides = array<i32>} : memref<320x128xf32, #tpu.memory_space<vmem>>, vector<1x16xf32>,
      %get3A_585 = vector.shape_cast %get3A_584 : vector<1x16xf32> to vector<16xf32>
      %add3A_586 = arith.addf %add3A_579, %get3A_585 : vector<16xf32>
      %add3A_587 = arith.constant 96 : i32
      %add3A_588 = arith.addi %add3A_587, %scan3A_351 : i32
      %get3A_589 = arith.index_cast %add3A_588 : i32 to index
      %get3A_590 = arith.constant 48 : index
      %get3A_591 = tpu.vector_load %arg11[%get3A_589, %get3A_590] {strides = array<i32>} : memref<320x128xf32, #tpu.memory_space<vmem>>, vector<1x16xf32>,
      %get3A_592 = vector.shape_cast %get3A_591 : vector<1x16xf32> to vector<16xf32>
      %add3A_593 = arith.addf %add3A_586, %get3A_592 : vector<16xf32>
      %add3A_594 = arith.constant 128 : i32
      %add3A_595 = arith.addi %add3A_594, %scan3A_351 : i32
      %get3A_596 = arith.index_cast %add3A_595 : i32 to index
      %get3A_597 = arith.constant 48 : index
      %get3A_598 = tpu.vector_load %arg11[%get3A_596, %get3A_597] {strides = array<i32>} : memref<320x128xf32, #tpu.memory_space<vmem>>, vector<1x16xf32>,
      %get3A_599 = vector.shape_cast %get3A_598 : vector<1x16xf32> to vector<16xf32>
      %add3A_600 = arith.addf %add3A_593, %get3A_599 : vector<16xf32>
      %add3A_601 = arith.constant 160 : i32
      %add3A_602 = arith.addi %add3A_601, %scan3A_351 : i32
      %get3A_603 = arith.index_cast %add3A_602 : i32 to index
      %get3A_604 = arith.constant 48 : index
      %get3A_605 = tpu.vector_load %arg11[%get3A_603, %get3A_604] {strides = array<i32>} : memref<320x128xf32, #tpu.memory_space<vmem>>, vector<1x16xf32>,
      %get3A_606 = vector.shape_cast %get3A_605 : vector<1x16xf32> to vector<16xf32>
      %add3A_607 = arith.addf %add3A_600, %get3A_606 : vector<16xf32>
      %add3A_608 = arith.constant 192 : i32
      %add3A_609 = arith.addi %add3A_608, %scan3A_351 : i32
      %get3A_610 = arith.index_cast %add3A_609 : i32 to index
      %get3A_611 = arith.constant 48 : index
      %get3A_612 = tpu.vector_load %arg11[%get3A_610, %get3A_611] {strides = array<i32>} : memref<320x128xf32, #tpu.memory_space<vmem>>, vector<1x16xf32>,
      %get3A_613 = vector.shape_cast %get3A_612 : vector<1x16xf32> to vector<16xf32>
      %add3A_614 = arith.addf %add3A_607, %get3A_613 : vector<16xf32>
      %add3A_615 = arith.constant 224 : i32
      %add3A_616 = arith.addi %add3A_615, %scan3A_351 : i32
      %get3A_617 = arith.index_cast %add3A_616 : i32 to index
      %get3A_618 = arith.constant 48 : index
      %get3A_619 = tpu.vector_load %arg11[%get3A_617, %get3A_618] {strides = array<i32>} : memref<320x128xf32, #tpu.memory_space<vmem>>, vector<1x16xf32>,
      %get3A_620 = vector.shape_cast %get3A_619 : vector<1x16xf32> to vector<16xf32>
      %add3A_621 = arith.addf %add3A_614, %get3A_620 : vector<16xf32>
      %add3A_622 = arith.constant 256 : i32
      %add3A_623 = arith.addi %add3A_622, %scan3A_351 : i32
      %get3A_624 = arith.index_cast %add3A_623 : i32 to index
      %get3A_625 = arith.constant 48 : index
      %get3A_626 = tpu.vector_load %arg11[%get3A_624, %get3A_625] {strides = array<i32>} : memref<320x128xf32, #tpu.memory_space<vmem>>, vector<1x16xf32>,
      %get3A_627 = vector.shape_cast %get3A_626 : vector<1x16xf32> to vector<16xf32>
      %add3A_628 = arith.addf %add3A_621, %get3A_627 : vector<16xf32>
      %add3A_629 = arith.constant 288 : i32
      %add3A_630 = arith.addi %add3A_629, %scan3A_351 : i32
      %get3A_631 = arith.index_cast %add3A_630 : i32 to index
      %get3A_632 = arith.constant 48 : index
      %get3A_633 = tpu.vector_load %arg11[%get3A_631, %get3A_632] {strides = array<i32>} : memref<320x128xf32, #tpu.memory_space<vmem>>, vector<1x16xf32>,
      %get3A_634 = vector.shape_cast %get3A_633 : vector<1x16xf32> to vector<16xf32>
      %add3A_635 = arith.addf %add3A_628, %get3A_634 : vector<16xf32>
      %swap3A_636 = arith.index_cast %scan3A_351 : i32 to index
      %swap3A_637 = arith.constant 48 : index
      %swap3A_638 = tpu.vector_load %arg15[%swap3A_636, %swap3A_637] {strides = array<i32>} : memref<32x128xf32, #tpu.memory_space<vmem>>, vector<1x16xf32>,
      %swap3A_639 = vector.shape_cast %swap3A_638 : vector<1x16xf32> to vector<16xf32>
      %swap3A_640 = vector.shape_cast %add3A_635 : vector<16xf32> to vector<1x16xf32>
      tpu.vector_store %arg15[%swap3A_636, %swap3A_637], %swap3A_640 {strides = array<i32>} : memref<32x128xf32, #tpu.memory_space<vmem>>, vector<1x16xf32>,
      %get3A_641 = arith.index_cast %scan3A_351 : i32 to index
      %get3A_642 = arith.constant 64 : index
      %get3A_643 = tpu.vector_load %arg11[%get3A_641, %get3A_642] {strides = array<i32>} : memref<320x128xf32, #tpu.memory_space<vmem>>, vector<1x16xf32>,
      %get3A_644 = vector.shape_cast %get3A_643 : vector<1x16xf32> to vector<16xf32>
      %add3A_645 = arith.constant 32 : i32
      %add3A_646 = arith.addi %add3A_645, %scan3A_351 : i32
      %get3A_647 = arith.index_cast %add3A_646 : i32 to index
      %get3A_648 = arith.constant 64 : index
      %get3A_649 = tpu.vector_load %arg11[%get3A_647, %get3A_648] {strides = array<i32>} : memref<320x128xf32, #tpu.memory_space<vmem>>, vector<1x16xf32>,
      %get3A_650 = vector.shape_cast %get3A_649 : vector<1x16xf32> to vector<16xf32>
      %add3A_651 = arith.addf %get3A_644, %get3A_650 : vector<16xf32>
      %add3A_652 = arith.constant 64 : i32
      %add3A_653 = arith.addi %add3A_652, %scan3A_351 : i32
      %get3A_654 = arith.index_cast %add3A_653 : i32 to index
      %get3A_655 = arith.constant 64 : index
      %get3A_656 = tpu.vector_load %arg11[%get3A_654, %get3A_655] {strides = array<i32>} : memref<320x128xf32, #tpu.memory_space<vmem>>, vector<1x16xf32>,
      %get3A_657 = vector.shape_cast %get3A_656 : vector<1x16xf32> to vector<16xf32>
      %add3A_658 = arith.addf %add3A_651, %get3A_657 : vector<16xf32>
      %add3A_659 = arith.constant 96 : i32
      %add3A_660 = arith.addi %add3A_659, %scan3A_351 : i32
      %get3A_661 = arith.index_cast %add3A_660 : i32 to index
      %get3A_662 = arith.constant 64 : index
      %get3A_663 = tpu.vector_load %arg11[%get3A_661, %get3A_662] {strides = array<i32>} : memref<320x128xf32, #tpu.memory_space<vmem>>, vector<1x16xf32>,
      %get3A_664 = vector.shape_cast %get3A_663 : vector<1x16xf32> to vector<16xf32>
      %add3A_665 = arith.addf %add3A_658, %get3A_664 : vector<16xf32>
      %add3A_666 = arith.constant 128 : i32
      %add3A_667 = arith.addi %add3A_666, %scan3A_351 : i32
      %get3A_668 = arith.index_cast %add3A_667 : i32 to index
      %get3A_669 = arith.constant 64 : index
      %get3A_670 = tpu.vector_load %arg11[%get3A_668, %get3A_669] {strides = array<i32>} : memref<320x128xf32, #tpu.memory_space<vmem>>, vector<1x16xf32>,
      %get3A_671 = vector.shape_cast %get3A_670 : vector<1x16xf32> to vector<16xf32>
      %add3A_672 = arith.addf %add3A_665, %get3A_671 : vector<16xf32>
      %add3A_673 = arith.constant 160 : i32
      %add3A_674 = arith.addi %add3A_673, %scan3A_351 : i32
      %get3A_675 = arith.index_cast %add3A_674 : i32 to index
      %get3A_676 = arith.constant 64 : index
      %get3A_677 = tpu.vector_load %arg11[%get3A_675, %get3A_676] {strides = array<i32>} : memref<320x128xf32, #tpu.memory_space<vmem>>, vector<1x16xf32>,
      %get3A_678 = vector.shape_cast %get3A_677 : vector<1x16xf32> to vector<16xf32>
      %add3A_679 = arith.addf %add3A_672, %get3A_678 : vector<16xf32>
      %add3A_680 = arith.constant 192 : i32
      %add3A_681 = arith.addi %add3A_680, %scan3A_351 : i32
      %get3A_682 = arith.index_cast %add3A_681 : i32 to index
      %get3A_683 = arith.constant 64 : index
      %get3A_684 = tpu.vector_load %arg11[%get3A_682, %get3A_683] {strides = array<i32>} : memref<320x128xf32, #tpu.memory_space<vmem>>, vector<1x16xf32>,
      %get3A_685 = vector.shape_cast %get3A_684 : vector<1x16xf32> to vector<16xf32>
      %add3A_686 = arith.addf %add3A_679, %get3A_685 : vector<16xf32>
      %add3A_687 = arith.constant 224 : i32
      %add3A_688 = arith.addi %add3A_687, %scan3A_351 : i32
      %get3A_689 = arith.index_cast %add3A_688 : i32 to index
      %get3A_690 = arith.constant 64 : index
      %get3A_691 = tpu.vector_load %arg11[%get3A_689, %get3A_690] {strides = array<i32>} : memref<320x128xf32, #tpu.memory_space<vmem>>, vector<1x16xf32>,
      %get3A_692 = vector.shape_cast %get3A_691 : vector<1x16xf32> to vector<16xf32>
      %add3A_693 = arith.addf %add3A_686, %get3A_692 : vector<16xf32>
      %add3A_694 = arith.constant 256 : i32
      %add3A_695 = arith.addi %add3A_694, %scan3A_351 : i32
      %get3A_696 = arith.index_cast %add3A_695 : i32 to index
      %get3A_697 = arith.constant 64 : index
      %get3A_698 = tpu.vector_load %arg11[%get3A_696, %get3A_697] {strides = array<i32>} : memref<320x128xf32, #tpu.memory_space<vmem>>, vector<1x16xf32>,
      %get3A_699 = vector.shape_cast %get3A_698 : vector<1x16xf32> to vector<16xf32>
      %add3A_700 = arith.addf %add3A_693, %get3A_699 : vector<16xf32>
      %add3A_701 = arith.constant 288 : i32
      %add3A_702 = arith.addi %add3A_701, %scan3A_351 : i32
      %get3A_703 = arith.index_cast %add3A_702 : i32 to index
      %get3A_704 = arith.constant 64 : index
      %get3A_705 = tpu.vector_load %arg11[%get3A_703, %get3A_704] {strides = array<i32>} : memref<320x128xf32, #tpu.memory_space<vmem>>, vector<1x16xf32>,
      %get3A_706 = vector.shape_cast %get3A_705 : vector<1x16xf32> to vector<16xf32>
      %add3A_707 = arith.addf %add3A_700, %get3A_706 : vector<16xf32>
      %swap3A_708 = arith.index_cast %scan3A_351 : i32 to index
      %swap3A_709 = arith.constant 64 : index
      %swap3A_710 = tpu.vector_load %arg15[%swap3A_708, %swap3A_709] {strides = array<i32>} : memref<32x128xf32, #tpu.memory_space<vmem>>, vector<1x16xf32>,
      %swap3A_711 = vector.shape_cast %swap3A_710 : vector<1x16xf32> to vector<16xf32>
      %swap3A_712 = vector.shape_cast %add3A_707 : vector<16xf32> to vector<1x16xf32>
      tpu.vector_store %arg15[%swap3A_708, %swap3A_709], %swap3A_712 {strides = array<i32>} : memref<32x128xf32, #tpu.memory_space<vmem>>, vector<1x16xf32>,
      %get3A_713 = arith.index_cast %scan3A_351 : i32 to index
      %get3A_714 = arith.constant 80 : index
      %get3A_715 = tpu.vector_load %arg11[%get3A_713, %get3A_714] {strides = array<i32>} : memref<320x128xf32, #tpu.memory_space<vmem>>, vector<1x16xf32>,
      %get3A_716 = vector.shape_cast %get3A_715 : vector<1x16xf32> to vector<16xf32>
      %add3A_717 = arith.constant 32 : i32
      %add3A_718 = arith.addi %add3A_717, %scan3A_351 : i32
      %get3A_719 = arith.index_cast %add3A_718 : i32 to index
      %get3A_720 = arith.constant 80 : index
      %get3A_721 = tpu.vector_load %arg11[%get3A_719, %get3A_720] {strides = array<i32>} : memref<320x128xf32, #tpu.memory_space<vmem>>, vector<1x16xf32>,
      %get3A_722 = vector.shape_cast %get3A_721 : vector<1x16xf32> to vector<16xf32>
      %add3A_723 = arith.addf %get3A_716, %get3A_722 : vector<16xf32>
      %add3A_724 = arith.constant 64 : i32
      %add3A_725 = arith.addi %add3A_724, %scan3A_351 : i32
      %get3A_726 = arith.index_cast %add3A_725 : i32 to index
      %get3A_727 = arith.constant 80 : index
      %get3A_728 = tpu.vector_load %arg11[%get3A_726, %get3A_727] {strides = array<i32>} : memref<320x128xf32, #tpu.memory_space<vmem>>, vector<1x16xf32>,
      %get3A_729 = vector.shape_cast %get3A_728 : vector<1x16xf32> to vector<16xf32>
      %add3A_730 = arith.addf %add3A_723, %get3A_729 : vector<16xf32>
      %add3A_731 = arith.constant 96 : i32
      %add3A_732 = arith.addi %add3A_731, %scan3A_351 : i32
      %get3A_733 = arith.index_cast %add3A_732 : i32 to index
      %get3A_734 = arith.constant 80 : index
      %get3A_735 = tpu.vector_load %arg11[%get3A_733, %get3A_734] {strides = array<i32>} : memref<320x128xf32, #tpu.memory_space<vmem>>, vector<1x16xf32>,
      %get3A_736 = vector.shape_cast %get3A_735 : vector<1x16xf32> to vector<16xf32>
      %add3A_737 = arith.addf %add3A_730, %get3A_736 : vector<16xf32>
      %add3A_738 = arith.constant 128 : i32
      %add3A_739 = arith.addi %add3A_738, %scan3A_351 : i32
      %get3A_740 = arith.index_cast %add3A_739 : i32 to index
      %get3A_741 = arith.constant 80 : index
      %get3A_742 = tpu.vector_load %arg11[%get3A_740, %get3A_741] {strides = array<i32>} : memref<320x128xf32, #tpu.memory_space<vmem>>, vector<1x16xf32>,
      %get3A_743 = vector.shape_cast %get3A_742 : vector<1x16xf32> to vector<16xf32>
      %add3A_744 = arith.addf %add3A_737, %get3A_743 : vector<16xf32>
      %add3A_745 = arith.constant 160 : i32
      %add3A_746 = arith.addi %add3A_745, %scan3A_351 : i32
      %get3A_747 = arith.index_cast %add3A_746 : i32 to index
      %get3A_748 = arith.constant 80 : index
      %get3A_749 = tpu.vector_load %arg11[%get3A_747, %get3A_748] {strides = array<i32>} : memref<320x128xf32, #tpu.memory_space<vmem>>, vector<1x16xf32>,
      %get3A_750 = vector.shape_cast %get3A_749 : vector<1x16xf32> to vector<16xf32>
      %add3A_751 = arith.addf %add3A_744, %get3A_750 : vector<16xf32>
      %add3A_752 = arith.constant 192 : i32
      %add3A_753 = arith.addi %add3A_752, %scan3A_351 : i32
      %get3A_754 = arith.index_cast %add3A_753 : i32 to index
      %get3A_755 = arith.constant 80 : index
      %get3A_756 = tpu.vector_load %arg11[%get3A_754, %get3A_755] {strides = array<i32>} : memref<320x128xf32, #tpu.memory_space<vmem>>, vector<1x16xf32>,
      %get3A_757 = vector.shape_cast %get3A_756 : vector<1x16xf32> to vector<16xf32>
      %add3A_758 = arith.addf %add3A_751, %get3A_757 : vector<16xf32>
      %add3A_759 = arith.constant 224 : i32
      %add3A_760 = arith.addi %add3A_759, %scan3A_351 : i32
      %get3A_761 = arith.index_cast %add3A_760 : i32 to index
      %get3A_762 = arith.constant 80 : index
      %get3A_763 = tpu.vector_load %arg11[%get3A_761, %get3A_762] {strides = array<i32>} : memref<320x128xf32, #tpu.memory_space<vmem>>, vector<1x16xf32>,
      %get3A_764 = vector.shape_cast %get3A_763 : vector<1x16xf32> to vector<16xf32>
      %add3A_765 = arith.addf %add3A_758, %get3A_764 : vector<16xf32>
      %add3A_766 = arith.constant 256 : i32
      %add3A_767 = arith.addi %add3A_766, %scan3A_351 : i32
      %get3A_768 = arith.index_cast %add3A_767 : i32 to index
      %get3A_769 = arith.constant 80 : index
      %get3A_770 = tpu.vector_load %arg11[%get3A_768, %get3A_769] {strides = array<i32>} : memref<320x128xf32, #tpu.memory_space<vmem>>, vector<1x16xf32>,
      %get3A_771 = vector.shape_cast %get3A_770 : vector<1x16xf32> to vector<16xf32>
      %add3A_772 = arith.addf %add3A_765, %get3A_771 : vector<16xf32>
      %add3A_773 = arith.constant 288 : i32
      %add3A_774 = arith.addi %add3A_773, %scan3A_351 : i32
      %get3A_775 = arith.index_cast %add3A_774 : i32 to index
      %get3A_776 = arith.constant 80 : index
      %get3A_777 = tpu.vector_load %arg11[%get3A_775, %get3A_776] {strides = array<i32>} : memref<320x128xf32, #tpu.memory_space<vmem>>, vector<1x16xf32>,
      %get3A_778 = vector.shape_cast %get3A_777 : vector<1x16xf32> to vector<16xf32>
      %add3A_779 = arith.addf %add3A_772, %get3A_778 : vector<16xf32>
      %swap3A_780 = arith.index_cast %scan3A_351 : i32 to index
      %swap3A_781 = arith.constant 80 : index
      %swap3A_782 = tpu.vector_load %arg15[%swap3A_780, %swap3A_781] {strides = array<i32>} : memref<32x128xf32, #tpu.memory_space<vmem>>, vector<1x16xf32>,
      %swap3A_783 = vector.shape_cast %swap3A_782 : vector<1x16xf32> to vector<16xf32>
      %swap3A_784 = vector.shape_cast %add3A_779 : vector<16xf32> to vector<1x16xf32>
      tpu.vector_store %arg15[%swap3A_780, %swap3A_781], %swap3A_784 {strides = array<i32>} : memref<32x128xf32, #tpu.memory_space<vmem>>, vector<1x16xf32>,
      %get3A_785 = arith.index_cast %scan3A_351 : i32 to index
      %get3A_786 = arith.constant 96 : index
      %get3A_787 = tpu.vector_load %arg11[%get3A_785, %get3A_786] {strides = array<i32>} : memref<320x128xf32, #tpu.memory_space<vmem>>, vector<1x16xf32>,
      %get3A_788 = vector.shape_cast %get3A_787 : vector<1x16xf32> to vector<16xf32>
      %add3A_789 = arith.constant 32 : i32
      %add3A_790 = arith.addi %add3A_789, %scan3A_351 : i32
      %get3A_791 = arith.index_cast %add3A_790 : i32 to index
      %get3A_792 = arith.constant 96 : index
      %get3A_793 = tpu.vector_load %arg11[%get3A_791, %get3A_792] {strides = array<i32>} : memref<320x128xf32, #tpu.memory_space<vmem>>, vector<1x16xf32>,
      %get3A_794 = vector.shape_cast %get3A_793 : vector<1x16xf32> to vector<16xf32>
      %add3A_795 = arith.addf %get3A_788, %get3A_794 : vector<16xf32>
      %add3A_796 = arith.constant 64 : i32
      %add3A_797 = arith.addi %add3A_796, %scan3A_351 : i32
      %get3A_798 = arith.index_cast %add3A_797 : i32 to index
      %get3A_799 = arith.constant 96 : index
      %get3A_800 = tpu.vector_load %arg11[%get3A_798, %get3A_799] {strides = array<i32>} : memref<320x128xf32, #tpu.memory_space<vmem>>, vector<1x16xf32>,
      %get3A_801 = vector.shape_cast %get3A_800 : vector<1x16xf32> to vector<16xf32>
      %add3A_802 = arith.addf %add3A_795, %get3A_801 : vector<16xf32>
      %add3A_803 = arith.constant 96 : i32
      %add3A_804 = arith.addi %add3A_803, %scan3A_351 : i32
      %get3A_805 = arith.index_cast %add3A_804 : i32 to index
      %get3A_806 = arith.constant 96 : index
      %get3A_807 = tpu.vector_load %arg11[%get3A_805, %get3A_806] {strides = array<i32>} : memref<320x128xf32, #tpu.memory_space<vmem>>, vector<1x16xf32>,
      %get3A_808 = vector.shape_cast %get3A_807 : vector<1x16xf32> to vector<16xf32>
      %add3A_809 = arith.addf %add3A_802, %get3A_808 : vector<16xf32>
      %add3A_810 = arith.constant 128 : i32
      %add3A_811 = arith.addi %add3A_810, %scan3A_351 : i32
      %get3A_812 = arith.index_cast %add3A_811 : i32 to index
      %get3A_813 = arith.constant 96 : index
      %get3A_814 = tpu.vector_load %arg11[%get3A_812, %get3A_813] {strides = array<i32>} : memref<320x128xf32, #tpu.memory_space<vmem>>, vector<1x16xf32>,
      %get3A_815 = vector.shape_cast %get3A_814 : vector<1x16xf32> to vector<16xf32>
      %add3A_816 = arith.addf %add3A_809, %get3A_815 : vector<16xf32>
      %add3A_817 = arith.constant 160 : i32
      %add3A_818 = arith.addi %add3A_817, %scan3A_351 : i32
      %get3A_819 = arith.index_cast %add3A_818 : i32 to index
      %get3A_820 = arith.constant 96 : index
      %get3A_821 = tpu.vector_load %arg11[%get3A_819, %get3A_820] {strides = array<i32>} : memref<320x128xf32, #tpu.memory_space<vmem>>, vector<1x16xf32>,
      %get3A_822 = vector.shape_cast %get3A_821 : vector<1x16xf32> to vector<16xf32>
      %add3A_823 = arith.addf %add3A_816, %get3A_822 : vector<16xf32>
      %add3A_824 = arith.constant 192 : i32
      %add3A_825 = arith.addi %add3A_824, %scan3A_351 : i32
      %get3A_826 = arith.index_cast %add3A_825 : i32 to index
      %get3A_827 = arith.constant 96 : index
      %get3A_828 = tpu.vector_load %arg11[%get3A_826, %get3A_827] {strides = array<i32>} : memref<320x128xf32, #tpu.memory_space<vmem>>, vector<1x16xf32>,
      %get3A_829 = vector.shape_cast %get3A_828 : vector<1x16xf32> to vector<16xf32>
      %add3A_830 = arith.addf %add3A_823, %get3A_829 : vector<16xf32>
      %add3A_831 = arith.constant 224 : i32
      %add3A_832 = arith.addi %add3A_831, %scan3A_351 : i32
      %get3A_833 = arith.index_cast %add3A_832 : i32 to index
      %get3A_834 = arith.constant 96 : index
      %get3A_835 = tpu.vector_load %arg11[%get3A_833, %get3A_834] {strides = array<i32>} : memref<320x128xf32, #tpu.memory_space<vmem>>, vector<1x16xf32>,
      %get3A_836 = vector.shape_cast %get3A_835 : vector<1x16xf32> to vector<16xf32>
      %add3A_837 = arith.addf %add3A_830, %get3A_836 : vector<16xf32>
      %add3A_838 = arith.constant 256 : i32
      %add3A_839 = arith.addi %add3A_838, %scan3A_351 : i32
      %get3A_840 = arith.index_cast %add3A_839 : i32 to index
      %get3A_841 = arith.constant 96 : index
      %get3A_842 = tpu.vector_load %arg11[%get3A_840, %get3A_841] {strides = array<i32>} : memref<320x128xf32, #tpu.memory_space<vmem>>, vector<1x16xf32>,
      %get3A_843 = vector.shape_cast %get3A_842 : vector<1x16xf32> to vector<16xf32>
      %add3A_844 = arith.addf %add3A_837, %get3A_843 : vector<16xf32>
      %add3A_845 = arith.constant 288 : i32
      %add3A_846 = arith.addi %add3A_845, %scan3A_351 : i32
      %get3A_847 = arith.index_cast %add3A_846 : i32 to index
      %get3A_848 = arith.constant 96 : index
      %get3A_849 = tpu.vector_load %arg11[%get3A_847, %get3A_848] {strides = array<i32>} : memref<320x128xf32, #tpu.memory_space<vmem>>, vector<1x16xf32>,
      %get3A_850 = vector.shape_cast %get3A_849 : vector<1x16xf32> to vector<16xf32>
      %add3A_851 = arith.addf %add3A_844, %get3A_850 : vector<16xf32>
      %swap3A_852 = arith.index_cast %scan3A_351 : i32 to index
      %swap3A_853 = arith.constant 96 : index
      %swap3A_854 = tpu.vector_load %arg15[%swap3A_852, %swap3A_853] {strides = array<i32>} : memref<32x128xf32, #tpu.memory_space<vmem>>, vector<1x16xf32>,
      %swap3A_855 = vector.shape_cast %swap3A_854 : vector<1x16xf32> to vector<16xf32>
      %swap3A_856 = vector.shape_cast %add3A_851 : vector<16xf32> to vector<1x16xf32>
      tpu.vector_store %arg15[%swap3A_852, %swap3A_853], %swap3A_856 {strides = array<i32>} : memref<32x128xf32, #tpu.memory_space<vmem>>, vector<1x16xf32>,
      %get3A_857 = arith.index_cast %scan3A_351 : i32 to index
      %get3A_858 = arith.constant 112 : index
      %get3A_859 = tpu.vector_load %arg11[%get3A_857, %get3A_858] {strides = array<i32>} : memref<320x128xf32, #tpu.memory_space<vmem>>, vector<1x16xf32>,
      %get3A_860 = vector.shape_cast %get3A_859 : vector<1x16xf32> to vector<16xf32>
      %add3A_861 = arith.constant 32 : i32
      %add3A_862 = arith.addi %add3A_861, %scan3A_351 : i32
      %get3A_863 = arith.index_cast %add3A_862 : i32 to index
      %get3A_864 = arith.constant 112 : index
      %get3A_865 = tpu.vector_load %arg11[%get3A_863, %get3A_864] {strides = array<i32>} : memref<320x128xf32, #tpu.memory_space<vmem>>, vector<1x16xf32>,
      %get3A_866 = vector.shape_cast %get3A_865 : vector<1x16xf32> to vector<16xf32>
      %add3A_867 = arith.addf %get3A_860, %get3A_866 : vector<16xf32>
      %add3A_868 = arith.constant 64 : i32
      %add3A_869 = arith.addi %add3A_868, %scan3A_351 : i32
      %get3A_870 = arith.index_cast %add3A_869 : i32 to index
      %get3A_871 = arith.constant 112 : index
      %get3A_872 = tpu.vector_load %arg11[%get3A_870, %get3A_871] {strides = array<i32>} : memref<320x128xf32, #tpu.memory_space<vmem>>, vector<1x16xf32>,
      %get3A_873 = vector.shape_cast %get3A_872 : vector<1x16xf32> to vector<16xf32>
      %add3A_874 = arith.addf %add3A_867, %get3A_873 : vector<16xf32>
      %add3A_875 = arith.constant 96 : i32
      %add3A_876 = arith.addi %add3A_875, %scan3A_351 : i32
      %get3A_877 = arith.index_cast %add3A_876 : i32 to index
      %get3A_878 = arith.constant 112 : index
      %get3A_879 = tpu.vector_load %arg11[%get3A_877, %get3A_878] {strides = array<i32>} : memref<320x128xf32, #tpu.memory_space<vmem>>, vector<1x16xf32>,
      %get3A_880 = vector.shape_cast %get3A_879 : vector<1x16xf32> to vector<16xf32>
      %add3A_881 = arith.addf %add3A_874, %get3A_880 : vector<16xf32>
      %add3A_882 = arith.constant 128 : i32
      %add3A_883 = arith.addi %add3A_882, %scan3A_351 : i32
      %get3A_884 = arith.index_cast %add3A_883 : i32 to index
      %get3A_885 = arith.constant 112 : index
      %get3A_886 = tpu.vector_load %arg11[%get3A_884, %get3A_885] {strides = array<i32>} : memref<320x128xf32, #tpu.memory_space<vmem>>, vector<1x16xf32>,
      %get3A_887 = vector.shape_cast %get3A_886 : vector<1x16xf32> to vector<16xf32>
      %add3A_888 = arith.addf %add3A_881, %get3A_887 : vector<16xf32>
      %add3A_889 = arith.constant 160 : i32
      %add3A_890 = arith.addi %add3A_889, %scan3A_351 : i32
      %get3A_891 = arith.index_cast %add3A_890 : i32 to index
      %get3A_892 = arith.constant 112 : index
      %get3A_893 = tpu.vector_load %arg11[%get3A_891, %get3A_892] {strides = array<i32>} : memref<320x128xf32, #tpu.memory_space<vmem>>, vector<1x16xf32>,
      %get3A_894 = vector.shape_cast %get3A_893 : vector<1x16xf32> to vector<16xf32>
      %add3A_895 = arith.addf %add3A_888, %get3A_894 : vector<16xf32>
      %add3A_896 = arith.constant 192 : i32
      %add3A_897 = arith.addi %add3A_896, %scan3A_351 : i32
      %get3A_898 = arith.index_cast %add3A_897 : i32 to index
      %get3A_899 = arith.constant 112 : index
      %get3A_900 = tpu.vector_load %arg11[%get3A_898, %get3A_899] {strides = array<i32>} : memref<320x128xf32, #tpu.memory_space<vmem>>, vector<1x16xf32>,
      %get3A_901 = vector.shape_cast %get3A_900 : vector<1x16xf32> to vector<16xf32>
      %add3A_902 = arith.addf %add3A_895, %get3A_901 : vector<16xf32>
      %add3A_903 = arith.constant 224 : i32
      %add3A_904 = arith.addi %add3A_903, %scan3A_351 : i32
      %get3A_905 = arith.index_cast %add3A_904 : i32 to index
      %get3A_906 = arith.constant 112 : index
      %get3A_907 = tpu.vector_load %arg11[%get3A_905, %get3A_906] {strides = array<i32>} : memref<320x128xf32, #tpu.memory_space<vmem>>, vector<1x16xf32>,
      %get3A_908 = vector.shape_cast %get3A_907 : vector<1x16xf32> to vector<16xf32>
      %add3A_909 = arith.addf %add3A_902, %get3A_908 : vector<16xf32>
      %add3A_910 = arith.constant 256 : i32
      %add3A_911 = arith.addi %add3A_910, %scan3A_351 : i32
      %get3A_912 = arith.index_cast %add3A_911 : i32 to index
      %get3A_913 = arith.constant 112 : index
      %get3A_914 = tpu.vector_load %arg11[%get3A_912, %get3A_913] {strides = array<i32>} : memref<320x128xf32, #tpu.memory_space<vmem>>, vector<1x16xf32>,
      %get3A_915 = vector.shape_cast %get3A_914 : vector<1x16xf32> to vector<16xf32>
      %add3A_916 = arith.addf %add3A_909, %get3A_915 : vector<16xf32>
      %add3A_917 = arith.constant 288 : i32
      %add3A_918 = arith.addi %add3A_917, %scan3A_351 : i32
      %get3A_919 = arith.index_cast %add3A_918 : i32 to index
      %get3A_920 = arith.constant 112 : index
      %get3A_921 = tpu.vector_load %arg11[%get3A_919, %get3A_920] {strides = array<i32>} : memref<320x128xf32, #tpu.memory_space<vmem>>, vector<1x16xf32>,
      %get3A_922 = vector.shape_cast %get3A_921 : vector<1x16xf32> to vector<16xf32>
      %add3A_923 = arith.addf %add3A_916, %get3A_922 : vector<16xf32>
      %swap3A_924 = arith.index_cast %scan3A_351 : i32 to index
      %swap3A_925 = arith.constant 112 : index
      %swap3A_926 = tpu.vector_load %arg15[%swap3A_924, %swap3A_925] {strides = array<i32>} : memref<32x128xf32, #tpu.memory_space<vmem>>, vector<1x16xf32>,
      %swap3A_927 = vector.shape_cast %swap3A_926 : vector<1x16xf32> to vector<16xf32>
      %swap3A_928 = vector.shape_cast %add3A_923 : vector<16xf32> to vector<1x16xf32>
      tpu.vector_store %arg15[%swap3A_924, %swap3A_925], %swap3A_928 {strides = array<i32>} : memref<32x128xf32, #tpu.memory_space<vmem>>, vector<1x16xf32>,
      %scan3A_929 = arith.constant 0 : i32
      scf.yield %scan3A_929 : i32
    }
    %scan3A_328 = arith.constant 32 : i32
    %add3A_329 = arith.constant 1536 : i32
    %add3A_330 = arith.addi %min3A_3, %add3A_329 : i32
    %dma_start3A_331 = arith.constant 0 : i32
    %dma_start3A_332 = tpu.memref_slice %arg5[%add3A_330, %dma_start3A_331] : memref<50000x128xf32, #tpu.memory_space<hbm>> -> memref<32x128xf32, #tpu.memory_space<hbm>>
    %dma_start3A_333 = arith.constant 0 : i32
    %dma_start3A_334 = tpu.memref_slice %arg5[%add3A_330, %dma_start3A_333] : memref<50000x128xf32, #tpu.memory_space<hbm>> -> memref<32x128xf32, #tpu.memory_space<hbm>>
    tpu.enqueue_dma source(%arg13 : memref<32x128xf32, #tpu.memory_space<vmem>>) target(%dma_start3A_334 : memref<32x128xf32, #tpu.memory_space<hbm>>) target_semaphore(%arg19 : memref<!tpu.dma_semaphore, #tpu.memory_space<semaphore_mem>>)
    %dma_start3A_335 = arith.constant 0 : i32
    %dma_start3A_336 = tpu.memref_slice %arg6[%add3A_330, %dma_start3A_335] : memref<50000x128xf32, #tpu.memory_space<hbm>> -> memref<32x128xf32, #tpu.memory_space<hbm>>
    %dma_start3A_337 = arith.constant 0 : i32
    %dma_start3A_338 = tpu.memref_slice %arg6[%add3A_330, %dma_start3A_337] : memref<50000x128xf32, #tpu.memory_space<hbm>> -> memref<32x128xf32, #tpu.memory_space<hbm>>
    tpu.enqueue_dma source(%arg15 : memref<32x128xf32, #tpu.memory_space<vmem>>) target(%dma_start3A_338 : memref<32x128xf32, #tpu.memory_space<hbm>>) target_semaphore(%arg19 : memref<!tpu.dma_semaphore, #tpu.memory_space<semaphore_mem>>)
    %dma_wait3A_339 = arith.constant 0 : i32
    %dma_wait3A_340 = arith.constant 0 : i32
    %dma_wait3A_341 = tpu.memref_slice %arg5[%dma_wait3A_339, %dma_wait3A_340] : memref<50000x128xf32, #tpu.memory_space<hbm>> -> memref<32x128xf32, #tpu.memory_space<hbm>>
    %dma_wait3A_342 = arith.constant 0 : i32
    %dma_wait3A_343 = arith.constant 0 : i32
    %dma_wait3A_344 = tpu.memref_slice %arg5[%dma_wait3A_342, %dma_wait3A_343] : memref<50000x128xf32, #tpu.memory_space<hbm>> -> memref<32x128xf32, #tpu.memory_space<hbm>>
    tpu.wait_dma2 semaphore(%arg19 : memref<!tpu.dma_semaphore, #tpu.memory_space<semaphore_mem>>) src(%arg13 : memref<32x128xf32, #tpu.memory_space<vmem>>) dst(%dma_wait3A_344 : memref<32x128xf32, #tpu.memory_space<hbm>>)
    %dma_wait3A_345 = arith.constant 0 : i32
    %dma_wait3A_346 = arith.constant 0 : i32
    %dma_wait3A_347 = tpu.memref_slice %arg6[%dma_wait3A_345, %dma_wait3A_346] : memref<50000x128xf32, #tpu.memory_space<hbm>> -> memref<32x128xf32, #tpu.memory_space<hbm>>
    %dma_wait3A_348 = arith.constant 0 : i32
    %dma_wait3A_349 = arith.constant 0 : i32
    %dma_wait3A_350 = tpu.memref_slice %arg6[%dma_wait3A_348, %dma_wait3A_349] : memref<50000x128xf32, #tpu.memory_space<hbm>> -> memref<32x128xf32, #tpu.memory_space<hbm>>
    tpu.wait_dma2 semaphore(%arg19 : memref<!tpu.dma_semaphore, #tpu.memory_space<semaphore_mem>>) src(%arg15 : memref<32x128xf32, #tpu.memory_space<vmem>>) dst(%dma_wait3A_350 : memref<32x128xf32, #tpu.memory_space<hbm>>)
    return
  }
}

module attributes {stable_mosaic.version = 14 : i64} {
  func.func @_tc_matmul_body(%arg0: i32, %arg1: memref<128x256xf32, #tpu.memory_space<vmem>>, %arg2: memref<4096x128xf32, #tpu.memory_space<vmem>>, %arg3: memref<4096x128xf32, #tpu.memory_space<vmem>>, %arg4: memref<4096x128xf32, #tpu.memory_space<vmem>>) attributes {dimension_semantics = [#tpu.dimension_semantics<arbitrary>], iteration_bounds = array<i64: 13>, scalar_prefetch = 0 : i64, scratch_operands = 0 : i64, tpu.core_type = #tpu.core_type<tc>, window_params = [{pipeline_mode = #tpu.pipeline_mode<synchronous>, transform_indices = @transform_0, window_bounds = array<i64: 128, 256>}, {transform_indices = @transform_1, window_bounds = array<i64: 4096, 128>}, {transform_indices = @transform_2, window_bounds = array<i64: 4096, 128>}, {transform_indices = @transform_3, window_bounds = array<i64: 4096, 128>}]} {
    %get3A = arith.constant 0 : index
    %get3A_0 = arith.constant 0 : index
    %get3A_1 = vector.load %arg1[%get3A, %get3A_0] : memref<128x256xf32, #tpu.memory_space<vmem>>, vector<128x256xf32>
    %slice3A = vector.extract_strided_slice %get3A_1 {offsets = [0, 0], sizes = [128, 128], strides = [1, 1]} : vector<128x256xf32> to vector<128x128xf32>
    %slice3A_2 = vector.extract_strided_slice %get3A_1 {offsets = [0, 128], sizes = [128, 128], strides = [1, 1]} : vector<128x256xf32> to vector<128x128xf32>
    %mul3A = arith.constant 1.000000e-01 : f32
    %mul3A_3 = vector.broadcast %mul3A : f32 to vector<128x128xf32>
    %mul3A_4 = arith.mulf %slice3A_2, %mul3A_3 : vector<128x128xf32>
    %get3A_5 = arith.constant 0 : index
    %get3A_6 = arith.constant 0 : index
    %get3A_7 = vector.load %arg2[%get3A_5, %get3A_6] : memref<4096x128xf32, #tpu.memory_space<vmem>>, vector<4096x128xf32>
    %dot_general3A = arith.constant dense<0.000000e+00> : vector<4096x128xf32>
    %dot_general3A_8 = tpu.matmul %get3A_7, %slice3A, %dot_general3A {dimension_numbers = #tpu.dot_dimension_numbers<[1], [1], [0], [0], [0, 0, 1, 0], [], []>, transpose_lhs_hint = false} : vector<4096x128xf32>, vector<128x128xf32>, vector<4096x128xf32> -> vector<4096x128xf32>
    %get3A_9 = arith.constant 0 : index
    %get3A_10 = arith.constant 0 : index
    %get3A_11 = vector.load %arg3[%get3A_9, %get3A_10] : memref<4096x128xf32, #tpu.memory_space<vmem>>, vector<4096x128xf32>
    %dot_general3A_12 = arith.constant dense<0.000000e+00> : vector<4096x128xf32>
    %dot_general3A_13 = tpu.matmul %get3A_11, %mul3A_4, %dot_general3A_12 {dimension_numbers = #tpu.dot_dimension_numbers<[1], [1], [0], [0], [0, 0, 1, 0], [], []>, transpose_lhs_hint = false} : vector<4096x128xf32>, vector<128x128xf32>, vector<4096x128xf32> -> vector<4096x128xf32>
    %add3A = arith.addf %dot_general3A_8, %dot_general3A_13 : vector<4096x128xf32>
    %max3A = arith.constant 0.000000e+00 : f32
    %max3A_14 = vector.broadcast %max3A : f32 to vector<4096x128xf32>
    %max3A_15 = arith.maximumf %add3A, %max3A_14 : vector<4096x128xf32>
    %swap3A = arith.constant 0 : index
    %swap3A_16 = arith.constant 0 : index
    %swap3A_17 = vector.load %arg4[%swap3A, %swap3A_16] : memref<4096x128xf32, #tpu.memory_space<vmem>>, vector<4096x128xf32>
    tpu.vector_store %arg4[%swap3A, %swap3A_16], %max3A_15 {strides = array<i32>} : memref<4096x128xf32, #tpu.memory_space<vmem>>, vector<4096x128xf32>,
    return
  }
  func.func @transform_0(%arg0: i32) -> (i32, i32) {
    %c0_i32 = arith.constant 0 : i32
    %c0_i32_0 = arith.constant 0 : i32
    %c0_i32_1 = arith.constant 0 : i32
    return %c0_i32, %c0_i32_0 : i32, i32
  }
  func.func @transform_1(%arg0: i32) -> (i32, i32) {
    %c0_i32 = arith.constant 0 : i32
    %c0_i32_0 = arith.constant 0 : i32
    return %arg0, %c0_i32 : i32, i32
  }
  func.func @transform_2(%arg0: i32) -> (i32, i32) {
    %c0_i32 = arith.constant 0 : i32
    %c0_i32_0 = arith.constant 0 : i32
    return %arg0, %c0_i32 : i32, i32
  }
  func.func @transform_3(%arg0: i32) -> (i32, i32) {
    %c0_i32 = arith.constant 0 : i32
    %c0_i32_0 = arith.constant 0 : i32
    return %arg0, %c0_i32 : i32, i32
  }
}

</mosaic_0001>

<sc_bundles>
// kernel: kernel.4.cloned.1.call-start
scs
__scs_entry_jumppad:
0x0: {  	(pc) =	sbr.rel $0x88, $3  }
0x1: {  	(tag) =	ssettag $0x0;
	lr =	simm.s32 $0x1  }
0x2: {  	[smem:$0x3F9D] =	sst lr;
	_ =	strace $0xD0000000  }
0x3: {  	_ = 	snop  }
0x4: {  	_ = 	snop  }
0x5: {  	_ = 	snop  }
0x6: {  	_ = 	snop  }
0x7: {  	_ = 	snop  }
__scs_overlays_trampoline_lowered:
0x8: {  	[smem:$0x3FAC] =	sst s0  }
0x9: {  	[smem:$0x3FAD] =	sst s1  }
0xa: {  	[smem:$0x3FAE] =	sst s2  }
0xb: {  	[smem:$0x3FAF] =	sst s3  }
0xc: {  	[smem:$0x3FB0] =	sst s4  }
0xd: {  	[smem:$0x3FB1] =	sst s5  }
0xe: {  	[smem:$0x3FB2] =	sst s6  }
0xf: {  	[smem:$0x3FB3] =	sst s7  }
0x10: {  	[smem:$0x3FB4] =	sst s8  }
0x11: {  	[smem:$0x3FB5] =	sst s9;
	s0 =	simm.s32 @!p0 $0x0  }
0x12: {  	s1 =	sld [smem:$0x3F9B];
	s0 =	simm.s32 @p0 $0x1  }
0x13: {  	[smem:$0x3FB6] =	sst s0;
	s0 =	simm.s32 @!p1 $0x0  }
0x14: {  	s2 =	sld [smem:$0x3F9A];
	s0 =	simm.s32 @p1 $0x1  }
0x15: {  	[smem:$0x3FB7] =	sst s0;
	s0 =	simm.s32 @!p2 $0x0  }
0x16: {  	s3 =	sld [smem:$0x3FDB];
	s0 =	simm.s32 @p2 $0x1  }
0x17: {  	s4 =	simm.s32 $0x1BF5;
	[smem:$0x3FB9] =	sst s0  }
0x18: {  	s0 =	sld [smem:$0x3F9C];
	_ =	swait.ge [sflag:s4], $0x0  }
0x19: {  	s7 =	sld [smem:$0x3F9D]  }
0x1a: {  	s8 =	sadd.s32 $0xFFFFE003, lr  }
0x1b: {  	s9 =	sadd.s32 $0xFFFFFEF7, lr;
	s5 =	simm.s32 $0xFFFFFFFF;
	p2 =	slt.u32 s8, $0xFFFFF086  }
0x1c: {  	p1 =	slt.u32 s9, $0xF7A;
	s5 =	simm.s32 @!p2 $0x0  }
0x1d: {  	s5 =	simm.s32 @p1 $0x1;
	p0 =	seq.s32 s7, s2  }
0x1e: {  	s7 =	smul.u32 @!p0 $0xF7A, s2;
	p2 =	seq.s32 @!p0 s5, $0x0  }
0x1f: {  	s9 =	smul.u32 $0xF7A, s1;
	s8 =	simm.s32 @!p0 $0x1BF5;
	p2 =	por !p2, p0  }
0x20: {  	[sflag:s8] =	ssyncset.s32 @!p0 $0xFFFFF086;
	s6 =	sadd.s32 @!p0 s3, s7;
	s7 =	simm.s32 @!p0 $0x108  }
0x21: {  	s3 =	sadd.s32 s3, s9;
	s6 =	sadd.s32 @!p0 $0x88, s6;
	s7 =	simm.s32 @p2 $0x1082  }
0x22: {  	[simem:s7], [sflag:s8] =	dma.local @!p0 [hbm:s6], $0xF7A  }
0x23: {  	s9 =	sor.u32 $0xD0000000, s2;
	s6 =	simm.s32 $0x108;
	_ =	swait.ge @!p0 [sflag:s8], $0x0  }
0x24: {  	s3 =	sadd.s32 $0x88, s3;
	s6 =	simm.s32 @!p1 $0x1082;
	[sflag:s4] =	ssyncset.s32 $0xFFFFF086  }
0x25: {  	[simem:s6], [sflag:s4] =	dma.local [hbm:s3], $0xF7A  }
0x26: {  	[smem:$0x3F9D] =	sst s1;
	(tag) =	ssettag s2;
	_ =	strace s9  }
0x27: {  	s1 =	sld [smem:$0x3FAD]  }
0x28: {  	s2 =	sld [smem:$0x3FAE]  }
0x29: {  	s4 =	sld [smem:$0x3FB0]  }
0x2a: {  	p0 =	seq.s32 s5, $0x0;
	s5 =	sld [smem:$0x3FB1]  }
0x2b: {  	s6 =	sld [smem:$0x3FB2]  }
0x2c: {  	s7 =	sld [smem:$0x3FB3]  }
0x2d: {  	s3 =	simm.s32 $0x108;
	s8 =	sld [smem:$0x3FB4]  }
0x2e: {  	s3 =	simm.s32 @!p0 $0x1082;
	s9 =	sld [smem:$0x3FB5]  }
0x2f: {  	lr =	sadd.s32 s0, s3;
	s0 =	sld [smem:$0x3FAC]  }
0x30: {  	s3 =	sld [smem:$0x3FAF]  }
0x31: {  	[smem:$0x3FB8] =	sst s10  }
0x32: {  	s10 =	sld [smem:$0x3FB6];
	_ =	sdelay $0x3  }
0x33: {  	p0 =	seq.s32 s10, $0x1;
	s10 =	sld [smem:$0x3FB8];
	_ =	sdelay $0x3  }
0x34: {  	[smem:$0x3FB8] =	sst s10  }
0x35: {  	s10 =	sld [smem:$0x3FB7];
	_ =	sdelay $0x3  }
0x36: {  	p1 =	seq.s32 s10, $0x1;
	s10 =	sld [smem:$0x3FB8];
	_ =	sdelay $0x3  }
0x37: {  	[smem:$0x3FB8] =	sst s10  }
0x38: {  	s10 =	sld [smem:$0x3FB9]  }
0x39: {  	_ = 	snop;
	(pc) =	sbr.ind lr, $3  }
0x3a: {  	_ = 	snop  }
0x3b: {  	_ = 	snop  }
0x3c: {  	p2 =	seq.s32 s10, $0x1;
	s10 =	sld [smem:$0x3FB8]  }
0x3d: {  	_ =	shalt  }
0x3e: {  	_ =	shalt  }
0x3f: {  	_ =	shalt  }
0x40: {  	_ =	shalt  }
0x41: {  	_ =	shalt  }
0x42: {  	_ =	shalt  }
0x43: {  	_ =	shalt  }
0x44: {  	_ =	shalt  }
0x45: {  	_ =	shalt  }
0x46: {  	_ =	shalt  }
0x47: {  	_ =	shalt  }
0x48: {  	_ =	shalt  }
0x49: {  	_ =	shalt  }
0x4a: {  	_ =	shalt  }
0x4b: {  	_ =	shalt  }
0x4c: {  	_ =	shalt  }
0x4d: {  	_ =	shalt  }
0x4e: {  	_ =	shalt  }
0x4f: {  	_ =	shalt  }
0x50: {  	_ =	shalt  }
0x51: {  	_ =	shalt  }
0x52: {  	_ =	shalt  }
0x53: {  	_ =	shalt  }
0x54: {  	_ =	shalt  }
0x55: {  	_ =	shalt  }
0x56: {  	_ =	shalt  }
0x57: {  	_ =	shalt  }
0x58: {  	_ =	shalt  }
0x59: {  	_ =	shalt  }
0x5a: {  	_ =	shalt  }
0x5b: {  	_ =	shalt  }
0x5c: {  	_ =	shalt  }
0x5d: {  	_ =	shalt  }
0x5e: {  	_ =	shalt  }
0x5f: {  	_ =	shalt  }
0x60: {  	_ =	shalt  }
0x61: {  	_ =	shalt  }
0x62: {  	_ =	shalt  }
0x63: {  	_ =	shalt  }
0x64: {  	_ =	shalt  }
0x65: {  	_ =	shalt  }
0x66: {  	_ =	shalt  }
0x67: {  	_ =	shalt  }
0x68: {  	_ =	shalt  }
0x69: {  	_ =	shalt  }
0x6a: {  	_ =	shalt  }
0x6b: {  	_ =	shalt  }
0x6c: {  	_ =	shalt  }
0x6d: {  	_ =	shalt  }
0x6e: {  	_ =	shalt  }
0x6f: {  	_ =	shalt  }
0x70: {  	_ =	shalt  }
0x71: {  	_ =	shalt  }
0x72: {  	_ =	shalt  }
0x73: {  	_ =	shalt  }
0x74: {  	_ =	shalt  }
0x75: {  	_ =	shalt  }
0x76: {  	_ =	shalt  }
0x77: {  	_ =	shalt  }
0x78: {  	_ =	shalt  }
0x79: {  	_ =	shalt  }
0x7a: {  	_ =	shalt  }
0x7b: {  	_ =	shalt  }
0x7c: {  	_ =	shalt  }
0x7d: {  	_ =	shalt  }
0x7e: {  	_ =	shalt  }
0x7f: {  	_ =	shalt  }
0x80: {  	_ =	shalt  }
0x81: {  	_ =	shalt  }
0x82: {  	_ =	shalt  }
0x83: {  	_ =	shalt  }
0x84: {  	_ =	shalt  }
0x85: {  	_ =	shalt  }
0x86: {  	_ =	shalt  }
0x87: {  	_ =	shalt  }
.Lfunc_end0:
.L_simem_size_0:
called_computation_lowered:
.L_overlay_start_0:
0x88: {  	s2 =	sld [smem:$0x3FD9]  }
0x89: {  	s3 =	sld [smem:$0x3FFE];
	_ =	sdelay $0x1  }
0x8a: {  	s1 =	srdreg.scid  }
0x8b: {  	s0 =	sand.u32 $0x1, s1  }
0x8c: {  	s17 =	sshll.u32 s0, $0xA;
	s2 =	sadd.s32 s3, s2  }
0x8d: {  	s2 =	sadd.s32 s2, s17  }
0x8e: {  	[smem:$0x3FC4] =	sst s2  }
0x8f: {  	_ = 	snop  }
0x90: {  	s2 =	sld [smem:$0x3FC9]  }
0x91: {  	s18 =	sld [smem:$0x3FC7]  }
0x92: {  	s4 =	sld [smem:$0x3FD0];
	(tm) =	ssettm $0x1  }
0x93: {  	s5 =	sld [smem:$0x3FFB];
	_ =	sdelay $0x3  }
0x94: {  	_ =	strace s5  }
0x95: {  	s5 =	sld [smem:$0x3FFC];
	_ =	sdelay $0x3  }
0x96: {  	_ =	strace s5  }
0x97: {  	s5 =	sld [smem:$0x3FFD];
	_ =	sdelay $0x3  }
0x98: {  	_ =	strace s5  }
0x99: {  	_ =	strace $0x8FFFFFFF  }
0x9a: {  	s19 =	sld [smem:$0x3FDB];
	_ =	sdelay $0x1  }
0x9b: {  	s6 =	simm.s32 $_scs_section_size  }
0x9c: {  	s7 =	simm.s32 $_size__tile_overlayer_lowered;
	s8 =	simm.s32 $_tile_overlayer_lowered  }
0x9d: {  	s22 =	simm.s32 $0x1BFF;
	s21 =	sshll.u32 s8, $0x1;
	s5 =	sadd.s32 s6, s19  }
0x9e: {  	s9 =	simm.s32 $0x0;
	s20 =	sshll.u32 s7, $0x1;
	s7 =	sadd.s32 s21, s5  }
0x9f: {  	[timem:s9], [sflag:s22] =	dma.local [hbm:s7], s20  }
0xa0: {  	_ =	swait.ge [sflag:s22], s20  }
0xa1: {  	s6 =	ssub.s32 $0x0, s20;
	[sflag:s22] =	ssyncset.done $0x0  }
0xa2: {  	[sflag:s22] =	ssyncadd.s32 s6;
	_ =	sdelay $0x1  }
0xa3: {  	s23 =	simm.s32 $0x1B8B  }
0xa4: {  	_ =	swait.ge [sflag:s23], $0x1  }
0xa5: {  	[sflag:s23] =	ssyncset.done $0x0  }
0xa6: {  	s25 =	simm.s32 $0x1B8E;
	s24 =	sld [smem:$0x3FFE];
	[sflag:s23] =	ssyncadd.s32 $0xFFFFFFFF  }
0xa7: {  	s26 =	simm.s32 $execute0_lowered;
	[smem:$0x3FD2] =	sst s25  }
0xa8: {  	s7 =	sshll.u32 s26, $0x1;
	_ =	strace $0x80000046;
	[dreg:$0x1] =	wrdreg $0xFFFFFFFF  }
0xa9: {  	s28 =	simm.s32 $_size_execute0_lowered;
	s5 =	sadd.s32 s5, s7;
	[dreg:$0x0] =	wrdreg $0x0  }
0xaa: {  	s7 =	sshll.u32 s28, $0x1;
	[dreg:$0x2] =	wrdreg s5  }
0xab: {  	[dreg:$0x3] =	wrdreg s7  }
0xac: {  	[dreg:$0x4] =	wrdreg $0xC0  }
0xad: {  	_ =	task [dreg:s9], $0x5FFFF  }
0xae: {  	[dreg:$0x1] =	wrdreg $0xFFFFFFFF  }
0xaf: {  	[dreg:$0x0] =	wrdreg $0x60  }
0xb0: {  	[dreg:$0x2] =	wrdreg s2  }
0xb1: {  	[dreg:$0x3] =	wrdreg s4  }
0xb2: {  	[dreg:$0x4] =	wrdreg s18  }
0xb3: {  	[dreg:$0x5] =	wrdreg s24  }
0xb4: {  	[dreg:$0x6] =	wrdreg $0x9  }
0xb5: {  	_ =	task.clear_ibuf [dreg:s9], $0x7FFFF;
	_ =	strace $0x90000046  }
0xb6: {  	s29 =	simm.s32 $0x9;
	_ =	strace $0x80000048  }
0xb7: {  	_ =	swait.ge [sflag:s29], $0x1  }
0xb8: {  	[sflag:s29] =	ssyncadd.s32 $0xFFFFFFFF  }
0xb9: {  	_ =	strace $0x90000048  }
0xba: {  	_ =	sfence  }
0xbb: {  	s30 =	sld [smem:$0x0];
	_ =	sdelay $0x2  }
0xbc: {  	s31 =	sshll.u32 s1, $0xD;
	s1 =	sshrl.u32 s1, $0x2  }
0xbd: {  	s3 =	sand.u32 $0x4000, s31;
	s1 =	sadd.s32 s1, s30  }
0xbe: {  	s0 =	sor.u32 s3, s0;
	s1 =	sshll.u32 s1, $0x11  }
0xbf: {  	s0 =	sor.u32 s1, s0  }
0xc0: {  	s0 =	sadd.s32 $0x8F2B, s0  }
0xc1: {  	[sflag:s0] =	ssyncadd.remote.s32 $0x1  }
0xc2: {  	_ =	sfence.sel $0xFFFF  }
0xc3: {  	[dreg:$0x0] =	wrdreg $0xFFFFFFFF;
	(pc) =	sbr.abs _section_cstart, $3  }
0xc4: {  	[dreg:$0x1] =	wrdreg $0xFFFFFFFF  }
0xc5: {  	_ =	task.clear_ibuf [dreg:s9], $0x2FFFF;
	_ =	strace $0x9FFFFFFF  }
0xc6: {  	(tm) =	ssettm $0x7FFFFFFF  }
0xc7: {  	_ =	shalt  }
tec
execute0_lowered:
.L_overlay_start_1:
0x0: {  	(tag) =	ssettag $0x1  }
0x1: {  	s3 =	srdreg.scid;
	s4 =	stileid.u32  }
0x2: {  	s0 =	rddreg [dreg:$0x0];
	s5 =	sand.u32 $0x1, s3;
	s4 =	sshll.u32 s4, $0x1  }
0x3: {  	s1 =	rddreg [dreg:$0x1];
	s4 =	sor.u32 s5, s4  }
0x4: {  	s2 =	rddreg [dreg:$0x2];
	s7 =	smul.u32 $0x620, s4  }
0x5: {  	s6 =	rddreg [dreg:$0x3];
	s28 =	simm.s32 $0x4580;
	s29 =	simm.s32 $0xE700  }
0x6: {  	s3 =	simm.s32 $0x0;
	s8 =	ssub.s32 $0x2, s5;
	s5 =	smin.u32 s7, $0xBD30  }
0x7: {  	[smem:$0x7FF] =	sst s3;
	s16 =	sshrl.u32 s8, $0x1;
	s9 =	sshrl.u32 s5, $0x3  }
0x8: {  	s7 =	ssub.s32 s8, s16;
	s0 =	sadd.s32 s0, s9;
	s8 =	sadd.s32 s1, s9  }
0x9: {  	_ =	strace $0x80000047;
	[dreg:$0x5] =	wrdreg s0;
	s17 =	sadd.s32 $0x186A, s8  }
0xa: {  	s30 =	simm.s32 $0x19700;
	s18 =	sadd.s32 $0x30D4, s8;
	[dreg:$0x6] =	wrdreg s17  }
0xb: {  	s31 =	simm.s32 $0x1A700;
	s19 =	sadd.s32 $0x493E, s8;
	[dreg:$0x7] =	wrdreg s18  }
0xc: {  	s10 =	simm.s32 $0x4;
	s20 =	sadd.s32 $0x61A8, s8;
	[dreg:$0x8] =	wrdreg s19  }
0xd: {  	s11 =	simm.s32 $0x0;
	s21 =	sadd.s32 $0x7A12, s8;
	[dreg:$0x9] =	wrdreg s20  }
0xe: {  	s4 =	sadd.s32 $0xA00, s6;
	s22 =	sadd.s32 $0x927C, s8;
	[dreg:$0xa] =	wrdreg s21  }
0xf: {  	s6 =	sadd.s32 $0xC4000, s6;
	s23 =	sadd.s32 $0xAAE6, s8;
	[dreg:$0xb] =	wrdreg s22  }
0x10: {  	s14 =	sshll.u32 s5, $0x4;
	s1 =	sadd.s32 $0xC350, s8;
	[dreg:$0xc] =	wrdreg s23  }
0x11: {  	s24 =	sadd.s32 $0x6000, s14;
	s25 =	sadd.s32 $0xDBBA, s8;
	[dreg:$0xd] =	wrdreg s1  }
0x12: {  	s9 =	simm.s32 $0x1B700;
	s26 =	sadd.s32 s4, s24;
	[dreg:$0xe] =	wrdreg s25  }
0x13: {  	s0 =	sadd.s32 s6, s24;
	s24 =	simm.s32 $0x4700;
	[dreg:$0xf] =	wrdreg s26  }
0x14: {  	[dreg:$0x10] =	wrdreg s0;
	s21 =	smax.u32 s7, $0x1;
	s0 =	simm.s32 $0x1  }
0x15: {  	s22 =	simm.s32 $0x140;
	s23 =	simm.s32 $0x4400;
	s25 =	simm.s32 $0x20  }
0x16: {  	s26 =	simm.s32 $0x18700;
	s1 =	simm.s32 $0x3;
	s7 =	simm.s32 $0x2  }
.LBB2_1:
0x17: {  	s12 =	rddreg [dreg:$0x5]  }
0x18: {  	[tilespmem:s3], [sflag:$0x1] =	stream.linear.gather [hbm4b:s12+s3], $0x620, $0x38;
	[tilespmem:$0x1C700] =	vst v63  }
0x19: {  	s15 =	simm.s32 $0x680  }
0x1a: {  	[tilespmem:s15], [sflag:$0x1] =	stream.linear.gather [hbm4b:s8+s3], $0x620, $0x38;
	[tilespmem:$0x1C700] =	vst v63  }
0x1b: {  	s16 =	rddreg [dreg:$0x6];
	s13 =	simm.s32 $0xCA0  }
0x1c: {  	[tilespmem:s13], [sflag:$0x1] =	stream.linear.gather [hbm4b:s16+s3], $0x620, $0x38;
	[tilespmem:$0x1C700] =	vst v63  }
0x1d: {  	s17 =	rddreg [dreg:$0x7];
	s18 =	simm.s32 $0x12C0  }
0x1e: {  	[tilespmem:s18], [sflag:$0x1] =	stream.linear.gather [hbm4b:s17+s3], $0x620, $0x38;
	[tilespmem:$0x1C700] =	vst v63  }
0x1f: {  	s19 =	rddreg [dreg:$0x8];
	s20 =	simm.s32 $0x18E0  }
0x20: {  	[tilespmem:s20], [sflag:$0x1] =	stream.linear.gather [hbm4b:s19+s3], $0x620, $0x38;
	[tilespmem:$0x1C700] =	vst v63  }
0x21: {  	s15 =	rddreg [dreg:$0x9];
	s16 =	simm.s32 $0x1F00  }
0x22: {  	[tilespmem:s16], [sflag:$0x1] =	stream.linear.gather [hbm4b:s15+s3], $0x620, $0x38;
	[tilespmem:$0x1C700] =	vst v63  }
0x23: {  	s17 =	rddreg [dreg:$0xa];
	s18 =	simm.s32 $0x2520  }
0x24: {  	[tilespmem:s18], [sflag:$0x1] =	stream.linear.gather [hbm4b:s17+s3], $0x620, $0x38;
	[tilespmem:$0x1C700] =	vst v63  }
0x25: {  	s19 =	rddreg [dreg:$0xb];
	s20 =	simm.s32 $0x2B40  }
0x26: {  	[tilespmem:s20], [sflag:$0x1] =	stream.linear.gather [hbm4b:s19+s3], $0x620, $0x38;
	[tilespmem:$0x1C700] =	vst v63  }
0x27: {  	s15 =	rddreg [dreg:$0xc];
	s16 =	simm.s32 $0x3160  }
0x28: {  	[tilespmem:s16], [sflag:$0x1] =	stream.linear.gather [hbm4b:s15+s3], $0x620, $0x38;
	[tilespmem:$0x1C700] =	vst v63  }
0x29: {  	s17 =	rddreg [dreg:$0xd];
	s18 =	simm.s32 $0x3780  }
0x2a: {  	[tilespmem:s18], [sflag:$0x1] =	stream.linear.gather [hbm4b:s17+s3], $0x620, $0x38;
	[tilespmem:$0x1C700] =	vst v63  }
0x2b: {  	s19 =	rddreg [dreg:$0xe];
	s20 =	simm.s32 $0x3DA0  }
0x2c: {  	[tilespmem:s20], [sflag:$0x1] =	stream.linear.gather [hbm4b:s19+s3], $0x620, $0x38;
	[tilespmem:$0x1C700] =	vst v63  }
0x2d: {  	_ =	swait.ge [sflag:s0], $0x620  }
0x2e: {  	[sflag:s0] =	ssyncset.done $0x0  }
0x2f: {  	[sflag:s0] =	ssyncadd.s32 $0xFFFFF9E0  }
0x30: {  	_ =	swait.ge [sflag:s0], $0x620  }
0x31: {  	[sflag:s0] =	ssyncset.done $0x0  }
0x32: {  	[sflag:s0] =	ssyncadd.s32 $0xFFFFF9E0  }
0x33: {  	_ =	swait.ge [sflag:s0], $0x620  }
0x34: {  	[sflag:s0] =	ssyncset.done $0x0  }
0x35: {  	[sflag:s0] =	ssyncadd.s32 $0xFFFFF9E0  }
0x36: {  	_ =	swait.ge [sflag:s0], $0x620  }
0x37: {  	[sflag:s0] =	ssyncset.done $0x0  }
0x38: {  	[sflag:s0] =	ssyncadd.s32 $0xFFFFF9E0  }
0x39: {  	_ =	swait.ge [sflag:s0], $0x620  }
0x3a: {  	[sflag:s0] =	ssyncset.done $0x0  }
0x3b: {  	[sflag:s0] =	ssyncadd.s32 $0xFFFFF9E0  }
0x3c: {  	_ =	swait.ge [sflag:s0], $0x620  }
0x3d: {  	[sflag:s0] =	ssyncset.done $0x0  }
0x3e: {  	[sflag:s0] =	ssyncadd.s32 $0xFFFFF9E0  }
0x3f: {  	_ =	swait.ge [sflag:s0], $0x620  }
0x40: {  	[sflag:s0] =	ssyncset.done $0x0  }
0x41: {  	[sflag:s0] =	ssyncadd.s32 $0xFFFFF9E0  }
0x42: {  	_ =	swait.ge [sflag:s0], $0x620  }
0x43: {  	[sflag:s0] =	ssyncset.done $0x0  }
0x44: {  	[sflag:s0] =	ssyncadd.s32 $0xFFFFF9E0  }
0x45: {  	_ =	swait.ge [sflag:s0], $0x620  }
0x46: {  	[sflag:s0] =	ssyncset.done $0x0  }
0x47: {  	[sflag:s0] =	ssyncadd.s32 $0xFFFFF9E0  }
0x48: {  	_ =	swait.ge [sflag:s0], $0x620  }
0x49: {  	[sflag:s0] =	ssyncset.done $0x0  }
0x4a: {  	[sflag:s0] =	ssyncadd.s32 $0xFFFFF9E0  }
0x4b: {  	_ =	swait.ge [sflag:s0], $0x620  }
0x4c: {  	[sflag:s0] =	ssyncset.done $0x0  }
0x4d: {  	[sflag:s0] =	ssyncadd.s32 $0xFFFFF9E0  }
0x4e: {  	v0 =	vld [tilespmem:$0x680]  }
0x4f: {  	v1 =	vld [tilespmem:$0x690]  }
0x50: {  	v2 =	vld [tilespmem:$0xCA0]  }
0x51: {  	v3 =	vld [tilespmem:$0xCB0]  }
0x52: {  	v4 =	vld [tilespmem:$0x12C0]  }
0x53: {  	v49 =	vld [tilespmem:$0x12D0];
	[tilespmem:$0x4400] =	vst v0  }
0x54: {  	v50 =	vld [tilespmem:$0x18E0];
	[tilespmem:$0x4410] =	vst v1  }
0x55: {  	v51 =	vld [tilespmem:$0x18F0];
	[tilespmem:$0x4420] =	vst v2  }
0x56: {  	v52 =	vld [tilespmem:$0x1F00];
	[tilespmem:$0x4430] =	vst v3  }
0x57: {  	v53 =	vld [tilespmem:$0x1F10];
	[tilespmem:$0x4440] =	vst v4  }
0x58: {  	v54 =	vld [tilespmem:$0x2520];
	[tilespmem:$0x4450] =	vst v49  }
0x59: {  	v55 =	vld [tilespmem:$0x2530];
	[tilespmem:$0x4460] =	vst v50  }
0x5a: {  	v56 =	vld [tilespmem:$0x2B40];
	[tilespmem:$0x4470] =	vst v51  }
0x5b: {  	v57 =	vld [tilespmem:$0x2B50];
	[tilespmem:$0x4480] =	vst v52  }
0x5c: {  	v58 =	vld [tilespmem:$0x3160];
	[tilespmem:$0x4490] =	vst v53  }
0x5d: {  	v59 =	vld [tilespmem:$0x3170];
	[tilespmem:$0x44A0] =	vst v54  }
0x5e: {  	v60 =	vld [tilespmem:$0x3780];
	[tilespmem:$0x44B0] =	vst v55  }
0x5f: {  	v61 =	vld [tilespmem:$0x3790];
	[tilespmem:$0x44C0] =	vst v56  }
0x60: {  	v62 =	vld [tilespmem:$0x3DA0];
	[tilespmem:$0x44D0] =	vst v57  }
0x61: {  	v63 =	vld [tilespmem:$0x3DB0];
	[tilespmem:$0x44E0] =	vst v58  }
0x62: {  	[tilespmem:$0x44F0] =	vst v59  }
0x63: {  	[tilespmem:$0x4500] =	vst v60  }
0x64: {  	[tilespmem:$0x4510] =	vst v61  }
0x65: {  	[tilespmem:$0x4520] =	vst v62  }
0x66: {  	[tilespmem:$0x4530] =	vst v63  }
0x67: {  	[tilespmem:s24], [sflag:$0x1] =	stream.indirect.gather [hbm4b:s2+s22], $0x80, s23, s22, $0xb8;
	[tilespmem:$0x1C700] =	vst v63  }
0x68: {  	s12 =	simm.s32 $0x0  }
0x69: {  	[tilespmem:s26], [sflag:$0x1] =	stream.indirect.gather [hbm4b:s2+s25], $0x80, s3, s25, $0xb8;
	[tilespmem:$0x1C700] =	vst v63  }
.LBB2_2:
0x6a: {  	p0 =	seq.s32 s12, $0x0  }
0x6b: {  	s13 =	simm.s32 @!p0 $0x4  }
0x6c: {  	_ =	swait.ge @!p0 [sflag:s13], $0x1000  }
0x6d: {  	[sflag:s13] =	ssyncset.done @!p0 $0x0  }
0x6e: {  	[sflag:s13] =	ssyncadd.s32 @!p0 $0xFFFFF000  }
0x6f: {  	_ =	swait.ge @!p0 [sflag:s13], $0x1000  }
0x70: {  	[sflag:s13] =	ssyncset.done @!p0 $0x0  }
0x71: {  	s15 =	sshll.u32 s12, $0x6;
	[sflag:s13] =	ssyncadd.s32 @!p0 $0xFFFFF000  }
0x72: {  	v0 =	vld [tilespmem:s15+$0x6A0];
	_ =	sdelay $0x4  }
0x73: {  	[tilespmem:$0x4580] =	vst v0  }
0x74: {  	v0 =	vld [tilespmem:s15+$0x6B0];
	_ =	sdelay $0x4  }
0x75: {  	[tilespmem:$0x4590] =	vst v0  }
0x76: {  	v0 =	vld [tilespmem:s15+$0xCC0];
	_ =	sdelay $0x4  }
0x77: {  	[tilespmem:$0x45A0] =	vst v0  }
0x78: {  	v0 =	vld [tilespmem:s15+$0xCD0];
	_ =	sdelay $0x4  }
0x79: {  	[tilespmem:$0x45B0] =	vst v0  }
0x7a: {  	v0 =	vld [tilespmem:s15+$0x12E0];
	_ =	sdelay $0x4  }
0x7b: {  	[tilespmem:$0x45C0] =	vst v0  }
0x7c: {  	v0 =	vld [tilespmem:s15+$0x12F0];
	_ =	sdelay $0x3  }
0x7d: {  	s16 =	sand.u32 $0x780, s15;
	s17 =	sand.u32 $0x40, s15  }
0x7e: {  	s20 =	sor.u32 s17, s16;
	[tilespmem:$0x45D0] =	vst v0  }
0x7f: {  	v0 =	vld [tilespmem:s20+$0x1900];
	_ =	sdelay $0x4  }
0x80: {  	[tilespmem:$0x45E0] =	vst v0  }
0x81: {  	v0 =	vld [tilespmem:s15+$0x1910];
	_ =	sdelay $0x4  }
0x82: {  	[tilespmem:$0x45F0] =	vst v0  }
0x83: {  	v0 =	vld [tilespmem:s15+$0x1F20];
	_ =	sdelay $0x4  }
0x84: {  	[tilespmem:$0x4600] =	vst v0  }
0x85: {  	v0 =	vld [tilespmem:s15+$0x1F30];
	_ =	sdelay $0x4  }
0x86: {  	[tilespmem:$0x4610] =	vst v0  }
0x87: {  	v0 =	vld [tilespmem:s15+$0x2540];
	_ =	sdelay $0x4  }
0x88: {  	[tilespmem:$0x4620] =	vst v0  }
0x89: {  	v0 =	vld [tilespmem:s15+$0x2550];
	_ =	sdelay $0x4  }
0x8a: {  	[tilespmem:$0x4630] =	vst v0  }
0x8b: {  	v0 =	vld [tilespmem:s15+$0x2B60];
	_ =	sdelay $0x4  }
0x8c: {  	[tilespmem:$0x4640] =	vst v0  }
0x8d: {  	v0 =	vld [tilespmem:s15+$0x2B70];
	_ =	sdelay $0x4  }
0x8e: {  	[tilespmem:$0x4650] =	vst v0  }
0x8f: {  	v0 =	vld [tilespmem:s20+$0x3180];
	_ =	sdelay $0x4  }
0x90: {  	[tilespmem:$0x4660] =	vst v0  }
0x91: {  	v0 =	vld [tilespmem:s15+$0x3190];
	_ =	sdelay $0x4  }
0x92: {  	[tilespmem:$0x4670] =	vst v0  }
0x93: {  	v0 =	vld [tilespmem:s15+$0x37A0];
	_ =	sdelay $0x4  }
0x94: {  	[tilespmem:$0x4680] =	vst v0  }
0x95: {  	v0 =	vld [tilespmem:s15+$0x37B0];
	_ =	sdelay $0x4  }
0x96: {  	[tilespmem:$0x4690] =	vst v0  }
0x97: {  	v0 =	vld [tilespmem:s15+$0x3DC0];
	_ =	sdelay $0x4  }
0x98: {  	[tilespmem:$0x46A0] =	vst v0  }
0x99: {  	v0 =	vld [tilespmem:s15+$0x3DD0];
	_ =	sdelay $0x4  }
0x9a: {  	[tilespmem:$0x46B0] =	vst v0  }
0x9b: {  	[tilespmem:s29], [sflag:$0x2] =	stream.indirect.gather [hbm4b:s2+s22], $0x80, s28, s22, $0xb8;
	[tilespmem:$0x1C700] =	vst v63  }
0x9c: {  	s13 =	sor.u32 $0x20, s15  }
0x9d: {  	[tilespmem:s30], [sflag:$0x2] =	stream.indirect.gather [hbm4b:s2+s25], $0x80, s13, s25, $0xb8;
	[tilespmem:$0x1C700] =	vst v63  }
0x9e: {  	_ =	swait.ge [sflag:s0], $0xA000  }
0x9f: {  	[sflag:s0] =	ssyncset.done $0x0  }
0xa0: {  	[sflag:s0] =	ssyncadd.s32 $0xFFFF6000  }
0xa1: {  	_ =	swait.ge [sflag:s0], $0x1000  }
0xa2: {  	[sflag:s0] =	ssyncset.done $0x0  }
0xa3: {  	s18 =	simm.s32 $0x0;
	[sflag:s0] =	ssyncadd.s32 $0xFFFFF000  }
0xa4: {  	v0 =	vld [tilespmem:s18+$0x4770]  }
0xa5: {  	v1 =	vld [tilespmem:s18+$0x5770]  }
0xa6: {  	v2 =	vld [tilespmem:s18+$0x4700]  }
0xa7: {  	v3 =	vld [tilespmem:s18+$0x6770]  }
0xa8: {  	v4 =	vld [tilespmem:s18+$0x5700]  }
0xa9: {  	v5 =	vld [tilespmem:s18+$0x7770]  }
0xaa: {  	v6 =	vld [tilespmem:s18+$0x4710]  }
0xab: {  	v7 =	vld [tilespmem:s18+$0x5710]  }
0xac: {  	v8 =	vld [tilespmem:s18+$0x4720]  }
0xad: {  	v9 =	vld [tilespmem:s18+$0x5720]  }
0xae: {  	v10 =	vld [tilespmem:s18+$0x4730]  }
0xaf: {  	v11 =	vld [tilespmem:s18+$0x5730]  }
0xb0: {  	v12 =	vld [tilespmem:s18+$0x4740]  }
0xb1: {  	v13 =	vld [tilespmem:s18+$0x4750]  }
0xb2: {  	v14 =	vld [tilespmem:s18+$0x4760]  }
0xb3: {  	v15 =	vld [tilespmem:s18+$0x6700]  }
0xb4: {  	v16 =	vld [tilespmem:s18+$0x6720]  }
0xb5: {  	v17 =	vld [tilespmem:s18+$0x6730]  }
0xb6: {  	v18 =	vld [tilespmem:s18+$0x6740]  }
0xb7: {  	v19 =	vld [tilespmem:s18+$0x6750]  }
0xb8: {  	v20 =	vld [tilespmem:s18+$0x6760]  }
0xb9: {  	v21 =	vld [tilespmem:s18+$0x7700]  }
0xba: {  	v22 =	vld [tilespmem:s18+$0x7710]  }
0xbb: {  	v23 =	vld [tilespmem:s18+$0x7720]  }
0xbc: {  	v24 =	vld [tilespmem:s18+$0x7730]  }
0xbd: {  	v25 =	vld [tilespmem:s18+$0x7740]  }
0xbe: {  	v26 =	vld [tilespmem:s18+$0x7750]  }
0xbf: {  	v27 =	vld [tilespmem:s18+$0x7760]  }
0xc0: {  	v28 =	vld [tilespmem:s18+$0x8700]  }
0xc1: {  	v29 =	vld [tilespmem:s18+$0x8710]  }
0xc2: {  	v30 =	vld [tilespmem:s18+$0x8720]  }
0xc3: {  	v31 =	vld [tilespmem:s18+$0x8730]  }
0xc4: {  	v32 =	vld [tilespmem:s18+$0x8740]  }
0xc5: {  	v33 =	vld [tilespmem:s18+$0x8750]  }
0xc6: {  	v34 =	vld [tilespmem:s18+$0x8760]  }
0xc7: {  	v35 =	vld [tilespmem:s18+$0x9700]  }
0xc8: {  	v36 =	vld [tilespmem:s18+$0x9710]  }
0xc9: {  	v37 =	vld [tilespmem:s18+$0x9720]  }
0xca: {  	v38 =	vld [tilespmem:s18+$0x9730]  }
0xcb: {  	v39 =	vld [tilespmem:s18+$0x9740]  }
0xcc: {  	v40 =	vld [tilespmem:s18+$0x9750]  }
0xcd: {  	v41 =	vld [tilespmem:s18+$0x9760]  }
0xce: {  	v44 =	vld [tilespmem:s18+$0xA750];
	v0 =	vadd.f32 v1, v0  }
0xcf: {  	v1 =	vld [tilespmem:s18+$0x8770]  }
0xd0: {  	v45 =	vld [tilespmem:s18+$0xA760];
	v2 =	vadd.f32 v4, v2;
	v0 =	vadd.f32 v3, v0  }
0xd1: {  	v6 =	vadd.f32 v7, v6;
	v7 =	vadd.f32 v9, v8;
	v3 =	vld [tilespmem:s18+$0x9770]  }
0xd2: {  	v4 =	vld [tilespmem:s18+$0xA700];
	v9 =	vadd.f32 v11, v10;
	v0 =	vadd.f32 v5, v0  }
0xd3: {  	v2 =	vadd.f32 v15, v2;
	v7 =	vadd.f32 v16, v7;
	v5 =	vld [tilespmem:s18+$0xA770]  }
0xd4: {  	v10 =	vld [tilespmem:s18+$0xA720];
	v9 =	vadd.f32 v17, v9;
	v0 =	vadd.f32 v1, v0  }
0xd5: {  	v2 =	vadd.f32 v21, v2;
	v7 =	vadd.f32 v23, v7;
	v1 =	vld [tilespmem:s18+$0xB770]  }
0xd6: {  	v11 =	vld [tilespmem:s18+$0xA730];
	v9 =	vadd.f32 v24, v9;
	v0 =	vadd.f32 v3, v0  }
0xd7: {  	v2 =	vadd.f32 v28, v2;
	v7 =	vadd.f32 v30, v7;
	v3 =	vld [tilespmem:s18+$0xC770]  }
0xd8: {  	v46 =	vld [tilespmem:s18+$0xB700];
	v9 =	vadd.f32 v31, v9;
	v0 =	vadd.f32 v5, v0  }
0xd9: {  	v2 =	vadd.f32 v35, v2;
	v7 =	vadd.f32 v37, v7;
	v5 =	vld [tilespmem:s18+$0xD770]  }
0xda: {  	v49 =	vld [tilespmem:s18+$0xB730];
	v9 =	vadd.f32 v38, v9;
	v0 =	vadd.f32 v1, v0  }
0xdb: {  	v53 =	vld [tilespmem:s18+$0xC700];
	v2 =	vadd.f32 v4, v2;
	v4 =	vadd.f32 v10, v7  }
0xdc: {  	v7 =	vadd.f32 v11, v9;
	v11 =	vld [tilespmem:s18+$0xD700];
	v0 =	vadd.f32 v3, v0  }
0xdd: {  	v1 =	vld [tilespmem:s18+$0x5740]  }
0xde: {  	v3 =	vld [tilespmem:s18+$0x5750];
	v0 =	vadd.f32 v5, v0  }
0xdf: {  	v2 =	vadd.f32 v46, v2;
	v5 =	vld [tilespmem:s18+$0x5760]  }
0xe0: {  	[tilespmem:s18+$0x1A770] =	vst v0;
	v0 =	vld [tilespmem:s18+$0x6710]  }
0xe1: {  	v47 =	vld [tilespmem:s18+$0xB710];
	v61 =	vadd.f32 v53, v2  }
0xe2: {  	v48 =	vld [tilespmem:s18+$0xB720];
	v58 =	vadd.f32 v49, v7;
	v1 =	vadd.f32 v1, v12  }
0xe3: {  	v50 =	vld [tilespmem:s18+$0xB740];
	v11 =	vadd.f32 v11, v61;
	v3 =	vadd.f32 v3, v13  }
0xe4: {  	v51 =	vld [tilespmem:s18+$0xB750];
	v1 =	vadd.f32 v18, v1;
	v5 =	vadd.f32 v5, v14  }
0xe5: {  	v52 =	vld [tilespmem:s18+$0xB760];
	v3 =	vadd.f32 v19, v3;
	v0 =	vadd.f32 v0, v6  }
0xe6: {  	v54 =	vld [tilespmem:s18+$0xC710];
	v1 =	vadd.f32 v25, v1;
	v5 =	vadd.f32 v20, v5  }
0xe7: {  	v6 =	vld [tilespmem:s18+$0xA740];
	v3 =	vadd.f32 v26, v3;
	v0 =	vadd.f32 v22, v0  }
0xe8: {  	v8 =	vld [tilespmem:s18+$0xA710];
	v1 =	vadd.f32 v32, v1;
	v5 =	vadd.f32 v27, v5  }
0xe9: {  	v55 =	vld [tilespmem:s18+$0xC720];
	v3 =	vadd.f32 v33, v3;
	v0 =	vadd.f32 v29, v0  }
0xea: {  	v56 =	vld [tilespmem:s18+$0xC730];
	v1 =	vadd.f32 v39, v1;
	v5 =	vadd.f32 v34, v5  }
0xeb: {  	v57 =	vld [tilespmem:s18+$0xD710];
	v3 =	vadd.f32 v40, v3;
	v0 =	vadd.f32 v36, v0  }
0xec: {  	v59 =	vld [tilespmem:s18+$0xD720];
	v1 =	vadd.f32 v6, v1;
	v6 =	vadd.f32 v48, v4  }
0xed: {  	v9 =	vld [tilespmem:s18+$0xC750];
	v5 =	vadd.f32 v41, v5;
	v0 =	vadd.f32 v8, v0  }
0xee: {  	v3 =	vadd.f32 v44, v3;
	v1 =	vadd.f32 v50, v1;
	v8 =	vld [tilespmem:s18+$0xC740]  }
0xef: {  	v10 =	vld [tilespmem:s18+$0xC760];
	v63 =	vadd.f32 v55, v6;
	v0 =	vadd.f32 v47, v0  }
0xf0: {  	v7 =	vld [tilespmem:s18+$0xD730];
	v5 =	vadd.f32 v45, v5;
	v3 =	vadd.f32 v51, v3  }
0xf1: {  	v4 =	vld [tilespmem:s18+$0xD740];
	v6 =	vadd.f32 v56, v58;
	v62 =	vadd.f32 v54, v0  }
0xf2: {  	v60 =	vadd.f32 v52, v5;
	v5 =	vld [tilespmem:s18+$0xD750];
	v3 =	vadd.f32 v9, v3  }
0xf3: {  	s20 =	simm.s32 $0x80;
	v2 =	vadd.f32 v8, v1;
	v8 =	vld [tilespmem:s18+$0xD760];
	v9 =	vadd.f32 v57, v62  }
0xf4: {  	s19 =	simm.s32 $0x400;
	v0 =	vadd.f32 v10, v60;
	v10 =	vadd.f32 v59, v63;
	v1 =	vld [tilespmem:s20+$0x4770];
	[tilespmem:s18+$0x1A700] =	vst v11  }
.LBB2_3:
0xf5: {  	p0 =	sne.s32 s19, $0x3E00;
	v11 =	vld [tilespmem:s20+$0x5770];
	[tilespmem:s18+$0x1A710] =	vst v9;
	v6 =	vadd.f32 v7, v6  }
0xf6: {  	v7 =	vld [tilespmem:s20+$0x4700];
	[tilespmem:s18+$0x1A720] =	vst v10;
	v2 =	vadd.f32 v4, v2  }
0xf7: {  	v4 =	vld [tilespmem:s20+$0x6770];
	[tilespmem:s18+$0x1A730] =	vst v6;
	v3 =	vadd.f32 v5, v3  }
0xf8: {  	v5 =	vld [tilespmem:s20+$0x5700];
	[tilespmem:s18+$0x1A740] =	vst v2;
	v0 =	vadd.f32 v8, v0  }
0xf9: {  	v2 =	vld [tilespmem:s20+$0x7770];
	[tilespmem:s18+$0x1A750] =	vst v3  }
0xfa: {  	v3 =	vld [tilespmem:s20+$0x4710];
	v1 =	vadd.f32 v11, v1;
	[tilespmem:s18+$0x1A760] =	vst v0;
	s18 =	smov.u32 s20  }
0xfb: {  	v0 =	vld [tilespmem:s18+$0x8770]  }
0xfc: {  	v6 =	vld [tilespmem:s18+$0x5710];
	v1 =	vadd.f32 v4, v1  }
0xfd: {  	v4 =	vadd.f32 v5, v7;
	v5 =	vld [tilespmem:s18+$0x9770]  }
0xfe: {  	v7 =	vld [tilespmem:s18+$0x4720];
	v1 =	vadd.f32 v2, v1  }
0xff: {  	v2 =	vld [tilespmem:s18+$0xA770]  }
0x100: {  	v8 =	vld [tilespmem:s18+$0x5720];
	v0 =	vadd.f32 v0, v1  }
0x101: {  	v1 =	vadd.f32 v6, v3;
	v3 =	vld [tilespmem:s18+$0xB770]  }
0x102: {  	v6 =	vld [tilespmem:s18+$0x4730];
	v0 =	vadd.f32 v5, v0  }
0x103: {  	v5 =	vld [tilespmem:s18+$0xC770]  }
0x104: {  	v9 =	vld [tilespmem:s18+$0x5730];
	v0 =	vadd.f32 v2, v0  }
0x105: {  	v2 =	vadd.f32 v8, v7;
	v7 =	vld [tilespmem:s18+$0xD770]  }
0x106: {  	v8 =	vld [tilespmem:s18+$0x4740];
	v0 =	vadd.f32 v3, v0  }
0x107: {  	v3 =	vld [tilespmem:s18+$0x5740]  }
0x108: {  	v10 =	vld [tilespmem:s18+$0x4750];
	v0 =	vadd.f32 v5, v0  }
0x109: {  	v5 =	vadd.f32 v9, v6;
	v6 =	vld [tilespmem:s18+$0x5750]  }
0x10a: {  	v9 =	vld [tilespmem:s18+$0x4760];
	v0 =	vadd.f32 v7, v0  }
0x10b: {  	v7 =	vld [tilespmem:s18+$0x5760]  }
0x10c: {  	v11 =	vld [tilespmem:s18+$0x6700];
	v3 =	vadd.f32 v3, v8;
	[tilespmem:s18+$0x1A770] =	vst v0  }
0x10d: {  	v0 =	vld [tilespmem:s18+$0x6710]  }
0x10e: {  	v8 =	vld [tilespmem:s18+$0x6720];
	v6 =	vadd.f32 v6, v10  }
0x10f: {  	v10 =	vld [tilespmem:s18+$0x6730]  }
0x110: {  	v12 =	vld [tilespmem:s18+$0x6740];
	v7 =	vadd.f32 v7, v9  }
0x111: {  	v4 =	vadd.f32 v11, v4;
	v9 =	vld [tilespmem:s18+$0x6750]  }
0x112: {  	v0 =	vadd.f32 v0, v1;
	v1 =	vld [tilespmem:s18+$0x6760]  }
0x113: {  	v11 =	vld [tilespmem:s18+$0x7700];
	v2 =	vadd.f32 v8, v2  }
0x114: {  	v8 =	vld [tilespmem:s18+$0x7710];
	v5 =	vadd.f32 v10, v5  }
0x115: {  	v10 =	vld [tilespmem:s18+$0x7720];
	v3 =	vadd.f32 v12, v3  }
0x116: {  	v12 =	vld [tilespmem:s18+$0x7730];
	v6 =	vadd.f32 v9, v6  }
0x117: {  	v9 =	vld [tilespmem:s18+$0x7740];
	v1 =	vadd.f32 v1, v7  }
0x118: {  	v4 =	vadd.f32 v11, v4;
	v7 =	vld [tilespmem:s18+$0x7750]  }
0x119: {  	v0 =	vadd.f32 v8, v0;
	v8 =	vld [tilespmem:s18+$0x7760]  }
0x11a: {  	v11 =	vld [tilespmem:s18+$0x8700];
	v2 =	vadd.f32 v10, v2  }
0x11b: {  	v10 =	vld [tilespmem:s18+$0x8710];
	v5 =	vadd.f32 v12, v5  }
0x11c: {  	v12 =	vld [tilespmem:s18+$0x8720];
	v3 =	vadd.f32 v9, v3  }
0x11d: {  	v9 =	vld [tilespmem:s18+$0x8730];
	v6 =	vadd.f32 v7, v6  }
0x11e: {  	v7 =	vld [tilespmem:s18+$0x8740];
	v1 =	vadd.f32 v8, v1  }
0x11f: {  	v4 =	vadd.f32 v11, v4;
	v8 =	vld [tilespmem:s18+$0x8750]  }
0x120: {  	v0 =	vadd.f32 v10, v0;
	v10 =	vld [tilespmem:s18+$0x8760]  }
0x121: {  	v11 =	vld [tilespmem:s18+$0x9700];
	v2 =	vadd.f32 v12, v2  }
0x122: {  	v12 =	vld [tilespmem:s18+$0x9710];
	v5 =	vadd.f32 v9, v5  }
0x123: {  	v9 =	vld [tilespmem:s18+$0x9720];
	v3 =	vadd.f32 v7, v3  }
0x124: {  	v7 =	vld [tilespmem:s18+$0x9730];
	v6 =	vadd.f32 v8, v6  }
0x125: {  	v8 =	vld [tilespmem:s18+$0x9740];
	v1 =	vadd.f32 v10, v1  }
0x126: {  	v4 =	vadd.f32 v11, v4;
	v10 =	vld [tilespmem:s18+$0x9750]  }
0x127: {  	v0 =	vadd.f32 v12, v0;
	v11 =	vld [tilespmem:s18+$0x9760]  }
0x128: {  	v12 =	vld [tilespmem:s18+$0xA700];
	v2 =	vadd.f32 v9, v2  }
0x129: {  	v9 =	vld [tilespmem:s18+$0xA710];
	v5 =	vadd.f32 v7, v5  }
0x12a: {  	v7 =	vld [tilespmem:s18+$0xA720];
	v3 =	vadd.f32 v8, v3  }
0x12b: {  	v8 =	vld [tilespmem:s18+$0xA730];
	v6 =	vadd.f32 v10, v6  }
0x12c: {  	v10 =	vld [tilespmem:s18+$0xA740];
	v1 =	vadd.f32 v11, v1  }
0x12d: {  	v4 =	vadd.f32 v12, v4;
	v11 =	vld [tilespmem:s18+$0xA750]  }
0x12e: {  	v0 =	vadd.f32 v9, v0;
	v9 =	vld [tilespmem:s18+$0xA760]  }
0x12f: {  	v12 =	vld [tilespmem:s18+$0xB700];
	v2 =	vadd.f32 v7, v2  }
0x130: {  	v7 =	vld [tilespmem:s18+$0xB710];
	v5 =	vadd.f32 v8, v5  }
0x131: {  	v8 =	vld [tilespmem:s18+$0xB720];
	v3 =	vadd.f32 v10, v3  }
0x132: {  	v10 =	vld [tilespmem:s18+$0xB730];
	v6 =	vadd.f32 v11, v6  }
0x133: {  	v11 =	vld [tilespmem:s18+$0xB740];
	v1 =	vadd.f32 v9, v1  }
0x134: {  	v4 =	vadd.f32 v12, v4;
	v9 =	vld [tilespmem:s18+$0xB750]  }
0x135: {  	v0 =	vadd.f32 v7, v0;
	v7 =	vld [tilespmem:s18+$0xB760]  }
0x136: {  	v12 =	vld [tilespmem:s18+$0xC700];
	v2 =	vadd.f32 v8, v2  }
0x137: {  	v8 =	vld [tilespmem:s18+$0xC710];
	v5 =	vadd.f32 v10, v5  }
0x138: {  	v10 =	vld [tilespmem:s18+$0xC720];
	v3 =	vadd.f32 v11, v3  }
0x139: {  	v11 =	vld [tilespmem:s18+$0xC730];
	v9 =	vadd.f32 v9, v6  }
0x13a: {  	v13 =	vld [tilespmem:s18+$0xC740];
	v1 =	vadd.f32 v7, v1  }
0x13b: {  	v12 =	vadd.f32 v12, v4;
	v4 =	vld [tilespmem:s18+$0xC750]  }
0x13c: {  	v8 =	vadd.f32 v8, v0;
	v0 =	vld [tilespmem:s18+$0xC760]  }
0x13d: {  	v14 =	vld [tilespmem:s18+$0xD700];
	v10 =	vadd.f32 v10, v2  }
0x13e: {  	v15 =	vld [tilespmem:s18+$0xD710];
	v6 =	vadd.f32 v11, v5  }
0x13f: {  	v11 =	vld [tilespmem:s18+$0xD720];
	v2 =	vadd.f32 v13, v3  }
.Ltmp0:
0x140: {  	v7 =	vld [tilespmem:s18+$0xD730];
	v3 =	vadd.f32 v4, v9;
	(pc) =	sbr.rel @p0 .LBB2_3-.Ltmp0, $4  }
0x141: {  	v4 =	vld [tilespmem:s18+$0xD740];
	v0 =	vadd.f32 v0, v1  }
0x142: {  	v12 =	vadd.f32 v14, v12;
	v5 =	vld [tilespmem:s18+$0xD750]  }
0x143: {  	s20 =	sshra.s32 s19, $0x2;
	v9 =	vadd.f32 v15, v8;
	v8 =	vld [tilespmem:s18+$0xD760]  }
0x144: {  	s19 =	sadd.s32 $0x200, s19;
	v1 =	vld [tilespmem:s20+$0x4770];
	[tilespmem:s18+$0x1A700] =	vst v12;
	v10 =	vadd.f32 v11, v10  }
0x145: {  	v11 =	vld [tilespmem:s20+$0x5770];
	[tilespmem:s18+$0x1A710] =	vst v9;
	v6 =	vadd.f32 v7, v6  }
0x146: {  	v9 =	vld [tilespmem:s20+$0x4700];
	[tilespmem:s18+$0x1A720] =	vst v10;
	v2 =	vadd.f32 v4, v2  }
0x147: {  	v7 =	vld [tilespmem:s20+$0x6770];
	[tilespmem:s18+$0x1A730] =	vst v6;
	v3 =	vadd.f32 v5, v3  }
0x148: {  	v4 =	vld [tilespmem:s20+$0x5700];
	[tilespmem:s18+$0x1A740] =	vst v2;
	v0 =	vadd.f32 v8, v0  }
0x149: {  	v2 =	vld [tilespmem:s20+$0x7770];
	[tilespmem:s18+$0x1A750] =	vst v3  }
0x14a: {  	v3 =	vld [tilespmem:s20+$0x4710];
	[tilespmem:s18+$0x1A760] =	vst v0  }
0x14b: {  	v0 =	vadd.f32 v11, v1;
	v1 =	vld [tilespmem:s20+$0x8770]  }
0x14c: {  	v5 =	vld [tilespmem:s20+$0x5710]  }
0x14d: {  	v6 =	vld [tilespmem:s20+$0x9770]  }
0x14e: {  	v8 =	vld [tilespmem:s20+$0x5720]  }
0x14f: {  	v10 =	vld [tilespmem:s20+$0x4730]  }
0x150: {  	v11 =	vld [tilespmem:s20+$0x5730]  }
0x151: {  	v12 =	vld [tilespmem:s20+$0x4740]  }
0x152: {  	v13 =	vld [tilespmem:s20+$0x4750]  }
0x153: {  	v14 =	vld [tilespmem:s20+$0x4760]  }
0x154: {  	v15 =	vld [tilespmem:s20+$0x6700]  }
0x155: {  	v16 =	vld [tilespmem:s20+$0x6720]  }
0x156: {  	v17 =	vld [tilespmem:s20+$0x6730]  }
0x157: {  	v18 =	vld [tilespmem:s20+$0x6740]  }
0x158: {  	v19 =	vld [tilespmem:s20+$0x6750]  }
0x159: {  	v20 =	vld [tilespmem:s20+$0x6760]  }
0x15a: {  	v21 =	vld [tilespmem:s20+$0x7700]  }
0x15b: {  	v22 =	vld [tilespmem:s20+$0x7710]  }
0x15c: {  	v23 =	vld [tilespmem:s20+$0x7720]  }
0x15d: {  	v24 =	vld [tilespmem:s20+$0x7730]  }
0x15e: {  	v25 =	vld [tilespmem:s20+$0x7740]  }
0x15f: {  	v26 =	vld [tilespmem:s20+$0x7750]  }
0x160: {  	v27 =	vld [tilespmem:s20+$0x7760]  }
0x161: {  	v28 =	vld [tilespmem:s20+$0x8700]  }
0x162: {  	v29 =	vld [tilespmem:s20+$0x8710]  }
0x163: {  	v30 =	vld [tilespmem:s20+$0x8720]  }
0x164: {  	v31 =	vld [tilespmem:s20+$0x8730]  }
0x165: {  	v32 =	vld [tilespmem:s20+$0x8740]  }
0x166: {  	v33 =	vld [tilespmem:s20+$0x8750]  }
0x167: {  	v34 =	vld [tilespmem:s20+$0x8760]  }
0x168: {  	v35 =	vld [tilespmem:s20+$0x9700]  }
0x169: {  	v36 =	vld [tilespmem:s20+$0x9710]  }
0x16a: {  	v37 =	vld [tilespmem:s20+$0x9720]  }
0x16b: {  	v38 =	vld [tilespmem:s20+$0x9730]  }
0x16c: {  	v39 =	vld [tilespmem:s20+$0x9740]  }
0x16d: {  	v40 =	vld [tilespmem:s20+$0x9750]  }
0x16e: {  	v41 =	vld [tilespmem:s20+$0x9760]  }
0x16f: {  	v58 =	vld [tilespmem:s20+$0xA750]  }
0x170: {  	v59 =	vld [tilespmem:s20+$0xA760];
	v0 =	vadd.f32 v7, v0  }
0x171: {  	v60 =	vld [tilespmem:s20+$0xB700]  }
0x172: {  	v7 =	vld [tilespmem:s20+$0x4720];
	v0 =	vadd.f32 v2, v0  }
0x173: {  	v2 =	vld [tilespmem:s20+$0xA770]  }
0x174: {  	v61 =	vld [tilespmem:s20+$0xB710];
	v0 =	vadd.f32 v1, v0  }
0x175: {  	v4 =	vadd.f32 v4, v9;
	v1 =	vld [tilespmem:s20+$0xB770]  }
0x176: {  	v62 =	vld [tilespmem:s20+$0xB720];
	v3 =	vadd.f32 v5, v3;
	v0 =	vadd.f32 v6, v0  }
0x177: {  	v4 =	vadd.f32 v15, v4;
	v5 =	vadd.f32 v8, v7;
	v6 =	vld [tilespmem:s20+$0xC770]  }
0x178: {  	v9 =	vld [tilespmem:s20+$0xA700];
	v8 =	vadd.f32 v11, v10;
	v0 =	vadd.f32 v2, v0  }
0x179: {  	v4 =	vadd.f32 v21, v4;
	v5 =	vadd.f32 v16, v5;
	v2 =	vld [tilespmem:s20+$0xD770]  }
0x17a: {  	v10 =	vld [tilespmem:s20+$0xA720];
	v8 =	vadd.f32 v17, v8;
	v0 =	vadd.f32 v1, v0  }
0x17b: {  	v11 =	vld [tilespmem:s20+$0xA730];
	v4 =	vadd.f32 v28, v4;
	v5 =	vadd.f32 v23, v5  }
0x17c: {  	v8 =	vadd.f32 v24, v8;
	v1 =	vld [tilespmem:s20+$0x5740];
	v0 =	vadd.f32 v6, v0  }
0x17d: {  	v4 =	vadd.f32 v35, v4;
	v35 =	vld [tilespmem:s20+$0xC700];
	v5 =	vadd.f32 v30, v5  }
0x17e: {  	v8 =	vadd.f32 v31, v8;
	v6 =	vld [tilespmem:s20+$0x5750];
	v0 =	vadd.f32 v2, v0  }
0x17f: {  	v63 =	vld [tilespmem:s20+$0xB730];
	v4 =	vadd.f32 v9, v4  }
0x180: {  	v5 =	vadd.f32 v37, v5;
	v8 =	vadd.f32 v38, v8;
	[tilespmem:s20+$0x1A770] =	vst v0;
	v0 =	vld [tilespmem:s20+$0x6710]  }
0x181: {  	v2 =	vld [tilespmem:s20+$0x5760];
	v4 =	vadd.f32 v60, v4;
	v1 =	vadd.f32 v1, v12  }
0x182: {  	v42 =	vld [tilespmem:s20+$0xD730];
	v5 =	vadd.f32 v10, v5;
	v8 =	vadd.f32 v11, v8  }
0x183: {  	v43 =	vld [tilespmem:s20+$0xD740];
	v4 =	vadd.f32 v35, v4;
	v6 =	vadd.f32 v6, v13  }
0x184: {  	v7 =	vld [tilespmem:s20+$0xA710];
	v1 =	vadd.f32 v18, v1;
	v5 =	vadd.f32 v62, v5  }
0x185: {  	v31 =	vld [tilespmem:s20+$0xB750];
	v8 =	vadd.f32 v63, v8;
	v0 =	vadd.f32 v0, v3  }
0x186: {  	v37 =	vld [tilespmem:s20+$0xC710];
	v2 =	vadd.f32 v2, v14;
	v6 =	vadd.f32 v19, v6  }
0x187: {  	v10 =	vld [tilespmem:s20+$0xD700];
	v1 =	vadd.f32 v25, v1;
	v0 =	vadd.f32 v22, v0  }
0x188: {  	v11 =	vld [tilespmem:s20+$0xD710];
	v2 =	vadd.f32 v20, v2;
	v6 =	vadd.f32 v26, v6  }
0x189: {  	v3 =	vld [tilespmem:s20+$0xA740];
	v1 =	vadd.f32 v32, v1;
	v0 =	vadd.f32 v29, v0  }
0x18a: {  	v2 =	vadd.f32 v27, v2;
	v6 =	vadd.f32 v33, v6;
	v33 =	vld [tilespmem:s20+$0xB760]  }
0x18b: {  	v1 =	vadd.f32 v39, v1;
	v39 =	vld [tilespmem:s20+$0xC720];
	v0 =	vadd.f32 v36, v0  }
0x18c: {  	v4 =	vadd.f32 v10, v4;
	v29 =	vld [tilespmem:s20+$0xB740];
	v2 =	vadd.f32 v34, v2  }
0x18d: {  	v6 =	vadd.f32 v40, v6;
	v40 =	vld [tilespmem:s20+$0xC730];
	v0 =	vadd.f32 v7, v0  }
0x18e: {  	v1 =	vadd.f32 v3, v1;
	v2 =	vadd.f32 v41, v2;
	v41 =	vld [tilespmem:s20+$0xD720]  }
0x18f: {  	v3 =	vadd.f32 v58, v6;
	v7 =	vld [tilespmem:s20+$0xC740];
	v0 =	vadd.f32 v61, v0  }
0x190: {  	v9 =	vld [tilespmem:s20+$0xC750];
	v5 =	vadd.f32 v39, v5;
	v2 =	vadd.f32 v59, v2  }
0x191: {  	v6 =	vld [tilespmem:s20+$0xC760];
	v3 =	vadd.f32 v31, v3;
	v0 =	vadd.f32 v37, v0  }
0x192: {  	v10 =	vld [tilespmem:s20+$0xD750];
	v1 =	vadd.f32 v29, v1;
	v8 =	vadd.f32 v40, v8  }
0x193: {  	v2 =	vadd.f32 v33, v2;
	v0 =	vadd.f32 v11, v0;
	v11 =	vld [tilespmem:s20+$0xD760]  }
0x194: {  	[tilespmem:s20+$0x1A700] =	vst v4;
	v4 =	vadd.f32 v41, v5;
	v1 =	vadd.f32 v7, v1  }
0x195: {  	v3 =	vadd.f32 v9, v3;
	[tilespmem:s20+$0x1A710] =	vst v0;
	v0 =	vadd.f32 v42, v8  }
0x196: {  	v2 =	vadd.f32 v6, v2;
	[tilespmem:s20+$0x1A720] =	vst v4;
	v1 =	vadd.f32 v43, v1  }
0x197: {  	[tilespmem:s20+$0x1A730] =	vst v0;
	v0 =	vadd.f32 v10, v3  }
0x198: {  	s19 =	sshll.u32 s12, $0xA;
	[tilespmem:s20+$0x1A740] =	vst v1;
	v1 =	vadd.f32 v11, v2  }
0x199: {  	s18 =	sadd.s32 s14, s19;
	[tilespmem:s20+$0x1A750] =	vst v0  }
0x19a: {  	s19 =	sadd.s32 s4, s18;
	[tilespmem:s20+$0x1A760] =	vst v1;
	s20 =	simm.s32 $0x0  }
0x19b: {  	[hbm4b:s19+s20] =	stream.linear.scatter [tilespmem:s26], [sflag:$0x3], $0x1000, $0x38;
	[tilespmem:$0x1C700] =	vst v63  }
0x19c: {  	s18 =	sadd.s32 s6, s18  }
0x19d: {  	[hbm4b:s18+s20] =	stream.linear.scatter [tilespmem:s31], [sflag:$0x3], $0x1000, $0x38;
	[tilespmem:$0x1C700] =	vst v63  }
0x19e: {  	_ =	swait.ge [sflag:s1], $0x1000  }
0x19f: {  	[sflag:s1] =	ssyncset.done $0x0  }
0x1a0: {  	[sflag:s1] =	ssyncadd.s32 $0xFFFFF000  }
0x1a1: {  	_ =	swait.ge [sflag:s1], $0x1000  }
0x1a2: {  	[sflag:s1] =	ssyncset.done $0x0  }
0x1a3: {  	[sflag:s1] =	ssyncadd.s32 $0xFFFFF000  }
0x1a4: {  	v0 =	vld [tilespmem:s15+$0x6C0];
	_ =	sdelay $0x4  }
0x1a5: {  	[tilespmem:$0x4400] =	vst v0  }
0x1a6: {  	v0 =	vld [tilespmem:s15+$0x6D0];
	_ =	sdelay $0x4  }
0x1a7: {  	[tilespmem:$0x4410] =	vst v0  }
0x1a8: {  	v0 =	vld [tilespmem:s15+$0xCE0];
	_ =	sdelay $0x4  }
0x1a9: {  	[tilespmem:$0x4420] =	vst v0  }
0x1aa: {  	v0 =	vld [tilespmem:s15+$0xCF0];
	_ =	sdelay $0x4  }
0x1ab: {  	s16 =	sadd.s32 s17, s16;
	[tilespmem:$0x4430] =	vst v0  }
0x1ac: {  	v0 =	vld [tilespmem:s16+$0x1300];
	_ =	sdelay $0x4  }
0x1ad: {  	[tilespmem:$0x4440] =	vst v0  }
0x1ae: {  	v0 =	vld [tilespmem:s15+$0x1310];
	_ =	sdelay $0x4  }
0x1af: {  	[tilespmem:$0x4450] =	vst v0  }
0x1b0: {  	v0 =	vld [tilespmem:s15+$0x1920];
	_ =	sdelay $0x4  }
0x1b1: {  	[tilespmem:$0x4460] =	vst v0  }
0x1b2: {  	v0 =	vld [tilespmem:s15+$0x1930];
	_ =	sdelay $0x4  }
0x1b3: {  	[tilespmem:$0x4470] =	vst v0  }
0x1b4: {  	v0 =	vld [tilespmem:s15+$0x1F40];
	_ =	sdelay $0x4  }
0x1b5: {  	[tilespmem:$0x4480] =	vst v0  }
0x1b6: {  	v0 =	vld [tilespmem:s15+$0x1F50];
	_ =	sdelay $0x4  }
0x1b7: {  	[tilespmem:$0x4490] =	vst v0  }
0x1b8: {  	v0 =	vld [tilespmem:s15+$0x2560];
	_ =	sdelay $0x4  }
0x1b9: {  	[tilespmem:$0x44A0] =	vst v0  }
0x1ba: {  	v0 =	vld [tilespmem:s15+$0x2570];
	_ =	sdelay $0x4  }
0x1bb: {  	[tilespmem:$0x44B0] =	vst v0  }
0x1bc: {  	v0 =	vld [tilespmem:s16+$0x2B80];
	_ =	sdelay $0x4  }
0x1bd: {  	[tilespmem:$0x44C0] =	vst v0  }
0x1be: {  	v0 =	vld [tilespmem:s15+$0x2B90];
	_ =	sdelay $0x4  }
0x1bf: {  	[tilespmem:$0x44D0] =	vst v0  }
0x1c0: {  	v0 =	vld [tilespmem:s15+$0x31A0];
	_ =	sdelay $0x4  }
0x1c1: {  	[tilespmem:$0x44E0] =	vst v0  }
0x1c2: {  	v0 =	vld [tilespmem:s15+$0x31B0];
	_ =	sdelay $0x4  }
0x1c3: {  	[tilespmem:$0x44F0] =	vst v0  }
0x1c4: {  	v0 =	vld [tilespmem:s15+$0x37C0];
	_ =	sdelay $0x4  }
0x1c5: {  	[tilespmem:$0x4500] =	vst v0  }
0x1c6: {  	v0 =	vld [tilespmem:s15+$0x37D0];
	_ =	sdelay $0x4  }
0x1c7: {  	[tilespmem:$0x4510] =	vst v0  }
0x1c8: {  	v0 =	vld [tilespmem:s15+$0x3DE0];
	_ =	sdelay $0x4  }
0x1c9: {  	[tilespmem:$0x4520] =	vst v0  }
0x1ca: {  	v0 =	vld [tilespmem:s15+$0x3DF0];
	_ =	sdelay $0x4  }
0x1cb: {  	[tilespmem:$0x4530] =	vst v0  }
0x1cc: {  	[tilespmem:s24], [sflag:$0x1] =	stream.indirect.gather [hbm4b:s2+s22], $0x80, s23, s22, $0xb8;
	[tilespmem:$0x1C700] =	vst v63  }
0x1cd: {  	s20 =	sadd.s32 $0x40, s15  }
0x1ce: {  	[tilespmem:s26], [sflag:$0x1] =	stream.indirect.gather [hbm4b:s2+s25], $0x80, s20, s25, $0xb8;
	[tilespmem:$0x1C700] =	vst v63  }
0x1cf: {  	_ =	swait.ge [sflag:s7], $0xA000  }
0x1d0: {  	[sflag:s7] =	ssyncset.done $0x0  }
0x1d1: {  	[sflag:s7] =	ssyncadd.s32 $0xFFFF6000  }
0x1d2: {  	_ =	swait.ge [sflag:s7], $0x1000  }
0x1d3: {  	[sflag:s7] =	ssyncset.done $0x0  }
0x1d4: {  	s15 =	simm.s32 $0x0;
	[sflag:s7] =	ssyncadd.s32 $0xFFFFF000  }
0x1d5: {  	v0 =	vld [tilespmem:s15+$0xE770]  }
0x1d6: {  	v1 =	vld [tilespmem:s15+$0xF770]  }
0x1d7: {  	v2 =	vld [tilespmem:s15+$0xE700]  }
0x1d8: {  	v3 =	vld [tilespmem:s15+$0x10770]  }
0x1d9: {  	v4 =	vld [tilespmem:s15+$0xF700]  }
0x1da: {  	v5 =	vld [tilespmem:s15+$0x11770]  }
0x1db: {  	v6 =	vld [tilespmem:s15+$0xE710]  }
0x1dc: {  	v7 =	vld [tilespmem:s15+$0xF710]  }
0x1dd: {  	v8 =	vld [tilespmem:s15+$0xE720]  }
0x1de: {  	v9 =	vld [tilespmem:s15+$0xF720]  }
0x1df: {  	v10 =	vld [tilespmem:s15+$0xE730]  }
0x1e0: {  	v11 =	vld [tilespmem:s15+$0xF730]  }
0x1e1: {  	v12 =	vld [tilespmem:s15+$0xE740]  }
0x1e2: {  	v13 =	vld [tilespmem:s15+$0xE750]  }
0x1e3: {  	v14 =	vld [tilespmem:s15+$0xE760]  }
0x1e4: {  	v15 =	vld [tilespmem:s15+$0x10700]  }
0x1e5: {  	v16 =	vld [tilespmem:s15+$0x10720]  }
0x1e6: {  	v44 =	vld [tilespmem:s15+$0x10730]  }
0x1e7: {  	v18 =	vld [tilespmem:s15+$0x10740]  }
0x1e8: {  	v45 =	vld [tilespmem:s15+$0x10750]  }
0x1e9: {  	v20 =	vld [tilespmem:s15+$0x10760]  }
0x1ea: {  	v46 =	vld [tilespmem:s15+$0x11700]  }
0x1eb: {  	v22 =	vld [tilespmem:s15+$0x11710]  }
0x1ec: {  	v47 =	vld [tilespmem:s15+$0x11720]  }
0x1ed: {  	v24 =	vld [tilespmem:s15+$0x11730]  }
0x1ee: {  	v48 =	vld [tilespmem:s15+$0x11740]  }
0x1ef: {  	v26 =	vld [tilespmem:s15+$0x11750]  }
0x1f0: {  	v49 =	vld [tilespmem:s15+$0x11760]  }
0x1f1: {  	v50 =	vld [tilespmem:s15+$0x12700]  }
0x1f2: {  	v51 =	vld [tilespmem:s15+$0x12710]  }
0x1f3: {  	v52 =	vld [tilespmem:s15+$0x12720]  }
0x1f4: {  	v53 =	vld [tilespmem:s15+$0x12730]  }
0x1f5: {  	v54 =	vld [tilespmem:s15+$0x12740]  }
0x1f6: {  	v55 =	vld [tilespmem:s15+$0x12750]  }
0x1f7: {  	v56 =	vld [tilespmem:s15+$0x12760]  }
0x1f8: {  	v57 =	vld [tilespmem:s15+$0x13700]  }
0x1f9: {  	v58 =	vld [tilespmem:s15+$0x13710]  }
0x1fa: {  	v59 =	vld [tilespmem:s15+$0x13720]  }
0x1fb: {  	v60 =	vld [tilespmem:s15+$0x13730]  }
0x1fc: {  	v61 =	vld [tilespmem:s15+$0x13740]  }
0x1fd: {  	v62 =	vld [tilespmem:s15+$0x13750]  }
0x1fe: {  	v63 =	vld [tilespmem:s15+$0x13760];
	v0 =	vadd.f32 v1, v0  }
0x1ff: {  	v1 =	vld [tilespmem:s15+$0x12770]  }
0x200: {  	v2 =	vadd.f32 v4, v2;
	v4 =	vld [tilespmem:s15+$0x14700];
	v0 =	vadd.f32 v3, v0  }
0x201: {  	v6 =	vadd.f32 v7, v6;
	v3 =	vld [tilespmem:s15+$0x13770]  }
0x202: {  	v7 =	vadd.f32 v9, v8;
	v8 =	vld [tilespmem:s15+$0x14710];
	v0 =	vadd.f32 v5, v0  }
0x203: {  	v5 =	vld [tilespmem:s15+$0x14770]  }
0x204: {  	v9 =	vadd.f32 v11, v10;
	v10 =	vld [tilespmem:s15+$0x14720];
	v0 =	vadd.f32 v1, v0  }
0x205: {  	v1 =	vld [tilespmem:s15+$0x15770]  }
0x206: {  	v11 =	vld [tilespmem:s15+$0x14730];
	v0 =	vadd.f32 v3, v0  }
0x207: {  	v2 =	vadd.f32 v15, v2;
	v3 =	vld [tilespmem:s15+$0x16770]  }
0x208: {  	v9 =	vadd.f32 v44, v9;
	v44 =	vld [tilespmem:s15+$0x14750];
	v0 =	vadd.f32 v5, v0  }
0x209: {  	v7 =	vadd.f32 v16, v7;
	v5 =	vld [tilespmem:s15+$0x17770]  }
0x20a: {  	v2 =	vadd.f32 v46, v2;
	v46 =	vld [tilespmem:s15+$0x15700];
	v0 =	vadd.f32 v1, v0  }
0x20b: {  	v7 =	vadd.f32 v47, v7;
	v47 =	vld [tilespmem:s15+$0x15710];
	v9 =	vadd.f32 v24, v9  }
0x20c: {  	v2 =	vadd.f32 v50, v2;
	v1 =	vld [tilespmem:s15+$0xF740];
	v0 =	vadd.f32 v3, v0  }
0x20d: {  	v7 =	vadd.f32 v52, v7;
	v9 =	vadd.f32 v53, v9;
	v3 =	vld [tilespmem:s15+$0xF750]  }
0x20e: {  	v50 =	vld [tilespmem:s15+$0x15740];
	v2 =	vadd.f32 v57, v2;
	v0 =	vadd.f32 v5, v0  }
0x20f: {  	v7 =	vadd.f32 v59, v7;
	v5 =	vld [tilespmem:s15+$0xF760]  }
0x210: {  	v9 =	vadd.f32 v60, v9;
	v2 =	vadd.f32 v4, v2;
	[tilespmem:s15+$0x1B770] =	vst v0;
	v0 =	vld [tilespmem:s15+$0x10710]  }
0x211: {  	v52 =	vld [tilespmem:s15+$0x15760];
	v4 =	vadd.f32 v10, v7;
	v1 =	vadd.f32 v1, v12  }
0x212: {  	v53 =	vld [tilespmem:s15+$0x16700];
	v7 =	vadd.f32 v11, v9;
	v3 =	vadd.f32 v3, v13  }
0x213: {  	v57 =	vld [tilespmem:s15+$0x17710];
	v2 =	vadd.f32 v46, v2;
	v1 =	vadd.f32 v18, v1  }
0x214: {  	v59 =	vld [tilespmem:s15+$0x17720];
	v5 =	vadd.f32 v5, v14;
	v3 =	vadd.f32 v45, v3  }
0x215: {  	v11 =	vld [tilespmem:s15+$0x17700];
	v1 =	vadd.f32 v48, v1;
	v0 =	vadd.f32 v0, v6  }
0x216: {  	v45 =	vld [tilespmem:s15+$0x14760];
	v5 =	vadd.f32 v20, v5;
	v3 =	vadd.f32 v26, v3  }
0x217: {  	v6 =	vld [tilespmem:s15+$0x14740];
	v1 =	vadd.f32 v54, v1;
	v0 =	vadd.f32 v22, v0  }
0x218: {  	v48 =	vld [tilespmem:s15+$0x15720];
	v5 =	vadd.f32 v49, v5;
	v3 =	vadd.f32 v55, v3  }
0x219: {  	v54 =	vld [tilespmem:s15+$0x16710];
	v1 =	vadd.f32 v61, v1;
	v61 =	vadd.f32 v53, v2  }
0x21a: {  	v49 =	vld [tilespmem:s15+$0x15730];
	v0 =	vadd.f32 v51, v0;
	v5 =	vadd.f32 v56, v5  }
0x21b: {  	v55 =	vld [tilespmem:s15+$0x16720];
	v3 =	vadd.f32 v62, v3;
	v11 =	vadd.f32 v11, v61  }
0x21c: {  	v51 =	vld [tilespmem:s15+$0x15750];
	v1 =	vadd.f32 v6, v1;
	v0 =	vadd.f32 v58, v0  }
0x21d: {  	v56 =	vld [tilespmem:s15+$0x16730];
	v6 =	vadd.f32 v48, v4;
	v5 =	vadd.f32 v63, v5  }
0x21e: {  	v9 =	vld [tilespmem:s15+$0x16750];
	v3 =	vadd.f32 v44, v3;
	v0 =	vadd.f32 v8, v0  }
0x21f: {  	v58 =	vadd.f32 v49, v7;
	v1 =	vadd.f32 v50, v1;
	v8 =	vld [tilespmem:s15+$0x16740]  }
0x220: {  	v10 =	vld [tilespmem:s15+$0x16760];
	v63 =	vadd.f32 v55, v6;
	v0 =	vadd.f32 v47, v0  }
0x221: {  	v7 =	vld [tilespmem:s15+$0x17730];
	v5 =	vadd.f32 v45, v5;
	v3 =	vadd.f32 v51, v3  }
0x222: {  	v4 =	vld [tilespmem:s15+$0x17740];
	v6 =	vadd.f32 v56, v58;
	v62 =	vadd.f32 v54, v0  }
0x223: {  	v60 =	vadd.f32 v52, v5;
	v5 =	vld [tilespmem:s15+$0x17750];
	v3 =	vadd.f32 v9, v3  }
0x224: {  	s17 =	simm.s32 $0x80;
	v2 =	vadd.f32 v8, v1;
	v8 =	vld [tilespmem:s15+$0x17760];
	v9 =	vadd.f32 v57, v62  }
0x225: {  	s16 =	simm.s32 $0x400;
	v0 =	vadd.f32 v10, v60;
	v10 =	vadd.f32 v59, v63;
	v1 =	vld [tilespmem:s17+$0xE770];
	[tilespmem:s15+$0x1B700] =	vst v11  }
.LBB2_5:
0x226: {  	p0 =	sne.s32 s16, $0x3E00;
	v11 =	vld [tilespmem:s17+$0xF770];
	[tilespmem:s15+$0x1B710] =	vst v9;
	v6 =	vadd.f32 v7, v6  }
0x227: {  	v7 =	vld [tilespmem:s17+$0xE700];
	[tilespmem:s15+$0x1B720] =	vst v10;
	v2 =	vadd.f32 v4, v2  }
0x228: {  	v4 =	vld [tilespmem:s17+$0x10770];
	[tilespmem:s15+$0x1B730] =	vst v6;
	v3 =	vadd.f32 v5, v3  }
0x229: {  	v5 =	vld [tilespmem:s17+$0xF700];
	[tilespmem:s15+$0x1B740] =	vst v2;
	v0 =	vadd.f32 v8, v0  }
0x22a: {  	v2 =	vld [tilespmem:s17+$0x11770];
	[tilespmem:s15+$0x1B750] =	vst v3  }
0x22b: {  	v3 =	vld [tilespmem:s17+$0xE710];
	v1 =	vadd.f32 v11, v1;
	[tilespmem:s15+$0x1B760] =	vst v0;
	s15 =	smov.u32 s17  }
0x22c: {  	v0 =	vld [tilespmem:s15+$0x12770]  }
0x22d: {  	v6 =	vld [tilespmem:s15+$0xF710];
	v1 =	vadd.f32 v4, v1  }
0x22e: {  	v4 =	vadd.f32 v5, v7;
	v5 =	vld [tilespmem:s15+$0x13770]  }
0x22f: {  	v7 =	vld [tilespmem:s15+$0xE720];
	v1 =	vadd.f32 v2, v1  }
0x230: {  	v2 =	vld [tilespmem:s15+$0x14770]  }
0x231: {  	v8 =	vld [tilespmem:s15+$0xF720];
	v0 =	vadd.f32 v0, v1  }
0x232: {  	v1 =	vadd.f32 v6, v3;
	v3 =	vld [tilespmem:s15+$0x15770]  }
0x233: {  	v6 =	vld [tilespmem:s15+$0xE730];
	v0 =	vadd.f32 v5, v0  }
0x234: {  	v5 =	vld [tilespmem:s15+$0x16770]  }
0x235: {  	v9 =	vld [tilespmem:s15+$0xF730];
	v0 =	vadd.f32 v2, v0  }
0x236: {  	v2 =	vadd.f32 v8, v7;
	v7 =	vld [tilespmem:s15+$0x17770]  }
0x237: {  	v8 =	vld [tilespmem:s15+$0xE740];
	v0 =	vadd.f32 v3, v0  }
0x238: {  	v3 =	vld [tilespmem:s15+$0xF740]  }
0x239: {  	v10 =	vld [tilespmem:s15+$0xE750];
	v0 =	vadd.f32 v5, v0  }
0x23a: {  	v5 =	vadd.f32 v9, v6;
	v6 =	vld [tilespmem:s15+$0xF750]  }
0x23b: {  	v9 =	vld [tilespmem:s15+$0xE760];
	v0 =	vadd.f32 v7, v0  }
0x23c: {  	v7 =	vld [tilespmem:s15+$0xF760]  }
0x23d: {  	v11 =	vld [tilespmem:s15+$0x10700];
	v3 =	vadd.f32 v3, v8;
	[tilespmem:s15+$0x1B770] =	vst v0  }
0x23e: {  	v0 =	vld [tilespmem:s15+$0x10710]  }
0x23f: {  	v8 =	vld [tilespmem:s15+$0x10720];
	v6 =	vadd.f32 v6, v10  }
0x240: {  	v10 =	vld [tilespmem:s15+$0x10730]  }
0x241: {  	v12 =	vld [tilespmem:s15+$0x10740];
	v7 =	vadd.f32 v7, v9  }
0x242: {  	v4 =	vadd.f32 v11, v4;
	v9 =	vld [tilespmem:s15+$0x10750]  }
0x243: {  	v0 =	vadd.f32 v0, v1;
	v1 =	vld [tilespmem:s15+$0x10760]  }
0x244: {  	v11 =	vld [tilespmem:s15+$0x11700];
	v2 =	vadd.f32 v8, v2  }
0x245: {  	v8 =	vld [tilespmem:s15+$0x11710];
	v5 =	vadd.f32 v10, v5  }
0x246: {  	v10 =	vld [tilespmem:s15+$0x11720];
	v3 =	vadd.f32 v12, v3  }
0x247: {  	v12 =	vld [tilespmem:s15+$0x11730];
	v6 =	vadd.f32 v9, v6  }
0x248: {  	v9 =	vld [tilespmem:s15+$0x11740];
	v1 =	vadd.f32 v1, v7  }
0x249: {  	v4 =	vadd.f32 v11, v4;
	v7 =	vld [tilespmem:s15+$0x11750]  }
0x24a: {  	v0 =	vadd.f32 v8, v0;
	v8 =	vld [tilespmem:s15+$0x11760]  }
0x24b: {  	v11 =	vld [tilespmem:s15+$0x12700];
	v2 =	vadd.f32 v10, v2  }
0x24c: {  	v10 =	vld [tilespmem:s15+$0x12710];
	v5 =	vadd.f32 v12, v5  }
0x24d: {  	v12 =	vld [tilespmem:s15+$0x12720];
	v3 =	vadd.f32 v9, v3  }
0x24e: {  	v9 =	vld [tilespmem:s15+$0x12730];
	v6 =	vadd.f32 v7, v6  }
0x24f: {  	v7 =	vld [tilespmem:s15+$0x12740];
	v1 =	vadd.f32 v8, v1  }
0x250: {  	v4 =	vadd.f32 v11, v4;
	v8 =	vld [tilespmem:s15+$0x12750]  }
0x251: {  	v0 =	vadd.f32 v10, v0;
	v10 =	vld [tilespmem:s15+$0x12760]  }
0x252: {  	v11 =	vld [tilespmem:s15+$0x13700];
	v2 =	vadd.f32 v12, v2  }
0x253: {  	v12 =	vld [tilespmem:s15+$0x13710];
	v5 =	vadd.f32 v9, v5  }
0x254: {  	v9 =	vld [tilespmem:s15+$0x13720];
	v3 =	vadd.f32 v7, v3  }
0x255: {  	v7 =	vld [tilespmem:s15+$0x13730];
	v6 =	vadd.f32 v8, v6  }
0x256: {  	v8 =	vld [tilespmem:s15+$0x13740];
	v1 =	vadd.f32 v10, v1  }
0x257: {  	v4 =	vadd.f32 v11, v4;
	v10 =	vld [tilespmem:s15+$0x13750]  }
0x258: {  	v0 =	vadd.f32 v12, v0;
	v11 =	vld [tilespmem:s15+$0x13760]  }
0x259: {  	v12 =	vld [tilespmem:s15+$0x14700];
	v2 =	vadd.f32 v9, v2  }
0x25a: {  	v9 =	vld [tilespmem:s15+$0x14710];
	v5 =	vadd.f32 v7, v5  }
0x25b: {  	v7 =	vld [tilespmem:s15+$0x14720];
	v3 =	vadd.f32 v8, v3  }
0x25c: {  	v8 =	vld [tilespmem:s15+$0x14730];
	v6 =	vadd.f32 v10, v6  }
0x25d: {  	v10 =	vld [tilespmem:s15+$0x14740];
	v1 =	vadd.f32 v11, v1  }
0x25e: {  	v4 =	vadd.f32 v12, v4;
	v11 =	vld [tilespmem:s15+$0x14750]  }
0x25f: {  	v0 =	vadd.f32 v9, v0;
	v9 =	vld [tilespmem:s15+$0x14760]  }
0x260: {  	v12 =	vld [tilespmem:s15+$0x15700];
	v2 =	vadd.f32 v7, v2  }
0x261: {  	v7 =	vld [tilespmem:s15+$0x15710];
	v5 =	vadd.f32 v8, v5  }
0x262: {  	v8 =	vld [tilespmem:s15+$0x15720];
	v3 =	vadd.f32 v10, v3  }
0x263: {  	v10 =	vld [tilespmem:s15+$0x15730];
	v6 =	vadd.f32 v11, v6  }
0x264: {  	v11 =	vld [tilespmem:s15+$0x15740];
	v1 =	vadd.f32 v9, v1  }
0x265: {  	v4 =	vadd.f32 v12, v4;
	v9 =	vld [tilespmem:s15+$0x15750]  }
0x266: {  	v0 =	vadd.f32 v7, v0;
	v7 =	vld [tilespmem:s15+$0x15760]  }
0x267: {  	v12 =	vld [tilespmem:s15+$0x16700];
	v2 =	vadd.f32 v8, v2  }
0x268: {  	v8 =	vld [tilespmem:s15+$0x16710];
	v5 =	vadd.f32 v10, v5  }
0x269: {  	v10 =	vld [tilespmem:s15+$0x16720];
	v3 =	vadd.f32 v11, v3  }
0x26a: {  	v11 =	vld [tilespmem:s15+$0x16730];
	v9 =	vadd.f32 v9, v6  }
0x26b: {  	v13 =	vld [tilespmem:s15+$0x16740];
	v1 =	vadd.f32 v7, v1  }
0x26c: {  	v12 =	vadd.f32 v12, v4;
	v4 =	vld [tilespmem:s15+$0x16750]  }
0x26d: {  	v8 =	vadd.f32 v8, v0;
	v0 =	vld [tilespmem:s15+$0x16760]  }
0x26e: {  	v14 =	vld [tilespmem:s15+$0x17700];
	v10 =	vadd.f32 v10, v2  }
0x26f: {  	v15 =	vld [tilespmem:s15+$0x17710];
	v6 =	vadd.f32 v11, v5  }
0x270: {  	v11 =	vld [tilespmem:s15+$0x17720];
	v2 =	vadd.f32 v13, v3  }
.Ltmp1:
0x271: {  	v7 =	vld [tilespmem:s15+$0x17730];
	v3 =	vadd.f32 v4, v9;
	(pc) =	sbr.rel @p0 .LBB2_5-.Ltmp1, $4  }
0x272: {  	v4 =	vld [tilespmem:s15+$0x17740];
	v0 =	vadd.f32 v0, v1  }
0x273: {  	v12 =	vadd.f32 v14, v12;
	v5 =	vld [tilespmem:s15+$0x17750]  }
0x274: {  	s17 =	sshra.s32 s16, $0x2;
	v9 =	vadd.f32 v15, v8;
	v8 =	vld [tilespmem:s15+$0x17760]  }
0x275: {  	s16 =	sadd.s32 $0x200, s16;
	v1 =	vld [tilespmem:s17+$0xE770];
	[tilespmem:s15+$0x1B700] =	vst v12;
	v10 =	vadd.f32 v11, v10  }
0x276: {  	v11 =	vld [tilespmem:s17+$0xF770];
	[tilespmem:s15+$0x1B710] =	vst v9;
	v6 =	vadd.f32 v7, v6  }
0x277: {  	v9 =	vld [tilespmem:s17+$0xE700];
	[tilespmem:s15+$0x1B720] =	vst v10;
	v2 =	vadd.f32 v4, v2  }
0x278: {  	v56 =	vld [tilespmem:s17+$0x10770];
	[tilespmem:s15+$0x1B730] =	vst v6;
	v3 =	vadd.f32 v5, v3  }
0x279: {  	v57 =	vld [tilespmem:s17+$0xF700];
	[tilespmem:s15+$0x1B740] =	vst v2;
	v0 =	vadd.f32 v8, v0  }
0x27a: {  	v2 =	vld [tilespmem:s17+$0x11770];
	[tilespmem:s15+$0x1B750] =	vst v3  }
0x27b: {  	v3 =	vld [tilespmem:s17+$0xE710];
	[tilespmem:s15+$0x1B760] =	vst v0  }
0x27c: {  	v59 =	vld [tilespmem:s17+$0x12770]  }
0x27d: {  	v60 =	vld [tilespmem:s17+$0xF710]  }
0x27e: {  	v6 =	vld [tilespmem:s17+$0x13770]  }
0x27f: {  	v61 =	vld [tilespmem:s17+$0xE720]  }
0x280: {  	v62 =	vld [tilespmem:s17+$0x14770]  }
0x281: {  	v63 =	vld [tilespmem:s17+$0xF720]  }
0x282: {  	v43 =	vld [tilespmem:s17+$0x15770]  }
0x283: {  	v10 =	vld [tilespmem:s17+$0xE730]  }
0x284: {  	v44 =	vld [tilespmem:s17+$0x16770]  }
0x285: {  	v45 =	vld [tilespmem:s17+$0xF730]  }
0x286: {  	v46 =	vld [tilespmem:s17+$0x17770]  }
0x287: {  	v12 =	vld [tilespmem:s17+$0xE740]  }
0x288: {  	v47 =	vld [tilespmem:s17+$0xF740]  }
0x289: {  	v13 =	vld [tilespmem:s17+$0xE750]  }
0x28a: {  	v48 =	vld [tilespmem:s17+$0xF750]  }
0x28b: {  	v14 =	vld [tilespmem:s17+$0xE760]  }
0x28c: {  	v49 =	vld [tilespmem:s17+$0xF760]  }
0x28d: {  	v15 =	vld [tilespmem:s17+$0x10700]  }
0x28e: {  	v50 =	vld [tilespmem:s17+$0x10710]  }
0x28f: {  	v16 =	vld [tilespmem:s17+$0x10720]  }
0x290: {  	v17 =	vld [tilespmem:s17+$0x10730]  }
0x291: {  	v18 =	vld [tilespmem:s17+$0x10740]  }
0x292: {  	v19 =	vld [tilespmem:s17+$0x10750]  }
0x293: {  	v20 =	vld [tilespmem:s17+$0x10760]  }
0x294: {  	v21 =	vld [tilespmem:s17+$0x11700]  }
0x295: {  	v22 =	vld [tilespmem:s17+$0x11710]  }
0x296: {  	v23 =	vld [tilespmem:s17+$0x11720]  }
0x297: {  	v24 =	vld [tilespmem:s17+$0x11730]  }
0x298: {  	v25 =	vld [tilespmem:s17+$0x11740]  }
0x299: {  	v26 =	vld [tilespmem:s17+$0x11750]  }
0x29a: {  	v27 =	vld [tilespmem:s17+$0x11760]  }
0x29b: {  	v28 =	vld [tilespmem:s17+$0x12700]  }
0x29c: {  	v29 =	vld [tilespmem:s17+$0x12710]  }
0x29d: {  	v30 =	vld [tilespmem:s17+$0x12720]  }
0x29e: {  	v31 =	vld [tilespmem:s17+$0x12730]  }
0x29f: {  	v32 =	vld [tilespmem:s17+$0x12740]  }
0x2a0: {  	v33 =	vld [tilespmem:s17+$0x12750]  }
0x2a1: {  	v58 =	vadd.f32 v11, v1;
	v34 =	vld [tilespmem:s17+$0x12760]  }
0x2a2: {  	v35 =	vld [tilespmem:s17+$0x13700]  }
0x2a3: {  	v36 =	vld [tilespmem:s17+$0x13710];
	v0 =	vadd.f32 v56, v58  }
0x2a4: {  	v37 =	vld [tilespmem:s17+$0x13720]  }
0x2a5: {  	v38 =	vld [tilespmem:s17+$0x13730];
	v0 =	vadd.f32 v2, v0  }
0x2a6: {  	v39 =	vld [tilespmem:s17+$0x13740];
	v4 =	vadd.f32 v57, v9  }
0x2a7: {  	v40 =	vld [tilespmem:s17+$0x13750];
	v0 =	vadd.f32 v59, v0;
	v3 =	vadd.f32 v60, v3  }
0x2a8: {  	v41 =	vld [tilespmem:s17+$0x13760];
	v52 =	vadd.f32 v63, v61;
	v54 =	vadd.f32 v45, v10  }
0x2a9: {  	v51 =	vld [tilespmem:s17+$0x14700];
	v1 =	vadd.f32 v47, v12;
	v2 =	vadd.f32 v49, v14  }
0x2aa: {  	v53 =	vld [tilespmem:s17+$0x14710];
	v4 =	vadd.f32 v15, v4;
	v0 =	vadd.f32 v6, v0  }
0x2ab: {  	v55 =	vld [tilespmem:s17+$0x14720];
	v6 =	vadd.f32 v48, v13;
	v5 =	vadd.f32 v16, v52  }
0x2ac: {  	v42 =	vld [tilespmem:s17+$0x15740];
	v8 =	vadd.f32 v17, v54;
	v1 =	vadd.f32 v18, v1  }
0x2ad: {  	v56 =	vld [tilespmem:s17+$0x14730];
	v2 =	vadd.f32 v20, v2;
	v4 =	vadd.f32 v21, v4  }
0x2ae: {  	v58 =	vld [tilespmem:s17+$0x14750];
	v0 =	vadd.f32 v62, v0;
	v6 =	vadd.f32 v19, v6  }
0x2af: {  	v57 =	vld [tilespmem:s17+$0x14740];
	v5 =	vadd.f32 v23, v5;
	v8 =	vadd.f32 v24, v8  }
0x2b0: {  	v59 =	vld [tilespmem:s17+$0x14760];
	v1 =	vadd.f32 v25, v1;
	v2 =	vadd.f32 v27, v2  }
0x2b1: {  	v60 =	vld [tilespmem:s17+$0x15700];
	v4 =	vadd.f32 v28, v4;
	v0 =	vadd.f32 v43, v0  }
0x2b2: {  	v61 =	vld [tilespmem:s17+$0x15710];
	v6 =	vadd.f32 v26, v6;
	v5 =	vadd.f32 v30, v5  }
0x2b3: {  	v63 =	vld [tilespmem:s17+$0x15730];
	v8 =	vadd.f32 v31, v8;
	v1 =	vadd.f32 v32, v1  }
0x2b4: {  	v45 =	vld [tilespmem:s17+$0x16700];
	v2 =	vadd.f32 v34, v2;
	v4 =	vadd.f32 v35, v4  }
0x2b5: {  	v47 =	vld [tilespmem:s17+$0x16720];
	v0 =	vadd.f32 v44, v0;
	v6 =	vadd.f32 v33, v6  }
0x2b6: {  	v49 =	vld [tilespmem:s17+$0x16740];
	v5 =	vadd.f32 v37, v5;
	v8 =	vadd.f32 v38, v8  }
0x2b7: {  	v48 =	vld [tilespmem:s17+$0x16730];
	v1 =	vadd.f32 v39, v1;
	v2 =	vadd.f32 v41, v2  }
0x2b8: {  	v62 =	vld [tilespmem:s17+$0x15720];
	v4 =	vadd.f32 v51, v4;
	v0 =	vadd.f32 v46, v0  }
0x2b9: {  	v52 =	vld [tilespmem:s17+$0x16760];
	v6 =	vadd.f32 v40, v6;
	v5 =	vadd.f32 v55, v5  }
0x2ba: {  	v44 =	vld [tilespmem:s17+$0x15760];
	v8 =	vadd.f32 v56, v8;
	v1 =	vadd.f32 v57, v1  }
0x2bb: {  	v43 =	vld [tilespmem:s17+$0x15750];
	v2 =	vadd.f32 v59, v2;
	[tilespmem:s17+$0x1B770] =	vst v0;
	v0 =	vadd.f32 v50, v3  }
0x2bc: {  	v46 =	vld [tilespmem:s17+$0x16710];
	v4 =	vadd.f32 v60, v4;
	v51 =	vadd.f32 v58, v6  }
0x2bd: {  	v55 =	vld [tilespmem:s17+$0x17720];
	v5 =	vadd.f32 v62, v5;
	v0 =	vadd.f32 v22, v0  }
0x2be: {  	v57 =	vld [tilespmem:s17+$0x17740];
	v8 =	vadd.f32 v63, v8;
	v1 =	vadd.f32 v42, v1  }
0x2bf: {  	v50 =	vld [tilespmem:s17+$0x16750];
	v2 =	vadd.f32 v44, v2;
	v0 =	vadd.f32 v29, v0  }
0x2c0: {  	v59 =	vld [tilespmem:s17+$0x17760];
	v3 =	vadd.f32 v43, v51;
	v5 =	vadd.f32 v47, v5  }
0x2c1: {  	v58 =	vld [tilespmem:s17+$0x17750];
	v8 =	vadd.f32 v48, v8;
	v0 =	vadd.f32 v36, v0  }
0x2c2: {  	v56 =	vld [tilespmem:s17+$0x17730];
	v1 =	vadd.f32 v49, v1;
	v2 =	vadd.f32 v52, v2  }
0x2c3: {  	v60 =	vadd.f32 v55, v5;
	v0 =	vadd.f32 v53, v0;
	v53 =	vld [tilespmem:s17+$0x17700]  }
0x2c4: {  	v54 =	vld [tilespmem:s17+$0x17710];
	v1 =	vadd.f32 v57, v1;
	v3 =	vadd.f32 v50, v3  }
0x2c5: {  	v63 =	vadd.f32 v59, v2;
	[tilespmem:s17+$0x1B720] =	vst v60;
	v0 =	vadd.f32 v61, v0  }
0x2c6: {  	v4 =	vadd.f32 v45, v4;
	[tilespmem:s17+$0x1B740] =	vst v1;
	v62 =	vadd.f32 v58, v3  }
0x2c7: {  	[tilespmem:s17+$0x1B760] =	vst v63;
	v61 =	vadd.f32 v56, v8;
	v0 =	vadd.f32 v46, v0  }
0x2c8: {  	s12 =	sadd.s32 $0x1, s12;
	[tilespmem:s17+$0x1B750] =	vst v62;
	v4 =	vadd.f32 v53, v4  }
0x2c9: {  	s13 =	sadd.s32 s5, s13;
	p0 =	sne.s32 s12, $0x18;
	[tilespmem:s17+$0x1B730] =	vst v61;
	v0 =	vadd.f32 v54, v0  }
.Ltmp2:
0x2ca: {  	s13 =	sshll.u32 s13, $0x4;
	[tilespmem:s17+$0x1B700] =	vst v4;
	(pc) =	sbr.rel @p0 .LBB2_2-.Ltmp2, $4  }
0x2cb: {  	s20 =	sadd.s32 s4, s13;
	[tilespmem:s17+$0x1B710] =	vst v0  }
0x2cc: {  	[hbm4b:s20+s3] =	stream.linear.scatter [tilespmem:s30], [sflag:$0x4], $0x1000, $0x38;
	[tilespmem:$0x1C700] =	vst v63  }
0x2cd: {  	s13 =	sadd.s32 s6, s13  }
0x2ce: {  	[hbm4b:s13+s3] =	stream.linear.scatter [tilespmem:s9], [sflag:$0x4], $0x1000, $0x38;
	[tilespmem:$0x1C700] =	vst v63  }
0x2cf: {  	_ =	swait.ge [sflag:s10], $0x1000  }
0x2d0: {  	[sflag:s10] =	ssyncset.done $0x0  }
0x2d1: {  	[sflag:s10] =	ssyncadd.s32 $0xFFFFF000  }
0x2d2: {  	_ =	swait.ge [sflag:s10], $0x1000  }
0x2d3: {  	[sflag:s10] =	ssyncset.done $0x0  }
0x2d4: {  	[sflag:s10] =	ssyncadd.s32 $0xFFFFF000  }
0x2d5: {  	_ =	swait.ge [sflag:s0], $0xA000  }
0x2d6: {  	[sflag:s0] =	ssyncset.done $0x0  }
0x2d7: {  	[sflag:s0] =	ssyncadd.s32 $0xFFFF6000  }
0x2d8: {  	_ =	swait.ge [sflag:s0], $0x1000  }
0x2d9: {  	[sflag:s0] =	ssyncset.done $0x0  }
0x2da: {  	s12 =	simm.s32 $0x0;
	[sflag:s0] =	ssyncadd.s32 $0xFFFFF000  }
0x2db: {  	v0 =	vld [tilespmem:s12+$0x4770]  }
0x2dc: {  	v1 =	vld [tilespmem:s12+$0x5770]  }
0x2dd: {  	v2 =	vld [tilespmem:s12+$0x4700]  }
0x2de: {  	v3 =	vld [tilespmem:s12+$0x6770]  }
0x2df: {  	v4 =	vld [tilespmem:s12+$0x5700]  }
0x2e0: {  	v5 =	vld [tilespmem:s12+$0x7770]  }
0x2e1: {  	v6 =	vld [tilespmem:s12+$0x4710]  }
0x2e2: {  	v7 =	vld [tilespmem:s12+$0x5710]  }
0x2e3: {  	v8 =	vld [tilespmem:s12+$0x4720]  }
0x2e4: {  	v9 =	vld [tilespmem:s12+$0x5720]  }
0x2e5: {  	v10 =	vld [tilespmem:s12+$0x4730]  }
0x2e6: {  	v11 =	vld [tilespmem:s12+$0x5730]  }
0x2e7: {  	v12 =	vld [tilespmem:s12+$0x4740]  }
0x2e8: {  	v13 =	vld [tilespmem:s12+$0x4750]  }
0x2e9: {  	v14 =	vld [tilespmem:s12+$0x4760]  }
0x2ea: {  	v15 =	vld [tilespmem:s12+$0x6700]  }
0x2eb: {  	v16 =	vld [tilespmem:s12+$0x6720]  }
0x2ec: {  	v17 =	vld [tilespmem:s12+$0x6730]  }
0x2ed: {  	v18 =	vld [tilespmem:s12+$0x6740]  }
0x2ee: {  	v19 =	vld [tilespmem:s12+$0x6750]  }
0x2ef: {  	v20 =	vld [tilespmem:s12+$0x6760]  }
0x2f0: {  	v21 =	vld [tilespmem:s12+$0x7700]  }
0x2f1: {  	v22 =	vld [tilespmem:s12+$0x7710]  }
0x2f2: {  	v23 =	vld [tilespmem:s12+$0x7720]  }
0x2f3: {  	v24 =	vld [tilespmem:s12+$0x7730]  }
0x2f4: {  	v25 =	vld [tilespmem:s12+$0x7740]  }
0x2f5: {  	v26 =	vld [tilespmem:s12+$0x7750]  }
0x2f6: {  	v27 =	vld [tilespmem:s12+$0x7760]  }
0x2f7: {  	v28 =	vld [tilespmem:s12+$0x8700]  }
0x2f8: {  	v29 =	vld [tilespmem:s12+$0x8710]  }
0x2f9: {  	v30 =	vld [tilespmem:s12+$0x8720]  }
0x2fa: {  	v31 =	vld [tilespmem:s12+$0x8730]  }
0x2fb: {  	v32 =	vld [tilespmem:s12+$0x8740]  }
0x2fc: {  	v33 =	vld [tilespmem:s12+$0x8750]  }
0x2fd: {  	v34 =	vld [tilespmem:s12+$0x8760]  }
0x2fe: {  	v35 =	vld [tilespmem:s12+$0x9700]  }
0x2ff: {  	v36 =	vld [tilespmem:s12+$0x9710]  }
0x300: {  	v37 =	vld [tilespmem:s12+$0x9720]  }
0x301: {  	v38 =	vld [tilespmem:s12+$0x9730]  }
0x302: {  	v39 =	vld [tilespmem:s12+$0x9740]  }
0x303: {  	v40 =	vld [tilespmem:s12+$0x9750]  }
0x304: {  	v41 =	vld [tilespmem:s12+$0x9760]  }
0x305: {  	v44 =	vld [tilespmem:s12+$0xA750];
	v0 =	vadd.f32 v1, v0  }
0x306: {  	v1 =	vld [tilespmem:s12+$0x8770]  }
0x307: {  	v45 =	vld [tilespmem:s12+$0xA760];
	v2 =	vadd.f32 v4, v2;
	v0 =	vadd.f32 v3, v0  }
0x308: {  	v6 =	vadd.f32 v7, v6;
	v7 =	vadd.f32 v9, v8;
	v3 =	vld [tilespmem:s12+$0x9770]  }
0x309: {  	v4 =	vld [tilespmem:s12+$0xA700];
	v9 =	vadd.f32 v11, v10;
	v0 =	vadd.f32 v5, v0  }
0x30a: {  	v2 =	vadd.f32 v15, v2;
	v7 =	vadd.f32 v16, v7;
	v5 =	vld [tilespmem:s12+$0xA770]  }
0x30b: {  	v10 =	vld [tilespmem:s12+$0xA720];
	v9 =	vadd.f32 v17, v9;
	v0 =	vadd.f32 v1, v0  }
0x30c: {  	v2 =	vadd.f32 v21, v2;
	v7 =	vadd.f32 v23, v7;
	v1 =	vld [tilespmem:s12+$0xB770]  }
0x30d: {  	v11 =	vld [tilespmem:s12+$0xA730];
	v9 =	vadd.f32 v24, v9;
	v0 =	vadd.f32 v3, v0  }
0x30e: {  	v2 =	vadd.f32 v28, v2;
	v7 =	vadd.f32 v30, v7;
	v3 =	vld [tilespmem:s12+$0xC770]  }
0x30f: {  	v46 =	vld [tilespmem:s12+$0xB700];
	v9 =	vadd.f32 v31, v9;
	v0 =	vadd.f32 v5, v0  }
0x310: {  	v2 =	vadd.f32 v35, v2;
	v7 =	vadd.f32 v37, v7;
	v5 =	vld [tilespmem:s12+$0xD770]  }
0x311: {  	v49 =	vld [tilespmem:s12+$0xB730];
	v9 =	vadd.f32 v38, v9;
	v0 =	vadd.f32 v1, v0  }
0x312: {  	v53 =	vld [tilespmem:s12+$0xC700];
	v2 =	vadd.f32 v4, v2;
	v4 =	vadd.f32 v10, v7  }
0x313: {  	v7 =	vadd.f32 v11, v9;
	v11 =	vld [tilespmem:s12+$0xD700];
	v0 =	vadd.f32 v3, v0  }
0x314: {  	v1 =	vld [tilespmem:s12+$0x5740]  }
0x315: {  	v3 =	vld [tilespmem:s12+$0x5750];
	v0 =	vadd.f32 v5, v0  }
0x316: {  	v2 =	vadd.f32 v46, v2;
	v5 =	vld [tilespmem:s12+$0x5760]  }
0x317: {  	[tilespmem:s12+$0x1A770] =	vst v0;
	v0 =	vld [tilespmem:s12+$0x6710]  }
0x318: {  	v47 =	vld [tilespmem:s12+$0xB710];
	v61 =	vadd.f32 v53, v2  }
0x319: {  	v48 =	vld [tilespmem:s12+$0xB720];
	v58 =	vadd.f32 v49, v7;
	v1 =	vadd.f32 v1, v12  }
0x31a: {  	v50 =	vld [tilespmem:s12+$0xB740];
	v11 =	vadd.f32 v11, v61;
	v3 =	vadd.f32 v3, v13  }
0x31b: {  	v51 =	vld [tilespmem:s12+$0xB750];
	v1 =	vadd.f32 v18, v1;
	v5 =	vadd.f32 v5, v14  }
0x31c: {  	v52 =	vld [tilespmem:s12+$0xB760];
	v3 =	vadd.f32 v19, v3;
	v0 =	vadd.f32 v0, v6  }
0x31d: {  	v54 =	vld [tilespmem:s12+$0xC710];
	v1 =	vadd.f32 v25, v1;
	v5 =	vadd.f32 v20, v5  }
0x31e: {  	v6 =	vld [tilespmem:s12+$0xA740];
	v3 =	vadd.f32 v26, v3;
	v0 =	vadd.f32 v22, v0  }
0x31f: {  	v8 =	vld [tilespmem:s12+$0xA710];
	v1 =	vadd.f32 v32, v1;
	v5 =	vadd.f32 v27, v5  }
0x320: {  	v55 =	vld [tilespmem:s12+$0xC720];
	v3 =	vadd.f32 v33, v3;
	v0 =	vadd.f32 v29, v0  }
0x321: {  	v56 =	vld [tilespmem:s12+$0xC730];
	v1 =	vadd.f32 v39, v1;
	v5 =	vadd.f32 v34, v5  }
0x322: {  	v57 =	vld [tilespmem:s12+$0xD710];
	v3 =	vadd.f32 v40, v3;
	v0 =	vadd.f32 v36, v0  }
0x323: {  	v59 =	vld [tilespmem:s12+$0xD720];
	v1 =	vadd.f32 v6, v1;
	v6 =	vadd.f32 v48, v4  }
0x324: {  	v9 =	vld [tilespmem:s12+$0xC750];
	v5 =	vadd.f32 v41, v5;
	v0 =	vadd.f32 v8, v0  }
0x325: {  	v3 =	vadd.f32 v44, v3;
	v1 =	vadd.f32 v50, v1;
	v8 =	vld [tilespmem:s12+$0xC740]  }
0x326: {  	v10 =	vld [tilespmem:s12+$0xC760];
	v63 =	vadd.f32 v55, v6;
	v0 =	vadd.f32 v47, v0  }
0x327: {  	v7 =	vld [tilespmem:s12+$0xD730];
	v5 =	vadd.f32 v45, v5;
	v3 =	vadd.f32 v51, v3  }
0x328: {  	v4 =	vld [tilespmem:s12+$0xD740];
	v6 =	vadd.f32 v56, v58;
	v62 =	vadd.f32 v54, v0  }
0x329: {  	v60 =	vadd.f32 v52, v5;
	v5 =	vld [tilespmem:s12+$0xD750];
	v3 =	vadd.f32 v9, v3  }
0x32a: {  	s15 =	simm.s32 $0x80;
	v2 =	vadd.f32 v8, v1;
	v8 =	vld [tilespmem:s12+$0xD760];
	v9 =	vadd.f32 v57, v62  }
0x32b: {  	s13 =	simm.s32 $0x400;
	v0 =	vadd.f32 v10, v60;
	v10 =	vadd.f32 v59, v63;
	v1 =	vld [tilespmem:s15+$0x4770];
	[tilespmem:s12+$0x1A700] =	vst v11  }
.LBB2_8:
0x32c: {  	p0 =	sne.s32 s13, $0x3E00;
	v11 =	vld [tilespmem:s15+$0x5770];
	[tilespmem:s12+$0x1A710] =	vst v9;
	v6 =	vadd.f32 v7, v6  }
0x32d: {  	v7 =	vld [tilespmem:s15+$0x4700];
	[tilespmem:s12+$0x1A720] =	vst v10;
	v2 =	vadd.f32 v4, v2  }
0x32e: {  	v4 =	vld [tilespmem:s15+$0x6770];
	[tilespmem:s12+$0x1A730] =	vst v6;
	v3 =	vadd.f32 v5, v3  }
0x32f: {  	v5 =	vld [tilespmem:s15+$0x5700];
	[tilespmem:s12+$0x1A740] =	vst v2;
	v0 =	vadd.f32 v8, v0  }
0x330: {  	v2 =	vld [tilespmem:s15+$0x7770];
	[tilespmem:s12+$0x1A750] =	vst v3  }
0x331: {  	v3 =	vld [tilespmem:s15+$0x4710];
	v1 =	vadd.f32 v11, v1;
	[tilespmem:s12+$0x1A760] =	vst v0;
	s12 =	smov.u32 s15  }
0x332: {  	v0 =	vld [tilespmem:s12+$0x8770]  }
0x333: {  	v6 =	vld [tilespmem:s12+$0x5710];
	v1 =	vadd.f32 v4, v1  }
0x334: {  	v4 =	vadd.f32 v5, v7;
	v5 =	vld [tilespmem:s12+$0x9770]  }
0x335: {  	v7 =	vld [tilespmem:s12+$0x4720];
	v1 =	vadd.f32 v2, v1  }
0x336: {  	v2 =	vld [tilespmem:s12+$0xA770]  }
0x337: {  	v8 =	vld [tilespmem:s12+$0x5720];
	v0 =	vadd.f32 v0, v1  }
0x338: {  	v1 =	vadd.f32 v6, v3;
	v3 =	vld [tilespmem:s12+$0xB770]  }
0x339: {  	v6 =	vld [tilespmem:s12+$0x4730];
	v0 =	vadd.f32 v5, v0  }
0x33a: {  	v5 =	vld [tilespmem:s12+$0xC770]  }
0x33b: {  	v9 =	vld [tilespmem:s12+$0x5730];
	v0 =	vadd.f32 v2, v0  }
0x33c: {  	v2 =	vadd.f32 v8, v7;
	v7 =	vld [tilespmem:s12+$0xD770]  }
0x33d: {  	v8 =	vld [tilespmem:s12+$0x4740];
	v0 =	vadd.f32 v3, v0  }
0x33e: {  	v3 =	vld [tilespmem:s12+$0x5740]  }
0x33f: {  	v10 =	vld [tilespmem:s12+$0x4750];
	v0 =	vadd.f32 v5, v0  }
0x340: {  	v5 =	vadd.f32 v9, v6;
	v6 =	vld [tilespmem:s12+$0x5750]  }
0x341: {  	v9 =	vld [tilespmem:s12+$0x4760];
	v0 =	vadd.f32 v7, v0  }
0x342: {  	v7 =	vld [tilespmem:s12+$0x5760]  }
0x343: {  	v11 =	vld [tilespmem:s12+$0x6700];
	v3 =	vadd.f32 v3, v8;
	[tilespmem:s12+$0x1A770] =	vst v0  }
0x344: {  	v0 =	vld [tilespmem:s12+$0x6710]  }
0x345: {  	v8 =	vld [tilespmem:s12+$0x6720];
	v6 =	vadd.f32 v6, v10  }
0x346: {  	v10 =	vld [tilespmem:s12+$0x6730]  }
0x347: {  	v12 =	vld [tilespmem:s12+$0x6740];
	v7 =	vadd.f32 v7, v9  }
0x348: {  	v4 =	vadd.f32 v11, v4;
	v9 =	vld [tilespmem:s12+$0x6750]  }
0x349: {  	v0 =	vadd.f32 v0, v1;
	v1 =	vld [tilespmem:s12+$0x6760]  }
0x34a: {  	v11 =	vld [tilespmem:s12+$0x7700];
	v2 =	vadd.f32 v8, v2  }
0x34b: {  	v8 =	vld [tilespmem:s12+$0x7710];
	v5 =	vadd.f32 v10, v5  }
0x34c: {  	v10 =	vld [tilespmem:s12+$0x7720];
	v3 =	vadd.f32 v12, v3  }
0x34d: {  	v12 =	vld [tilespmem:s12+$0x7730];
	v6 =	vadd.f32 v9, v6  }
0x34e: {  	v9 =	vld [tilespmem:s12+$0x7740];
	v1 =	vadd.f32 v1, v7  }
0x34f: {  	v4 =	vadd.f32 v11, v4;
	v7 =	vld [tilespmem:s12+$0x7750]  }
0x350: {  	v0 =	vadd.f32 v8, v0;
	v8 =	vld [tilespmem:s12+$0x7760]  }
0x351: {  	v11 =	vld [tilespmem:s12+$0x8700];
	v2 =	vadd.f32 v10, v2  }
0x352: {  	v10 =	vld [tilespmem:s12+$0x8710];
	v5 =	vadd.f32 v12, v5  }
0x353: {  	v12 =	vld [tilespmem:s12+$0x8720];
	v3 =	vadd.f32 v9, v3  }
0x354: {  	v9 =	vld [tilespmem:s12+$0x8730];
	v6 =	vadd.f32 v7, v6  }
0x355: {  	v7 =	vld [tilespmem:s12+$0x8740];
	v1 =	vadd.f32 v8, v1  }
0x356: {  	v4 =	vadd.f32 v11, v4;
	v8 =	vld [tilespmem:s12+$0x8750]  }
0x357: {  	v0 =	vadd.f32 v10, v0;
	v10 =	vld [tilespmem:s12+$0x8760]  }
0x358: {  	v11 =	vld [tilespmem:s12+$0x9700];
	v2 =	vadd.f32 v12, v2  }
0x359: {  	v12 =	vld [tilespmem:s12+$0x9710];
	v5 =	vadd.f32 v9, v5  }
0x35a: {  	v9 =	vld [tilespmem:s12+$0x9720];
	v3 =	vadd.f32 v7, v3  }
0x35b: {  	v7 =	vld [tilespmem:s12+$0x9730];
	v6 =	vadd.f32 v8, v6  }
0x35c: {  	v8 =	vld [tilespmem:s12+$0x9740];
	v1 =	vadd.f32 v10, v1  }
0x35d: {  	v4 =	vadd.f32 v11, v4;
	v10 =	vld [tilespmem:s12+$0x9750]  }
0x35e: {  	v0 =	vadd.f32 v12, v0;
	v11 =	vld [tilespmem:s12+$0x9760]  }
0x35f: {  	v12 =	vld [tilespmem:s12+$0xA700];
	v2 =	vadd.f32 v9, v2  }
0x360: {  	v9 =	vld [tilespmem:s12+$0xA710];
	v5 =	vadd.f32 v7, v5  }
0x361: {  	v7 =	vld [tilespmem:s12+$0xA720];
	v3 =	vadd.f32 v8, v3  }
0x362: {  	v8 =	vld [tilespmem:s12+$0xA730];
	v6 =	vadd.f32 v10, v6  }
0x363: {  	v10 =	vld [tilespmem:s12+$0xA740];
	v1 =	vadd.f32 v11, v1  }
0x364: {  	v4 =	vadd.f32 v12, v4;
	v11 =	vld [tilespmem:s12+$0xA750]  }
0x365: {  	v0 =	vadd.f32 v9, v0;
	v9 =	vld [tilespmem:s12+$0xA760]  }
0x366: {  	v12 =	vld [tilespmem:s12+$0xB700];
	v2 =	vadd.f32 v7, v2  }
0x367: {  	v7 =	vld [tilespmem:s12+$0xB710];
	v5 =	vadd.f32 v8, v5  }
0x368: {  	v8 =	vld [tilespmem:s12+$0xB720];
	v3 =	vadd.f32 v10, v3  }
0x369: {  	v10 =	vld [tilespmem:s12+$0xB730];
	v6 =	vadd.f32 v11, v6  }
0x36a: {  	v11 =	vld [tilespmem:s12+$0xB740];
	v1 =	vadd.f32 v9, v1  }
0x36b: {  	v4 =	vadd.f32 v12, v4;
	v9 =	vld [tilespmem:s12+$0xB750]  }
0x36c: {  	v0 =	vadd.f32 v7, v0;
	v7 =	vld [tilespmem:s12+$0xB760]  }
0x36d: {  	v12 =	vld [tilespmem:s12+$0xC700];
	v2 =	vadd.f32 v8, v2  }
0x36e: {  	v8 =	vld [tilespmem:s12+$0xC710];
	v5 =	vadd.f32 v10, v5  }
0x36f: {  	v10 =	vld [tilespmem:s12+$0xC720];
	v3 =	vadd.f32 v11, v3  }
0x370: {  	v11 =	vld [tilespmem:s12+$0xC730];
	v9 =	vadd.f32 v9, v6  }
0x371: {  	v13 =	vld [tilespmem:s12+$0xC740];
	v1 =	vadd.f32 v7, v1  }
0x372: {  	v12 =	vadd.f32 v12, v4;
	v4 =	vld [tilespmem:s12+$0xC750]  }
0x373: {  	v8 =	vadd.f32 v8, v0;
	v0 =	vld [tilespmem:s12+$0xC760]  }
0x374: {  	v14 =	vld [tilespmem:s12+$0xD700];
	v10 =	vadd.f32 v10, v2  }
0x375: {  	v15 =	vld [tilespmem:s12+$0xD710];
	v6 =	vadd.f32 v11, v5  }
0x376: {  	v11 =	vld [tilespmem:s12+$0xD720];
	v2 =	vadd.f32 v13, v3  }
.Ltmp3:
0x377: {  	v7 =	vld [tilespmem:s12+$0xD730];
	v3 =	vadd.f32 v4, v9;
	(pc) =	sbr.rel @p0 .LBB2_8-.Ltmp3, $4  }
0x378: {  	v4 =	vld [tilespmem:s12+$0xD740];
	v0 =	vadd.f32 v0, v1  }
0x379: {  	v12 =	vadd.f32 v14, v12;
	v5 =	vld [tilespmem:s12+$0xD750]  }
0x37a: {  	s15 =	sshra.s32 s13, $0x2;
	v9 =	vadd.f32 v15, v8;
	v8 =	vld [tilespmem:s12+$0xD760]  }
0x37b: {  	s13 =	sadd.s32 $0x200, s13;
	v1 =	vld [tilespmem:s15+$0x4770];
	[tilespmem:s12+$0x1A700] =	vst v12;
	v10 =	vadd.f32 v11, v10  }
0x37c: {  	v11 =	vld [tilespmem:s15+$0x5770];
	[tilespmem:s12+$0x1A710] =	vst v9;
	v6 =	vadd.f32 v7, v6  }
0x37d: {  	v9 =	vld [tilespmem:s15+$0x4700];
	[tilespmem:s12+$0x1A720] =	vst v10;
	v2 =	vadd.f32 v4, v2  }
0x37e: {  	v56 =	vld [tilespmem:s15+$0x6770];
	[tilespmem:s12+$0x1A730] =	vst v6;
	v3 =	vadd.f32 v5, v3  }
0x37f: {  	v57 =	vld [tilespmem:s15+$0x5700];
	[tilespmem:s12+$0x1A740] =	vst v2;
	v0 =	vadd.f32 v8, v0  }
0x380: {  	v2 =	vld [tilespmem:s15+$0x7770];
	[tilespmem:s12+$0x1A750] =	vst v3  }
0x381: {  	v3 =	vld [tilespmem:s15+$0x4710];
	[tilespmem:s12+$0x1A760] =	vst v0  }
0x382: {  	v59 =	vld [tilespmem:s15+$0x8770]  }
0x383: {  	v60 =	vld [tilespmem:s15+$0x5710]  }
0x384: {  	v6 =	vld [tilespmem:s15+$0x9770]  }
0x385: {  	v61 =	vld [tilespmem:s15+$0x4720]  }
0x386: {  	v62 =	vld [tilespmem:s15+$0xA770]  }
0x387: {  	v63 =	vld [tilespmem:s15+$0x5720]  }
0x388: {  	v43 =	vld [tilespmem:s15+$0xB770]  }
0x389: {  	v10 =	vld [tilespmem:s15+$0x4730]  }
0x38a: {  	v44 =	vld [tilespmem:s15+$0xC770]  }
0x38b: {  	v45 =	vld [tilespmem:s15+$0x5730]  }
0x38c: {  	v46 =	vld [tilespmem:s15+$0xD770]  }
0x38d: {  	v12 =	vld [tilespmem:s15+$0x4740]  }
0x38e: {  	v47 =	vld [tilespmem:s15+$0x5740]  }
0x38f: {  	v13 =	vld [tilespmem:s15+$0x4750]  }
0x390: {  	v48 =	vld [tilespmem:s15+$0x5750]  }
0x391: {  	v14 =	vld [tilespmem:s15+$0x4760]  }
0x392: {  	v49 =	vld [tilespmem:s15+$0x5760]  }
0x393: {  	v15 =	vld [tilespmem:s15+$0x6700]  }
0x394: {  	v50 =	vld [tilespmem:s15+$0x6710]  }
0x395: {  	v16 =	vld [tilespmem:s15+$0x6720]  }
0x396: {  	v17 =	vld [tilespmem:s15+$0x6730]  }
0x397: {  	v18 =	vld [tilespmem:s15+$0x6740]  }
0x398: {  	v19 =	vld [tilespmem:s15+$0x6750]  }
0x399: {  	v20 =	vld [tilespmem:s15+$0x6760]  }
0x39a: {  	v21 =	vld [tilespmem:s15+$0x7700]  }
0x39b: {  	v22 =	vld [tilespmem:s15+$0x7710]  }
0x39c: {  	v23 =	vld [tilespmem:s15+$0x7720]  }
0x39d: {  	v24 =	vld [tilespmem:s15+$0x7730]  }
0x39e: {  	v25 =	vld [tilespmem:s15+$0x7740]  }
0x39f: {  	v26 =	vld [tilespmem:s15+$0x7750]  }
0x3a0: {  	v27 =	vld [tilespmem:s15+$0x7760]  }
0x3a1: {  	v28 =	vld [tilespmem:s15+$0x8700]  }
0x3a2: {  	v29 =	vld [tilespmem:s15+$0x8710]  }
0x3a3: {  	v30 =	vld [tilespmem:s15+$0x8720]  }
0x3a4: {  	v31 =	vld [tilespmem:s15+$0x8730]  }
0x3a5: {  	v32 =	vld [tilespmem:s15+$0x8740]  }
0x3a6: {  	v33 =	vld [tilespmem:s15+$0x8750]  }
0x3a7: {  	v58 =	vadd.f32 v11, v1;
	v34 =	vld [tilespmem:s15+$0x8760]  }
0x3a8: {  	v35 =	vld [tilespmem:s15+$0x9700]  }
0x3a9: {  	v36 =	vld [tilespmem:s15+$0x9710];
	v0 =	vadd.f32 v56, v58  }
0x3aa: {  	v37 =	vld [tilespmem:s15+$0x9720]  }
0x3ab: {  	v38 =	vld [tilespmem:s15+$0x9730];
	v0 =	vadd.f32 v2, v0  }
0x3ac: {  	v39 =	vld [tilespmem:s15+$0x9740];
	v4 =	vadd.f32 v57, v9  }
0x3ad: {  	v40 =	vld [tilespmem:s15+$0x9750];
	v0 =	vadd.f32 v59, v0;
	v3 =	vadd.f32 v60, v3  }
0x3ae: {  	v41 =	vld [tilespmem:s15+$0x9760];
	v52 =	vadd.f32 v63, v61;
	v54 =	vadd.f32 v45, v10  }
0x3af: {  	v51 =	vld [tilespmem:s15+$0xA700];
	v1 =	vadd.f32 v47, v12;
	v2 =	vadd.f32 v49, v14  }
0x3b0: {  	v53 =	vld [tilespmem:s15+$0xA710];
	v4 =	vadd.f32 v15, v4;
	v0 =	vadd.f32 v6, v0  }
0x3b1: {  	v55 =	vld [tilespmem:s15+$0xA720];
	v6 =	vadd.f32 v48, v13;
	v5 =	vadd.f32 v16, v52  }
0x3b2: {  	v42 =	vld [tilespmem:s15+$0xB740];
	v8 =	vadd.f32 v17, v54;
	v1 =	vadd.f32 v18, v1  }
0x3b3: {  	v56 =	vld [tilespmem:s15+$0xA730];
	v2 =	vadd.f32 v20, v2;
	v4 =	vadd.f32 v21, v4  }
0x3b4: {  	v58 =	vld [tilespmem:s15+$0xA750];
	v0 =	vadd.f32 v62, v0;
	v6 =	vadd.f32 v19, v6  }
0x3b5: {  	v57 =	vld [tilespmem:s15+$0xA740];
	v5 =	vadd.f32 v23, v5;
	v8 =	vadd.f32 v24, v8  }
0x3b6: {  	v59 =	vld [tilespmem:s15+$0xA760];
	v1 =	vadd.f32 v25, v1;
	v2 =	vadd.f32 v27, v2  }
0x3b7: {  	v60 =	vld [tilespmem:s15+$0xB700];
	v4 =	vadd.f32 v28, v4;
	v0 =	vadd.f32 v43, v0  }
0x3b8: {  	v61 =	vld [tilespmem:s15+$0xB710];
	v6 =	vadd.f32 v26, v6;
	v5 =	vadd.f32 v30, v5  }
0x3b9: {  	v63 =	vld [tilespmem:s15+$0xB730];
	v8 =	vadd.f32 v31, v8;
	v1 =	vadd.f32 v32, v1  }
0x3ba: {  	v45 =	vld [tilespmem:s15+$0xC700];
	v2 =	vadd.f32 v34, v2;
	v4 =	vadd.f32 v35, v4  }
0x3bb: {  	v47 =	vld [tilespmem:s15+$0xC720];
	v0 =	vadd.f32 v44, v0;
	v6 =	vadd.f32 v33, v6  }
0x3bc: {  	v49 =	vld [tilespmem:s15+$0xC740];
	v5 =	vadd.f32 v37, v5;
	v8 =	vadd.f32 v38, v8  }
0x3bd: {  	v48 =	vld [tilespmem:s15+$0xC730];
	v1 =	vadd.f32 v39, v1;
	v2 =	vadd.f32 v41, v2  }
0x3be: {  	v62 =	vld [tilespmem:s15+$0xB720];
	v4 =	vadd.f32 v51, v4;
	v0 =	vadd.f32 v46, v0  }
0x3bf: {  	v52 =	vld [tilespmem:s15+$0xC760];
	v6 =	vadd.f32 v40, v6;
	v5 =	vadd.f32 v55, v5  }
0x3c0: {  	v44 =	vld [tilespmem:s15+$0xB760];
	v8 =	vadd.f32 v56, v8;
	v1 =	vadd.f32 v57, v1  }
0x3c1: {  	v43 =	vld [tilespmem:s15+$0xB750];
	v2 =	vadd.f32 v59, v2;
	[tilespmem:s15+$0x1A770] =	vst v0;
	v0 =	vadd.f32 v50, v3  }
0x3c2: {  	v46 =	vld [tilespmem:s15+$0xC710];
	v4 =	vadd.f32 v60, v4;
	v51 =	vadd.f32 v58, v6  }
0x3c3: {  	v55 =	vld [tilespmem:s15+$0xD720];
	v5 =	vadd.f32 v62, v5;
	v0 =	vadd.f32 v22, v0  }
0x3c4: {  	v57 =	vld [tilespmem:s15+$0xD740];
	v8 =	vadd.f32 v63, v8;
	v1 =	vadd.f32 v42, v1  }
0x3c5: {  	v50 =	vld [tilespmem:s15+$0xC750];
	v2 =	vadd.f32 v44, v2;
	v0 =	vadd.f32 v29, v0  }
0x3c6: {  	v59 =	vld [tilespmem:s15+$0xD760];
	v3 =	vadd.f32 v43, v51;
	v5 =	vadd.f32 v47, v5  }
0x3c7: {  	v58 =	vld [tilespmem:s15+$0xD750];
	v8 =	vadd.f32 v48, v8;
	v0 =	vadd.f32 v36, v0  }
0x3c8: {  	v56 =	vld [tilespmem:s15+$0xD730];
	v1 =	vadd.f32 v49, v1;
	v2 =	vadd.f32 v52, v2  }
0x3c9: {  	v60 =	vadd.f32 v55, v5;
	v0 =	vadd.f32 v53, v0;
	v53 =	vld [tilespmem:s15+$0xD700]  }
0x3ca: {  	v54 =	vld [tilespmem:s15+$0xD710];
	v1 =	vadd.f32 v57, v1;
	v3 =	vadd.f32 v50, v3  }
0x3cb: {  	v63 =	vadd.f32 v59, v2;
	[tilespmem:s15+$0x1A720] =	vst v60;
	v0 =	vadd.f32 v61, v0  }
0x3cc: {  	v4 =	vadd.f32 v45, v4;
	[tilespmem:s15+$0x1A740] =	vst v1;
	v62 =	vadd.f32 v58, v3  }
0x3cd: {  	[tilespmem:s15+$0x1A760] =	vst v63;
	v61 =	vadd.f32 v56, v8;
	v0 =	vadd.f32 v46, v0  }
0x3ce: {  	[tilespmem:s15+$0x1A750] =	vst v62;
	v4 =	vadd.f32 v53, v4  }
0x3cf: {  	[tilespmem:s15+$0x1A730] =	vst v61;
	v0 =	vadd.f32 v54, v0  }
0x3d0: {  	[tilespmem:s15+$0x1A700] =	vst v4  }
0x3d1: {  	s19 =	rddreg [dreg:$0xf];
	[tilespmem:s15+$0x1A710] =	vst v0  }
0x3d2: {  	[hbm4b:s19+s3] =	stream.linear.scatter [tilespmem:s26], [sflag:$0x3], $0x1000, $0x38;
	[tilespmem:$0x1C700] =	vst v63  }
0x3d3: {  	s20 =	rddreg [dreg:$0x10];
	s11 =	sadd.s32 $0x1, s11  }
0x3d4: {  	[hbm4b:s20+s3] =	stream.linear.scatter [tilespmem:s31], [sflag:$0x3], $0x1000, $0x38;
	[tilespmem:$0x1C700] =	vst v63  }
0x3d5: {  	p0 =	sne.s32 s11, s21;
	_ =	swait.ge [sflag:s1], $0x1000  }
.Ltmp4:
0x3d6: {  	[sflag:s1] =	ssyncset.done $0x0;
	(pc) =	sbr.rel @p0 .LBB2_1-.Ltmp4, $4  }
0x3d7: {  	[sflag:s1] =	ssyncadd.s32 $0xFFFFF000  }
0x3d8: {  	_ =	swait.ge [sflag:s1], $0x1000  }
0x3d9: {  	[sflag:s1] =	ssyncset.done $0x0  }
0x3da: {  	[sflag:s1] =	ssyncadd.s32 $0xFFFFF000  }
0x3db: {  	_ =	sfence.sel $0x180000  }
0x3dc: {  	[bflag:$0x0] =	sbarrier.arrive $0xFFFF  }
0x3dd: {  	_ =	strace $0x90000047  }
0x3de: {  	s0 =	stileid.u32;
	[bflag:$0x2] =	sbarrier.arrive $0xFFFF  }
0x3df: {  	p0 =	sne.s32 s0, $0x0;
	s0 =	rddreg [dreg:$0x4]  }
0x3e0: {  	s0 =	sadd.s32 @!p0 $0x100000, s0  }
0x3e1: {  	[sflag:s0] =	ssyncadd.tile.s32 @!p0 $0x1;
	_ =	shalt  }
.Lfunc_end2:
_tile_overlayer_lowered:
.L_overlay_start_2:
0x3e2: {  	(tag) =	ssettag $0x2  }
0x3e3: {  	s0 =	rddreg [dreg:$0x0];
	s2 =	stileid.u32  }
0x3e4: {  	s1 =	rddreg [dreg:$0x1];
	p0 =	sne.s32 s2, $0x0  }
0x3e5: {  	s3 =	rddreg [dreg:$0x2];
	[bflag:$0x3] =	sbarrier.arrive $0xFFFF;
	s2 =	simm.s32 @!p0 $0x1C05  }
0x3e6: {  	[timem:s3], [sflag:s2] =	dma.local @!p0 [hbm:s0], s1  }
0x3e7: {  	s0 =	simm.s32 @!p0 $0x5  }
0x3e8: {  	_ =	swait.ge @!p0 [sflag:s0], s1  }
0x3e9: {  	s1 =	ssub.s32 @!p0 $0x0, s1;
	[sflag:s0] =	ssyncset.done @!p0 $0x0  }
0x3ea: {  	[sflag:s0] =	ssyncadd.s32 @!p0 s1  }
0x3eb: {  	[bflag:$0x3] =	sbarrier.arrive $0xFFFF  }
0x3ec: {  	_ =	shalt  }

</sc_bundles>
